<compile_context>
chip_gen: v7x
topology: tpu7x:2x2x1
jax: 0.10.2.dev20260603
libtpu: 0.0.44.dev20260713+nightly
codegen_flags: <defaults>
</compile_context>

<pallas_src>
import functools

import jax
import jax.numpy as jnp
from jax import lax
from jax.experimental import pallas as pl
from jax.experimental.pallas import tpu as pltpu
from jax.experimental.pallas import tpu_sc as plsc

N = 10000
D = 128
H = 1024
E = 320000

NC = 2
NS = 16
NW = NC * NS
CH = 128
CPT = 80
PH = 40
EPT = CPT * CH
EP = NW * EPT
NP = 10240
NPT = NP // NS
RB = 1024


@functools.cache
def _build_deg_kernel():
    mesh = plsc.VectorSubcoreMesh(
        core_axis_name="c", subcore_axis_name="s",
        num_cores=NC, num_subcores=NS)
    return pl.kernel(
        _deg_body,
        out_type=jax.ShapeDtypeStruct((NC, NP, 16), jnp.float32),
        mesh=mesh,
        scratch_types=[
            pltpu.VMEM((CH,), jnp.int32),
            pltpu.VMEM((CH, 16), jnp.float32),
            pltpu.VMEM_SHARED((NP, 16), jnp.float32),
        ],
    )


def _deg_body(dst_hbm, z16_hbm, o16_hbm, out_hbm, idx_v, ones_v, acc):
    c = lax.axis_index("c")
    s = lax.axis_index("s")
    wid = c * NS + s
    pltpu.sync_copy(z16_hbm, acc.at[pl.ds(s * NPT, NPT)])
    pltpu.sync_copy(o16_hbm, ones_v)
    plsc.subcore_barrier()

    def body(j, carry):
        pltpu.sync_copy(dst_hbm.at[wid * CPT + j], idx_v)
        pltpu.sync_copy(ones_v, acc.at[idx_v], add=True)
        return carry

    lax.fori_loop(0, CPT, body, 0)
    plsc.subcore_barrier()
    pltpu.sync_copy(acc.at[pl.ds(s * NPT, NPT)],
                    out_hbm.at[c, pl.ds(s * NPT, NPT)])



@functools.cache
def _build_scatter_kernel():
    mesh = plsc.VectorSubcoreMesh(
        core_axis_name="c", subcore_axis_name="s",
        num_cores=NC, num_subcores=NS)
    return pl.kernel(
        _scatter_body,
        out_type=jax.ShapeDtypeStruct((NC, NP, D), jnp.float32),
        mesh=mesh,
        scratch_types=[
            pltpu.VMEM((2 * PH, CH), jnp.int32),
            pltpu.VMEM((CH, D), jnp.float32),
            pltpu.VMEM((CH, D), jnp.float32),
            pltpu.VMEM_SHARED((NP, D), jnp.float32),
            pltpu.SemaphoreType.DMA,
            pltpu.SemaphoreType.DMA,
            pltpu.SemaphoreType.DMA,
            pltpu.SemaphoreType.DMA,
        ],
    )


def _scatter_body(tbl_hbm, sd_hbm, z_hbm, out_hbm,
                  ibuf, row0, row1, acc, sg0, sg1, ss0, ss1):
    rows = (row0, row1)
    sgs = (sg0, sg1)
    sss = (ss0, ss1)
    c = lax.axis_index("c")
    s = lax.axis_index("s")
    wid = c * NS + s
    pltpu.sync_copy(z_hbm, acc.at[pl.ds(s * NPT, NPT)])
    plsc.subcore_barrier()

    for p in range(CPT // PH):
        pltpu.sync_copy(
            sd_hbm.at[pl.ds(2 * (wid * CPT + p * PH), 2 * PH)], ibuf)
        cps = [None, None]
        cps[0] = pltpu.async_copy(tbl_hbm.at[ibuf.at[0]], rows[0], sgs[0])
        for k in range(PH):
            b = k % 2
            if k + 1 < PH:
                nb = (k + 1) % 2
                cps[nb] = pltpu.async_copy(
                    tbl_hbm.at[ibuf.at[2 * (k + 1)]], rows[nb], sgs[nb])
            cps[b].wait()
            if k == 0:
                pltpu.sync_copy(rows[b], acc.at[ibuf.at[2 * k + 1]], add=True)
    plsc.subcore_barrier()
    pltpu.sync_copy(acc.at[pl.ds(s * NPT, NPT)],
                    out_hbm.at[c, pl.ds(s * NPT, NPT)])



def _prep_body(degp_ref, x_ref, dinv_ref, xs_ref):
    dp = degp_ref[...]
    deg = dp[0, :, 0:1] + dp[1, :, 0:1] + 1.0
    dinv = lax.rsqrt(deg)
    dinv_ref[...] = jnp.broadcast_to(dinv, (RB, D))
    xs_ref[...] = x_ref[...] * dinv


def _mlp_body(s1_ref, xs_ref, dinv_ref, w1_ref, b1_ref, w2_ref, zs_ref):
    dinv = dinv_ref[...]
    a1 = dinv * (s1_ref[0] + s1_ref[1] + xs_ref[...])
    h = jnp.dot(a1, w1_ref[...], preferred_element_type=jnp.float32)
    h = jnp.maximum(h + b1_ref[...], 0.0)
    z = jnp.dot(h, w2_ref[...], preferred_element_type=jnp.float32)
    zs_ref[...] = dinv * z


def _out_body(s2_ref, zs_ref, dinv_ref, b2_ref, o_ref):
    v = dinv_ref[...] * (s2_ref[0] + s2_ref[1] + zs_ref[...]) + b2_ref[...]
    o_ref[...] = v.T


def kernel(x, edge_index, W1, b1, W2, b2):
    src = edge_index[0]
    dst = edge_index[1]
    pad = EP - E
    srcp = jnp.concatenate(
        [src, jnp.full((pad,), N, jnp.int32)]).reshape(NW * CPT, CH)
    dstp = jnp.concatenate(
        [dst, jnp.full((pad,), N, jnp.int32)]).reshape(NW * CPT, CH)
    sdp = jnp.stack([srcp, dstp], axis=1).reshape(NW * CPT * 2, CH)
    xp = jnp.concatenate([x, jnp.zeros((NP - N, D), x.dtype)])
    z640 = jnp.zeros((NPT, D), jnp.float32)
    z16 = jnp.zeros((NPT, 16), jnp.float32)
    o16 = jnp.ones((CH, 16), jnp.float32)
    b1r = b1.reshape(1, H)
    b2r = b2.reshape(1, D)

    degp = _build_deg_kernel()(dstp, z16, o16)

    dinv_bc, xs = pl.pallas_call(
        _prep_body,
        grid=(NP // RB,),
        in_specs=[
            pl.BlockSpec((NC, RB, 16), lambda i: (0, i, 0)),
            pl.BlockSpec((RB, D), lambda i: (i, 0)),
        ],
        out_specs=[
            pl.BlockSpec((RB, D), lambda i: (i, 0)),
            pl.BlockSpec((RB, D), lambda i: (i, 0)),
        ],
        out_shape=[
            jax.ShapeDtypeStruct((NP, D), jnp.float32),
            jax.ShapeDtypeStruct((NP, D), jnp.float32),
        ],
    )(degp, xp)

    s1p = _build_scatter_kernel()(xs, sdp, z640)

    zs = pl.pallas_call(
        _mlp_body,
        grid=(NP // RB,),
        in_specs=[
            pl.BlockSpec((NC, RB, D), lambda i: (0, i, 0)),
            pl.BlockSpec((RB, D), lambda i: (i, 0)),
            pl.BlockSpec((RB, D), lambda i: (i, 0)),
            pl.BlockSpec((D, H), lambda i: (0, 0)),
            pl.BlockSpec((1, H), lambda i: (0, 0)),
            pl.BlockSpec((H, D), lambda i: (0, 0)),
        ],
        out_specs=pl.BlockSpec((RB, D), lambda i: (i, 0)),
        out_shape=jax.ShapeDtypeStruct((NP, D), jnp.float32),
    )(s1p, xs, dinv_bc, W1, b1r, W2)

    s2p = _build_scatter_kernel()(zs, sdp, z640)

    out = pl.pallas_call(
        _out_body,
        grid=(NP // RB,),
        in_specs=[
            pl.BlockSpec((NC, RB, D), lambda i: (0, i, 0)),
            pl.BlockSpec((RB, D), lambda i: (i, 0)),
            pl.BlockSpec((RB, D), lambda i: (i, 0)),
            pl.BlockSpec((1, D), lambda i: (0, 0)),
        ],
        out_specs=pl.BlockSpec((D, RB), lambda i: (0, i)),
        out_shape=jax.ShapeDtypeStruct((D, N), jnp.float32),
    )(s2p, zs, dinv_bc, b2r)

    return out

# --- scband reference (transcript-rebuilt; emitter-appended) ---
"""Pipeline reference for scband-gcn-57002805952623 (READ-ONLY COPY).

The authoritative reference and input builder live on the scoring server;
editing this copy changes nothing except your own understanding.
"""

import jax, jax.numpy as jnp
import numpy as np

N = 10000
E = 320000
D_IN = 128
D_HID = 1024
D_OUT = 128


def gcn_conv(x, edge_index, W, b):
    # Faithful PyG GCNConv: add self-loops, symmetric D^-1/2 (A+I) D^-1/2 normalization,
    # linear transform, sum-aggregate messages at dst, then add bias.
    n = x.shape[0]
    src = edge_index[0]
    dst = edge_index[1]
    loop = jnp.arange(n, dtype=edge_index.dtype)
    src = jnp.concatenate([src, loop])
    dst = jnp.concatenate([dst, loop])
    deg = jnp.zeros((n,), dtype=x.dtype).at[dst].add(1.0)
    dinv = jnp.where(deg > 0, jax.lax.rsqrt(deg), 0.0)
    norm = dinv[src] * dinv[dst]
    h = x @ W
    msg = h[src] * norm[:, None]
    out = jnp.zeros((n, W.shape[1]), dtype=x.dtype).at[dst].add(msg)
    return out + b


def setup_inputs(seed: int = 0) -> dict:
    key = jax.random.key(seed)
    k1, k2, k3, k4 = jax.random.split(key, 4)
    x = jax.random.normal(k1, (N, D_IN), dtype=jnp.float32)
    edge_index = jax.random.randint(k2, (2, E), 0, N, dtype=jnp.int32)
    s1 = float(np.sqrt(6.0 / (D_IN + D_HID)))
    W1 = jax.random.uniform(k3, (D_IN, D_HID), minval=-s1, maxval=s1, dtype=jnp.float32)
    b1 = jnp.zeros((D_HID,), dtype=jnp.float32)
    s2 = float(np.sqrt(6.0 / (D_HID + D_OUT)))
    W2 = jax.random.uniform(k4, (D_HID, D_OUT), minval=-s2, maxval=s2, dtype=jnp.float32)
    b2 = jnp.zeros((D_OUT,), dtype=jnp.float32)
    return {"x": x, "edge_index": edge_index, "W1": W1, "b1": b1, "W2": W2, "b2": b2}


def reference(x, edge_index, W1, b1, W2, b2):
    h = jax.nn.relu(gcn_conv(x, edge_index, W1, b1))
    out = gcn_conv(h, edge_index, W2, b2)
    return out.T

if __name__ == "__main__":
    import jax
    _d = setup_inputs()
    print(jax.jit(kernel)(*tuple(_d.values())))

</pallas_src>

<mosaic_0001>
#map = affine_map<(d0, d1) -> (0, 0)>
#map1 = affine_map<(d0, d1) -> (0, 0, 0)>
module attributes {stable_mosaic.version = 14 : i64} {
  func.func @_scatter_body(%arg0: i32, %arg1: i32, %arg2: memref<10240x128xf32, #tpu.memory_space<hbm>>, %arg3: memref<5120x128xi32, #tpu.memory_space<hbm>>, %arg4: memref<640x128xf32, #tpu.memory_space<hbm>>, %arg5: memref<2x10240x128xf32, #tpu.memory_space<hbm>>, %arg6: memref<80x128xi32, #tpu.memory_space<vmem>>, %arg7: memref<128x128xf32, #tpu.memory_space<vmem>>, %arg8: memref<128x128xf32, #tpu.memory_space<vmem>>, %arg9: memref<10240x128xf32, #tpu.memory_space<vmem_shared>>, %arg10: memref<!tpu.dma_semaphore, #tpu.memory_space<semaphore_mem>>, %arg11: memref<!tpu.dma_semaphore, #tpu.memory_space<semaphore_mem>>, %arg12: memref<!tpu.dma_semaphore, #tpu.memory_space<semaphore_mem>>, %arg13: memref<!tpu.dma_semaphore, #tpu.memory_space<semaphore_mem>>) attributes {dimension_semantics = [#tpu.dimension_semantics<core_parallel>, #tpu.dimension_semantics<subcore_parallel>], iteration_bounds = array<i64: 2, 16>, scalar_prefetch = 0 : i64, scratch_operands = 8 : i64, tpu.core_type = #tpu.core_type<sc_vector_subcore>, window_params = [{transform_indices = #map}, {transform_indices = #map}, {transform_indices = #map}, {transform_indices = #map1}]} {
    %mul3A = arith.constant 16 : i32
    %mul3A_0 = arith.muli %arg0, %mul3A : i32
    %add3A = arith.addi %mul3A_0, %arg1 : i32
    %mul3A_1 = arith.constant 640 : i32
    %mul3A_2 = arith.muli %arg1, %mul3A_1 : i32
    "tpu.region"() ({
      %run_scoped3A_1139 = tpu.sem_alloc : memref<!tpu.dma_semaphore, #tpu.memory_space<semaphore_mem>>
      %dma_start3A_1140 = arith.constant 0 : i32
      %dma_start3A_1141 = tpu.memref_slice %arg9[%mul3A_2, %dma_start3A_1140] : memref<10240x128xf32, #tpu.memory_space<vmem_shared>> -> memref<640x128xf32, #tpu.memory_space<vmem_shared>>
      tpu.enqueue_dma source(%arg4 : memref<640x128xf32, #tpu.memory_space<hbm>>) target(%dma_start3A_1141 : memref<640x128xf32, #tpu.memory_space<vmem_shared>>) target_semaphore(%run_scoped3A_1139 : memref<!tpu.dma_semaphore, #tpu.memory_space<semaphore_mem>>)
      %dma_wait3A_1142 = arith.constant 0 : i32
      %dma_wait3A_1143 = tpu.memref_slice %arg9[%mul3A_2, %dma_wait3A_1142] : memref<10240x128xf32, #tpu.memory_space<vmem_shared>> -> memref<640x128xf32, #tpu.memory_space<vmem_shared>>
      tpu.wait_dma2 semaphore(%run_scoped3A_1139 : memref<!tpu.dma_semaphore, #tpu.memory_space<semaphore_mem>>) src(%arg4 : memref<640x128xf32, #tpu.memory_space<hbm>>) dst(%dma_wait3A_1143 : memref<640x128xf32, #tpu.memory_space<vmem_shared>>)
      tpu.yield
    }) : () -> ()
    %barrier3A = arith.constant 0 : index
    tpu.barrier barrier_id(%barrier3A)
    %mul3A_3 = arith.constant 80 : i32
    %mul3A_4 = arith.muli %add3A, %mul3A_3 : i32
    %add3A_5 = arith.constant 0 : i32
    %add3A_6 = arith.addi %mul3A_4, %add3A_5 : i32
    %mul3A_7 = arith.constant 2 : i32
    %mul3A_8 = arith.muli %mul3A_7, %add3A_6 : i32
    "tpu.region"() ({
      %run_scoped3A_1139 = tpu.sem_alloc : memref<!tpu.dma_semaphore, #tpu.memory_space<semaphore_mem>>
      %dma_start3A_1140 = arith.constant 0 : i32
      %dma_start3A_1141 = tpu.memref_slice %arg3[%mul3A_8, %dma_start3A_1140] : memref<5120x128xi32, #tpu.memory_space<hbm>> -> memref<80x128xi32, #tpu.memory_space<hbm>>
      %dma_start3A_1142 = arith.constant 0 : i32
      %dma_start3A_1143 = tpu.memref_slice %arg3[%mul3A_8, %dma_start3A_1142] : memref<5120x128xi32, #tpu.memory_space<hbm>> -> memref<80x128xi32, #tpu.memory_space<hbm>>
      tpu.enqueue_dma source(%dma_start3A_1143 : memref<80x128xi32, #tpu.memory_space<hbm>>) target(%arg6 : memref<80x128xi32, #tpu.memory_space<vmem>>) target_semaphore(%run_scoped3A_1139 : memref<!tpu.dma_semaphore, #tpu.memory_space<semaphore_mem>>)
      %dma_wait3A_1144 = arith.constant 0 : i32
      %dma_wait3A_1145 = tpu.memref_slice %arg3[%mul3A_8, %dma_wait3A_1144] : memref<5120x128xi32, #tpu.memory_space<hbm>> -> memref<80x128xi32, #tpu.memory_space<hbm>>
      %dma_wait3A_1146 = arith.constant 0 : i32
      %dma_wait3A_1147 = tpu.memref_slice %arg3[%mul3A_8, %dma_wait3A_1146] : memref<5120x128xi32, #tpu.memory_space<hbm>> -> memref<80x128xi32, #tpu.memory_space<hbm>>
      tpu.wait_dma2 semaphore(%run_scoped3A_1139 : memref<!tpu.dma_semaphore, #tpu.memory_space<semaphore_mem>>) src(%dma_wait3A_1147 : memref<80x128xi32, #tpu.memory_space<hbm>>) dst(%arg6 : memref<80x128xi32, #tpu.memory_space<vmem>>)
      tpu.yield
    }) : () -> ()
    %dma_start3A = arith.constant 0 : i32
    %dma_start3A_9 = arith.constant 0 : i32
    %dma_start3A_10 = tpu.memref_slice %arg6[%dma_start3A, %dma_start3A_9] : memref<80x128xi32, #tpu.memory_space<vmem>> -> memref<1x128xi32, #tpu.memory_space<vmem>>
    %dma_start3A_11 = tpu.memref_squeeze %dma_start3A_10 : memref<1x128xi32, #tpu.memory_space<vmem>> -> memref<128xi32, #tpu.memory_space<vmem>>
    %dma_start3A_12 = arith.constant 0 : i32
    %dma_start3A_13 = arith.constant 0 : i32
    %dma_start3A_14 = tpu.memref_slice %arg2[%dma_start3A_12, %dma_start3A_13] : memref<10240x128xf32, #tpu.memory_space<hbm>> -> memref<10240x128xf32, #tpu.memory_space<hbm>>
    tpu.enqueue_indirect_dma source(%dma_start3A_14 : memref<10240x128xf32, #tpu.memory_space<hbm>>) target(%arg7 : memref<128x128xf32, #tpu.memory_space<vmem>>) offsets(%dma_start3A_11 : memref<128xi32, #tpu.memory_space<vmem>>) semaphore(%arg10 : memref<!tpu.dma_semaphore, #tpu.memory_space<semaphore_mem>>)
    %dma_start3A_15 = arith.constant 2 : i32
    %dma_start3A_16 = arith.constant 0 : i32
    %dma_start3A_17 = tpu.memref_slice %arg6[%dma_start3A_15, %dma_start3A_16] : memref<80x128xi32, #tpu.memory_space<vmem>> -> memref<1x128xi32, #tpu.memory_space<vmem>>
    %dma_start3A_18 = tpu.memref_squeeze %dma_start3A_17 : memref<1x128xi32, #tpu.memory_space<vmem>> -> memref<128xi32, #tpu.memory_space<vmem>>
    %dma_start3A_19 = arith.constant 0 : i32
    %dma_start3A_20 = arith.constant 0 : i32
    %dma_start3A_21 = tpu.memref_slice %arg2[%dma_start3A_19, %dma_start3A_20] : memref<10240x128xf32, #tpu.memory_space<hbm>> -> memref<10240x128xf32, #tpu.memory_space<hbm>>
    tpu.enqueue_indirect_dma source(%dma_start3A_21 : memref<10240x128xf32, #tpu.memory_space<hbm>>) target(%arg8 : memref<128x128xf32, #tpu.memory_space<vmem>>) offsets(%dma_start3A_18 : memref<128xi32, #tpu.memory_space<vmem>>) semaphore(%arg11 : memref<!tpu.dma_semaphore, #tpu.memory_space<semaphore_mem>>)
    %dma_wait3A = arith.constant 0 : i32
    %dma_wait3A_22 = arith.constant 0 : i32
    %dma_wait3A_23 = tpu.memref_slice %arg6[%dma_wait3A, %dma_wait3A_22] : memref<80x128xi32, #tpu.memory_space<vmem>> -> memref<1x128xi32, #tpu.memory_space<vmem>>
    %dma_wait3A_24 = tpu.memref_squeeze %dma_wait3A_23 : memref<1x128xi32, #tpu.memory_space<vmem>> -> memref<128xi32, #tpu.memory_space<vmem>>
    %dma_wait3A_25 = arith.constant 0 : i32
    %dma_wait3A_26 = arith.constant 0 : i32
    %dma_wait3A_27 = tpu.memref_slice %arg2[%dma_wait3A_25, %dma_wait3A_26] : memref<10240x128xf32, #tpu.memory_space<hbm>> -> memref<10240x128xf32, #tpu.memory_space<hbm>>
    tpu.wait_indirect_dma semaphore(%arg10 : memref<!tpu.dma_semaphore, #tpu.memory_space<semaphore_mem>>) src(%dma_wait3A_27 : memref<10240x128xf32, #tpu.memory_space<hbm>>) dst(%arg7 : memref<128x128xf32, #tpu.memory_space<vmem>>)
    %run_scoped3A = arith.constant 1 : i32
    "tpu.region"() ({
      %run_scoped3A_1139 = tpu.sem_alloc : memref<!tpu.dma_semaphore, #tpu.memory_space<semaphore_mem>>
      %dma_start3A_1140 = arith.constant 0 : i32
      %dma_start3A_1141 = tpu.memref_slice %arg6[%run_scoped3A, %dma_start3A_1140] : memref<80x128xi32, #tpu.memory_space<vmem>> -> memref<1x128xi32, #tpu.memory_space<vmem>>
      %dma_start3A_1142 = tpu.memref_squeeze %dma_start3A_1141 : memref<1x128xi32, #tpu.memory_space<vmem>> -> memref<128xi32, #tpu.memory_space<vmem>>
      %dma_start3A_1143 = arith.constant 0 : i32
      %dma_start3A_1144 = arith.constant 0 : i32
      %dma_start3A_1145 = tpu.memref_slice %arg9[%dma_start3A_1143, %dma_start3A_1144] : memref<10240x128xf32, #tpu.memory_space<vmem_shared>> -> memref<10240x128xf32, #tpu.memory_space<vmem_shared>>
      tpu.enqueue_indirect_dma source(%arg7 : memref<128x128xf32, #tpu.memory_space<vmem>>) target(%dma_start3A_1145 : memref<10240x128xf32, #tpu.memory_space<vmem_shared>>) offsets(%dma_start3A_1142 : memref<128xi32, #tpu.memory_space<vmem>>) semaphore(%run_scoped3A_1139 : memref<!tpu.dma_semaphore, #tpu.memory_space<semaphore_mem>>) {add = true}
      %dma_wait3A_1146 = arith.constant 0 : i32
      %dma_wait3A_1147 = tpu.memref_slice %arg6[%run_scoped3A, %dma_wait3A_1146] : memref<80x128xi32, #tpu.memory_space<vmem>> -> memref<1x128xi32, #tpu.memory_space<vmem>>
      %dma_wait3A_1148 = tpu.memref_squeeze %dma_wait3A_1147 : memref<1x128xi32, #tpu.memory_space<vmem>> -> memref<128xi32, #tpu.memory_space<vmem>>
      %dma_wait3A_1149 = arith.constant 0 : i32
      %dma_wait3A_1150 = arith.constant 0 : i32
      %dma_wait3A_1151 = tpu.memref_slice %arg9[%dma_wait3A_1149, %dma_wait3A_1150] : memref<10240x128xf32, #tpu.memory_space<vmem_shared>> -> memref<10240x128xf32, #tpu.memory_space<vmem_shared>>
      tpu.wait_indirect_dma semaphore(%run_scoped3A_1139 : memref<!tpu.dma_semaphore, #tpu.memory_space<semaphore_mem>>) src(%arg7 : memref<128x128xf32, #tpu.memory_space<vmem>>) dst(%dma_wait3A_1151 : memref<10240x128xf32, #tpu.memory_space<vmem_shared>>)
      tpu.yield
    }) : () -> ()
    %dma_start3A_28 = arith.constant 4 : i32
    %dma_start3A_29 = arith.constant 0 : i32
    %dma_start3A_30 = tpu.memref_slice %arg6[%dma_start3A_28, %dma_start3A_29] : memref<80x128xi32, #tpu.memory_space<vmem>> -> memref<1x128xi32, #tpu.memory_space<vmem>>
    %dma_start3A_31 = tpu.memref_squeeze %dma_start3A_30 : memref<1x128xi32, #tpu.memory_space<vmem>> -> memref<128xi32, #tpu.memory_space<vmem>>
    %dma_start3A_32 = arith.constant 0 : i32
    %dma_start3A_33 = arith.constant 0 : i32
    %dma_start3A_34 = tpu.memref_slice %arg2[%dma_start3A_32, %dma_start3A_33] : memref<10240x128xf32, #tpu.memory_space<hbm>> -> memref<10240x128xf32, #tpu.memory_space<hbm>>
    tpu.enqueue_indirect_dma source(%dma_start3A_34 : memref<10240x128xf32, #tpu.memory_space<hbm>>) target(%arg7 : memref<128x128xf32, #tpu.memory_space<vmem>>) offsets(%dma_start3A_31 : memref<128xi32, #tpu.memory_space<vmem>>) semaphore(%arg10 : memref<!tpu.dma_semaphore, #tpu.memory_space<semaphore_mem>>)
    %dma_wait3A_35 = arith.constant 2 : i32
    %dma_wait3A_36 = arith.constant 0 : i32
    %dma_wait3A_37 = tpu.memref_slice %arg6[%dma_wait3A_35, %dma_wait3A_36] : memref<80x128xi32, #tpu.memory_space<vmem>> -> memref<1x128xi32, #tpu.memory_space<vmem>>
    %dma_wait3A_38 = tpu.memref_squeeze %dma_wait3A_37 : memref<1x128xi32, #tpu.memory_space<vmem>> -> memref<128xi32, #tpu.memory_space<vmem>>
    %dma_wait3A_39 = arith.constant 0 : i32
    %dma_wait3A_40 = arith.constant 0 : i32
    %dma_wait3A_41 = tpu.memref_slice %arg2[%dma_wait3A_39, %dma_wait3A_40] : memref<10240x128xf32, #tpu.memory_space<hbm>> -> memref<10240x128xf32, #tpu.memory_space<hbm>>
    tpu.wait_indirect_dma semaphore(%arg11 : memref<!tpu.dma_semaphore, #tpu.memory_space<semaphore_mem>>) src(%dma_wait3A_41 : memref<10240x128xf32, #tpu.memory_space<hbm>>) dst(%arg8 : memref<128x128xf32, #tpu.memory_space<vmem>>)
    %dma_start3A_42 = arith.constant 6 : i32
    %dma_start3A_43 = arith.constant 0 : i32
    %dma_start3A_44 = tpu.memref_slice %arg6[%dma_start3A_42, %dma_start3A_43] : memref<80x128xi32, #tpu.memory_space<vmem>> -> memref<1x128xi32, #tpu.memory_space<vmem>>
    %dma_start3A_45 = tpu.memref_squeeze %dma_start3A_44 : memref<1x128xi32, #tpu.memory_space<vmem>> -> memref<128xi32, #tpu.memory_space<vmem>>
    %dma_start3A_46 = arith.constant 0 : i32
    %dma_start3A_47 = arith.constant 0 : i32
    %dma_start3A_48 = tpu.memref_slice %arg2[%dma_start3A_46, %dma_start3A_47] : memref<10240x128xf32, #tpu.memory_space<hbm>> -> memref<10240x128xf32, #tpu.memory_space<hbm>>
    tpu.enqueue_indirect_dma source(%dma_start3A_48 : memref<10240x128xf32, #tpu.memory_space<hbm>>) target(%arg8 : memref<128x128xf32, #tpu.memory_space<vmem>>) offsets(%dma_start3A_45 : memref<128xi32, #tpu.memory_space<vmem>>) semaphore(%arg11 : memref<!tpu.dma_semaphore, #tpu.memory_space<semaphore_mem>>)
    %dma_wait3A_49 = arith.constant 4 : i32
    %dma_wait3A_50 = arith.constant 0 : i32
    %dma_wait3A_51 = tpu.memref_slice %arg6[%dma_wait3A_49, %dma_wait3A_50] : memref<80x128xi32, #tpu.memory_space<vmem>> -> memref<1x128xi32, #tpu.memory_space<vmem>>
    %dma_wait3A_52 = tpu.memref_squeeze %dma_wait3A_51 : memref<1x128xi32, #tpu.memory_space<vmem>> -> memref<128xi32, #tpu.memory_space<vmem>>
    %dma_wait3A_53 = arith.constant 0 : i32
    %dma_wait3A_54 = arith.constant 0 : i32
    %dma_wait3A_55 = tpu.memref_slice %arg2[%dma_wait3A_53, %dma_wait3A_54] : memref<10240x128xf32, #tpu.memory_space<hbm>> -> memref<10240x128xf32, #tpu.memory_space<hbm>>
    tpu.wait_indirect_dma semaphore(%arg10 : memref<!tpu.dma_semaphore, #tpu.memory_space<semaphore_mem>>) src(%dma_wait3A_55 : memref<10240x128xf32, #tpu.memory_space<hbm>>) dst(%arg7 : memref<128x128xf32, #tpu.memory_space<vmem>>)
    %dma_start3A_56 = arith.constant 8 : i32
    %dma_start3A_57 = arith.constant 0 : i32
    %dma_start3A_58 = tpu.memref_slice %arg6[%dma_start3A_56, %dma_start3A_57] : memref<80x128xi32, #tpu.memory_space<vmem>> -> memref<1x128xi32, #tpu.memory_space<vmem>>
    %dma_start3A_59 = tpu.memref_squeeze %dma_start3A_58 : memref<1x128xi32, #tpu.memory_space<vmem>> -> memref<128xi32, #tpu.memory_space<vmem>>
    %dma_start3A_60 = arith.constant 0 : i32
    %dma_start3A_61 = arith.constant 0 : i32
    %dma_start3A_62 = tpu.memref_slice %arg2[%dma_start3A_60, %dma_start3A_61] : memref<10240x128xf32, #tpu.memory_space<hbm>> -> memref<10240x128xf32, #tpu.memory_space<hbm>>
    tpu.enqueue_indirect_dma source(%dma_start3A_62 : memref<10240x128xf32, #tpu.memory_space<hbm>>) target(%arg7 : memref<128x128xf32, #tpu.memory_space<vmem>>) offsets(%dma_start3A_59 : memref<128xi32, #tpu.memory_space<vmem>>) semaphore(%arg10 : memref<!tpu.dma_semaphore, #tpu.memory_space<semaphore_mem>>)
    %dma_wait3A_63 = arith.constant 6 : i32
    %dma_wait3A_64 = arith.constant 0 : i32
    %dma_wait3A_65 = tpu.memref_slice %arg6[%dma_wait3A_63, %dma_wait3A_64] : memref<80x128xi32, #tpu.memory_space<vmem>> -> memref<1x128xi32, #tpu.memory_space<vmem>>
    %dma_wait3A_66 = tpu.memref_squeeze %dma_wait3A_65 : memref<1x128xi32, #tpu.memory_space<vmem>> -> memref<128xi32, #tpu.memory_space<vmem>>
    %dma_wait3A_67 = arith.constant 0 : i32
    %dma_wait3A_68 = arith.constant 0 : i32
    %dma_wait3A_69 = tpu.memref_slice %arg2[%dma_wait3A_67, %dma_wait3A_68] : memref<10240x128xf32, #tpu.memory_space<hbm>> -> memref<10240x128xf32, #tpu.memory_space<hbm>>
    tpu.wait_indirect_dma semaphore(%arg11 : memref<!tpu.dma_semaphore, #tpu.memory_space<semaphore_mem>>) src(%dma_wait3A_69 : memref<10240x128xf32, #tpu.memory_space<hbm>>) dst(%arg8 : memref<128x128xf32, #tpu.memory_space<vmem>>)
    %dma_start3A_70 = arith.constant 10 : i32
    %dma_start3A_71 = arith.constant 0 : i32
    %dma_start3A_72 = tpu.memref_slice %arg6[%dma_start3A_70, %dma_start3A_71] : memref<80x128xi32, #tpu.memory_space<vmem>> -> memref<1x128xi32, #tpu.memory_space<vmem>>
    %dma_start3A_73 = tpu.memref_squeeze %dma_start3A_72 : memref<1x128xi32, #tpu.memory_space<vmem>> -> memref<128xi32, #tpu.memory_space<vmem>>
    %dma_start3A_74 = arith.constant 0 : i32
    %dma_start3A_75 = arith.constant 0 : i32
    %dma_start3A_76 = tpu.memref_slice %arg2[%dma_start3A_74, %dma_start3A_75] : memref<10240x128xf32, #tpu.memory_space<hbm>> -> memref<10240x128xf32, #tpu.memory_space<hbm>>
    tpu.enqueue_indirect_dma source(%dma_start3A_76 : memref<10240x128xf32, #tpu.memory_space<hbm>>) target(%arg8 : memref<128x128xf32, #tpu.memory_space<vmem>>) offsets(%dma_start3A_73 : memref<128xi32, #tpu.memory_space<vmem>>) semaphore(%arg11 : memref<!tpu.dma_semaphore, #tpu.memory_space<semaphore_mem>>)
    %dma_wait3A_77 = arith.constant 8 : i32
    %dma_wait3A_78 = arith.constant 0 : i32
    %dma_wait3A_79 = tpu.memref_slice %arg6[%dma_wait3A_77, %dma_wait3A_78] : memref<80x128xi32, #tpu.memory_space<vmem>> -> memref<1x128xi32, #tpu.memory_space<vmem>>
    %dma_wait3A_80 = tpu.memref_squeeze %dma_wait3A_79 : memref<1x128xi32, #tpu.memory_space<vmem>> -> memref<128xi32, #tpu.memory_space<vmem>>
    %dma_wait3A_81 = arith.constant 0 : i32
    %dma_wait3A_82 = arith.constant 0 : i32
    %dma_wait3A_83 = tpu.memref_slice %arg2[%dma_wait3A_81, %dma_wait3A_82] : memref<10240x128xf32, #tpu.memory_space<hbm>> -> memref<10240x128xf32, #tpu.memory_space<hbm>>
    tpu.wait_indirect_dma semaphore(%arg10 : memref<!tpu.dma_semaphore, #tpu.memory_space<semaphore_mem>>) src(%dma_wait3A_83 : memref<10240x128xf32, #tpu.memory_space<hbm>>) dst(%arg7 : memref<128x128xf32, #tpu.memory_space<vmem>>)
    %dma_start3A_84 = arith.constant 12 : i32
    %dma_start3A_85 = arith.constant 0 : i32
    %dma_start3A_86 = tpu.memref_slice %arg6[%dma_start3A_84, %dma_start3A_85] : memref<80x128xi32, #tpu.memory_space<vmem>> -> memref<1x128xi32, #tpu.memory_space<vmem>>
    %dma_start3A_87 = tpu.memref_squeeze %dma_start3A_86 : memref<1x128xi32, #tpu.memory_space<vmem>> -> memref<128xi32, #tpu.memory_space<vmem>>
    %dma_start3A_88 = arith.constant 0 : i32
    %dma_start3A_89 = arith.constant 0 : i32
    %dma_start3A_90 = tpu.memref_slice %arg2[%dma_start3A_88, %dma_start3A_89] : memref<10240x128xf32, #tpu.memory_space<hbm>> -> memref<10240x128xf32, #tpu.memory_space<hbm>>
    tpu.enqueue_indirect_dma source(%dma_start3A_90 : memref<10240x128xf32, #tpu.memory_space<hbm>>) target(%arg7 : memref<128x128xf32, #tpu.memory_space<vmem>>) offsets(%dma_start3A_87 : memref<128xi32, #tpu.memory_space<vmem>>) semaphore(%arg10 : memref<!tpu.dma_semaphore, #tpu.memory_space<semaphore_mem>>)
    %dma_wait3A_91 = arith.constant 10 : i32
    %dma_wait3A_92 = arith.constant 0 : i32
    %dma_wait3A_93 = tpu.memref_slice %arg6[%dma_wait3A_91, %dma_wait3A_92] : memref<80x128xi32, #tpu.memory_space<vmem>> -> memref<1x128xi32, #tpu.memory_space<vmem>>
    %dma_wait3A_94 = tpu.memref_squeeze %dma_wait3A_93 : memref<1x128xi32, #tpu.memory_space<vmem>> -> memref<128xi32, #tpu.memory_space<vmem>>
    %dma_wait3A_95 = arith.constant 0 : i32
    %dma_wait3A_96 = arith.constant 0 : i32
    %dma_wait3A_97 = tpu.memref_slice %arg2[%dma_wait3A_95, %dma_wait3A_96] : memref<10240x128xf32, #tpu.memory_space<hbm>> -> memref<10240x128xf32, #tpu.memory_space<hbm>>
    tpu.wait_indirect_dma semaphore(%arg11 : memref<!tpu.dma_semaphore, #tpu.memory_space<semaphore_mem>>) src(%dma_wait3A_97 : memref<10240x128xf32, #tpu.memory_space<hbm>>) dst(%arg8 : memref<128x128xf32, #tpu.memory_space<vmem>>)
    %dma_start3A_98 = arith.constant 14 : i32
    %dma_start3A_99 = arith.constant 0 : i32
    %dma_start3A_100 = tpu.memref_slice %arg6[%dma_start3A_98, %dma_start3A_99] : memref<80x128xi32, #tpu.memory_space<vmem>> -> memref<1x128xi32, #tpu.memory_space<vmem>>
    %dma_start3A_101 = tpu.memref_squeeze %dma_start3A_100 : memref<1x128xi32, #tpu.memory_space<vmem>> -> memref<128xi32, #tpu.memory_space<vmem>>
    %dma_start3A_102 = arith.constant 0 : i32
    %dma_start3A_103 = arith.constant 0 : i32
    %dma_start3A_104 = tpu.memref_slice %arg2[%dma_start3A_102, %dma_start3A_103] : memref<10240x128xf32, #tpu.memory_space<hbm>> -> memref<10240x128xf32, #tpu.memory_space<hbm>>
    tpu.enqueue_indirect_dma source(%dma_start3A_104 : memref<10240x128xf32, #tpu.memory_space<hbm>>) target(%arg8 : memref<128x128xf32, #tpu.memory_space<vmem>>) offsets(%dma_start3A_101 : memref<128xi32, #tpu.memory_space<vmem>>) semaphore(%arg11 : memref<!tpu.dma_semaphore, #tpu.memory_space<semaphore_mem>>)
    %dma_wait3A_105 = arith.constant 12 : i32
    %dma_wait3A_106 = arith.constant 0 : i32
    %dma_wait3A_107 = tpu.memref_slice %arg6[%dma_wait3A_105, %dma_wait3A_106] : memref<80x128xi32, #tpu.memory_space<vmem>> -> memref<1x128xi32, #tpu.memory_space<vmem>>
    %dma_wait3A_108 = tpu.memref_squeeze %dma_wait3A_107 : memref<1x128xi32, #tpu.memory_space<vmem>> -> memref<128xi32, #tpu.memory_space<vmem>>
    %dma_wait3A_109 = arith.constant 0 : i32
    %dma_wait3A_110 = arith.constant 0 : i32
    %dma_wait3A_111 = tpu.memref_slice %arg2[%dma_wait3A_109, %dma_wait3A_110] : memref<10240x128xf32, #tpu.memory_space<hbm>> -> memref<10240x128xf32, #tpu.memory_space<hbm>>
    tpu.wait_indirect_dma semaphore(%arg10 : memref<!tpu.dma_semaphore, #tpu.memory_space<semaphore_mem>>) src(%dma_wait3A_111 : memref<10240x128xf32, #tpu.memory_space<hbm>>) dst(%arg7 : memref<128x128xf32, #tpu.memory_space<vmem>>)
    %dma_start3A_112 = arith.constant 16 : i32
    %dma_start3A_113 = arith.constant 0 : i32
    %dma_start3A_114 = tpu.memref_slice %arg6[%dma_start3A_112, %dma_start3A_113] : memref<80x128xi32, #tpu.memory_space<vmem>> -> memref<1x128xi32, #tpu.memory_space<vmem>>
    %dma_start3A_115 = tpu.memref_squeeze %dma_start3A_114 : memref<1x128xi32, #tpu.memory_space<vmem>> -> memref<128xi32, #tpu.memory_space<vmem>>
    %dma_start3A_116 = arith.constant 0 : i32
    %dma_start3A_117 = arith.constant 0 : i32
    %dma_start3A_118 = tpu.memref_slice %arg2[%dma_start3A_116, %dma_start3A_117] : memref<10240x128xf32, #tpu.memory_space<hbm>> -> memref<10240x128xf32, #tpu.memory_space<hbm>>
    tpu.enqueue_indirect_dma source(%dma_start3A_118 : memref<10240x128xf32, #tpu.memory_space<hbm>>) target(%arg7 : memref<128x128xf32, #tpu.memory_space<vmem>>) offsets(%dma_start3A_115 : memref<128xi32, #tpu.memory_space<vmem>>) semaphore(%arg10 : memref<!tpu.dma_semaphore, #tpu.memory_space<semaphore_mem>>)
    %dma_wait3A_119 = arith.constant 14 : i32
    %dma_wait3A_120 = arith.constant 0 : i32
    %dma_wait3A_121 = tpu.memref_slice %arg6[%dma_wait3A_119, %dma_wait3A_120] : memref<80x128xi32, #tpu.memory_space<vmem>> -> memref<1x128xi32, #tpu.memory_space<vmem>>
    %dma_wait3A_122 = tpu.memref_squeeze %dma_wait3A_121 : memref<1x128xi32, #tpu.memory_space<vmem>> -> memref<128xi32, #tpu.memory_space<vmem>>
    %dma_wait3A_123 = arith.constant 0 : i32
    %dma_wait3A_124 = arith.constant 0 : i32
    %dma_wait3A_125 = tpu.memref_slice %arg2[%dma_wait3A_123, %dma_wait3A_124] : memref<10240x128xf32, #tpu.memory_space<hbm>> -> memref<10240x128xf32, #tpu.memory_space<hbm>>
    tpu.wait_indirect_dma semaphore(%arg11 : memref<!tpu.dma_semaphore, #tpu.memory_space<semaphore_mem>>) src(%dma_wait3A_125 : memref<10240x128xf32, #tpu.memory_space<hbm>>) dst(%arg8 : memref<128x128xf32, #tpu.memory_space<vmem>>)
    %dma_start3A_126 = arith.constant 18 : i32
    %dma_start3A_127 = arith.constant 0 : i32
    %dma_start3A_128 = tpu.memref_slice %arg6[%dma_start3A_126, %dma_start3A_127] : memref<80x128xi32, #tpu.memory_space<vmem>> -> memref<1x128xi32, #tpu.memory_space<vmem>>
    %dma_start3A_129 = tpu.memref_squeeze %dma_start3A_128 : memref<1x128xi32, #tpu.memory_space<vmem>> -> memref<128xi32, #tpu.memory_space<vmem>>
    %dma_start3A_130 = arith.constant 0 : i32
    %dma_start3A_131 = arith.constant 0 : i32
    %dma_start3A_132 = tpu.memref_slice %arg2[%dma_start3A_130, %dma_start3A_131] : memref<10240x128xf32, #tpu.memory_space<hbm>> -> memref<10240x128xf32, #tpu.memory_space<hbm>>
    tpu.enqueue_indirect_dma source(%dma_start3A_132 : memref<10240x128xf32, #tpu.memory_space<hbm>>) target(%arg8 : memref<128x128xf32, #tpu.memory_space<vmem>>) offsets(%dma_start3A_129 : memref<128xi32, #tpu.memory_space<vmem>>) semaphore(%arg11 : memref<!tpu.dma_semaphore, #tpu.memory_space<semaphore_mem>>)
    %dma_wait3A_133 = arith.constant 16 : i32
    %dma_wait3A_134 = arith.constant 0 : i32
    %dma_wait3A_135 = tpu.memref_slice %arg6[%dma_wait3A_133, %dma_wait3A_134] : memref<80x128xi32, #tpu.memory_space<vmem>> -> memref<1x128xi32, #tpu.memory_space<vmem>>
    %dma_wait3A_136 = tpu.memref_squeeze %dma_wait3A_135 : memref<1x128xi32, #tpu.memory_space<vmem>> -> memref<128xi32, #tpu.memory_space<vmem>>
    %dma_wait3A_137 = arith.constant 0 : i32
    %dma_wait3A_138 = arith.constant 0 : i32
    %dma_wait3A_139 = tpu.memref_slice %arg2[%dma_wait3A_137, %dma_wait3A_138] : memref<10240x128xf32, #tpu.memory_space<hbm>> -> memref<10240x128xf32, #tpu.memory_space<hbm>>
    tpu.wait_indirect_dma semaphore(%arg10 : memref<!tpu.dma_semaphore, #tpu.memory_space<semaphore_mem>>) src(%dma_wait3A_139 : memref<10240x128xf32, #tpu.memory_space<hbm>>) dst(%arg7 : memref<128x128xf32, #tpu.memory_space<vmem>>)
    %dma_start3A_140 = arith.constant 20 : i32
    %dma_start3A_141 = arith.constant 0 : i32
    %dma_start3A_142 = tpu.memref_slice %arg6[%dma_start3A_140, %dma_start3A_141] : memref<80x128xi32, #tpu.memory_space<vmem>> -> memref<1x128xi32, #tpu.memory_space<vmem>>
    %dma_start3A_143 = tpu.memref_squeeze %dma_start3A_142 : memref<1x128xi32, #tpu.memory_space<vmem>> -> memref<128xi32, #tpu.memory_space<vmem>>
    %dma_start3A_144 = arith.constant 0 : i32
    %dma_start3A_145 = arith.constant 0 : i32
    %dma_start3A_146 = tpu.memref_slice %arg2[%dma_start3A_144, %dma_start3A_145] : memref<10240x128xf32, #tpu.memory_space<hbm>> -> memref<10240x128xf32, #tpu.memory_space<hbm>>
    tpu.enqueue_indirect_dma source(%dma_start3A_146 : memref<10240x128xf32, #tpu.memory_space<hbm>>) target(%arg7 : memref<128x128xf32, #tpu.memory_space<vmem>>) offsets(%dma_start3A_143 : memref<128xi32, #tpu.memory_space<vmem>>) semaphore(%arg10 : memref<!tpu.dma_semaphore, #tpu.memory_space<semaphore_mem>>)
    %dma_wait3A_147 = arith.constant 18 : i32
    %dma_wait3A_148 = arith.constant 0 : i32
    %dma_wait3A_149 = tpu.memref_slice %arg6[%dma_wait3A_147, %dma_wait3A_148] : memref<80x128xi32, #tpu.memory_space<vmem>> -> memref<1x128xi32, #tpu.memory_space<vmem>>
    %dma_wait3A_150 = tpu.memref_squeeze %dma_wait3A_149 : memref<1x128xi32, #tpu.memory_space<vmem>> -> memref<128xi32, #tpu.memory_space<vmem>>
    %dma_wait3A_151 = arith.constant 0 : i32
    %dma_wait3A_152 = arith.constant 0 : i32
    %dma_wait3A_153 = tpu.memref_slice %arg2[%dma_wait3A_151, %dma_wait3A_152] : memref<10240x128xf32, #tpu.memory_space<hbm>> -> memref<10240x128xf32, #tpu.memory_space<hbm>>
    tpu.wait_indirect_dma semaphore(%arg11 : memref<!tpu.dma_semaphore, #tpu.memory_space<semaphore_mem>>) src(%dma_wait3A_153 : memref<10240x128xf32, #tpu.memory_space<hbm>>) dst(%arg8 : memref<128x128xf32, #tpu.memory_space<vmem>>)
    %dma_start3A_154 = arith.constant 22 : i32
    %dma_start3A_155 = arith.constant 0 : i32
    %dma_start3A_156 = tpu.memref_slice %arg6[%dma_start3A_154, %dma_start3A_155] : memref<80x128xi32, #tpu.memory_space<vmem>> -> memref<1x128xi32, #tpu.memory_space<vmem>>
    %dma_start3A_157 = tpu.memref_squeeze %dma_start3A_156 : memref<1x128xi32, #tpu.memory_space<vmem>> -> memref<128xi32, #tpu.memory_space<vmem>>
    %dma_start3A_158 = arith.constant 0 : i32
    %dma_start3A_159 = arith.constant 0 : i32
    %dma_start3A_160 = tpu.memref_slice %arg2[%dma_start3A_158, %dma_start3A_159] : memref<10240x128xf32, #tpu.memory_space<hbm>> -> memref<10240x128xf32, #tpu.memory_space<hbm>>
    tpu.enqueue_indirect_dma source(%dma_start3A_160 : memref<10240x128xf32, #tpu.memory_space<hbm>>) target(%arg8 : memref<128x128xf32, #tpu.memory_space<vmem>>) offsets(%dma_start3A_157 : memref<128xi32, #tpu.memory_space<vmem>>) semaphore(%arg11 : memref<!tpu.dma_semaphore, #tpu.memory_space<semaphore_mem>>)
    %dma_wait3A_161 = arith.constant 20 : i32
    %dma_wait3A_162 = arith.constant 0 : i32
    %dma_wait3A_163 = tpu.memref_slice %arg6[%dma_wait3A_161, %dma_wait3A_162] : memref<80x128xi32, #tpu.memory_space<vmem>> -> memref<1x128xi32, #tpu.memory_space<vmem>>
    %dma_wait3A_164 = tpu.memref_squeeze %dma_wait3A_163 : memref<1x128xi32, #tpu.memory_space<vmem>> -> memref<128xi32, #tpu.memory_space<vmem>>
    %dma_wait3A_165 = arith.constant 0 : i32
    %dma_wait3A_166 = arith.constant 0 : i32
    %dma_wait3A_167 = tpu.memref_slice %arg2[%dma_wait3A_165, %dma_wait3A_166] : memref<10240x128xf32, #tpu.memory_space<hbm>> -> memref<10240x128xf32, #tpu.memory_space<hbm>>
    tpu.wait_indirect_dma semaphore(%arg10 : memref<!tpu.dma_semaphore, #tpu.memory_space<semaphore_mem>>) src(%dma_wait3A_167 : memref<10240x128xf32, #tpu.memory_space<hbm>>) dst(%arg7 : memref<128x128xf32, #tpu.memory_space<vmem>>)
    %dma_start3A_168 = arith.constant 24 : i32
    %dma_start3A_169 = arith.constant 0 : i32
    %dma_start3A_170 = tpu.memref_slice %arg6[%dma_start3A_168, %dma_start3A_169] : memref<80x128xi32, #tpu.memory_space<vmem>> -> memref<1x128xi32, #tpu.memory_space<vmem>>
    %dma_start3A_171 = tpu.memref_squeeze %dma_start3A_170 : memref<1x128xi32, #tpu.memory_space<vmem>> -> memref<128xi32, #tpu.memory_space<vmem>>
    %dma_start3A_172 = arith.constant 0 : i32
    %dma_start3A_173 = arith.constant 0 : i32
    %dma_start3A_174 = tpu.memref_slice %arg2[%dma_start3A_172, %dma_start3A_173] : memref<10240x128xf32, #tpu.memory_space<hbm>> -> memref<10240x128xf32, #tpu.memory_space<hbm>>
    tpu.enqueue_indirect_dma source(%dma_start3A_174 : memref<10240x128xf32, #tpu.memory_space<hbm>>) target(%arg7 : memref<128x128xf32, #tpu.memory_space<vmem>>) offsets(%dma_start3A_171 : memref<128xi32, #tpu.memory_space<vmem>>) semaphore(%arg10 : memref<!tpu.dma_semaphore, #tpu.memory_space<semaphore_mem>>)
    %dma_wait3A_175 = arith.constant 22 : i32
    %dma_wait3A_176 = arith.constant 0 : i32
    %dma_wait3A_177 = tpu.memref_slice %arg6[%dma_wait3A_175, %dma_wait3A_176] : memref<80x128xi32, #tpu.memory_space<vmem>> -> memref<1x128xi32, #tpu.memory_space<vmem>>
    %dma_wait3A_178 = tpu.memref_squeeze %dma_wait3A_177 : memref<1x128xi32, #tpu.memory_space<vmem>> -> memref<128xi32, #tpu.memory_space<vmem>>
    %dma_wait3A_179 = arith.constant 0 : i32
    %dma_wait3A_180 = arith.constant 0 : i32
    %dma_wait3A_181 = tpu.memref_slice %arg2[%dma_wait3A_179, %dma_wait3A_180] : memref<10240x128xf32, #tpu.memory_space<hbm>> -> memref<10240x128xf32, #tpu.memory_space<hbm>>
    tpu.wait_indirect_dma semaphore(%arg11 : memref<!tpu.dma_semaphore, #tpu.memory_space<semaphore_mem>>) src(%dma_wait3A_181 : memref<10240x128xf32, #tpu.memory_space<hbm>>) dst(%arg8 : memref<128x128xf32, #tpu.memory_space<vmem>>)
    %dma_start3A_182 = arith.constant 26 : i32
    %dma_start3A_183 = arith.constant 0 : i32
    %dma_start3A_184 = tpu.memref_slice %arg6[%dma_start3A_182, %dma_start3A_183] : memref<80x128xi32, #tpu.memory_space<vmem>> -> memref<1x128xi32, #tpu.memory_space<vmem>>
    %dma_start3A_185 = tpu.memref_squeeze %dma_start3A_184 : memref<1x128xi32, #tpu.memory_space<vmem>> -> memref<128xi32, #tpu.memory_space<vmem>>
    %dma_start3A_186 = arith.constant 0 : i32
    %dma_start3A_187 = arith.constant 0 : i32
    %dma_start3A_188 = tpu.memref_slice %arg2[%dma_start3A_186, %dma_start3A_187] : memref<10240x128xf32, #tpu.memory_space<hbm>> -> memref<10240x128xf32, #tpu.memory_space<hbm>>
    tpu.enqueue_indirect_dma source(%dma_start3A_188 : memref<10240x128xf32, #tpu.memory_space<hbm>>) target(%arg8 : memref<128x128xf32, #tpu.memory_space<vmem>>) offsets(%dma_start3A_185 : memref<128xi32, #tpu.memory_space<vmem>>) semaphore(%arg11 : memref<!tpu.dma_semaphore, #tpu.memory_space<semaphore_mem>>)
    %dma_wait3A_189 = arith.constant 24 : i32
    %dma_wait3A_190 = arith.constant 0 : i32
    %dma_wait3A_191 = tpu.memref_slice %arg6[%dma_wait3A_189, %dma_wait3A_190] : memref<80x128xi32, #tpu.memory_space<vmem>> -> memref<1x128xi32, #tpu.memory_space<vmem>>
    %dma_wait3A_192 = tpu.memref_squeeze %dma_wait3A_191 : memref<1x128xi32, #tpu.memory_space<vmem>> -> memref<128xi32, #tpu.memory_space<vmem>>
    %dma_wait3A_193 = arith.constant 0 : i32
    %dma_wait3A_194 = arith.constant 0 : i32
    %dma_wait3A_195 = tpu.memref_slice %arg2[%dma_wait3A_193, %dma_wait3A_194] : memref<10240x128xf32, #tpu.memory_space<hbm>> -> memref<10240x128xf32, #tpu.memory_space<hbm>>
    tpu.wait_indirect_dma semaphore(%arg10 : memref<!tpu.dma_semaphore, #tpu.memory_space<semaphore_mem>>) src(%dma_wait3A_195 : memref<10240x128xf32, #tpu.memory_space<hbm>>) dst(%arg7 : memref<128x128xf32, #tpu.memory_space<vmem>>)
    %dma_start3A_196 = arith.constant 28 : i32
    %dma_start3A_197 = arith.constant 0 : i32
    %dma_start3A_198 = tpu.memref_slice %arg6[%dma_start3A_196, %dma_start3A_197] : memref<80x128xi32, #tpu.memory_space<vmem>> -> memref<1x128xi32, #tpu.memory_space<vmem>>
    %dma_start3A_199 = tpu.memref_squeeze %dma_start3A_198 : memref<1x128xi32, #tpu.memory_space<vmem>> -> memref<128xi32, #tpu.memory_space<vmem>>
    %dma_start3A_200 = arith.constant 0 : i32
    %dma_start3A_201 = arith.constant 0 : i32
    %dma_start3A_202 = tpu.memref_slice %arg2[%dma_start3A_200, %dma_start3A_201] : memref<10240x128xf32, #tpu.memory_space<hbm>> -> memref<10240x128xf32, #tpu.memory_space<hbm>>
    tpu.enqueue_indirect_dma source(%dma_start3A_202 : memref<10240x128xf32, #tpu.memory_space<hbm>>) target(%arg7 : memref<128x128xf32, #tpu.memory_space<vmem>>) offsets(%dma_start3A_199 : memref<128xi32, #tpu.memory_space<vmem>>) semaphore(%arg10 : memref<!tpu.dma_semaphore, #tpu.memory_space<semaphore_mem>>)
    %dma_wait3A_203 = arith.constant 26 : i32
    %dma_wait3A_204 = arith.constant 0 : i32
    %dma_wait3A_205 = tpu.memref_slice %arg6[%dma_wait3A_203, %dma_wait3A_204] : memref<80x128xi32, #tpu.memory_space<vmem>> -> memref<1x128xi32, #tpu.memory_space<vmem>>
    %dma_wait3A_206 = tpu.memref_squeeze %dma_wait3A_205 : memref<1x128xi32, #tpu.memory_space<vmem>> -> memref<128xi32, #tpu.memory_space<vmem>>
    %dma_wait3A_207 = arith.constant 0 : i32
    %dma_wait3A_208 = arith.constant 0 : i32
    %dma_wait3A_209 = tpu.memref_slice %arg2[%dma_wait3A_207, %dma_wait3A_208] : memref<10240x128xf32, #tpu.memory_space<hbm>> -> memref<10240x128xf32, #tpu.memory_space<hbm>>
    tpu.wait_indirect_dma semaphore(%arg11 : memref<!tpu.dma_semaphore, #tpu.memory_space<semaphore_mem>>) src(%dma_wait3A_209 : memref<10240x128xf32, #tpu.memory_space<hbm>>) dst(%arg8 : memref<128x128xf32, #tpu.memory_space<vmem>>)
    %dma_start3A_210 = arith.constant 30 : i32
    %dma_start3A_211 = arith.constant 0 : i32
    %dma_start3A_212 = tpu.memref_slice %arg6[%dma_start3A_210, %dma_start3A_211] : memref<80x128xi32, #tpu.memory_space<vmem>> -> memref<1x128xi32, #tpu.memory_space<vmem>>
    %dma_start3A_213 = tpu.memref_squeeze %dma_start3A_212 : memref<1x128xi32, #tpu.memory_space<vmem>> -> memref<128xi32, #tpu.memory_space<vmem>>
    %dma_start3A_214 = arith.constant 0 : i32
    %dma_start3A_215 = arith.constant 0 : i32
    %dma_start3A_216 = tpu.memref_slice %arg2[%dma_start3A_214, %dma_start3A_215] : memref<10240x128xf32, #tpu.memory_space<hbm>> -> memref<10240x128xf32, #tpu.memory_space<hbm>>
    tpu.enqueue_indirect_dma source(%dma_start3A_216 : memref<10240x128xf32, #tpu.memory_space<hbm>>) target(%arg8 : memref<128x128xf32, #tpu.memory_space<vmem>>) offsets(%dma_start3A_213 : memref<128xi32, #tpu.memory_space<vmem>>) semaphore(%arg11 : memref<!tpu.dma_semaphore, #tpu.memory_space<semaphore_mem>>)
    %dma_wait3A_217 = arith.constant 28 : i32
    %dma_wait3A_218 = arith.constant 0 : i32
    %dma_wait3A_219 = tpu.memref_slice %arg6[%dma_wait3A_217, %dma_wait3A_218] : memref<80x128xi32, #tpu.memory_space<vmem>> -> memref<1x128xi32, #tpu.memory_space<vmem>>
    %dma_wait3A_220 = tpu.memref_squeeze %dma_wait3A_219 : memref<1x128xi32, #tpu.memory_space<vmem>> -> memref<128xi32, #tpu.memory_space<vmem>>
    %dma_wait3A_221 = arith.constant 0 : i32
    %dma_wait3A_222 = arith.constant 0 : i32
    %dma_wait3A_223 = tpu.memref_slice %arg2[%dma_wait3A_221, %dma_wait3A_222] : memref<10240x128xf32, #tpu.memory_space<hbm>> -> memref<10240x128xf32, #tpu.memory_space<hbm>>
    tpu.wait_indirect_dma semaphore(%arg10 : memref<!tpu.dma_semaphore, #tpu.memory_space<semaphore_mem>>) src(%dma_wait3A_223 : memref<10240x128xf32, #tpu.memory_space<hbm>>) dst(%arg7 : memref<128x128xf32, #tpu.memory_space<vmem>>)
    %dma_start3A_224 = arith.constant 32 : i32
    %dma_start3A_225 = arith.constant 0 : i32
    %dma_start3A_226 = tpu.memref_slice %arg6[%dma_start3A_224, %dma_start3A_225] : memref<80x128xi32, #tpu.memory_space<vmem>> -> memref<1x128xi32, #tpu.memory_space<vmem>>
    %dma_start3A_227 = tpu.memref_squeeze %dma_start3A_226 : memref<1x128xi32, #tpu.memory_space<vmem>> -> memref<128xi32, #tpu.memory_space<vmem>>
    %dma_start3A_228 = arith.constant 0 : i32
    %dma_start3A_229 = arith.constant 0 : i32
    %dma_start3A_230 = tpu.memref_slice %arg2[%dma_start3A_228, %dma_start3A_229] : memref<10240x128xf32, #tpu.memory_space<hbm>> -> memref<10240x128xf32, #tpu.memory_space<hbm>>
    tpu.enqueue_indirect_dma source(%dma_start3A_230 : memref<10240x128xf32, #tpu.memory_space<hbm>>) target(%arg7 : memref<128x128xf32, #tpu.memory_space<vmem>>) offsets(%dma_start3A_227 : memref<128xi32, #tpu.memory_space<vmem>>) semaphore(%arg10 : memref<!tpu.dma_semaphore, #tpu.memory_space<semaphore_mem>>)
    %dma_wait3A_231 = arith.constant 30 : i32
    %dma_wait3A_232 = arith.constant 0 : i32
    %dma_wait3A_233 = tpu.memref_slice %arg6[%dma_wait3A_231, %dma_wait3A_232] : memref<80x128xi32, #tpu.memory_space<vmem>> -> memref<1x128xi32, #tpu.memory_space<vmem>>
    %dma_wait3A_234 = tpu.memref_squeeze %dma_wait3A_233 : memref<1x128xi32, #tpu.memory_space<vmem>> -> memref<128xi32, #tpu.memory_space<vmem>>
    %dma_wait3A_235 = arith.constant 0 : i32
    %dma_wait3A_236 = arith.constant 0 : i32
    %dma_wait3A_237 = tpu.memref_slice %arg2[%dma_wait3A_235, %dma_wait3A_236] : memref<10240x128xf32, #tpu.memory_space<hbm>> -> memref<10240x128xf32, #tpu.memory_space<hbm>>
    tpu.wait_indirect_dma semaphore(%arg11 : memref<!tpu.dma_semaphore, #tpu.memory_space<semaphore_mem>>) src(%dma_wait3A_237 : memref<10240x128xf32, #tpu.memory_space<hbm>>) dst(%arg8 : memref<128x128xf32, #tpu.memory_space<vmem>>)
    %dma_start3A_238 = arith.constant 34 : i32
    %dma_start3A_239 = arith.constant 0 : i32
    %dma_start3A_240 = tpu.memref_slice %arg6[%dma_start3A_238, %dma_start3A_239] : memref<80x128xi32, #tpu.memory_space<vmem>> -> memref<1x128xi32, #tpu.memory_space<vmem>>
    %dma_start3A_241 = tpu.memref_squeeze %dma_start3A_240 : memref<1x128xi32, #tpu.memory_space<vmem>> -> memref<128xi32, #tpu.memory_space<vmem>>
    %dma_start3A_242 = arith.constant 0 : i32
    %dma_start3A_243 = arith.constant 0 : i32
    %dma_start3A_244 = tpu.memref_slice %arg2[%dma_start3A_242, %dma_start3A_243] : memref<10240x128xf32, #tpu.memory_space<hbm>> -> memref<10240x128xf32, #tpu.memory_space<hbm>>
    tpu.enqueue_indirect_dma source(%dma_start3A_244 : memref<10240x128xf32, #tpu.memory_space<hbm>>) target(%arg8 : memref<128x128xf32, #tpu.memory_space<vmem>>) offsets(%dma_start3A_241 : memref<128xi32, #tpu.memory_space<vmem>>) semaphore(%arg11 : memref<!tpu.dma_semaphore, #tpu.memory_space<semaphore_mem>>)
    %dma_wait3A_245 = arith.constant 32 : i32
    %dma_wait3A_246 = arith.constant 0 : i32
    %dma_wait3A_247 = tpu.memref_slice %arg6[%dma_wait3A_245, %dma_wait3A_246] : memref<80x128xi32, #tpu.memory_space<vmem>> -> memref<1x128xi32, #tpu.memory_space<vmem>>
    %dma_wait3A_248 = tpu.memref_squeeze %dma_wait3A_247 : memref<1x128xi32, #tpu.memory_space<vmem>> -> memref<128xi32, #tpu.memory_space<vmem>>
    %dma_wait3A_249 = arith.constant 0 : i32
    %dma_wait3A_250 = arith.constant 0 : i32
    %dma_wait3A_251 = tpu.memref_slice %arg2[%dma_wait3A_249, %dma_wait3A_250] : memref<10240x128xf32, #tpu.memory_space<hbm>> -> memref<10240x128xf32, #tpu.memory_space<hbm>>
    tpu.wait_indirect_dma semaphore(%arg10 : memref<!tpu.dma_semaphore, #tpu.memory_space<semaphore_mem>>) src(%dma_wait3A_251 : memref<10240x128xf32, #tpu.memory_space<hbm>>) dst(%arg7 : memref<128x128xf32, #tpu.memory_space<vmem>>)
    %dma_start3A_252 = arith.constant 36 : i32
    %dma_start3A_253 = arith.constant 0 : i32
    %dma_start3A_254 = tpu.memref_slice %arg6[%dma_start3A_252, %dma_start3A_253] : memref<80x128xi32, #tpu.memory_space<vmem>> -> memref<1x128xi32, #tpu.memory_space<vmem>>
    %dma_start3A_255 = tpu.memref_squeeze %dma_start3A_254 : memref<1x128xi32, #tpu.memory_space<vmem>> -> memref<128xi32, #tpu.memory_space<vmem>>
    %dma_start3A_256 = arith.constant 0 : i32
    %dma_start3A_257 = arith.constant 0 : i32
    %dma_start3A_258 = tpu.memref_slice %arg2[%dma_start3A_256, %dma_start3A_257] : memref<10240x128xf32, #tpu.memory_space<hbm>> -> memref<10240x128xf32, #tpu.memory_space<hbm>>
    tpu.enqueue_indirect_dma source(%dma_start3A_258 : memref<10240x128xf32, #tpu.memory_space<hbm>>) target(%arg7 : memref<128x128xf32, #tpu.memory_space<vmem>>) offsets(%dma_start3A_255 : memref<128xi32, #tpu.memory_space<vmem>>) semaphore(%arg10 : memref<!tpu.dma_semaphore, #tpu.memory_space<semaphore_mem>>)
    %dma_wait3A_259 = arith.constant 34 : i32
    %dma_wait3A_260 = arith.constant 0 : i32
    %dma_wait3A_261 = tpu.memref_slice %arg6[%dma_wait3A_259, %dma_wait3A_260] : memref<80x128xi32, #tpu.memory_space<vmem>> -> memref<1x128xi32, #tpu.memory_space<vmem>>
    %dma_wait3A_262 = tpu.memref_squeeze %dma_wait3A_261 : memref<1x128xi32, #tpu.memory_space<vmem>> -> memref<128xi32, #tpu.memory_space<vmem>>
    %dma_wait3A_263 = arith.constant 0 : i32
    %dma_wait3A_264 = arith.constant 0 : i32
    %dma_wait3A_265 = tpu.memref_slice %arg2[%dma_wait3A_263, %dma_wait3A_264] : memref<10240x128xf32, #tpu.memory_space<hbm>> -> memref<10240x128xf32, #tpu.memory_space<hbm>>
    tpu.wait_indirect_dma semaphore(%arg11 : memref<!tpu.dma_semaphore, #tpu.memory_space<semaphore_mem>>) src(%dma_wait3A_265 : memref<10240x128xf32, #tpu.memory_space<hbm>>) dst(%arg8 : memref<128x128xf32, #tpu.memory_space<vmem>>)
    %dma_start3A_266 = arith.constant 38 : i32
    %dma_start3A_267 = arith.constant 0 : i32
    %dma_start3A_268 = tpu.memref_slice %arg6[%dma_start3A_266, %dma_start3A_267] : memref<80x128xi32, #tpu.memory_space<vmem>> -> memref<1x128xi32, #tpu.memory_space<vmem>>
    %dma_start3A_269 = tpu.memref_squeeze %dma_start3A_268 : memref<1x128xi32, #tpu.memory_space<vmem>> -> memref<128xi32, #tpu.memory_space<vmem>>
    %dma_start3A_270 = arith.constant 0 : i32
    %dma_start3A_271 = arith.constant 0 : i32
    %dma_start3A_272 = tpu.memref_slice %arg2[%dma_start3A_270, %dma_start3A_271] : memref<10240x128xf32, #tpu.memory_space<hbm>> -> memref<10240x128xf32, #tpu.memory_space<hbm>>
    tpu.enqueue_indirect_dma source(%dma_start3A_272 : memref<10240x128xf32, #tpu.memory_space<hbm>>) target(%arg8 : memref<128x128xf32, #tpu.memory_space<vmem>>) offsets(%dma_start3A_269 : memref<128xi32, #tpu.memory_space<vmem>>) semaphore(%arg11 : memref<!tpu.dma_semaphore, #tpu.memory_space<semaphore_mem>>)
    %dma_wait3A_273 = arith.constant 36 : i32
    %dma_wait3A_274 = arith.constant 0 : i32
    %dma_wait3A_275 = tpu.memref_slice %arg6[%dma_wait3A_273, %dma_wait3A_274] : memref<80x128xi32, #tpu.memory_space<vmem>> -> memref<1x128xi32, #tpu.memory_space<vmem>>
    %dma_wait3A_276 = tpu.memref_squeeze %dma_wait3A_275 : memref<1x128xi32, #tpu.memory_space<vmem>> -> memref<128xi32, #tpu.memory_space<vmem>>
    %dma_wait3A_277 = arith.constant 0 : i32
    %dma_wait3A_278 = arith.constant 0 : i32
    %dma_wait3A_279 = tpu.memref_slice %arg2[%dma_wait3A_277, %dma_wait3A_278] : memref<10240x128xf32, #tpu.memory_space<hbm>> -> memref<10240x128xf32, #tpu.memory_space<hbm>>
    tpu.wait_indirect_dma semaphore(%arg10 : memref<!tpu.dma_semaphore, #tpu.memory_space<semaphore_mem>>) src(%dma_wait3A_279 : memref<10240x128xf32, #tpu.memory_space<hbm>>) dst(%arg7 : memref<128x128xf32, #tpu.memory_space<vmem>>)
    %dma_start3A_280 = arith.constant 40 : i32
    %dma_start3A_281 = arith.constant 0 : i32
    %dma_start3A_282 = tpu.memref_slice %arg6[%dma_start3A_280, %dma_start3A_281] : memref<80x128xi32, #tpu.memory_space<vmem>> -> memref<1x128xi32, #tpu.memory_space<vmem>>
    %dma_start3A_283 = tpu.memref_squeeze %dma_start3A_282 : memref<1x128xi32, #tpu.memory_space<vmem>> -> memref<128xi32, #tpu.memory_space<vmem>>
    %dma_start3A_284 = arith.constant 0 : i32
    %dma_start3A_285 = arith.constant 0 : i32
    %dma_start3A_286 = tpu.memref_slice %arg2[%dma_start3A_284, %dma_start3A_285] : memref<10240x128xf32, #tpu.memory_space<hbm>> -> memref<10240x128xf32, #tpu.memory_space<hbm>>
    tpu.enqueue_indirect_dma source(%dma_start3A_286 : memref<10240x128xf32, #tpu.memory_space<hbm>>) target(%arg7 : memref<128x128xf32, #tpu.memory_space<vmem>>) offsets(%dma_start3A_283 : memref<128xi32, #tpu.memory_space<vmem>>) semaphore(%arg10 : memref<!tpu.dma_semaphore, #tpu.memory_space<semaphore_mem>>)
    %dma_wait3A_287 = arith.constant 38 : i32
    %dma_wait3A_288 = arith.constant 0 : i32
    %dma_wait3A_289 = tpu.memref_slice %arg6[%dma_wait3A_287, %dma_wait3A_288] : memref<80x128xi32, #tpu.memory_space<vmem>> -> memref<1x128xi32, #tpu.memory_space<vmem>>
    %dma_wait3A_290 = tpu.memref_squeeze %dma_wait3A_289 : memref<1x128xi32, #tpu.memory_space<vmem>> -> memref<128xi32, #tpu.memory_space<vmem>>
    %dma_wait3A_291 = arith.constant 0 : i32
    %dma_wait3A_292 = arith.constant 0 : i32
    %dma_wait3A_293 = tpu.memref_slice %arg2[%dma_wait3A_291, %dma_wait3A_292] : memref<10240x128xf32, #tpu.memory_space<hbm>> -> memref<10240x128xf32, #tpu.memory_space<hbm>>
    tpu.wait_indirect_dma semaphore(%arg11 : memref<!tpu.dma_semaphore, #tpu.memory_space<semaphore_mem>>) src(%dma_wait3A_293 : memref<10240x128xf32, #tpu.memory_space<hbm>>) dst(%arg8 : memref<128x128xf32, #tpu.memory_space<vmem>>)
    %dma_start3A_294 = arith.constant 42 : i32
    %dma_start3A_295 = arith.constant 0 : i32
    %dma_start3A_296 = tpu.memref_slice %arg6[%dma_start3A_294, %dma_start3A_295] : memref<80x128xi32, #tpu.memory_space<vmem>> -> memref<1x128xi32, #tpu.memory_space<vmem>>
    %dma_start3A_297 = tpu.memref_squeeze %dma_start3A_296 : memref<1x128xi32, #tpu.memory_space<vmem>> -> memref<128xi32, #tpu.memory_space<vmem>>
    %dma_start3A_298 = arith.constant 0 : i32
    %dma_start3A_299 = arith.constant 0 : i32
    %dma_start3A_300 = tpu.memref_slice %arg2[%dma_start3A_298, %dma_start3A_299] : memref<10240x128xf32, #tpu.memory_space<hbm>> -> memref<10240x128xf32, #tpu.memory_space<hbm>>
    tpu.enqueue_indirect_dma source(%dma_start3A_300 : memref<10240x128xf32, #tpu.memory_space<hbm>>) target(%arg8 : memref<128x128xf32, #tpu.memory_space<vmem>>) offsets(%dma_start3A_297 : memref<128xi32, #tpu.memory_space<vmem>>) semaphore(%arg11 : memref<!tpu.dma_semaphore, #tpu.memory_space<semaphore_mem>>)
    %dma_wait3A_301 = arith.constant 40 : i32
    %dma_wait3A_302 = arith.constant 0 : i32
    %dma_wait3A_303 = tpu.memref_slice %arg6[%dma_wait3A_301, %dma_wait3A_302] : memref<80x128xi32, #tpu.memory_space<vmem>> -> memref<1x128xi32, #tpu.memory_space<vmem>>
    %dma_wait3A_304 = tpu.memref_squeeze %dma_wait3A_303 : memref<1x128xi32, #tpu.memory_space<vmem>> -> memref<128xi32, #tpu.memory_space<vmem>>
    %dma_wait3A_305 = arith.constant 0 : i32
    %dma_wait3A_306 = arith.constant 0 : i32
    %dma_wait3A_307 = tpu.memref_slice %arg2[%dma_wait3A_305, %dma_wait3A_306] : memref<10240x128xf32, #tpu.memory_space<hbm>> -> memref<10240x128xf32, #tpu.memory_space<hbm>>
    tpu.wait_indirect_dma semaphore(%arg10 : memref<!tpu.dma_semaphore, #tpu.memory_space<semaphore_mem>>) src(%dma_wait3A_307 : memref<10240x128xf32, #tpu.memory_space<hbm>>) dst(%arg7 : memref<128x128xf32, #tpu.memory_space<vmem>>)
    %dma_start3A_308 = arith.constant 44 : i32
    %dma_start3A_309 = arith.constant 0 : i32
    %dma_start3A_310 = tpu.memref_slice %arg6[%dma_start3A_308, %dma_start3A_309] : memref<80x128xi32, #tpu.memory_space<vmem>> -> memref<1x128xi32, #tpu.memory_space<vmem>>
    %dma_start3A_311 = tpu.memref_squeeze %dma_start3A_310 : memref<1x128xi32, #tpu.memory_space<vmem>> -> memref<128xi32, #tpu.memory_space<vmem>>
    %dma_start3A_312 = arith.constant 0 : i32
    %dma_start3A_313 = arith.constant 0 : i32
    %dma_start3A_314 = tpu.memref_slice %arg2[%dma_start3A_312, %dma_start3A_313] : memref<10240x128xf32, #tpu.memory_space<hbm>> -> memref<10240x128xf32, #tpu.memory_space<hbm>>
    tpu.enqueue_indirect_dma source(%dma_start3A_314 : memref<10240x128xf32, #tpu.memory_space<hbm>>) target(%arg7 : memref<128x128xf32, #tpu.memory_space<vmem>>) offsets(%dma_start3A_311 : memref<128xi32, #tpu.memory_space<vmem>>) semaphore(%arg10 : memref<!tpu.dma_semaphore, #tpu.memory_space<semaphore_mem>>)
    %dma_wait3A_315 = arith.constant 42 : i32
    %dma_wait3A_316 = arith.constant 0 : i32
    %dma_wait3A_317 = tpu.memref_slice %arg6[%dma_wait3A_315, %dma_wait3A_316] : memref<80x128xi32, #tpu.memory_space<vmem>> -> memref<1x128xi32, #tpu.memory_space<vmem>>
    %dma_wait3A_318 = tpu.memref_squeeze %dma_wait3A_317 : memref<1x128xi32, #tpu.memory_space<vmem>> -> memref<128xi32, #tpu.memory_space<vmem>>
    %dma_wait3A_319 = arith.constant 0 : i32
    %dma_wait3A_320 = arith.constant 0 : i32
    %dma_wait3A_321 = tpu.memref_slice %arg2[%dma_wait3A_319, %dma_wait3A_320] : memref<10240x128xf32, #tpu.memory_space<hbm>> -> memref<10240x128xf32, #tpu.memory_space<hbm>>
    tpu.wait_indirect_dma semaphore(%arg11 : memref<!tpu.dma_semaphore, #tpu.memory_space<semaphore_mem>>) src(%dma_wait3A_321 : memref<10240x128xf32, #tpu.memory_space<hbm>>) dst(%arg8 : memref<128x128xf32, #tpu.memory_space<vmem>>)
    %dma_start3A_322 = arith.constant 46 : i32
    %dma_start3A_323 = arith.constant 0 : i32
    %dma_start3A_324 = tpu.memref_slice %arg6[%dma_start3A_322, %dma_start3A_323] : memref<80x128xi32, #tpu.memory_space<vmem>> -> memref<1x128xi32, #tpu.memory_space<vmem>>
    %dma_start3A_325 = tpu.memref_squeeze %dma_start3A_324 : memref<1x128xi32, #tpu.memory_space<vmem>> -> memref<128xi32, #tpu.memory_space<vmem>>
    %dma_start3A_326 = arith.constant 0 : i32
    %dma_start3A_327 = arith.constant 0 : i32
    %dma_start3A_328 = tpu.memref_slice %arg2[%dma_start3A_326, %dma_start3A_327] : memref<10240x128xf32, #tpu.memory_space<hbm>> -> memref<10240x128xf32, #tpu.memory_space<hbm>>
    tpu.enqueue_indirect_dma source(%dma_start3A_328 : memref<10240x128xf32, #tpu.memory_space<hbm>>) target(%arg8 : memref<128x128xf32, #tpu.memory_space<vmem>>) offsets(%dma_start3A_325 : memref<128xi32, #tpu.memory_space<vmem>>) semaphore(%arg11 : memref<!tpu.dma_semaphore, #tpu.memory_space<semaphore_mem>>)
    %dma_wait3A_329 = arith.constant 44 : i32
    %dma_wait3A_330 = arith.constant 0 : i32
    %dma_wait3A_331 = tpu.memref_slice %arg6[%dma_wait3A_329, %dma_wait3A_330] : memref<80x128xi32, #tpu.memory_space<vmem>> -> memref<1x128xi32, #tpu.memory_space<vmem>>
    %dma_wait3A_332 = tpu.memref_squeeze %dma_wait3A_331 : memref<1x128xi32, #tpu.memory_space<vmem>> -> memref<128xi32, #tpu.memory_space<vmem>>
    %dma_wait3A_333 = arith.constant 0 : i32
    %dma_wait3A_334 = arith.constant 0 : i32
    %dma_wait3A_335 = tpu.memref_slice %arg2[%dma_wait3A_333, %dma_wait3A_334] : memref<10240x128xf32, #tpu.memory_space<hbm>> -> memref<10240x128xf32, #tpu.memory_space<hbm>>
    tpu.wait_indirect_dma semaphore(%arg10 : memref<!tpu.dma_semaphore, #tpu.memory_space<semaphore_mem>>) src(%dma_wait3A_335 : memref<10240x128xf32, #tpu.memory_space<hbm>>) dst(%arg7 : memref<128x128xf32, #tpu.memory_space<vmem>>)
    %dma_start3A_336 = arith.constant 48 : i32
    %dma_start3A_337 = arith.constant 0 : i32
    %dma_start3A_338 = tpu.memref_slice %arg6[%dma_start3A_336, %dma_start3A_337] : memref<80x128xi32, #tpu.memory_space<vmem>> -> memref<1x128xi32, #tpu.memory_space<vmem>>
    %dma_start3A_339 = tpu.memref_squeeze %dma_start3A_338 : memref<1x128xi32, #tpu.memory_space<vmem>> -> memref<128xi32, #tpu.memory_space<vmem>>
    %dma_start3A_340 = arith.constant 0 : i32
    %dma_start3A_341 = arith.constant 0 : i32
    %dma_start3A_342 = tpu.memref_slice %arg2[%dma_start3A_340, %dma_start3A_341] : memref<10240x128xf32, #tpu.memory_space<hbm>> -> memref<10240x128xf32, #tpu.memory_space<hbm>>
    tpu.enqueue_indirect_dma source(%dma_start3A_342 : memref<10240x128xf32, #tpu.memory_space<hbm>>) target(%arg7 : memref<128x128xf32, #tpu.memory_space<vmem>>) offsets(%dma_start3A_339 : memref<128xi32, #tpu.memory_space<vmem>>) semaphore(%arg10 : memref<!tpu.dma_semaphore, #tpu.memory_space<semaphore_mem>>)
    %dma_wait3A_343 = arith.constant 46 : i32
    %dma_wait3A_344 = arith.constant 0 : i32
    %dma_wait3A_345 = tpu.memref_slice %arg6[%dma_wait3A_343, %dma_wait3A_344] : memref<80x128xi32, #tpu.memory_space<vmem>> -> memref<1x128xi32, #tpu.memory_space<vmem>>
    %dma_wait3A_346 = tpu.memref_squeeze %dma_wait3A_345 : memref<1x128xi32, #tpu.memory_space<vmem>> -> memref<128xi32, #tpu.memory_space<vmem>>
    %dma_wait3A_347 = arith.constant 0 : i32
    %dma_wait3A_348 = arith.constant 0 : i32
    %dma_wait3A_349 = tpu.memref_slice %arg2[%dma_wait3A_347, %dma_wait3A_348] : memref<10240x128xf32, #tpu.memory_space<hbm>> -> memref<10240x128xf32, #tpu.memory_space<hbm>>
    tpu.wait_indirect_dma semaphore(%arg11 : memref<!tpu.dma_semaphore, #tpu.memory_space<semaphore_mem>>) src(%dma_wait3A_349 : memref<10240x128xf32, #tpu.memory_space<hbm>>) dst(%arg8 : memref<128x128xf32, #tpu.memory_space<vmem>>)
    %dma_start3A_350 = arith.constant 50 : i32
    %dma_start3A_351 = arith.constant 0 : i32
    %dma_start3A_352 = tpu.memref_slice %arg6[%dma_start3A_350, %dma_start3A_351] : memref<80x128xi32, #tpu.memory_space<vmem>> -> memref<1x128xi32, #tpu.memory_space<vmem>>
    %dma_start3A_353 = tpu.memref_squeeze %dma_start3A_352 : memref<1x128xi32, #tpu.memory_space<vmem>> -> memref<128xi32, #tpu.memory_space<vmem>>
    %dma_start3A_354 = arith.constant 0 : i32
    %dma_start3A_355 = arith.constant 0 : i32
    %dma_start3A_356 = tpu.memref_slice %arg2[%dma_start3A_354, %dma_start3A_355] : memref<10240x128xf32, #tpu.memory_space<hbm>> -> memref<10240x128xf32, #tpu.memory_space<hbm>>
    tpu.enqueue_indirect_dma source(%dma_start3A_356 : memref<10240x128xf32, #tpu.memory_space<hbm>>) target(%arg8 : memref<128x128xf32, #tpu.memory_space<vmem>>) offsets(%dma_start3A_353 : memref<128xi32, #tpu.memory_space<vmem>>) semaphore(%arg11 : memref<!tpu.dma_semaphore, #tpu.memory_space<semaphore_mem>>)
    %dma_wait3A_357 = arith.constant 48 : i32
    %dma_wait3A_358 = arith.constant 0 : i32
    %dma_wait3A_359 = tpu.memref_slice %arg6[%dma_wait3A_357, %dma_wait3A_358] : memref<80x128xi32, #tpu.memory_space<vmem>> -> memref<1x128xi32, #tpu.memory_space<vmem>>
    %dma_wait3A_360 = tpu.memref_squeeze %dma_wait3A_359 : memref<1x128xi32, #tpu.memory_space<vmem>> -> memref<128xi32, #tpu.memory_space<vmem>>
    %dma_wait3A_361 = arith.constant 0 : i32
    %dma_wait3A_362 = arith.constant 0 : i32
    %dma_wait3A_363 = tpu.memref_slice %arg2[%dma_wait3A_361, %dma_wait3A_362] : memref<10240x128xf32, #tpu.memory_space<hbm>> -> memref<10240x128xf32, #tpu.memory_space<hbm>>
    tpu.wait_indirect_dma semaphore(%arg10 : memref<!tpu.dma_semaphore, #tpu.memory_space<semaphore_mem>>) src(%dma_wait3A_363 : memref<10240x128xf32, #tpu.memory_space<hbm>>) dst(%arg7 : memref<128x128xf32, #tpu.memory_space<vmem>>)
    %dma_start3A_364 = arith.constant 52 : i32
    %dma_start3A_365 = arith.constant 0 : i32
    %dma_start3A_366 = tpu.memref_slice %arg6[%dma_start3A_364, %dma_start3A_365] : memref<80x128xi32, #tpu.memory_space<vmem>> -> memref<1x128xi32, #tpu.memory_space<vmem>>
    %dma_start3A_367 = tpu.memref_squeeze %dma_start3A_366 : memref<1x128xi32, #tpu.memory_space<vmem>> -> memref<128xi32, #tpu.memory_space<vmem>>
    %dma_start3A_368 = arith.constant 0 : i32
    %dma_start3A_369 = arith.constant 0 : i32
    %dma_start3A_370 = tpu.memref_slice %arg2[%dma_start3A_368, %dma_start3A_369] : memref<10240x128xf32, #tpu.memory_space<hbm>> -> memref<10240x128xf32, #tpu.memory_space<hbm>>
    tpu.enqueue_indirect_dma source(%dma_start3A_370 : memref<10240x128xf32, #tpu.memory_space<hbm>>) target(%arg7 : memref<128x128xf32, #tpu.memory_space<vmem>>) offsets(%dma_start3A_367 : memref<128xi32, #tpu.memory_space<vmem>>) semaphore(%arg10 : memref<!tpu.dma_semaphore, #tpu.memory_space<semaphore_mem>>)
    %dma_wait3A_371 = arith.constant 50 : i32
    %dma_wait3A_372 = arith.constant 0 : i32
    %dma_wait3A_373 = tpu.memref_slice %arg6[%dma_wait3A_371, %dma_wait3A_372] : memref<80x128xi32, #tpu.memory_space<vmem>> -> memref<1x128xi32, #tpu.memory_space<vmem>>
    %dma_wait3A_374 = tpu.memref_squeeze %dma_wait3A_373 : memref<1x128xi32, #tpu.memory_space<vmem>> -> memref<128xi32, #tpu.memory_space<vmem>>
    %dma_wait3A_375 = arith.constant 0 : i32
    %dma_wait3A_376 = arith.constant 0 : i32
    %dma_wait3A_377 = tpu.memref_slice %arg2[%dma_wait3A_375, %dma_wait3A_376] : memref<10240x128xf32, #tpu.memory_space<hbm>> -> memref<10240x128xf32, #tpu.memory_space<hbm>>
    tpu.wait_indirect_dma semaphore(%arg11 : memref<!tpu.dma_semaphore, #tpu.memory_space<semaphore_mem>>) src(%dma_wait3A_377 : memref<10240x128xf32, #tpu.memory_space<hbm>>) dst(%arg8 : memref<128x128xf32, #tpu.memory_space<vmem>>)
    %dma_start3A_378 = arith.constant 54 : i32
    %dma_start3A_379 = arith.constant 0 : i32
    %dma_start3A_380 = tpu.memref_slice %arg6[%dma_start3A_378, %dma_start3A_379] : memref<80x128xi32, #tpu.memory_space<vmem>> -> memref<1x128xi32, #tpu.memory_space<vmem>>
    %dma_start3A_381 = tpu.memref_squeeze %dma_start3A_380 : memref<1x128xi32, #tpu.memory_space<vmem>> -> memref<128xi32, #tpu.memory_space<vmem>>
    %dma_start3A_382 = arith.constant 0 : i32
    %dma_start3A_383 = arith.constant 0 : i32
    %dma_start3A_384 = tpu.memref_slice %arg2[%dma_start3A_382, %dma_start3A_383] : memref<10240x128xf32, #tpu.memory_space<hbm>> -> memref<10240x128xf32, #tpu.memory_space<hbm>>
    tpu.enqueue_indirect_dma source(%dma_start3A_384 : memref<10240x128xf32, #tpu.memory_space<hbm>>) target(%arg8 : memref<128x128xf32, #tpu.memory_space<vmem>>) offsets(%dma_start3A_381 : memref<128xi32, #tpu.memory_space<vmem>>) semaphore(%arg11 : memref<!tpu.dma_semaphore, #tpu.memory_space<semaphore_mem>>)
    %dma_wait3A_385 = arith.constant 52 : i32
    %dma_wait3A_386 = arith.constant 0 : i32
    %dma_wait3A_387 = tpu.memref_slice %arg6[%dma_wait3A_385, %dma_wait3A_386] : memref<80x128xi32, #tpu.memory_space<vmem>> -> memref<1x128xi32, #tpu.memory_space<vmem>>
    %dma_wait3A_388 = tpu.memref_squeeze %dma_wait3A_387 : memref<1x128xi32, #tpu.memory_space<vmem>> -> memref<128xi32, #tpu.memory_space<vmem>>
    %dma_wait3A_389 = arith.constant 0 : i32
    %dma_wait3A_390 = arith.constant 0 : i32
    %dma_wait3A_391 = tpu.memref_slice %arg2[%dma_wait3A_389, %dma_wait3A_390] : memref<10240x128xf32, #tpu.memory_space<hbm>> -> memref<10240x128xf32, #tpu.memory_space<hbm>>
    tpu.wait_indirect_dma semaphore(%arg10 : memref<!tpu.dma_semaphore, #tpu.memory_space<semaphore_mem>>) src(%dma_wait3A_391 : memref<10240x128xf32, #tpu.memory_space<hbm>>) dst(%arg7 : memref<128x128xf32, #tpu.memory_space<vmem>>)
    %dma_start3A_392 = arith.constant 56 : i32
    %dma_start3A_393 = arith.constant 0 : i32
    %dma_start3A_394 = tpu.memref_slice %arg6[%dma_start3A_392, %dma_start3A_393] : memref<80x128xi32, #tpu.memory_space<vmem>> -> memref<1x128xi32, #tpu.memory_space<vmem>>
    %dma_start3A_395 = tpu.memref_squeeze %dma_start3A_394 : memref<1x128xi32, #tpu.memory_space<vmem>> -> memref<128xi32, #tpu.memory_space<vmem>>
    %dma_start3A_396 = arith.constant 0 : i32
    %dma_start3A_397 = arith.constant 0 : i32
    %dma_start3A_398 = tpu.memref_slice %arg2[%dma_start3A_396, %dma_start3A_397] : memref<10240x128xf32, #tpu.memory_space<hbm>> -> memref<10240x128xf32, #tpu.memory_space<hbm>>
    tpu.enqueue_indirect_dma source(%dma_start3A_398 : memref<10240x128xf32, #tpu.memory_space<hbm>>) target(%arg7 : memref<128x128xf32, #tpu.memory_space<vmem>>) offsets(%dma_start3A_395 : memref<128xi32, #tpu.memory_space<vmem>>) semaphore(%arg10 : memref<!tpu.dma_semaphore, #tpu.memory_space<semaphore_mem>>)
    %dma_wait3A_399 = arith.constant 54 : i32
    %dma_wait3A_400 = arith.constant 0 : i32
    %dma_wait3A_401 = tpu.memref_slice %arg6[%dma_wait3A_399, %dma_wait3A_400] : memref<80x128xi32, #tpu.memory_space<vmem>> -> memref<1x128xi32, #tpu.memory_space<vmem>>
    %dma_wait3A_402 = tpu.memref_squeeze %dma_wait3A_401 : memref<1x128xi32, #tpu.memory_space<vmem>> -> memref<128xi32, #tpu.memory_space<vmem>>
    %dma_wait3A_403 = arith.constant 0 : i32
    %dma_wait3A_404 = arith.constant 0 : i32
    %dma_wait3A_405 = tpu.memref_slice %arg2[%dma_wait3A_403, %dma_wait3A_404] : memref<10240x128xf32, #tpu.memory_space<hbm>> -> memref<10240x128xf32, #tpu.memory_space<hbm>>
    tpu.wait_indirect_dma semaphore(%arg11 : memref<!tpu.dma_semaphore, #tpu.memory_space<semaphore_mem>>) src(%dma_wait3A_405 : memref<10240x128xf32, #tpu.memory_space<hbm>>) dst(%arg8 : memref<128x128xf32, #tpu.memory_space<vmem>>)
    %dma_start3A_406 = arith.constant 58 : i32
    %dma_start3A_407 = arith.constant 0 : i32
    %dma_start3A_408 = tpu.memref_slice %arg6[%dma_start3A_406, %dma_start3A_407] : memref<80x128xi32, #tpu.memory_space<vmem>> -> memref<1x128xi32, #tpu.memory_space<vmem>>
    %dma_start3A_409 = tpu.memref_squeeze %dma_start3A_408 : memref<1x128xi32, #tpu.memory_space<vmem>> -> memref<128xi32, #tpu.memory_space<vmem>>
    %dma_start3A_410 = arith.constant 0 : i32
    %dma_start3A_411 = arith.constant 0 : i32
    %dma_start3A_412 = tpu.memref_slice %arg2[%dma_start3A_410, %dma_start3A_411] : memref<10240x128xf32, #tpu.memory_space<hbm>> -> memref<10240x128xf32, #tpu.memory_space<hbm>>
    tpu.enqueue_indirect_dma source(%dma_start3A_412 : memref<10240x128xf32, #tpu.memory_space<hbm>>) target(%arg8 : memref<128x128xf32, #tpu.memory_space<vmem>>) offsets(%dma_start3A_409 : memref<128xi32, #tpu.memory_space<vmem>>) semaphore(%arg11 : memref<!tpu.dma_semaphore, #tpu.memory_space<semaphore_mem>>)
    %dma_wait3A_413 = arith.constant 56 : i32
    %dma_wait3A_414 = arith.constant 0 : i32
    %dma_wait3A_415 = tpu.memref_slice %arg6[%dma_wait3A_413, %dma_wait3A_414] : memref<80x128xi32, #tpu.memory_space<vmem>> -> memref<1x128xi32, #tpu.memory_space<vmem>>
    %dma_wait3A_416 = tpu.memref_squeeze %dma_wait3A_415 : memref<1x128xi32, #tpu.memory_space<vmem>> -> memref<128xi32, #tpu.memory_space<vmem>>
    %dma_wait3A_417 = arith.constant 0 : i32
    %dma_wait3A_418 = arith.constant 0 : i32
    %dma_wait3A_419 = tpu.memref_slice %arg2[%dma_wait3A_417, %dma_wait3A_418] : memref<10240x128xf32, #tpu.memory_space<hbm>> -> memref<10240x128xf32, #tpu.memory_space<hbm>>
    tpu.wait_indirect_dma semaphore(%arg10 : memref<!tpu.dma_semaphore, #tpu.memory_space<semaphore_mem>>) src(%dma_wait3A_419 : memref<10240x128xf32, #tpu.memory_space<hbm>>) dst(%arg7 : memref<128x128xf32, #tpu.memory_space<vmem>>)
    %dma_start3A_420 = arith.constant 60 : i32
    %dma_start3A_421 = arith.constant 0 : i32
    %dma_start3A_422 = tpu.memref_slice %arg6[%dma_start3A_420, %dma_start3A_421] : memref<80x128xi32, #tpu.memory_space<vmem>> -> memref<1x128xi32, #tpu.memory_space<vmem>>
    %dma_start3A_423 = tpu.memref_squeeze %dma_start3A_422 : memref<1x128xi32, #tpu.memory_space<vmem>> -> memref<128xi32, #tpu.memory_space<vmem>>
    %dma_start3A_424 = arith.constant 0 : i32
    %dma_start3A_425 = arith.constant 0 : i32
    %dma_start3A_426 = tpu.memref_slice %arg2[%dma_start3A_424, %dma_start3A_425] : memref<10240x128xf32, #tpu.memory_space<hbm>> -> memref<10240x128xf32, #tpu.memory_space<hbm>>
    tpu.enqueue_indirect_dma source(%dma_start3A_426 : memref<10240x128xf32, #tpu.memory_space<hbm>>) target(%arg7 : memref<128x128xf32, #tpu.memory_space<vmem>>) offsets(%dma_start3A_423 : memref<128xi32, #tpu.memory_space<vmem>>) semaphore(%arg10 : memref<!tpu.dma_semaphore, #tpu.memory_space<semaphore_mem>>)
    %dma_wait3A_427 = arith.constant 58 : i32
    %dma_wait3A_428 = arith.constant 0 : i32
    %dma_wait3A_429 = tpu.memref_slice %arg6[%dma_wait3A_427, %dma_wait3A_428] : memref<80x128xi32, #tpu.memory_space<vmem>> -> memref<1x128xi32, #tpu.memory_space<vmem>>
    %dma_wait3A_430 = tpu.memref_squeeze %dma_wait3A_429 : memref<1x128xi32, #tpu.memory_space<vmem>> -> memref<128xi32, #tpu.memory_space<vmem>>
    %dma_wait3A_431 = arith.constant 0 : i32
    %dma_wait3A_432 = arith.constant 0 : i32
    %dma_wait3A_433 = tpu.memref_slice %arg2[%dma_wait3A_431, %dma_wait3A_432] : memref<10240x128xf32, #tpu.memory_space<hbm>> -> memref<10240x128xf32, #tpu.memory_space<hbm>>
    tpu.wait_indirect_dma semaphore(%arg11 : memref<!tpu.dma_semaphore, #tpu.memory_space<semaphore_mem>>) src(%dma_wait3A_433 : memref<10240x128xf32, #tpu.memory_space<hbm>>) dst(%arg8 : memref<128x128xf32, #tpu.memory_space<vmem>>)
    %dma_start3A_434 = arith.constant 62 : i32
    %dma_start3A_435 = arith.constant 0 : i32
    %dma_start3A_436 = tpu.memref_slice %arg6[%dma_start3A_434, %dma_start3A_435] : memref<80x128xi32, #tpu.memory_space<vmem>> -> memref<1x128xi32, #tpu.memory_space<vmem>>
    %dma_start3A_437 = tpu.memref_squeeze %dma_start3A_436 : memref<1x128xi32, #tpu.memory_space<vmem>> -> memref<128xi32, #tpu.memory_space<vmem>>
    %dma_start3A_438 = arith.constant 0 : i32
    %dma_start3A_439 = arith.constant 0 : i32
    %dma_start3A_440 = tpu.memref_slice %arg2[%dma_start3A_438, %dma_start3A_439] : memref<10240x128xf32, #tpu.memory_space<hbm>> -> memref<10240x128xf32, #tpu.memory_space<hbm>>
    tpu.enqueue_indirect_dma source(%dma_start3A_440 : memref<10240x128xf32, #tpu.memory_space<hbm>>) target(%arg8 : memref<128x128xf32, #tpu.memory_space<vmem>>) offsets(%dma_start3A_437 : memref<128xi32, #tpu.memory_space<vmem>>) semaphore(%arg11 : memref<!tpu.dma_semaphore, #tpu.memory_space<semaphore_mem>>)
    %dma_wait3A_441 = arith.constant 60 : i32
    %dma_wait3A_442 = arith.constant 0 : i32
    %dma_wait3A_443 = tpu.memref_slice %arg6[%dma_wait3A_441, %dma_wait3A_442] : memref<80x128xi32, #tpu.memory_space<vmem>> -> memref<1x128xi32, #tpu.memory_space<vmem>>
    %dma_wait3A_444 = tpu.memref_squeeze %dma_wait3A_443 : memref<1x128xi32, #tpu.memory_space<vmem>> -> memref<128xi32, #tpu.memory_space<vmem>>
    %dma_wait3A_445 = arith.constant 0 : i32
    %dma_wait3A_446 = arith.constant 0 : i32
    %dma_wait3A_447 = tpu.memref_slice %arg2[%dma_wait3A_445, %dma_wait3A_446] : memref<10240x128xf32, #tpu.memory_space<hbm>> -> memref<10240x128xf32, #tpu.memory_space<hbm>>
    tpu.wait_indirect_dma semaphore(%arg10 : memref<!tpu.dma_semaphore, #tpu.memory_space<semaphore_mem>>) src(%dma_wait3A_447 : memref<10240x128xf32, #tpu.memory_space<hbm>>) dst(%arg7 : memref<128x128xf32, #tpu.memory_space<vmem>>)
    %dma_start3A_448 = arith.constant 64 : i32
    %dma_start3A_449 = arith.constant 0 : i32
    %dma_start3A_450 = tpu.memref_slice %arg6[%dma_start3A_448, %dma_start3A_449] : memref<80x128xi32, #tpu.memory_space<vmem>> -> memref<1x128xi32, #tpu.memory_space<vmem>>
    %dma_start3A_451 = tpu.memref_squeeze %dma_start3A_450 : memref<1x128xi32, #tpu.memory_space<vmem>> -> memref<128xi32, #tpu.memory_space<vmem>>
    %dma_start3A_452 = arith.constant 0 : i32
    %dma_start3A_453 = arith.constant 0 : i32
    %dma_start3A_454 = tpu.memref_slice %arg2[%dma_start3A_452, %dma_start3A_453] : memref<10240x128xf32, #tpu.memory_space<hbm>> -> memref<10240x128xf32, #tpu.memory_space<hbm>>
    tpu.enqueue_indirect_dma source(%dma_start3A_454 : memref<10240x128xf32, #tpu.memory_space<hbm>>) target(%arg7 : memref<128x128xf32, #tpu.memory_space<vmem>>) offsets(%dma_start3A_451 : memref<128xi32, #tpu.memory_space<vmem>>) semaphore(%arg10 : memref<!tpu.dma_semaphore, #tpu.memory_space<semaphore_mem>>)
    %dma_wait3A_455 = arith.constant 62 : i32
    %dma_wait3A_456 = arith.constant 0 : i32
    %dma_wait3A_457 = tpu.memref_slice %arg6[%dma_wait3A_455, %dma_wait3A_456] : memref<80x128xi32, #tpu.memory_space<vmem>> -> memref<1x128xi32, #tpu.memory_space<vmem>>
    %dma_wait3A_458 = tpu.memref_squeeze %dma_wait3A_457 : memref<1x128xi32, #tpu.memory_space<vmem>> -> memref<128xi32, #tpu.memory_space<vmem>>
    %dma_wait3A_459 = arith.constant 0 : i32
    %dma_wait3A_460 = arith.constant 0 : i32
    %dma_wait3A_461 = tpu.memref_slice %arg2[%dma_wait3A_459, %dma_wait3A_460] : memref<10240x128xf32, #tpu.memory_space<hbm>> -> memref<10240x128xf32, #tpu.memory_space<hbm>>
    tpu.wait_indirect_dma semaphore(%arg11 : memref<!tpu.dma_semaphore, #tpu.memory_space<semaphore_mem>>) src(%dma_wait3A_461 : memref<10240x128xf32, #tpu.memory_space<hbm>>) dst(%arg8 : memref<128x128xf32, #tpu.memory_space<vmem>>)
    %dma_start3A_462 = arith.constant 66 : i32
    %dma_start3A_463 = arith.constant 0 : i32
    %dma_start3A_464 = tpu.memref_slice %arg6[%dma_start3A_462, %dma_start3A_463] : memref<80x128xi32, #tpu.memory_space<vmem>> -> memref<1x128xi32, #tpu.memory_space<vmem>>
    %dma_start3A_465 = tpu.memref_squeeze %dma_start3A_464 : memref<1x128xi32, #tpu.memory_space<vmem>> -> memref<128xi32, #tpu.memory_space<vmem>>
    %dma_start3A_466 = arith.constant 0 : i32
    %dma_start3A_467 = arith.constant 0 : i32
    %dma_start3A_468 = tpu.memref_slice %arg2[%dma_start3A_466, %dma_start3A_467] : memref<10240x128xf32, #tpu.memory_space<hbm>> -> memref<10240x128xf32, #tpu.memory_space<hbm>>
    tpu.enqueue_indirect_dma source(%dma_start3A_468 : memref<10240x128xf32, #tpu.memory_space<hbm>>) target(%arg8 : memref<128x128xf32, #tpu.memory_space<vmem>>) offsets(%dma_start3A_465 : memref<128xi32, #tpu.memory_space<vmem>>) semaphore(%arg11 : memref<!tpu.dma_semaphore, #tpu.memory_space<semaphore_mem>>)
    %dma_wait3A_469 = arith.constant 64 : i32
    %dma_wait3A_470 = arith.constant 0 : i32
    %dma_wait3A_471 = tpu.memref_slice %arg6[%dma_wait3A_469, %dma_wait3A_470] : memref<80x128xi32, #tpu.memory_space<vmem>> -> memref<1x128xi32, #tpu.memory_space<vmem>>
    %dma_wait3A_472 = tpu.memref_squeeze %dma_wait3A_471 : memref<1x128xi32, #tpu.memory_space<vmem>> -> memref<128xi32, #tpu.memory_space<vmem>>
    %dma_wait3A_473 = arith.constant 0 : i32
    %dma_wait3A_474 = arith.constant 0 : i32
    %dma_wait3A_475 = tpu.memref_slice %arg2[%dma_wait3A_473, %dma_wait3A_474] : memref<10240x128xf32, #tpu.memory_space<hbm>> -> memref<10240x128xf32, #tpu.memory_space<hbm>>
    tpu.wait_indirect_dma semaphore(%arg10 : memref<!tpu.dma_semaphore, #tpu.memory_space<semaphore_mem>>) src(%dma_wait3A_475 : memref<10240x128xf32, #tpu.memory_space<hbm>>) dst(%arg7 : memref<128x128xf32, #tpu.memory_space<vmem>>)
    %dma_start3A_476 = arith.constant 68 : i32
    %dma_start3A_477 = arith.constant 0 : i32
    %dma_start3A_478 = tpu.memref_slice %arg6[%dma_start3A_476, %dma_start3A_477] : memref<80x128xi32, #tpu.memory_space<vmem>> -> memref<1x128xi32, #tpu.memory_space<vmem>>
    %dma_start3A_479 = tpu.memref_squeeze %dma_start3A_478 : memref<1x128xi32, #tpu.memory_space<vmem>> -> memref<128xi32, #tpu.memory_space<vmem>>
    %dma_start3A_480 = arith.constant 0 : i32
    %dma_start3A_481 = arith.constant 0 : i32
    %dma_start3A_482 = tpu.memref_slice %arg2[%dma_start3A_480, %dma_start3A_481] : memref<10240x128xf32, #tpu.memory_space<hbm>> -> memref<10240x128xf32, #tpu.memory_space<hbm>>
    tpu.enqueue_indirect_dma source(%dma_start3A_482 : memref<10240x128xf32, #tpu.memory_space<hbm>>) target(%arg7 : memref<128x128xf32, #tpu.memory_space<vmem>>) offsets(%dma_start3A_479 : memref<128xi32, #tpu.memory_space<vmem>>) semaphore(%arg10 : memref<!tpu.dma_semaphore, #tpu.memory_space<semaphore_mem>>)
    %dma_wait3A_483 = arith.constant 66 : i32
    %dma_wait3A_484 = arith.constant 0 : i32
    %dma_wait3A_485 = tpu.memref_slice %arg6[%dma_wait3A_483, %dma_wait3A_484] : memref<80x128xi32, #tpu.memory_space<vmem>> -> memref<1x128xi32, #tpu.memory_space<vmem>>
    %dma_wait3A_486 = tpu.memref_squeeze %dma_wait3A_485 : memref<1x128xi32, #tpu.memory_space<vmem>> -> memref<128xi32, #tpu.memory_space<vmem>>
    %dma_wait3A_487 = arith.constant 0 : i32
    %dma_wait3A_488 = arith.constant 0 : i32
    %dma_wait3A_489 = tpu.memref_slice %arg2[%dma_wait3A_487, %dma_wait3A_488] : memref<10240x128xf32, #tpu.memory_space<hbm>> -> memref<10240x128xf32, #tpu.memory_space<hbm>>
    tpu.wait_indirect_dma semaphore(%arg11 : memref<!tpu.dma_semaphore, #tpu.memory_space<semaphore_mem>>) src(%dma_wait3A_489 : memref<10240x128xf32, #tpu.memory_space<hbm>>) dst(%arg8 : memref<128x128xf32, #tpu.memory_space<vmem>>)
    %dma_start3A_490 = arith.constant 70 : i32
    %dma_start3A_491 = arith.constant 0 : i32
    %dma_start3A_492 = tpu.memref_slice %arg6[%dma_start3A_490, %dma_start3A_491] : memref<80x128xi32, #tpu.memory_space<vmem>> -> memref<1x128xi32, #tpu.memory_space<vmem>>
    %dma_start3A_493 = tpu.memref_squeeze %dma_start3A_492 : memref<1x128xi32, #tpu.memory_space<vmem>> -> memref<128xi32, #tpu.memory_space<vmem>>
    %dma_start3A_494 = arith.constant 0 : i32
    %dma_start3A_495 = arith.constant 0 : i32
    %dma_start3A_496 = tpu.memref_slice %arg2[%dma_start3A_494, %dma_start3A_495] : memref<10240x128xf32, #tpu.memory_space<hbm>> -> memref<10240x128xf32, #tpu.memory_space<hbm>>
    tpu.enqueue_indirect_dma source(%dma_start3A_496 : memref<10240x128xf32, #tpu.memory_space<hbm>>) target(%arg8 : memref<128x128xf32, #tpu.memory_space<vmem>>) offsets(%dma_start3A_493 : memref<128xi32, #tpu.memory_space<vmem>>) semaphore(%arg11 : memref<!tpu.dma_semaphore, #tpu.memory_space<semaphore_mem>>)
    %dma_wait3A_497 = arith.constant 68 : i32
    %dma_wait3A_498 = arith.constant 0 : i32
    %dma_wait3A_499 = tpu.memref_slice %arg6[%dma_wait3A_497, %dma_wait3A_498] : memref<80x128xi32, #tpu.memory_space<vmem>> -> memref<1x128xi32, #tpu.memory_space<vmem>>
    %dma_wait3A_500 = tpu.memref_squeeze %dma_wait3A_499 : memref<1x128xi32, #tpu.memory_space<vmem>> -> memref<128xi32, #tpu.memory_space<vmem>>
    %dma_wait3A_501 = arith.constant 0 : i32
    %dma_wait3A_502 = arith.constant 0 : i32
    %dma_wait3A_503 = tpu.memref_slice %arg2[%dma_wait3A_501, %dma_wait3A_502] : memref<10240x128xf32, #tpu.memory_space<hbm>> -> memref<10240x128xf32, #tpu.memory_space<hbm>>
    tpu.wait_indirect_dma semaphore(%arg10 : memref<!tpu.dma_semaphore, #tpu.memory_space<semaphore_mem>>) src(%dma_wait3A_503 : memref<10240x128xf32, #tpu.memory_space<hbm>>) dst(%arg7 : memref<128x128xf32, #tpu.memory_space<vmem>>)
    %dma_start3A_504 = arith.constant 72 : i32
    %dma_start3A_505 = arith.constant 0 : i32
    %dma_start3A_506 = tpu.memref_slice %arg6[%dma_start3A_504, %dma_start3A_505] : memref<80x128xi32, #tpu.memory_space<vmem>> -> memref<1x128xi32, #tpu.memory_space<vmem>>
    %dma_start3A_507 = tpu.memref_squeeze %dma_start3A_506 : memref<1x128xi32, #tpu.memory_space<vmem>> -> memref<128xi32, #tpu.memory_space<vmem>>
    %dma_start3A_508 = arith.constant 0 : i32
    %dma_start3A_509 = arith.constant 0 : i32
    %dma_start3A_510 = tpu.memref_slice %arg2[%dma_start3A_508, %dma_start3A_509] : memref<10240x128xf32, #tpu.memory_space<hbm>> -> memref<10240x128xf32, #tpu.memory_space<hbm>>
    tpu.enqueue_indirect_dma source(%dma_start3A_510 : memref<10240x128xf32, #tpu.memory_space<hbm>>) target(%arg7 : memref<128x128xf32, #tpu.memory_space<vmem>>) offsets(%dma_start3A_507 : memref<128xi32, #tpu.memory_space<vmem>>) semaphore(%arg10 : memref<!tpu.dma_semaphore, #tpu.memory_space<semaphore_mem>>)
    %dma_wait3A_511 = arith.constant 70 : i32
    %dma_wait3A_512 = arith.constant 0 : i32
    %dma_wait3A_513 = tpu.memref_slice %arg6[%dma_wait3A_511, %dma_wait3A_512] : memref<80x128xi32, #tpu.memory_space<vmem>> -> memref<1x128xi32, #tpu.memory_space<vmem>>
    %dma_wait3A_514 = tpu.memref_squeeze %dma_wait3A_513 : memref<1x128xi32, #tpu.memory_space<vmem>> -> memref<128xi32, #tpu.memory_space<vmem>>
    %dma_wait3A_515 = arith.constant 0 : i32
    %dma_wait3A_516 = arith.constant 0 : i32
    %dma_wait3A_517 = tpu.memref_slice %arg2[%dma_wait3A_515, %dma_wait3A_516] : memref<10240x128xf32, #tpu.memory_space<hbm>> -> memref<10240x128xf32, #tpu.memory_space<hbm>>
    tpu.wait_indirect_dma semaphore(%arg11 : memref<!tpu.dma_semaphore, #tpu.memory_space<semaphore_mem>>) src(%dma_wait3A_517 : memref<10240x128xf32, #tpu.memory_space<hbm>>) dst(%arg8 : memref<128x128xf32, #tpu.memory_space<vmem>>)
    %dma_start3A_518 = arith.constant 74 : i32
    %dma_start3A_519 = arith.constant 0 : i32
    %dma_start3A_520 = tpu.memref_slice %arg6[%dma_start3A_518, %dma_start3A_519] : memref<80x128xi32, #tpu.memory_space<vmem>> -> memref<1x128xi32, #tpu.memory_space<vmem>>
    %dma_start3A_521 = tpu.memref_squeeze %dma_start3A_520 : memref<1x128xi32, #tpu.memory_space<vmem>> -> memref<128xi32, #tpu.memory_space<vmem>>
    %dma_start3A_522 = arith.constant 0 : i32
    %dma_start3A_523 = arith.constant 0 : i32
    %dma_start3A_524 = tpu.memref_slice %arg2[%dma_start3A_522, %dma_start3A_523] : memref<10240x128xf32, #tpu.memory_space<hbm>> -> memref<10240x128xf32, #tpu.memory_space<hbm>>
    tpu.enqueue_indirect_dma source(%dma_start3A_524 : memref<10240x128xf32, #tpu.memory_space<hbm>>) target(%arg8 : memref<128x128xf32, #tpu.memory_space<vmem>>) offsets(%dma_start3A_521 : memref<128xi32, #tpu.memory_space<vmem>>) semaphore(%arg11 : memref<!tpu.dma_semaphore, #tpu.memory_space<semaphore_mem>>)
    %dma_wait3A_525 = arith.constant 72 : i32
    %dma_wait3A_526 = arith.constant 0 : i32
    %dma_wait3A_527 = tpu.memref_slice %arg6[%dma_wait3A_525, %dma_wait3A_526] : memref<80x128xi32, #tpu.memory_space<vmem>> -> memref<1x128xi32, #tpu.memory_space<vmem>>
    %dma_wait3A_528 = tpu.memref_squeeze %dma_wait3A_527 : memref<1x128xi32, #tpu.memory_space<vmem>> -> memref<128xi32, #tpu.memory_space<vmem>>
    %dma_wait3A_529 = arith.constant 0 : i32
    %dma_wait3A_530 = arith.constant 0 : i32
    %dma_wait3A_531 = tpu.memref_slice %arg2[%dma_wait3A_529, %dma_wait3A_530] : memref<10240x128xf32, #tpu.memory_space<hbm>> -> memref<10240x128xf32, #tpu.memory_space<hbm>>
    tpu.wait_indirect_dma semaphore(%arg10 : memref<!tpu.dma_semaphore, #tpu.memory_space<semaphore_mem>>) src(%dma_wait3A_531 : memref<10240x128xf32, #tpu.memory_space<hbm>>) dst(%arg7 : memref<128x128xf32, #tpu.memory_space<vmem>>)
    %dma_start3A_532 = arith.constant 76 : i32
    %dma_start3A_533 = arith.constant 0 : i32
    %dma_start3A_534 = tpu.memref_slice %arg6[%dma_start3A_532, %dma_start3A_533] : memref<80x128xi32, #tpu.memory_space<vmem>> -> memref<1x128xi32, #tpu.memory_space<vmem>>
    %dma_start3A_535 = tpu.memref_squeeze %dma_start3A_534 : memref<1x128xi32, #tpu.memory_space<vmem>> -> memref<128xi32, #tpu.memory_space<vmem>>
    %dma_start3A_536 = arith.constant 0 : i32
    %dma_start3A_537 = arith.constant 0 : i32
    %dma_start3A_538 = tpu.memref_slice %arg2[%dma_start3A_536, %dma_start3A_537] : memref<10240x128xf32, #tpu.memory_space<hbm>> -> memref<10240x128xf32, #tpu.memory_space<hbm>>
    tpu.enqueue_indirect_dma source(%dma_start3A_538 : memref<10240x128xf32, #tpu.memory_space<hbm>>) target(%arg7 : memref<128x128xf32, #tpu.memory_space<vmem>>) offsets(%dma_start3A_535 : memref<128xi32, #tpu.memory_space<vmem>>) semaphore(%arg10 : memref<!tpu.dma_semaphore, #tpu.memory_space<semaphore_mem>>)
    %dma_wait3A_539 = arith.constant 74 : i32
    %dma_wait3A_540 = arith.constant 0 : i32
    %dma_wait3A_541 = tpu.memref_slice %arg6[%dma_wait3A_539, %dma_wait3A_540] : memref<80x128xi32, #tpu.memory_space<vmem>> -> memref<1x128xi32, #tpu.memory_space<vmem>>
    %dma_wait3A_542 = tpu.memref_squeeze %dma_wait3A_541 : memref<1x128xi32, #tpu.memory_space<vmem>> -> memref<128xi32, #tpu.memory_space<vmem>>
    %dma_wait3A_543 = arith.constant 0 : i32
    %dma_wait3A_544 = arith.constant 0 : i32
    %dma_wait3A_545 = tpu.memref_slice %arg2[%dma_wait3A_543, %dma_wait3A_544] : memref<10240x128xf32, #tpu.memory_space<hbm>> -> memref<10240x128xf32, #tpu.memory_space<hbm>>
    tpu.wait_indirect_dma semaphore(%arg11 : memref<!tpu.dma_semaphore, #tpu.memory_space<semaphore_mem>>) src(%dma_wait3A_545 : memref<10240x128xf32, #tpu.memory_space<hbm>>) dst(%arg8 : memref<128x128xf32, #tpu.memory_space<vmem>>)
    %dma_start3A_546 = arith.constant 78 : i32
    %dma_start3A_547 = arith.constant 0 : i32
    %dma_start3A_548 = tpu.memref_slice %arg6[%dma_start3A_546, %dma_start3A_547] : memref<80x128xi32, #tpu.memory_space<vmem>> -> memref<1x128xi32, #tpu.memory_space<vmem>>
    %dma_start3A_549 = tpu.memref_squeeze %dma_start3A_548 : memref<1x128xi32, #tpu.memory_space<vmem>> -> memref<128xi32, #tpu.memory_space<vmem>>
    %dma_start3A_550 = arith.constant 0 : i32
    %dma_start3A_551 = arith.constant 0 : i32
    %dma_start3A_552 = tpu.memref_slice %arg2[%dma_start3A_550, %dma_start3A_551] : memref<10240x128xf32, #tpu.memory_space<hbm>> -> memref<10240x128xf32, #tpu.memory_space<hbm>>
    tpu.enqueue_indirect_dma source(%dma_start3A_552 : memref<10240x128xf32, #tpu.memory_space<hbm>>) target(%arg8 : memref<128x128xf32, #tpu.memory_space<vmem>>) offsets(%dma_start3A_549 : memref<128xi32, #tpu.memory_space<vmem>>) semaphore(%arg11 : memref<!tpu.dma_semaphore, #tpu.memory_space<semaphore_mem>>)
    %dma_wait3A_553 = arith.constant 76 : i32
    %dma_wait3A_554 = arith.constant 0 : i32
    %dma_wait3A_555 = tpu.memref_slice %arg6[%dma_wait3A_553, %dma_wait3A_554] : memref<80x128xi32, #tpu.memory_space<vmem>> -> memref<1x128xi32, #tpu.memory_space<vmem>>
    %dma_wait3A_556 = tpu.memref_squeeze %dma_wait3A_555 : memref<1x128xi32, #tpu.memory_space<vmem>> -> memref<128xi32, #tpu.memory_space<vmem>>
    %dma_wait3A_557 = arith.constant 0 : i32
    %dma_wait3A_558 = arith.constant 0 : i32
    %dma_wait3A_559 = tpu.memref_slice %arg2[%dma_wait3A_557, %dma_wait3A_558] : memref<10240x128xf32, #tpu.memory_space<hbm>> -> memref<10240x128xf32, #tpu.memory_space<hbm>>
    tpu.wait_indirect_dma semaphore(%arg10 : memref<!tpu.dma_semaphore, #tpu.memory_space<semaphore_mem>>) src(%dma_wait3A_559 : memref<10240x128xf32, #tpu.memory_space<hbm>>) dst(%arg7 : memref<128x128xf32, #tpu.memory_space<vmem>>)
    %dma_wait3A_560 = arith.constant 78 : i32
    %dma_wait3A_561 = arith.constant 0 : i32
    %dma_wait3A_562 = tpu.memref_slice %arg6[%dma_wait3A_560, %dma_wait3A_561] : memref<80x128xi32, #tpu.memory_space<vmem>> -> memref<1x128xi32, #tpu.memory_space<vmem>>
    %dma_wait3A_563 = tpu.memref_squeeze %dma_wait3A_562 : memref<1x128xi32, #tpu.memory_space<vmem>> -> memref<128xi32, #tpu.memory_space<vmem>>
    %dma_wait3A_564 = arith.constant 0 : i32
    %dma_wait3A_565 = arith.constant 0 : i32
    %dma_wait3A_566 = tpu.memref_slice %arg2[%dma_wait3A_564, %dma_wait3A_565] : memref<10240x128xf32, #tpu.memory_space<hbm>> -> memref<10240x128xf32, #tpu.memory_space<hbm>>
    tpu.wait_indirect_dma semaphore(%arg11 : memref<!tpu.dma_semaphore, #tpu.memory_space<semaphore_mem>>) src(%dma_wait3A_566 : memref<10240x128xf32, #tpu.memory_space<hbm>>) dst(%arg8 : memref<128x128xf32, #tpu.memory_space<vmem>>)
    %mul3A_567 = arith.constant 80 : i32
    %mul3A_568 = arith.muli %add3A, %mul3A_567 : i32
    %add3A_569 = arith.constant 40 : i32
    %add3A_570 = arith.addi %mul3A_568, %add3A_569 : i32
    %mul3A_571 = arith.constant 2 : i32
    %mul3A_572 = arith.muli %mul3A_571, %add3A_570 : i32
    "tpu.region"() ({
      %run_scoped3A_1139 = tpu.sem_alloc : memref<!tpu.dma_semaphore, #tpu.memory_space<semaphore_mem>>
      %dma_start3A_1140 = arith.constant 0 : i32
      %dma_start3A_1141 = tpu.memref_slice %arg3[%mul3A_572, %dma_start3A_1140] : memref<5120x128xi32, #tpu.memory_space<hbm>> -> memref<80x128xi32, #tpu.memory_space<hbm>>
      %dma_start3A_1142 = arith.constant 0 : i32
      %dma_start3A_1143 = tpu.memref_slice %arg3[%mul3A_572, %dma_start3A_1142] : memref<5120x128xi32, #tpu.memory_space<hbm>> -> memref<80x128xi32, #tpu.memory_space<hbm>>
      tpu.enqueue_dma source(%dma_start3A_1143 : memref<80x128xi32, #tpu.memory_space<hbm>>) target(%arg6 : memref<80x128xi32, #tpu.memory_space<vmem>>) target_semaphore(%run_scoped3A_1139 : memref<!tpu.dma_semaphore, #tpu.memory_space<semaphore_mem>>)
      %dma_wait3A_1144 = arith.constant 0 : i32
      %dma_wait3A_1145 = tpu.memref_slice %arg3[%mul3A_572, %dma_wait3A_1144] : memref<5120x128xi32, #tpu.memory_space<hbm>> -> memref<80x128xi32, #tpu.memory_space<hbm>>
      %dma_wait3A_1146 = arith.constant 0 : i32
      %dma_wait3A_1147 = tpu.memref_slice %arg3[%mul3A_572, %dma_wait3A_1146] : memref<5120x128xi32, #tpu.memory_space<hbm>> -> memref<80x128xi32, #tpu.memory_space<hbm>>
      tpu.wait_dma2 semaphore(%run_scoped3A_1139 : memref<!tpu.dma_semaphore, #tpu.memory_space<semaphore_mem>>) src(%dma_wait3A_1147 : memref<80x128xi32, #tpu.memory_space<hbm>>) dst(%arg6 : memref<80x128xi32, #tpu.memory_space<vmem>>)
      tpu.yield
    }) : () -> ()
    %dma_start3A_573 = arith.constant 0 : i32
    %dma_start3A_574 = arith.constant 0 : i32
    %dma_start3A_575 = tpu.memref_slice %arg6[%dma_start3A_573, %dma_start3A_574] : memref<80x128xi32, #tpu.memory_space<vmem>> -> memref<1x128xi32, #tpu.memory_space<vmem>>
    %dma_start3A_576 = tpu.memref_squeeze %dma_start3A_575 : memref<1x128xi32, #tpu.memory_space<vmem>> -> memref<128xi32, #tpu.memory_space<vmem>>
    %dma_start3A_577 = arith.constant 0 : i32
    %dma_start3A_578 = arith.constant 0 : i32
    %dma_start3A_579 = tpu.memref_slice %arg2[%dma_start3A_577, %dma_start3A_578] : memref<10240x128xf32, #tpu.memory_space<hbm>> -> memref<10240x128xf32, #tpu.memory_space<hbm>>
    tpu.enqueue_indirect_dma source(%dma_start3A_579 : memref<10240x128xf32, #tpu.memory_space<hbm>>) target(%arg7 : memref<128x128xf32, #tpu.memory_space<vmem>>) offsets(%dma_start3A_576 : memref<128xi32, #tpu.memory_space<vmem>>) semaphore(%arg10 : memref<!tpu.dma_semaphore, #tpu.memory_space<semaphore_mem>>)
    %dma_start3A_580 = arith.constant 2 : i32
    %dma_start3A_581 = arith.constant 0 : i32
    %dma_start3A_582 = tpu.memref_slice %arg6[%dma_start3A_580, %dma_start3A_581] : memref<80x128xi32, #tpu.memory_space<vmem>> -> memref<1x128xi32, #tpu.memory_space<vmem>>
    %dma_start3A_583 = tpu.memref_squeeze %dma_start3A_582 : memref<1x128xi32, #tpu.memory_space<vmem>> -> memref<128xi32, #tpu.memory_space<vmem>>
    %dma_start3A_584 = arith.constant 0 : i32
    %dma_start3A_585 = arith.constant 0 : i32
    %dma_start3A_586 = tpu.memref_slice %arg2[%dma_start3A_584, %dma_start3A_585] : memref<10240x128xf32, #tpu.memory_space<hbm>> -> memref<10240x128xf32, #tpu.memory_space<hbm>>
    tpu.enqueue_indirect_dma source(%dma_start3A_586 : memref<10240x128xf32, #tpu.memory_space<hbm>>) target(%arg8 : memref<128x128xf32, #tpu.memory_space<vmem>>) offsets(%dma_start3A_583 : memref<128xi32, #tpu.memory_space<vmem>>) semaphore(%arg11 : memref<!tpu.dma_semaphore, #tpu.memory_space<semaphore_mem>>)
    %dma_wait3A_587 = arith.constant 0 : i32
    %dma_wait3A_588 = arith.constant 0 : i32
    %dma_wait3A_589 = tpu.memref_slice %arg6[%dma_wait3A_587, %dma_wait3A_588] : memref<80x128xi32, #tpu.memory_space<vmem>> -> memref<1x128xi32, #tpu.memory_space<vmem>>
    %dma_wait3A_590 = tpu.memref_squeeze %dma_wait3A_589 : memref<1x128xi32, #tpu.memory_space<vmem>> -> memref<128xi32, #tpu.memory_space<vmem>>
    %dma_wait3A_591 = arith.constant 0 : i32
    %dma_wait3A_592 = arith.constant 0 : i32
    %dma_wait3A_593 = tpu.memref_slice %arg2[%dma_wait3A_591, %dma_wait3A_592] : memref<10240x128xf32, #tpu.memory_space<hbm>> -> memref<10240x128xf32, #tpu.memory_space<hbm>>
    tpu.wait_indirect_dma semaphore(%arg10 : memref<!tpu.dma_semaphore, #tpu.memory_space<semaphore_mem>>) src(%dma_wait3A_593 : memref<10240x128xf32, #tpu.memory_space<hbm>>) dst(%arg7 : memref<128x128xf32, #tpu.memory_space<vmem>>)
    %run_scoped3A_594 = arith.constant 1 : i32
    "tpu.region"() ({
      %run_scoped3A_1139 = tpu.sem_alloc : memref<!tpu.dma_semaphore, #tpu.memory_space<semaphore_mem>>
      %dma_start3A_1140 = arith.constant 0 : i32
      %dma_start3A_1141 = tpu.memref_slice %arg6[%run_scoped3A_594, %dma_start3A_1140] : memref<80x128xi32, #tpu.memory_space<vmem>> -> memref<1x128xi32, #tpu.memory_space<vmem>>
      %dma_start3A_1142 = tpu.memref_squeeze %dma_start3A_1141 : memref<1x128xi32, #tpu.memory_space<vmem>> -> memref<128xi32, #tpu.memory_space<vmem>>
      %dma_start3A_1143 = arith.constant 0 : i32
      %dma_start3A_1144 = arith.constant 0 : i32
      %dma_start3A_1145 = tpu.memref_slice %arg9[%dma_start3A_1143, %dma_start3A_1144] : memref<10240x128xf32, #tpu.memory_space<vmem_shared>> -> memref<10240x128xf32, #tpu.memory_space<vmem_shared>>
      tpu.enqueue_indirect_dma source(%arg7 : memref<128x128xf32, #tpu.memory_space<vmem>>) target(%dma_start3A_1145 : memref<10240x128xf32, #tpu.memory_space<vmem_shared>>) offsets(%dma_start3A_1142 : memref<128xi32, #tpu.memory_space<vmem>>) semaphore(%run_scoped3A_1139 : memref<!tpu.dma_semaphore, #tpu.memory_space<semaphore_mem>>) {add = true}
      %dma_wait3A_1146 = arith.constant 0 : i32
      %dma_wait3A_1147 = tpu.memref_slice %arg6[%run_scoped3A_594, %dma_wait3A_1146] : memref<80x128xi32, #tpu.memory_space<vmem>> -> memref<1x128xi32, #tpu.memory_space<vmem>>
      %dma_wait3A_1148 = tpu.memref_squeeze %dma_wait3A_1147 : memref<1x128xi32, #tpu.memory_space<vmem>> -> memref<128xi32, #tpu.memory_space<vmem>>
      %dma_wait3A_1149 = arith.constant 0 : i32
      %dma_wait3A_1150 = arith.constant 0 : i32
      %dma_wait3A_1151 = tpu.memref_slice %arg9[%dma_wait3A_1149, %dma_wait3A_1150] : memref<10240x128xf32, #tpu.memory_space<vmem_shared>> -> memref<10240x128xf32, #tpu.memory_space<vmem_shared>>
      tpu.wait_indirect_dma semaphore(%run_scoped3A_1139 : memref<!tpu.dma_semaphore, #tpu.memory_space<semaphore_mem>>) src(%arg7 : memref<128x128xf32, #tpu.memory_space<vmem>>) dst(%dma_wait3A_1151 : memref<10240x128xf32, #tpu.memory_space<vmem_shared>>)
      tpu.yield
    }) : () -> ()
    %dma_start3A_595 = arith.constant 4 : i32
    %dma_start3A_596 = arith.constant 0 : i32
    %dma_start3A_597 = tpu.memref_slice %arg6[%dma_start3A_595, %dma_start3A_596] : memref<80x128xi32, #tpu.memory_space<vmem>> -> memref<1x128xi32, #tpu.memory_space<vmem>>
    %dma_start3A_598 = tpu.memref_squeeze %dma_start3A_597 : memref<1x128xi32, #tpu.memory_space<vmem>> -> memref<128xi32, #tpu.memory_space<vmem>>
    %dma_start3A_599 = arith.constant 0 : i32
    %dma_start3A_600 = arith.constant 0 : i32
    %dma_start3A_601 = tpu.memref_slice %arg2[%dma_start3A_599, %dma_start3A_600] : memref<10240x128xf32, #tpu.memory_space<hbm>> -> memref<10240x128xf32, #tpu.memory_space<hbm>>
    tpu.enqueue_indirect_dma source(%dma_start3A_601 : memref<10240x128xf32, #tpu.memory_space<hbm>>) target(%arg7 : memref<128x128xf32, #tpu.memory_space<vmem>>) offsets(%dma_start3A_598 : memref<128xi32, #tpu.memory_space<vmem>>) semaphore(%arg10 : memref<!tpu.dma_semaphore, #tpu.memory_space<semaphore_mem>>)
    %dma_wait3A_602 = arith.constant 2 : i32
    %dma_wait3A_603 = arith.constant 0 : i32
    %dma_wait3A_604 = tpu.memref_slice %arg6[%dma_wait3A_602, %dma_wait3A_603] : memref<80x128xi32, #tpu.memory_space<vmem>> -> memref<1x128xi32, #tpu.memory_space<vmem>>
    %dma_wait3A_605 = tpu.memref_squeeze %dma_wait3A_604 : memref<1x128xi32, #tpu.memory_space<vmem>> -> memref<128xi32, #tpu.memory_space<vmem>>
    %dma_wait3A_606 = arith.constant 0 : i32
    %dma_wait3A_607 = arith.constant 0 : i32
    %dma_wait3A_608 = tpu.memref_slice %arg2[%dma_wait3A_606, %dma_wait3A_607] : memref<10240x128xf32, #tpu.memory_space<hbm>> -> memref<10240x128xf32, #tpu.memory_space<hbm>>
    tpu.wait_indirect_dma semaphore(%arg11 : memref<!tpu.dma_semaphore, #tpu.memory_space<semaphore_mem>>) src(%dma_wait3A_608 : memref<10240x128xf32, #tpu.memory_space<hbm>>) dst(%arg8 : memref<128x128xf32, #tpu.memory_space<vmem>>)
    %dma_start3A_609 = arith.constant 6 : i32
    %dma_start3A_610 = arith.constant 0 : i32
    %dma_start3A_611 = tpu.memref_slice %arg6[%dma_start3A_609, %dma_start3A_610] : memref<80x128xi32, #tpu.memory_space<vmem>> -> memref<1x128xi32, #tpu.memory_space<vmem>>
    %dma_start3A_612 = tpu.memref_squeeze %dma_start3A_611 : memref<1x128xi32, #tpu.memory_space<vmem>> -> memref<128xi32, #tpu.memory_space<vmem>>
    %dma_start3A_613 = arith.constant 0 : i32
    %dma_start3A_614 = arith.constant 0 : i32
    %dma_start3A_615 = tpu.memref_slice %arg2[%dma_start3A_613, %dma_start3A_614] : memref<10240x128xf32, #tpu.memory_space<hbm>> -> memref<10240x128xf32, #tpu.memory_space<hbm>>
    tpu.enqueue_indirect_dma source(%dma_start3A_615 : memref<10240x128xf32, #tpu.memory_space<hbm>>) target(%arg8 : memref<128x128xf32, #tpu.memory_space<vmem>>) offsets(%dma_start3A_612 : memref<128xi32, #tpu.memory_space<vmem>>) semaphore(%arg11 : memref<!tpu.dma_semaphore, #tpu.memory_space<semaphore_mem>>)
    %dma_wait3A_616 = arith.constant 4 : i32
    %dma_wait3A_617 = arith.constant 0 : i32
    %dma_wait3A_618 = tpu.memref_slice %arg6[%dma_wait3A_616, %dma_wait3A_617] : memref<80x128xi32, #tpu.memory_space<vmem>> -> memref<1x128xi32, #tpu.memory_space<vmem>>
    %dma_wait3A_619 = tpu.memref_squeeze %dma_wait3A_618 : memref<1x128xi32, #tpu.memory_space<vmem>> -> memref<128xi32, #tpu.memory_space<vmem>>
    %dma_wait3A_620 = arith.constant 0 : i32
    %dma_wait3A_621 = arith.constant 0 : i32
    %dma_wait3A_622 = tpu.memref_slice %arg2[%dma_wait3A_620, %dma_wait3A_621] : memref<10240x128xf32, #tpu.memory_space<hbm>> -> memref<10240x128xf32, #tpu.memory_space<hbm>>
    tpu.wait_indirect_dma semaphore(%arg10 : memref<!tpu.dma_semaphore, #tpu.memory_space<semaphore_mem>>) src(%dma_wait3A_622 : memref<10240x128xf32, #tpu.memory_space<hbm>>) dst(%arg7 : memref<128x128xf32, #tpu.memory_space<vmem>>)
    %dma_start3A_623 = arith.constant 8 : i32
    %dma_start3A_624 = arith.constant 0 : i32
    %dma_start3A_625 = tpu.memref_slice %arg6[%dma_start3A_623, %dma_start3A_624] : memref<80x128xi32, #tpu.memory_space<vmem>> -> memref<1x128xi32, #tpu.memory_space<vmem>>
    %dma_start3A_626 = tpu.memref_squeeze %dma_start3A_625 : memref<1x128xi32, #tpu.memory_space<vmem>> -> memref<128xi32, #tpu.memory_space<vmem>>
    %dma_start3A_627 = arith.constant 0 : i32
    %dma_start3A_628 = arith.constant 0 : i32
    %dma_start3A_629 = tpu.memref_slice %arg2[%dma_start3A_627, %dma_start3A_628] : memref<10240x128xf32, #tpu.memory_space<hbm>> -> memref<10240x128xf32, #tpu.memory_space<hbm>>
    tpu.enqueue_indirect_dma source(%dma_start3A_629 : memref<10240x128xf32, #tpu.memory_space<hbm>>) target(%arg7 : memref<128x128xf32, #tpu.memory_space<vmem>>) offsets(%dma_start3A_626 : memref<128xi32, #tpu.memory_space<vmem>>) semaphore(%arg10 : memref<!tpu.dma_semaphore, #tpu.memory_space<semaphore_mem>>)
    %dma_wait3A_630 = arith.constant 6 : i32
    %dma_wait3A_631 = arith.constant 0 : i32
    %dma_wait3A_632 = tpu.memref_slice %arg6[%dma_wait3A_630, %dma_wait3A_631] : memref<80x128xi32, #tpu.memory_space<vmem>> -> memref<1x128xi32, #tpu.memory_space<vmem>>
    %dma_wait3A_633 = tpu.memref_squeeze %dma_wait3A_632 : memref<1x128xi32, #tpu.memory_space<vmem>> -> memref<128xi32, #tpu.memory_space<vmem>>
    %dma_wait3A_634 = arith.constant 0 : i32
    %dma_wait3A_635 = arith.constant 0 : i32
    %dma_wait3A_636 = tpu.memref_slice %arg2[%dma_wait3A_634, %dma_wait3A_635] : memref<10240x128xf32, #tpu.memory_space<hbm>> -> memref<10240x128xf32, #tpu.memory_space<hbm>>
    tpu.wait_indirect_dma semaphore(%arg11 : memref<!tpu.dma_semaphore, #tpu.memory_space<semaphore_mem>>) src(%dma_wait3A_636 : memref<10240x128xf32, #tpu.memory_space<hbm>>) dst(%arg8 : memref<128x128xf32, #tpu.memory_space<vmem>>)
    %dma_start3A_637 = arith.constant 10 : i32
    %dma_start3A_638 = arith.constant 0 : i32
    %dma_start3A_639 = tpu.memref_slice %arg6[%dma_start3A_637, %dma_start3A_638] : memref<80x128xi32, #tpu.memory_space<vmem>> -> memref<1x128xi32, #tpu.memory_space<vmem>>
    %dma_start3A_640 = tpu.memref_squeeze %dma_start3A_639 : memref<1x128xi32, #tpu.memory_space<vmem>> -> memref<128xi32, #tpu.memory_space<vmem>>
    %dma_start3A_641 = arith.constant 0 : i32
    %dma_start3A_642 = arith.constant 0 : i32
    %dma_start3A_643 = tpu.memref_slice %arg2[%dma_start3A_641, %dma_start3A_642] : memref<10240x128xf32, #tpu.memory_space<hbm>> -> memref<10240x128xf32, #tpu.memory_space<hbm>>
    tpu.enqueue_indirect_dma source(%dma_start3A_643 : memref<10240x128xf32, #tpu.memory_space<hbm>>) target(%arg8 : memref<128x128xf32, #tpu.memory_space<vmem>>) offsets(%dma_start3A_640 : memref<128xi32, #tpu.memory_space<vmem>>) semaphore(%arg11 : memref<!tpu.dma_semaphore, #tpu.memory_space<semaphore_mem>>)
    %dma_wait3A_644 = arith.constant 8 : i32
    %dma_wait3A_645 = arith.constant 0 : i32
    %dma_wait3A_646 = tpu.memref_slice %arg6[%dma_wait3A_644, %dma_wait3A_645] : memref<80x128xi32, #tpu.memory_space<vmem>> -> memref<1x128xi32, #tpu.memory_space<vmem>>
    %dma_wait3A_647 = tpu.memref_squeeze %dma_wait3A_646 : memref<1x128xi32, #tpu.memory_space<vmem>> -> memref<128xi32, #tpu.memory_space<vmem>>
    %dma_wait3A_648 = arith.constant 0 : i32
    %dma_wait3A_649 = arith.constant 0 : i32
    %dma_wait3A_650 = tpu.memref_slice %arg2[%dma_wait3A_648, %dma_wait3A_649] : memref<10240x128xf32, #tpu.memory_space<hbm>> -> memref<10240x128xf32, #tpu.memory_space<hbm>>
    tpu.wait_indirect_dma semaphore(%arg10 : memref<!tpu.dma_semaphore, #tpu.memory_space<semaphore_mem>>) src(%dma_wait3A_650 : memref<10240x128xf32, #tpu.memory_space<hbm>>) dst(%arg7 : memref<128x128xf32, #tpu.memory_space<vmem>>)
    %dma_start3A_651 = arith.constant 12 : i32
    %dma_start3A_652 = arith.constant 0 : i32
    %dma_start3A_653 = tpu.memref_slice %arg6[%dma_start3A_651, %dma_start3A_652] : memref<80x128xi32, #tpu.memory_space<vmem>> -> memref<1x128xi32, #tpu.memory_space<vmem>>
    %dma_start3A_654 = tpu.memref_squeeze %dma_start3A_653 : memref<1x128xi32, #tpu.memory_space<vmem>> -> memref<128xi32, #tpu.memory_space<vmem>>
    %dma_start3A_655 = arith.constant 0 : i32
    %dma_start3A_656 = arith.constant 0 : i32
    %dma_start3A_657 = tpu.memref_slice %arg2[%dma_start3A_655, %dma_start3A_656] : memref<10240x128xf32, #tpu.memory_space<hbm>> -> memref<10240x128xf32, #tpu.memory_space<hbm>>
    tpu.enqueue_indirect_dma source(%dma_start3A_657 : memref<10240x128xf32, #tpu.memory_space<hbm>>) target(%arg7 : memref<128x128xf32, #tpu.memory_space<vmem>>) offsets(%dma_start3A_654 : memref<128xi32, #tpu.memory_space<vmem>>) semaphore(%arg10 : memref<!tpu.dma_semaphore, #tpu.memory_space<semaphore_mem>>)
    %dma_wait3A_658 = arith.constant 10 : i32
    %dma_wait3A_659 = arith.constant 0 : i32
    %dma_wait3A_660 = tpu.memref_slice %arg6[%dma_wait3A_658, %dma_wait3A_659] : memref<80x128xi32, #tpu.memory_space<vmem>> -> memref<1x128xi32, #tpu.memory_space<vmem>>
    %dma_wait3A_661 = tpu.memref_squeeze %dma_wait3A_660 : memref<1x128xi32, #tpu.memory_space<vmem>> -> memref<128xi32, #tpu.memory_space<vmem>>
    %dma_wait3A_662 = arith.constant 0 : i32
    %dma_wait3A_663 = arith.constant 0 : i32
    %dma_wait3A_664 = tpu.memref_slice %arg2[%dma_wait3A_662, %dma_wait3A_663] : memref<10240x128xf32, #tpu.memory_space<hbm>> -> memref<10240x128xf32, #tpu.memory_space<hbm>>
    tpu.wait_indirect_dma semaphore(%arg11 : memref<!tpu.dma_semaphore, #tpu.memory_space<semaphore_mem>>) src(%dma_wait3A_664 : memref<10240x128xf32, #tpu.memory_space<hbm>>) dst(%arg8 : memref<128x128xf32, #tpu.memory_space<vmem>>)
    %dma_start3A_665 = arith.constant 14 : i32
    %dma_start3A_666 = arith.constant 0 : i32
    %dma_start3A_667 = tpu.memref_slice %arg6[%dma_start3A_665, %dma_start3A_666] : memref<80x128xi32, #tpu.memory_space<vmem>> -> memref<1x128xi32, #tpu.memory_space<vmem>>
    %dma_start3A_668 = tpu.memref_squeeze %dma_start3A_667 : memref<1x128xi32, #tpu.memory_space<vmem>> -> memref<128xi32, #tpu.memory_space<vmem>>
    %dma_start3A_669 = arith.constant 0 : i32
    %dma_start3A_670 = arith.constant 0 : i32
    %dma_start3A_671 = tpu.memref_slice %arg2[%dma_start3A_669, %dma_start3A_670] : memref<10240x128xf32, #tpu.memory_space<hbm>> -> memref<10240x128xf32, #tpu.memory_space<hbm>>
    tpu.enqueue_indirect_dma source(%dma_start3A_671 : memref<10240x128xf32, #tpu.memory_space<hbm>>) target(%arg8 : memref<128x128xf32, #tpu.memory_space<vmem>>) offsets(%dma_start3A_668 : memref<128xi32, #tpu.memory_space<vmem>>) semaphore(%arg11 : memref<!tpu.dma_semaphore, #tpu.memory_space<semaphore_mem>>)
    %dma_wait3A_672 = arith.constant 12 : i32
    %dma_wait3A_673 = arith.constant 0 : i32
    %dma_wait3A_674 = tpu.memref_slice %arg6[%dma_wait3A_672, %dma_wait3A_673] : memref<80x128xi32, #tpu.memory_space<vmem>> -> memref<1x128xi32, #tpu.memory_space<vmem>>
    %dma_wait3A_675 = tpu.memref_squeeze %dma_wait3A_674 : memref<1x128xi32, #tpu.memory_space<vmem>> -> memref<128xi32, #tpu.memory_space<vmem>>
    %dma_wait3A_676 = arith.constant 0 : i32
    %dma_wait3A_677 = arith.constant 0 : i32
    %dma_wait3A_678 = tpu.memref_slice %arg2[%dma_wait3A_676, %dma_wait3A_677] : memref<10240x128xf32, #tpu.memory_space<hbm>> -> memref<10240x128xf32, #tpu.memory_space<hbm>>
    tpu.wait_indirect_dma semaphore(%arg10 : memref<!tpu.dma_semaphore, #tpu.memory_space<semaphore_mem>>) src(%dma_wait3A_678 : memref<10240x128xf32, #tpu.memory_space<hbm>>) dst(%arg7 : memref<128x128xf32, #tpu.memory_space<vmem>>)
    %dma_start3A_679 = arith.constant 16 : i32
    %dma_start3A_680 = arith.constant 0 : i32
    %dma_start3A_681 = tpu.memref_slice %arg6[%dma_start3A_679, %dma_start3A_680] : memref<80x128xi32, #tpu.memory_space<vmem>> -> memref<1x128xi32, #tpu.memory_space<vmem>>
    %dma_start3A_682 = tpu.memref_squeeze %dma_start3A_681 : memref<1x128xi32, #tpu.memory_space<vmem>> -> memref<128xi32, #tpu.memory_space<vmem>>
    %dma_start3A_683 = arith.constant 0 : i32
    %dma_start3A_684 = arith.constant 0 : i32
    %dma_start3A_685 = tpu.memref_slice %arg2[%dma_start3A_683, %dma_start3A_684] : memref<10240x128xf32, #tpu.memory_space<hbm>> -> memref<10240x128xf32, #tpu.memory_space<hbm>>
    tpu.enqueue_indirect_dma source(%dma_start3A_685 : memref<10240x128xf32, #tpu.memory_space<hbm>>) target(%arg7 : memref<128x128xf32, #tpu.memory_space<vmem>>) offsets(%dma_start3A_682 : memref<128xi32, #tpu.memory_space<vmem>>) semaphore(%arg10 : memref<!tpu.dma_semaphore, #tpu.memory_space<semaphore_mem>>)
    %dma_wait3A_686 = arith.constant 14 : i32
    %dma_wait3A_687 = arith.constant 0 : i32
    %dma_wait3A_688 = tpu.memref_slice %arg6[%dma_wait3A_686, %dma_wait3A_687] : memref<80x128xi32, #tpu.memory_space<vmem>> -> memref<1x128xi32, #tpu.memory_space<vmem>>
    %dma_wait3A_689 = tpu.memref_squeeze %dma_wait3A_688 : memref<1x128xi32, #tpu.memory_space<vmem>> -> memref<128xi32, #tpu.memory_space<vmem>>
    %dma_wait3A_690 = arith.constant 0 : i32
    %dma_wait3A_691 = arith.constant 0 : i32
    %dma_wait3A_692 = tpu.memref_slice %arg2[%dma_wait3A_690, %dma_wait3A_691] : memref<10240x128xf32, #tpu.memory_space<hbm>> -> memref<10240x128xf32, #tpu.memory_space<hbm>>
    tpu.wait_indirect_dma semaphore(%arg11 : memref<!tpu.dma_semaphore, #tpu.memory_space<semaphore_mem>>) src(%dma_wait3A_692 : memref<10240x128xf32, #tpu.memory_space<hbm>>) dst(%arg8 : memref<128x128xf32, #tpu.memory_space<vmem>>)
    %dma_start3A_693 = arith.constant 18 : i32
    %dma_start3A_694 = arith.constant 0 : i32
    %dma_start3A_695 = tpu.memref_slice %arg6[%dma_start3A_693, %dma_start3A_694] : memref<80x128xi32, #tpu.memory_space<vmem>> -> memref<1x128xi32, #tpu.memory_space<vmem>>
    %dma_start3A_696 = tpu.memref_squeeze %dma_start3A_695 : memref<1x128xi32, #tpu.memory_space<vmem>> -> memref<128xi32, #tpu.memory_space<vmem>>
    %dma_start3A_697 = arith.constant 0 : i32
    %dma_start3A_698 = arith.constant 0 : i32
    %dma_start3A_699 = tpu.memref_slice %arg2[%dma_start3A_697, %dma_start3A_698] : memref<10240x128xf32, #tpu.memory_space<hbm>> -> memref<10240x128xf32, #tpu.memory_space<hbm>>
    tpu.enqueue_indirect_dma source(%dma_start3A_699 : memref<10240x128xf32, #tpu.memory_space<hbm>>) target(%arg8 : memref<128x128xf32, #tpu.memory_space<vmem>>) offsets(%dma_start3A_696 : memref<128xi32, #tpu.memory_space<vmem>>) semaphore(%arg11 : memref<!tpu.dma_semaphore, #tpu.memory_space<semaphore_mem>>)
    %dma_wait3A_700 = arith.constant 16 : i32
    %dma_wait3A_701 = arith.constant 0 : i32
    %dma_wait3A_702 = tpu.memref_slice %arg6[%dma_wait3A_700, %dma_wait3A_701] : memref<80x128xi32, #tpu.memory_space<vmem>> -> memref<1x128xi32, #tpu.memory_space<vmem>>
    %dma_wait3A_703 = tpu.memref_squeeze %dma_wait3A_702 : memref<1x128xi32, #tpu.memory_space<vmem>> -> memref<128xi32, #tpu.memory_space<vmem>>
    %dma_wait3A_704 = arith.constant 0 : i32
    %dma_wait3A_705 = arith.constant 0 : i32
    %dma_wait3A_706 = tpu.memref_slice %arg2[%dma_wait3A_704, %dma_wait3A_705] : memref<10240x128xf32, #tpu.memory_space<hbm>> -> memref<10240x128xf32, #tpu.memory_space<hbm>>
    tpu.wait_indirect_dma semaphore(%arg10 : memref<!tpu.dma_semaphore, #tpu.memory_space<semaphore_mem>>) src(%dma_wait3A_706 : memref<10240x128xf32, #tpu.memory_space<hbm>>) dst(%arg7 : memref<128x128xf32, #tpu.memory_space<vmem>>)
    %dma_start3A_707 = arith.constant 20 : i32
    %dma_start3A_708 = arith.constant 0 : i32
    %dma_start3A_709 = tpu.memref_slice %arg6[%dma_start3A_707, %dma_start3A_708] : memref<80x128xi32, #tpu.memory_space<vmem>> -> memref<1x128xi32, #tpu.memory_space<vmem>>
    %dma_start3A_710 = tpu.memref_squeeze %dma_start3A_709 : memref<1x128xi32, #tpu.memory_space<vmem>> -> memref<128xi32, #tpu.memory_space<vmem>>
    %dma_start3A_711 = arith.constant 0 : i32
    %dma_start3A_712 = arith.constant 0 : i32
    %dma_start3A_713 = tpu.memref_slice %arg2[%dma_start3A_711, %dma_start3A_712] : memref<10240x128xf32, #tpu.memory_space<hbm>> -> memref<10240x128xf32, #tpu.memory_space<hbm>>
    tpu.enqueue_indirect_dma source(%dma_start3A_713 : memref<10240x128xf32, #tpu.memory_space<hbm>>) target(%arg7 : memref<128x128xf32, #tpu.memory_space<vmem>>) offsets(%dma_start3A_710 : memref<128xi32, #tpu.memory_space<vmem>>) semaphore(%arg10 : memref<!tpu.dma_semaphore, #tpu.memory_space<semaphore_mem>>)
    %dma_wait3A_714 = arith.constant 18 : i32
    %dma_wait3A_715 = arith.constant 0 : i32
    %dma_wait3A_716 = tpu.memref_slice %arg6[%dma_wait3A_714, %dma_wait3A_715] : memref<80x128xi32, #tpu.memory_space<vmem>> -> memref<1x128xi32, #tpu.memory_space<vmem>>
    %dma_wait3A_717 = tpu.memref_squeeze %dma_wait3A_716 : memref<1x128xi32, #tpu.memory_space<vmem>> -> memref<128xi32, #tpu.memory_space<vmem>>
    %dma_wait3A_718 = arith.constant 0 : i32
    %dma_wait3A_719 = arith.constant 0 : i32
    %dma_wait3A_720 = tpu.memref_slice %arg2[%dma_wait3A_718, %dma_wait3A_719] : memref<10240x128xf32, #tpu.memory_space<hbm>> -> memref<10240x128xf32, #tpu.memory_space<hbm>>
    tpu.wait_indirect_dma semaphore(%arg11 : memref<!tpu.dma_semaphore, #tpu.memory_space<semaphore_mem>>) src(%dma_wait3A_720 : memref<10240x128xf32, #tpu.memory_space<hbm>>) dst(%arg8 : memref<128x128xf32, #tpu.memory_space<vmem>>)
    %dma_start3A_721 = arith.constant 22 : i32
    %dma_start3A_722 = arith.constant 0 : i32
    %dma_start3A_723 = tpu.memref_slice %arg6[%dma_start3A_721, %dma_start3A_722] : memref<80x128xi32, #tpu.memory_space<vmem>> -> memref<1x128xi32, #tpu.memory_space<vmem>>
    %dma_start3A_724 = tpu.memref_squeeze %dma_start3A_723 : memref<1x128xi32, #tpu.memory_space<vmem>> -> memref<128xi32, #tpu.memory_space<vmem>>
    %dma_start3A_725 = arith.constant 0 : i32
    %dma_start3A_726 = arith.constant 0 : i32
    %dma_start3A_727 = tpu.memref_slice %arg2[%dma_start3A_725, %dma_start3A_726] : memref<10240x128xf32, #tpu.memory_space<hbm>> -> memref<10240x128xf32, #tpu.memory_space<hbm>>
    tpu.enqueue_indirect_dma source(%dma_start3A_727 : memref<10240x128xf32, #tpu.memory_space<hbm>>) target(%arg8 : memref<128x128xf32, #tpu.memory_space<vmem>>) offsets(%dma_start3A_724 : memref<128xi32, #tpu.memory_space<vmem>>) semaphore(%arg11 : memref<!tpu.dma_semaphore, #tpu.memory_space<semaphore_mem>>)
    %dma_wait3A_728 = arith.constant 20 : i32
    %dma_wait3A_729 = arith.constant 0 : i32
    %dma_wait3A_730 = tpu.memref_slice %arg6[%dma_wait3A_728, %dma_wait3A_729] : memref<80x128xi32, #tpu.memory_space<vmem>> -> memref<1x128xi32, #tpu.memory_space<vmem>>
    %dma_wait3A_731 = tpu.memref_squeeze %dma_wait3A_730 : memref<1x128xi32, #tpu.memory_space<vmem>> -> memref<128xi32, #tpu.memory_space<vmem>>
    %dma_wait3A_732 = arith.constant 0 : i32
    %dma_wait3A_733 = arith.constant 0 : i32
    %dma_wait3A_734 = tpu.memref_slice %arg2[%dma_wait3A_732, %dma_wait3A_733] : memref<10240x128xf32, #tpu.memory_space<hbm>> -> memref<10240x128xf32, #tpu.memory_space<hbm>>
    tpu.wait_indirect_dma semaphore(%arg10 : memref<!tpu.dma_semaphore, #tpu.memory_space<semaphore_mem>>) src(%dma_wait3A_734 : memref<10240x128xf32, #tpu.memory_space<hbm>>) dst(%arg7 : memref<128x128xf32, #tpu.memory_space<vmem>>)
    %dma_start3A_735 = arith.constant 24 : i32
    %dma_start3A_736 = arith.constant 0 : i32
    %dma_start3A_737 = tpu.memref_slice %arg6[%dma_start3A_735, %dma_start3A_736] : memref<80x128xi32, #tpu.memory_space<vmem>> -> memref<1x128xi32, #tpu.memory_space<vmem>>
    %dma_start3A_738 = tpu.memref_squeeze %dma_start3A_737 : memref<1x128xi32, #tpu.memory_space<vmem>> -> memref<128xi32, #tpu.memory_space<vmem>>
    %dma_start3A_739 = arith.constant 0 : i32
    %dma_start3A_740 = arith.constant 0 : i32
    %dma_start3A_741 = tpu.memref_slice %arg2[%dma_start3A_739, %dma_start3A_740] : memref<10240x128xf32, #tpu.memory_space<hbm>> -> memref<10240x128xf32, #tpu.memory_space<hbm>>
    tpu.enqueue_indirect_dma source(%dma_start3A_741 : memref<10240x128xf32, #tpu.memory_space<hbm>>) target(%arg7 : memref<128x128xf32, #tpu.memory_space<vmem>>) offsets(%dma_start3A_738 : memref<128xi32, #tpu.memory_space<vmem>>) semaphore(%arg10 : memref<!tpu.dma_semaphore, #tpu.memory_space<semaphore_mem>>)
    %dma_wait3A_742 = arith.constant 22 : i32
    %dma_wait3A_743 = arith.constant 0 : i32
    %dma_wait3A_744 = tpu.memref_slice %arg6[%dma_wait3A_742, %dma_wait3A_743] : memref<80x128xi32, #tpu.memory_space<vmem>> -> memref<1x128xi32, #tpu.memory_space<vmem>>
    %dma_wait3A_745 = tpu.memref_squeeze %dma_wait3A_744 : memref<1x128xi32, #tpu.memory_space<vmem>> -> memref<128xi32, #tpu.memory_space<vmem>>
    %dma_wait3A_746 = arith.constant 0 : i32
    %dma_wait3A_747 = arith.constant 0 : i32
    %dma_wait3A_748 = tpu.memref_slice %arg2[%dma_wait3A_746, %dma_wait3A_747] : memref<10240x128xf32, #tpu.memory_space<hbm>> -> memref<10240x128xf32, #tpu.memory_space<hbm>>
    tpu.wait_indirect_dma semaphore(%arg11 : memref<!tpu.dma_semaphore, #tpu.memory_space<semaphore_mem>>) src(%dma_wait3A_748 : memref<10240x128xf32, #tpu.memory_space<hbm>>) dst(%arg8 : memref<128x128xf32, #tpu.memory_space<vmem>>)
    %dma_start3A_749 = arith.constant 26 : i32
    %dma_start3A_750 = arith.constant 0 : i32
    %dma_start3A_751 = tpu.memref_slice %arg6[%dma_start3A_749, %dma_start3A_750] : memref<80x128xi32, #tpu.memory_space<vmem>> -> memref<1x128xi32, #tpu.memory_space<vmem>>
    %dma_start3A_752 = tpu.memref_squeeze %dma_start3A_751 : memref<1x128xi32, #tpu.memory_space<vmem>> -> memref<128xi32, #tpu.memory_space<vmem>>
    %dma_start3A_753 = arith.constant 0 : i32
    %dma_start3A_754 = arith.constant 0 : i32
    %dma_start3A_755 = tpu.memref_slice %arg2[%dma_start3A_753, %dma_start3A_754] : memref<10240x128xf32, #tpu.memory_space<hbm>> -> memref<10240x128xf32, #tpu.memory_space<hbm>>
    tpu.enqueue_indirect_dma source(%dma_start3A_755 : memref<10240x128xf32, #tpu.memory_space<hbm>>) target(%arg8 : memref<128x128xf32, #tpu.memory_space<vmem>>) offsets(%dma_start3A_752 : memref<128xi32, #tpu.memory_space<vmem>>) semaphore(%arg11 : memref<!tpu.dma_semaphore, #tpu.memory_space<semaphore_mem>>)
    %dma_wait3A_756 = arith.constant 24 : i32
    %dma_wait3A_757 = arith.constant 0 : i32
    %dma_wait3A_758 = tpu.memref_slice %arg6[%dma_wait3A_756, %dma_wait3A_757] : memref<80x128xi32, #tpu.memory_space<vmem>> -> memref<1x128xi32, #tpu.memory_space<vmem>>
    %dma_wait3A_759 = tpu.memref_squeeze %dma_wait3A_758 : memref<1x128xi32, #tpu.memory_space<vmem>> -> memref<128xi32, #tpu.memory_space<vmem>>
    %dma_wait3A_760 = arith.constant 0 : i32
    %dma_wait3A_761 = arith.constant 0 : i32
    %dma_wait3A_762 = tpu.memref_slice %arg2[%dma_wait3A_760, %dma_wait3A_761] : memref<10240x128xf32, #tpu.memory_space<hbm>> -> memref<10240x128xf32, #tpu.memory_space<hbm>>
    tpu.wait_indirect_dma semaphore(%arg10 : memref<!tpu.dma_semaphore, #tpu.memory_space<semaphore_mem>>) src(%dma_wait3A_762 : memref<10240x128xf32, #tpu.memory_space<hbm>>) dst(%arg7 : memref<128x128xf32, #tpu.memory_space<vmem>>)
    %dma_start3A_763 = arith.constant 28 : i32
    %dma_start3A_764 = arith.constant 0 : i32
    %dma_start3A_765 = tpu.memref_slice %arg6[%dma_start3A_763, %dma_start3A_764] : memref<80x128xi32, #tpu.memory_space<vmem>> -> memref<1x128xi32, #tpu.memory_space<vmem>>
    %dma_start3A_766 = tpu.memref_squeeze %dma_start3A_765 : memref<1x128xi32, #tpu.memory_space<vmem>> -> memref<128xi32, #tpu.memory_space<vmem>>
    %dma_start3A_767 = arith.constant 0 : i32
    %dma_start3A_768 = arith.constant 0 : i32
    %dma_start3A_769 = tpu.memref_slice %arg2[%dma_start3A_767, %dma_start3A_768] : memref<10240x128xf32, #tpu.memory_space<hbm>> -> memref<10240x128xf32, #tpu.memory_space<hbm>>
    tpu.enqueue_indirect_dma source(%dma_start3A_769 : memref<10240x128xf32, #tpu.memory_space<hbm>>) target(%arg7 : memref<128x128xf32, #tpu.memory_space<vmem>>) offsets(%dma_start3A_766 : memref<128xi32, #tpu.memory_space<vmem>>) semaphore(%arg10 : memref<!tpu.dma_semaphore, #tpu.memory_space<semaphore_mem>>)
    %dma_wait3A_770 = arith.constant 26 : i32
    %dma_wait3A_771 = arith.constant 0 : i32
    %dma_wait3A_772 = tpu.memref_slice %arg6[%dma_wait3A_770, %dma_wait3A_771] : memref<80x128xi32, #tpu.memory_space<vmem>> -> memref<1x128xi32, #tpu.memory_space<vmem>>
    %dma_wait3A_773 = tpu.memref_squeeze %dma_wait3A_772 : memref<1x128xi32, #tpu.memory_space<vmem>> -> memref<128xi32, #tpu.memory_space<vmem>>
    %dma_wait3A_774 = arith.constant 0 : i32
    %dma_wait3A_775 = arith.constant 0 : i32
    %dma_wait3A_776 = tpu.memref_slice %arg2[%dma_wait3A_774, %dma_wait3A_775] : memref<10240x128xf32, #tpu.memory_space<hbm>> -> memref<10240x128xf32, #tpu.memory_space<hbm>>
    tpu.wait_indirect_dma semaphore(%arg11 : memref<!tpu.dma_semaphore, #tpu.memory_space<semaphore_mem>>) src(%dma_wait3A_776 : memref<10240x128xf32, #tpu.memory_space<hbm>>) dst(%arg8 : memref<128x128xf32, #tpu.memory_space<vmem>>)
    %dma_start3A_777 = arith.constant 30 : i32
    %dma_start3A_778 = arith.constant 0 : i32
    %dma_start3A_779 = tpu.memref_slice %arg6[%dma_start3A_777, %dma_start3A_778] : memref<80x128xi32, #tpu.memory_space<vmem>> -> memref<1x128xi32, #tpu.memory_space<vmem>>
    %dma_start3A_780 = tpu.memref_squeeze %dma_start3A_779 : memref<1x128xi32, #tpu.memory_space<vmem>> -> memref<128xi32, #tpu.memory_space<vmem>>
    %dma_start3A_781 = arith.constant 0 : i32
    %dma_start3A_782 = arith.constant 0 : i32
    %dma_start3A_783 = tpu.memref_slice %arg2[%dma_start3A_781, %dma_start3A_782] : memref<10240x128xf32, #tpu.memory_space<hbm>> -> memref<10240x128xf32, #tpu.memory_space<hbm>>
    tpu.enqueue_indirect_dma source(%dma_start3A_783 : memref<10240x128xf32, #tpu.memory_space<hbm>>) target(%arg8 : memref<128x128xf32, #tpu.memory_space<vmem>>) offsets(%dma_start3A_780 : memref<128xi32, #tpu.memory_space<vmem>>) semaphore(%arg11 : memref<!tpu.dma_semaphore, #tpu.memory_space<semaphore_mem>>)
    %dma_wait3A_784 = arith.constant 28 : i32
    %dma_wait3A_785 = arith.constant 0 : i32
    %dma_wait3A_786 = tpu.memref_slice %arg6[%dma_wait3A_784, %dma_wait3A_785] : memref<80x128xi32, #tpu.memory_space<vmem>> -> memref<1x128xi32, #tpu.memory_space<vmem>>
    %dma_wait3A_787 = tpu.memref_squeeze %dma_wait3A_786 : memref<1x128xi32, #tpu.memory_space<vmem>> -> memref<128xi32, #tpu.memory_space<vmem>>
    %dma_wait3A_788 = arith.constant 0 : i32
    %dma_wait3A_789 = arith.constant 0 : i32
    %dma_wait3A_790 = tpu.memref_slice %arg2[%dma_wait3A_788, %dma_wait3A_789] : memref<10240x128xf32, #tpu.memory_space<hbm>> -> memref<10240x128xf32, #tpu.memory_space<hbm>>
    tpu.wait_indirect_dma semaphore(%arg10 : memref<!tpu.dma_semaphore, #tpu.memory_space<semaphore_mem>>) src(%dma_wait3A_790 : memref<10240x128xf32, #tpu.memory_space<hbm>>) dst(%arg7 : memref<128x128xf32, #tpu.memory_space<vmem>>)
    %dma_start3A_791 = arith.constant 32 : i32
    %dma_start3A_792 = arith.constant 0 : i32
    %dma_start3A_793 = tpu.memref_slice %arg6[%dma_start3A_791, %dma_start3A_792] : memref<80x128xi32, #tpu.memory_space<vmem>> -> memref<1x128xi32, #tpu.memory_space<vmem>>
    %dma_start3A_794 = tpu.memref_squeeze %dma_start3A_793 : memref<1x128xi32, #tpu.memory_space<vmem>> -> memref<128xi32, #tpu.memory_space<vmem>>
    %dma_start3A_795 = arith.constant 0 : i32
    %dma_start3A_796 = arith.constant 0 : i32
    %dma_start3A_797 = tpu.memref_slice %arg2[%dma_start3A_795, %dma_start3A_796] : memref<10240x128xf32, #tpu.memory_space<hbm>> -> memref<10240x128xf32, #tpu.memory_space<hbm>>
    tpu.enqueue_indirect_dma source(%dma_start3A_797 : memref<10240x128xf32, #tpu.memory_space<hbm>>) target(%arg7 : memref<128x128xf32, #tpu.memory_space<vmem>>) offsets(%dma_start3A_794 : memref<128xi32, #tpu.memory_space<vmem>>) semaphore(%arg10 : memref<!tpu.dma_semaphore, #tpu.memory_space<semaphore_mem>>)
    %dma_wait3A_798 = arith.constant 30 : i32
    %dma_wait3A_799 = arith.constant 0 : i32
    %dma_wait3A_800 = tpu.memref_slice %arg6[%dma_wait3A_798, %dma_wait3A_799] : memref<80x128xi32, #tpu.memory_space<vmem>> -> memref<1x128xi32, #tpu.memory_space<vmem>>
    %dma_wait3A_801 = tpu.memref_squeeze %dma_wait3A_800 : memref<1x128xi32, #tpu.memory_space<vmem>> -> memref<128xi32, #tpu.memory_space<vmem>>
    %dma_wait3A_802 = arith.constant 0 : i32
    %dma_wait3A_803 = arith.constant 0 : i32
    %dma_wait3A_804 = tpu.memref_slice %arg2[%dma_wait3A_802, %dma_wait3A_803] : memref<10240x128xf32, #tpu.memory_space<hbm>> -> memref<10240x128xf32, #tpu.memory_space<hbm>>
    tpu.wait_indirect_dma semaphore(%arg11 : memref<!tpu.dma_semaphore, #tpu.memory_space<semaphore_mem>>) src(%dma_wait3A_804 : memref<10240x128xf32, #tpu.memory_space<hbm>>) dst(%arg8 : memref<128x128xf32, #tpu.memory_space<vmem>>)
    %dma_start3A_805 = arith.constant 34 : i32
    %dma_start3A_806 = arith.constant 0 : i32
    %dma_start3A_807 = tpu.memref_slice %arg6[%dma_start3A_805, %dma_start3A_806] : memref<80x128xi32, #tpu.memory_space<vmem>> -> memref<1x128xi32, #tpu.memory_space<vmem>>
    %dma_start3A_808 = tpu.memref_squeeze %dma_start3A_807 : memref<1x128xi32, #tpu.memory_space<vmem>> -> memref<128xi32, #tpu.memory_space<vmem>>
    %dma_start3A_809 = arith.constant 0 : i32
    %dma_start3A_810 = arith.constant 0 : i32
    %dma_start3A_811 = tpu.memref_slice %arg2[%dma_start3A_809, %dma_start3A_810] : memref<10240x128xf32, #tpu.memory_space<hbm>> -> memref<10240x128xf32, #tpu.memory_space<hbm>>
    tpu.enqueue_indirect_dma source(%dma_start3A_811 : memref<10240x128xf32, #tpu.memory_space<hbm>>) target(%arg8 : memref<128x128xf32, #tpu.memory_space<vmem>>) offsets(%dma_start3A_808 : memref<128xi32, #tpu.memory_space<vmem>>) semaphore(%arg11 : memref<!tpu.dma_semaphore, #tpu.memory_space<semaphore_mem>>)
    %dma_wait3A_812 = arith.constant 32 : i32
    %dma_wait3A_813 = arith.constant 0 : i32
    %dma_wait3A_814 = tpu.memref_slice %arg6[%dma_wait3A_812, %dma_wait3A_813] : memref<80x128xi32, #tpu.memory_space<vmem>> -> memref<1x128xi32, #tpu.memory_space<vmem>>
    %dma_wait3A_815 = tpu.memref_squeeze %dma_wait3A_814 : memref<1x128xi32, #tpu.memory_space<vmem>> -> memref<128xi32, #tpu.memory_space<vmem>>
    %dma_wait3A_816 = arith.constant 0 : i32
    %dma_wait3A_817 = arith.constant 0 : i32
    %dma_wait3A_818 = tpu.memref_slice %arg2[%dma_wait3A_816, %dma_wait3A_817] : memref<10240x128xf32, #tpu.memory_space<hbm>> -> memref<10240x128xf32, #tpu.memory_space<hbm>>
    tpu.wait_indirect_dma semaphore(%arg10 : memref<!tpu.dma_semaphore, #tpu.memory_space<semaphore_mem>>) src(%dma_wait3A_818 : memref<10240x128xf32, #tpu.memory_space<hbm>>) dst(%arg7 : memref<128x128xf32, #tpu.memory_space<vmem>>)
    %dma_start3A_819 = arith.constant 36 : i32
    %dma_start3A_820 = arith.constant 0 : i32
    %dma_start3A_821 = tpu.memref_slice %arg6[%dma_start3A_819, %dma_start3A_820] : memref<80x128xi32, #tpu.memory_space<vmem>> -> memref<1x128xi32, #tpu.memory_space<vmem>>
    %dma_start3A_822 = tpu.memref_squeeze %dma_start3A_821 : memref<1x128xi32, #tpu.memory_space<vmem>> -> memref<128xi32, #tpu.memory_space<vmem>>
    %dma_start3A_823 = arith.constant 0 : i32
    %dma_start3A_824 = arith.constant 0 : i32
    %dma_start3A_825 = tpu.memref_slice %arg2[%dma_start3A_823, %dma_start3A_824] : memref<10240x128xf32, #tpu.memory_space<hbm>> -> memref<10240x128xf32, #tpu.memory_space<hbm>>
    tpu.enqueue_indirect_dma source(%dma_start3A_825 : memref<10240x128xf32, #tpu.memory_space<hbm>>) target(%arg7 : memref<128x128xf32, #tpu.memory_space<vmem>>) offsets(%dma_start3A_822 : memref<128xi32, #tpu.memory_space<vmem>>) semaphore(%arg10 : memref<!tpu.dma_semaphore, #tpu.memory_space<semaphore_mem>>)
    %dma_wait3A_826 = arith.constant 34 : i32
    %dma_wait3A_827 = arith.constant 0 : i32
    %dma_wait3A_828 = tpu.memref_slice %arg6[%dma_wait3A_826, %dma_wait3A_827] : memref<80x128xi32, #tpu.memory_space<vmem>> -> memref<1x128xi32, #tpu.memory_space<vmem>>
    %dma_wait3A_829 = tpu.memref_squeeze %dma_wait3A_828 : memref<1x128xi32, #tpu.memory_space<vmem>> -> memref<128xi32, #tpu.memory_space<vmem>>
    %dma_wait3A_830 = arith.constant 0 : i32
    %dma_wait3A_831 = arith.constant 0 : i32
    %dma_wait3A_832 = tpu.memref_slice %arg2[%dma_wait3A_830, %dma_wait3A_831] : memref<10240x128xf32, #tpu.memory_space<hbm>> -> memref<10240x128xf32, #tpu.memory_space<hbm>>
    tpu.wait_indirect_dma semaphore(%arg11 : memref<!tpu.dma_semaphore, #tpu.memory_space<semaphore_mem>>) src(%dma_wait3A_832 : memref<10240x128xf32, #tpu.memory_space<hbm>>) dst(%arg8 : memref<128x128xf32, #tpu.memory_space<vmem>>)
    %dma_start3A_833 = arith.constant 38 : i32
    %dma_start3A_834 = arith.constant 0 : i32
    %dma_start3A_835 = tpu.memref_slice %arg6[%dma_start3A_833, %dma_start3A_834] : memref<80x128xi32, #tpu.memory_space<vmem>> -> memref<1x128xi32, #tpu.memory_space<vmem>>
    %dma_start3A_836 = tpu.memref_squeeze %dma_start3A_835 : memref<1x128xi32, #tpu.memory_space<vmem>> -> memref<128xi32, #tpu.memory_space<vmem>>
    %dma_start3A_837 = arith.constant 0 : i32
    %dma_start3A_838 = arith.constant 0 : i32
    %dma_start3A_839 = tpu.memref_slice %arg2[%dma_start3A_837, %dma_start3A_838] : memref<10240x128xf32, #tpu.memory_space<hbm>> -> memref<10240x128xf32, #tpu.memory_space<hbm>>
    tpu.enqueue_indirect_dma source(%dma_start3A_839 : memref<10240x128xf32, #tpu.memory_space<hbm>>) target(%arg8 : memref<128x128xf32, #tpu.memory_space<vmem>>) offsets(%dma_start3A_836 : memref<128xi32, #tpu.memory_space<vmem>>) semaphore(%arg11 : memref<!tpu.dma_semaphore, #tpu.memory_space<semaphore_mem>>)
    %dma_wait3A_840 = arith.constant 36 : i32
    %dma_wait3A_841 = arith.constant 0 : i32
    %dma_wait3A_842 = tpu.memref_slice %arg6[%dma_wait3A_840, %dma_wait3A_841] : memref<80x128xi32, #tpu.memory_space<vmem>> -> memref<1x128xi32, #tpu.memory_space<vmem>>
    %dma_wait3A_843 = tpu.memref_squeeze %dma_wait3A_842 : memref<1x128xi32, #tpu.memory_space<vmem>> -> memref<128xi32, #tpu.memory_space<vmem>>
    %dma_wait3A_844 = arith.constant 0 : i32
    %dma_wait3A_845 = arith.constant 0 : i32
    %dma_wait3A_846 = tpu.memref_slice %arg2[%dma_wait3A_844, %dma_wait3A_845] : memref<10240x128xf32, #tpu.memory_space<hbm>> -> memref<10240x128xf32, #tpu.memory_space<hbm>>
    tpu.wait_indirect_dma semaphore(%arg10 : memref<!tpu.dma_semaphore, #tpu.memory_space<semaphore_mem>>) src(%dma_wait3A_846 : memref<10240x128xf32, #tpu.memory_space<hbm>>) dst(%arg7 : memref<128x128xf32, #tpu.memory_space<vmem>>)
    %dma_start3A_847 = arith.constant 40 : i32
    %dma_start3A_848 = arith.constant 0 : i32
    %dma_start3A_849 = tpu.memref_slice %arg6[%dma_start3A_847, %dma_start3A_848] : memref<80x128xi32, #tpu.memory_space<vmem>> -> memref<1x128xi32, #tpu.memory_space<vmem>>
    %dma_start3A_850 = tpu.memref_squeeze %dma_start3A_849 : memref<1x128xi32, #tpu.memory_space<vmem>> -> memref<128xi32, #tpu.memory_space<vmem>>
    %dma_start3A_851 = arith.constant 0 : i32
    %dma_start3A_852 = arith.constant 0 : i32
    %dma_start3A_853 = tpu.memref_slice %arg2[%dma_start3A_851, %dma_start3A_852] : memref<10240x128xf32, #tpu.memory_space<hbm>> -> memref<10240x128xf32, #tpu.memory_space<hbm>>
    tpu.enqueue_indirect_dma source(%dma_start3A_853 : memref<10240x128xf32, #tpu.memory_space<hbm>>) target(%arg7 : memref<128x128xf32, #tpu.memory_space<vmem>>) offsets(%dma_start3A_850 : memref<128xi32, #tpu.memory_space<vmem>>) semaphore(%arg10 : memref<!tpu.dma_semaphore, #tpu.memory_space<semaphore_mem>>)
    %dma_wait3A_854 = arith.constant 38 : i32
    %dma_wait3A_855 = arith.constant 0 : i32
    %dma_wait3A_856 = tpu.memref_slice %arg6[%dma_wait3A_854, %dma_wait3A_855] : memref<80x128xi32, #tpu.memory_space<vmem>> -> memref<1x128xi32, #tpu.memory_space<vmem>>
    %dma_wait3A_857 = tpu.memref_squeeze %dma_wait3A_856 : memref<1x128xi32, #tpu.memory_space<vmem>> -> memref<128xi32, #tpu.memory_space<vmem>>
    %dma_wait3A_858 = arith.constant 0 : i32
    %dma_wait3A_859 = arith.constant 0 : i32
    %dma_wait3A_860 = tpu.memref_slice %arg2[%dma_wait3A_858, %dma_wait3A_859] : memref<10240x128xf32, #tpu.memory_space<hbm>> -> memref<10240x128xf32, #tpu.memory_space<hbm>>
    tpu.wait_indirect_dma semaphore(%arg11 : memref<!tpu.dma_semaphore, #tpu.memory_space<semaphore_mem>>) src(%dma_wait3A_860 : memref<10240x128xf32, #tpu.memory_space<hbm>>) dst(%arg8 : memref<128x128xf32, #tpu.memory_space<vmem>>)
    %dma_start3A_861 = arith.constant 42 : i32
    %dma_start3A_862 = arith.constant 0 : i32
    %dma_start3A_863 = tpu.memref_slice %arg6[%dma_start3A_861, %dma_start3A_862] : memref<80x128xi32, #tpu.memory_space<vmem>> -> memref<1x128xi32, #tpu.memory_space<vmem>>
    %dma_start3A_864 = tpu.memref_squeeze %dma_start3A_863 : memref<1x128xi32, #tpu.memory_space<vmem>> -> memref<128xi32, #tpu.memory_space<vmem>>
    %dma_start3A_865 = arith.constant 0 : i32
    %dma_start3A_866 = arith.constant 0 : i32
    %dma_start3A_867 = tpu.memref_slice %arg2[%dma_start3A_865, %dma_start3A_866] : memref<10240x128xf32, #tpu.memory_space<hbm>> -> memref<10240x128xf32, #tpu.memory_space<hbm>>
    tpu.enqueue_indirect_dma source(%dma_start3A_867 : memref<10240x128xf32, #tpu.memory_space<hbm>>) target(%arg8 : memref<128x128xf32, #tpu.memory_space<vmem>>) offsets(%dma_start3A_864 : memref<128xi32, #tpu.memory_space<vmem>>) semaphore(%arg11 : memref<!tpu.dma_semaphore, #tpu.memory_space<semaphore_mem>>)
    %dma_wait3A_868 = arith.constant 40 : i32
    %dma_wait3A_869 = arith.constant 0 : i32
    %dma_wait3A_870 = tpu.memref_slice %arg6[%dma_wait3A_868, %dma_wait3A_869] : memref<80x128xi32, #tpu.memory_space<vmem>> -> memref<1x128xi32, #tpu.memory_space<vmem>>
    %dma_wait3A_871 = tpu.memref_squeeze %dma_wait3A_870 : memref<1x128xi32, #tpu.memory_space<vmem>> -> memref<128xi32, #tpu.memory_space<vmem>>
    %dma_wait3A_872 = arith.constant 0 : i32
    %dma_wait3A_873 = arith.constant 0 : i32
    %dma_wait3A_874 = tpu.memref_slice %arg2[%dma_wait3A_872, %dma_wait3A_873] : memref<10240x128xf32, #tpu.memory_space<hbm>> -> memref<10240x128xf32, #tpu.memory_space<hbm>>
    tpu.wait_indirect_dma semaphore(%arg10 : memref<!tpu.dma_semaphore, #tpu.memory_space<semaphore_mem>>) src(%dma_wait3A_874 : memref<10240x128xf32, #tpu.memory_space<hbm>>) dst(%arg7 : memref<128x128xf32, #tpu.memory_space<vmem>>)
    %dma_start3A_875 = arith.constant 44 : i32
    %dma_start3A_876 = arith.constant 0 : i32
    %dma_start3A_877 = tpu.memref_slice %arg6[%dma_start3A_875, %dma_start3A_876] : memref<80x128xi32, #tpu.memory_space<vmem>> -> memref<1x128xi32, #tpu.memory_space<vmem>>
    %dma_start3A_878 = tpu.memref_squeeze %dma_start3A_877 : memref<1x128xi32, #tpu.memory_space<vmem>> -> memref<128xi32, #tpu.memory_space<vmem>>
    %dma_start3A_879 = arith.constant 0 : i32
    %dma_start3A_880 = arith.constant 0 : i32
    %dma_start3A_881 = tpu.memref_slice %arg2[%dma_start3A_879, %dma_start3A_880] : memref<10240x128xf32, #tpu.memory_space<hbm>> -> memref<10240x128xf32, #tpu.memory_space<hbm>>
    tpu.enqueue_indirect_dma source(%dma_start3A_881 : memref<10240x128xf32, #tpu.memory_space<hbm>>) target(%arg7 : memref<128x128xf32, #tpu.memory_space<vmem>>) offsets(%dma_start3A_878 : memref<128xi32, #tpu.memory_space<vmem>>) semaphore(%arg10 : memref<!tpu.dma_semaphore, #tpu.memory_space<semaphore_mem>>)
    %dma_wait3A_882 = arith.constant 42 : i32
    %dma_wait3A_883 = arith.constant 0 : i32
    %dma_wait3A_884 = tpu.memref_slice %arg6[%dma_wait3A_882, %dma_wait3A_883] : memref<80x128xi32, #tpu.memory_space<vmem>> -> memref<1x128xi32, #tpu.memory_space<vmem>>
    %dma_wait3A_885 = tpu.memref_squeeze %dma_wait3A_884 : memref<1x128xi32, #tpu.memory_space<vmem>> -> memref<128xi32, #tpu.memory_space<vmem>>
    %dma_wait3A_886 = arith.constant 0 : i32
    %dma_wait3A_887 = arith.constant 0 : i32
    %dma_wait3A_888 = tpu.memref_slice %arg2[%dma_wait3A_886, %dma_wait3A_887] : memref<10240x128xf32, #tpu.memory_space<hbm>> -> memref<10240x128xf32, #tpu.memory_space<hbm>>
    tpu.wait_indirect_dma semaphore(%arg11 : memref<!tpu.dma_semaphore, #tpu.memory_space<semaphore_mem>>) src(%dma_wait3A_888 : memref<10240x128xf32, #tpu.memory_space<hbm>>) dst(%arg8 : memref<128x128xf32, #tpu.memory_space<vmem>>)
    %dma_start3A_889 = arith.constant 46 : i32
    %dma_start3A_890 = arith.constant 0 : i32
    %dma_start3A_891 = tpu.memref_slice %arg6[%dma_start3A_889, %dma_start3A_890] : memref<80x128xi32, #tpu.memory_space<vmem>> -> memref<1x128xi32, #tpu.memory_space<vmem>>
    %dma_start3A_892 = tpu.memref_squeeze %dma_start3A_891 : memref<1x128xi32, #tpu.memory_space<vmem>> -> memref<128xi32, #tpu.memory_space<vmem>>
    %dma_start3A_893 = arith.constant 0 : i32
    %dma_start3A_894 = arith.constant 0 : i32
    %dma_start3A_895 = tpu.memref_slice %arg2[%dma_start3A_893, %dma_start3A_894] : memref<10240x128xf32, #tpu.memory_space<hbm>> -> memref<10240x128xf32, #tpu.memory_space<hbm>>
    tpu.enqueue_indirect_dma source(%dma_start3A_895 : memref<10240x128xf32, #tpu.memory_space<hbm>>) target(%arg8 : memref<128x128xf32, #tpu.memory_space<vmem>>) offsets(%dma_start3A_892 : memref<128xi32, #tpu.memory_space<vmem>>) semaphore(%arg11 : memref<!tpu.dma_semaphore, #tpu.memory_space<semaphore_mem>>)
    %dma_wait3A_896 = arith.constant 44 : i32
    %dma_wait3A_897 = arith.constant 0 : i32
    %dma_wait3A_898 = tpu.memref_slice %arg6[%dma_wait3A_896, %dma_wait3A_897] : memref<80x128xi32, #tpu.memory_space<vmem>> -> memref<1x128xi32, #tpu.memory_space<vmem>>
    %dma_wait3A_899 = tpu.memref_squeeze %dma_wait3A_898 : memref<1x128xi32, #tpu.memory_space<vmem>> -> memref<128xi32, #tpu.memory_space<vmem>>
    %dma_wait3A_900 = arith.constant 0 : i32
    %dma_wait3A_901 = arith.constant 0 : i32
    %dma_wait3A_902 = tpu.memref_slice %arg2[%dma_wait3A_900, %dma_wait3A_901] : memref<10240x128xf32, #tpu.memory_space<hbm>> -> memref<10240x128xf32, #tpu.memory_space<hbm>>
    tpu.wait_indirect_dma semaphore(%arg10 : memref<!tpu.dma_semaphore, #tpu.memory_space<semaphore_mem>>) src(%dma_wait3A_902 : memref<10240x128xf32, #tpu.memory_space<hbm>>) dst(%arg7 : memref<128x128xf32, #tpu.memory_space<vmem>>)
    %dma_start3A_903 = arith.constant 48 : i32
    %dma_start3A_904 = arith.constant 0 : i32
    %dma_start3A_905 = tpu.memref_slice %arg6[%dma_start3A_903, %dma_start3A_904] : memref<80x128xi32, #tpu.memory_space<vmem>> -> memref<1x128xi32, #tpu.memory_space<vmem>>
    %dma_start3A_906 = tpu.memref_squeeze %dma_start3A_905 : memref<1x128xi32, #tpu.memory_space<vmem>> -> memref<128xi32, #tpu.memory_space<vmem>>
    %dma_start3A_907 = arith.constant 0 : i32
    %dma_start3A_908 = arith.constant 0 : i32
    %dma_start3A_909 = tpu.memref_slice %arg2[%dma_start3A_907, %dma_start3A_908] : memref<10240x128xf32, #tpu.memory_space<hbm>> -> memref<10240x128xf32, #tpu.memory_space<hbm>>
    tpu.enqueue_indirect_dma source(%dma_start3A_909 : memref<10240x128xf32, #tpu.memory_space<hbm>>) target(%arg7 : memref<128x128xf32, #tpu.memory_space<vmem>>) offsets(%dma_start3A_906 : memref<128xi32, #tpu.memory_space<vmem>>) semaphore(%arg10 : memref<!tpu.dma_semaphore, #tpu.memory_space<semaphore_mem>>)
    %dma_wait3A_910 = arith.constant 46 : i32
    %dma_wait3A_911 = arith.constant 0 : i32
    %dma_wait3A_912 = tpu.memref_slice %arg6[%dma_wait3A_910, %dma_wait3A_911] : memref<80x128xi32, #tpu.memory_space<vmem>> -> memref<1x128xi32, #tpu.memory_space<vmem>>
    %dma_wait3A_913 = tpu.memref_squeeze %dma_wait3A_912 : memref<1x128xi32, #tpu.memory_space<vmem>> -> memref<128xi32, #tpu.memory_space<vmem>>
    %dma_wait3A_914 = arith.constant 0 : i32
    %dma_wait3A_915 = arith.constant 0 : i32
    %dma_wait3A_916 = tpu.memref_slice %arg2[%dma_wait3A_914, %dma_wait3A_915] : memref<10240x128xf32, #tpu.memory_space<hbm>> -> memref<10240x128xf32, #tpu.memory_space<hbm>>
    tpu.wait_indirect_dma semaphore(%arg11 : memref<!tpu.dma_semaphore, #tpu.memory_space<semaphore_mem>>) src(%dma_wait3A_916 : memref<10240x128xf32, #tpu.memory_space<hbm>>) dst(%arg8 : memref<128x128xf32, #tpu.memory_space<vmem>>)
    %dma_start3A_917 = arith.constant 50 : i32
    %dma_start3A_918 = arith.constant 0 : i32
    %dma_start3A_919 = tpu.memref_slice %arg6[%dma_start3A_917, %dma_start3A_918] : memref<80x128xi32, #tpu.memory_space<vmem>> -> memref<1x128xi32, #tpu.memory_space<vmem>>
    %dma_start3A_920 = tpu.memref_squeeze %dma_start3A_919 : memref<1x128xi32, #tpu.memory_space<vmem>> -> memref<128xi32, #tpu.memory_space<vmem>>
    %dma_start3A_921 = arith.constant 0 : i32
    %dma_start3A_922 = arith.constant 0 : i32
    %dma_start3A_923 = tpu.memref_slice %arg2[%dma_start3A_921, %dma_start3A_922] : memref<10240x128xf32, #tpu.memory_space<hbm>> -> memref<10240x128xf32, #tpu.memory_space<hbm>>
    tpu.enqueue_indirect_dma source(%dma_start3A_923 : memref<10240x128xf32, #tpu.memory_space<hbm>>) target(%arg8 : memref<128x128xf32, #tpu.memory_space<vmem>>) offsets(%dma_start3A_920 : memref<128xi32, #tpu.memory_space<vmem>>) semaphore(%arg11 : memref<!tpu.dma_semaphore, #tpu.memory_space<semaphore_mem>>)
    %dma_wait3A_924 = arith.constant 48 : i32
    %dma_wait3A_925 = arith.constant 0 : i32
    %dma_wait3A_926 = tpu.memref_slice %arg6[%dma_wait3A_924, %dma_wait3A_925] : memref<80x128xi32, #tpu.memory_space<vmem>> -> memref<1x128xi32, #tpu.memory_space<vmem>>
    %dma_wait3A_927 = tpu.memref_squeeze %dma_wait3A_926 : memref<1x128xi32, #tpu.memory_space<vmem>> -> memref<128xi32, #tpu.memory_space<vmem>>
    %dma_wait3A_928 = arith.constant 0 : i32
    %dma_wait3A_929 = arith.constant 0 : i32
    %dma_wait3A_930 = tpu.memref_slice %arg2[%dma_wait3A_928, %dma_wait3A_929] : memref<10240x128xf32, #tpu.memory_space<hbm>> -> memref<10240x128xf32, #tpu.memory_space<hbm>>
    tpu.wait_indirect_dma semaphore(%arg10 : memref<!tpu.dma_semaphore, #tpu.memory_space<semaphore_mem>>) src(%dma_wait3A_930 : memref<10240x128xf32, #tpu.memory_space<hbm>>) dst(%arg7 : memref<128x128xf32, #tpu.memory_space<vmem>>)
    %dma_start3A_931 = arith.constant 52 : i32
    %dma_start3A_932 = arith.constant 0 : i32
    %dma_start3A_933 = tpu.memref_slice %arg6[%dma_start3A_931, %dma_start3A_932] : memref<80x128xi32, #tpu.memory_space<vmem>> -> memref<1x128xi32, #tpu.memory_space<vmem>>
    %dma_start3A_934 = tpu.memref_squeeze %dma_start3A_933 : memref<1x128xi32, #tpu.memory_space<vmem>> -> memref<128xi32, #tpu.memory_space<vmem>>
    %dma_start3A_935 = arith.constant 0 : i32
    %dma_start3A_936 = arith.constant 0 : i32
    %dma_start3A_937 = tpu.memref_slice %arg2[%dma_start3A_935, %dma_start3A_936] : memref<10240x128xf32, #tpu.memory_space<hbm>> -> memref<10240x128xf32, #tpu.memory_space<hbm>>
    tpu.enqueue_indirect_dma source(%dma_start3A_937 : memref<10240x128xf32, #tpu.memory_space<hbm>>) target(%arg7 : memref<128x128xf32, #tpu.memory_space<vmem>>) offsets(%dma_start3A_934 : memref<128xi32, #tpu.memory_space<vmem>>) semaphore(%arg10 : memref<!tpu.dma_semaphore, #tpu.memory_space<semaphore_mem>>)
    %dma_wait3A_938 = arith.constant 50 : i32
    %dma_wait3A_939 = arith.constant 0 : i32
    %dma_wait3A_940 = tpu.memref_slice %arg6[%dma_wait3A_938, %dma_wait3A_939] : memref<80x128xi32, #tpu.memory_space<vmem>> -> memref<1x128xi32, #tpu.memory_space<vmem>>
    %dma_wait3A_941 = tpu.memref_squeeze %dma_wait3A_940 : memref<1x128xi32, #tpu.memory_space<vmem>> -> memref<128xi32, #tpu.memory_space<vmem>>
    %dma_wait3A_942 = arith.constant 0 : i32
    %dma_wait3A_943 = arith.constant 0 : i32
    %dma_wait3A_944 = tpu.memref_slice %arg2[%dma_wait3A_942, %dma_wait3A_943] : memref<10240x128xf32, #tpu.memory_space<hbm>> -> memref<10240x128xf32, #tpu.memory_space<hbm>>
    tpu.wait_indirect_dma semaphore(%arg11 : memref<!tpu.dma_semaphore, #tpu.memory_space<semaphore_mem>>) src(%dma_wait3A_944 : memref<10240x128xf32, #tpu.memory_space<hbm>>) dst(%arg8 : memref<128x128xf32, #tpu.memory_space<vmem>>)
    %dma_start3A_945 = arith.constant 54 : i32
    %dma_start3A_946 = arith.constant 0 : i32
    %dma_start3A_947 = tpu.memref_slice %arg6[%dma_start3A_945, %dma_start3A_946] : memref<80x128xi32, #tpu.memory_space<vmem>> -> memref<1x128xi32, #tpu.memory_space<vmem>>
    %dma_start3A_948 = tpu.memref_squeeze %dma_start3A_947 : memref<1x128xi32, #tpu.memory_space<vmem>> -> memref<128xi32, #tpu.memory_space<vmem>>
    %dma_start3A_949 = arith.constant 0 : i32
    %dma_start3A_950 = arith.constant 0 : i32
    %dma_start3A_951 = tpu.memref_slice %arg2[%dma_start3A_949, %dma_start3A_950] : memref<10240x128xf32, #tpu.memory_space<hbm>> -> memref<10240x128xf32, #tpu.memory_space<hbm>>
    tpu.enqueue_indirect_dma source(%dma_start3A_951 : memref<10240x128xf32, #tpu.memory_space<hbm>>) target(%arg8 : memref<128x128xf32, #tpu.memory_space<vmem>>) offsets(%dma_start3A_948 : memref<128xi32, #tpu.memory_space<vmem>>) semaphore(%arg11 : memref<!tpu.dma_semaphore, #tpu.memory_space<semaphore_mem>>)
    %dma_wait3A_952 = arith.constant 52 : i32
    %dma_wait3A_953 = arith.constant 0 : i32
    %dma_wait3A_954 = tpu.memref_slice %arg6[%dma_wait3A_952, %dma_wait3A_953] : memref<80x128xi32, #tpu.memory_space<vmem>> -> memref<1x128xi32, #tpu.memory_space<vmem>>
    %dma_wait3A_955 = tpu.memref_squeeze %dma_wait3A_954 : memref<1x128xi32, #tpu.memory_space<vmem>> -> memref<128xi32, #tpu.memory_space<vmem>>
    %dma_wait3A_956 = arith.constant 0 : i32
    %dma_wait3A_957 = arith.constant 0 : i32
    %dma_wait3A_958 = tpu.memref_slice %arg2[%dma_wait3A_956, %dma_wait3A_957] : memref<10240x128xf32, #tpu.memory_space<hbm>> -> memref<10240x128xf32, #tpu.memory_space<hbm>>
    tpu.wait_indirect_dma semaphore(%arg10 : memref<!tpu.dma_semaphore, #tpu.memory_space<semaphore_mem>>) src(%dma_wait3A_958 : memref<10240x128xf32, #tpu.memory_space<hbm>>) dst(%arg7 : memref<128x128xf32, #tpu.memory_space<vmem>>)
    %dma_start3A_959 = arith.constant 56 : i32
    %dma_start3A_960 = arith.constant 0 : i32
    %dma_start3A_961 = tpu.memref_slice %arg6[%dma_start3A_959, %dma_start3A_960] : memref<80x128xi32, #tpu.memory_space<vmem>> -> memref<1x128xi32, #tpu.memory_space<vmem>>
    %dma_start3A_962 = tpu.memref_squeeze %dma_start3A_961 : memref<1x128xi32, #tpu.memory_space<vmem>> -> memref<128xi32, #tpu.memory_space<vmem>>
    %dma_start3A_963 = arith.constant 0 : i32
    %dma_start3A_964 = arith.constant 0 : i32
    %dma_start3A_965 = tpu.memref_slice %arg2[%dma_start3A_963, %dma_start3A_964] : memref<10240x128xf32, #tpu.memory_space<hbm>> -> memref<10240x128xf32, #tpu.memory_space<hbm>>
    tpu.enqueue_indirect_dma source(%dma_start3A_965 : memref<10240x128xf32, #tpu.memory_space<hbm>>) target(%arg7 : memref<128x128xf32, #tpu.memory_space<vmem>>) offsets(%dma_start3A_962 : memref<128xi32, #tpu.memory_space<vmem>>) semaphore(%arg10 : memref<!tpu.dma_semaphore, #tpu.memory_space<semaphore_mem>>)
    %dma_wait3A_966 = arith.constant 54 : i32
    %dma_wait3A_967 = arith.constant 0 : i32
    %dma_wait3A_968 = tpu.memref_slice %arg6[%dma_wait3A_966, %dma_wait3A_967] : memref<80x128xi32, #tpu.memory_space<vmem>> -> memref<1x128xi32, #tpu.memory_space<vmem>>
    %dma_wait3A_969 = tpu.memref_squeeze %dma_wait3A_968 : memref<1x128xi32, #tpu.memory_space<vmem>> -> memref<128xi32, #tpu.memory_space<vmem>>
    %dma_wait3A_970 = arith.constant 0 : i32
    %dma_wait3A_971 = arith.constant 0 : i32
    %dma_wait3A_972 = tpu.memref_slice %arg2[%dma_wait3A_970, %dma_wait3A_971] : memref<10240x128xf32, #tpu.memory_space<hbm>> -> memref<10240x128xf32, #tpu.memory_space<hbm>>
    tpu.wait_indirect_dma semaphore(%arg11 : memref<!tpu.dma_semaphore, #tpu.memory_space<semaphore_mem>>) src(%dma_wait3A_972 : memref<10240x128xf32, #tpu.memory_space<hbm>>) dst(%arg8 : memref<128x128xf32, #tpu.memory_space<vmem>>)
    %dma_start3A_973 = arith.constant 58 : i32
    %dma_start3A_974 = arith.constant 0 : i32
    %dma_start3A_975 = tpu.memref_slice %arg6[%dma_start3A_973, %dma_start3A_974] : memref<80x128xi32, #tpu.memory_space<vmem>> -> memref<1x128xi32, #tpu.memory_space<vmem>>
    %dma_start3A_976 = tpu.memref_squeeze %dma_start3A_975 : memref<1x128xi32, #tpu.memory_space<vmem>> -> memref<128xi32, #tpu.memory_space<vmem>>
    %dma_start3A_977 = arith.constant 0 : i32
    %dma_start3A_978 = arith.constant 0 : i32
    %dma_start3A_979 = tpu.memref_slice %arg2[%dma_start3A_977, %dma_start3A_978] : memref<10240x128xf32, #tpu.memory_space<hbm>> -> memref<10240x128xf32, #tpu.memory_space<hbm>>
    tpu.enqueue_indirect_dma source(%dma_start3A_979 : memref<10240x128xf32, #tpu.memory_space<hbm>>) target(%arg8 : memref<128x128xf32, #tpu.memory_space<vmem>>) offsets(%dma_start3A_976 : memref<128xi32, #tpu.memory_space<vmem>>) semaphore(%arg11 : memref<!tpu.dma_semaphore, #tpu.memory_space<semaphore_mem>>)
    %dma_wait3A_980 = arith.constant 56 : i32
    %dma_wait3A_981 = arith.constant 0 : i32
    %dma_wait3A_982 = tpu.memref_slice %arg6[%dma_wait3A_980, %dma_wait3A_981] : memref<80x128xi32, #tpu.memory_space<vmem>> -> memref<1x128xi32, #tpu.memory_space<vmem>>
    %dma_wait3A_983 = tpu.memref_squeeze %dma_wait3A_982 : memref<1x128xi32, #tpu.memory_space<vmem>> -> memref<128xi32, #tpu.memory_space<vmem>>
    %dma_wait3A_984 = arith.constant 0 : i32
    %dma_wait3A_985 = arith.constant 0 : i32
    %dma_wait3A_986 = tpu.memref_slice %arg2[%dma_wait3A_984, %dma_wait3A_985] : memref<10240x128xf32, #tpu.memory_space<hbm>> -> memref<10240x128xf32, #tpu.memory_space<hbm>>
    tpu.wait_indirect_dma semaphore(%arg10 : memref<!tpu.dma_semaphore, #tpu.memory_space<semaphore_mem>>) src(%dma_wait3A_986 : memref<10240x128xf32, #tpu.memory_space<hbm>>) dst(%arg7 : memref<128x128xf32, #tpu.memory_space<vmem>>)
    %dma_start3A_987 = arith.constant 60 : i32
    %dma_start3A_988 = arith.constant 0 : i32
    %dma_start3A_989 = tpu.memref_slice %arg6[%dma_start3A_987, %dma_start3A_988] : memref<80x128xi32, #tpu.memory_space<vmem>> -> memref<1x128xi32, #tpu.memory_space<vmem>>
    %dma_start3A_990 = tpu.memref_squeeze %dma_start3A_989 : memref<1x128xi32, #tpu.memory_space<vmem>> -> memref<128xi32, #tpu.memory_space<vmem>>
    %dma_start3A_991 = arith.constant 0 : i32
    %dma_start3A_992 = arith.constant 0 : i32
    %dma_start3A_993 = tpu.memref_slice %arg2[%dma_start3A_991, %dma_start3A_992] : memref<10240x128xf32, #tpu.memory_space<hbm>> -> memref<10240x128xf32, #tpu.memory_space<hbm>>
    tpu.enqueue_indirect_dma source(%dma_start3A_993 : memref<10240x128xf32, #tpu.memory_space<hbm>>) target(%arg7 : memref<128x128xf32, #tpu.memory_space<vmem>>) offsets(%dma_start3A_990 : memref<128xi32, #tpu.memory_space<vmem>>) semaphore(%arg10 : memref<!tpu.dma_semaphore, #tpu.memory_space<semaphore_mem>>)
    %dma_wait3A_994 = arith.constant 58 : i32
    %dma_wait3A_995 = arith.constant 0 : i32
    %dma_wait3A_996 = tpu.memref_slice %arg6[%dma_wait3A_994, %dma_wait3A_995] : memref<80x128xi32, #tpu.memory_space<vmem>> -> memref<1x128xi32, #tpu.memory_space<vmem>>
    %dma_wait3A_997 = tpu.memref_squeeze %dma_wait3A_996 : memref<1x128xi32, #tpu.memory_space<vmem>> -> memref<128xi32, #tpu.memory_space<vmem>>
    %dma_wait3A_998 = arith.constant 0 : i32
    %dma_wait3A_999 = arith.constant 0 : i32
    %dma_wait3A_1000 = tpu.memref_slice %arg2[%dma_wait3A_998, %dma_wait3A_999] : memref<10240x128xf32, #tpu.memory_space<hbm>> -> memref<10240x128xf32, #tpu.memory_space<hbm>>
    tpu.wait_indirect_dma semaphore(%arg11 : memref<!tpu.dma_semaphore, #tpu.memory_space<semaphore_mem>>) src(%dma_wait3A_1000 : memref<10240x128xf32, #tpu.memory_space<hbm>>) dst(%arg8 : memref<128x128xf32, #tpu.memory_space<vmem>>)
    %dma_start3A_1001 = arith.constant 62 : i32
    %dma_start3A_1002 = arith.constant 0 : i32
    %dma_start3A_1003 = tpu.memref_slice %arg6[%dma_start3A_1001, %dma_start3A_1002] : memref<80x128xi32, #tpu.memory_space<vmem>> -> memref<1x128xi32, #tpu.memory_space<vmem>>
    %dma_start3A_1004 = tpu.memref_squeeze %dma_start3A_1003 : memref<1x128xi32, #tpu.memory_space<vmem>> -> memref<128xi32, #tpu.memory_space<vmem>>
    %dma_start3A_1005 = arith.constant 0 : i32
    %dma_start3A_1006 = arith.constant 0 : i32
    %dma_start3A_1007 = tpu.memref_slice %arg2[%dma_start3A_1005, %dma_start3A_1006] : memref<10240x128xf32, #tpu.memory_space<hbm>> -> memref<10240x128xf32, #tpu.memory_space<hbm>>
    tpu.enqueue_indirect_dma source(%dma_start3A_1007 : memref<10240x128xf32, #tpu.memory_space<hbm>>) target(%arg8 : memref<128x128xf32, #tpu.memory_space<vmem>>) offsets(%dma_start3A_1004 : memref<128xi32, #tpu.memory_space<vmem>>) semaphore(%arg11 : memref<!tpu.dma_semaphore, #tpu.memory_space<semaphore_mem>>)
    %dma_wait3A_1008 = arith.constant 60 : i32
    %dma_wait3A_1009 = arith.constant 0 : i32
    %dma_wait3A_1010 = tpu.memref_slice %arg6[%dma_wait3A_1008, %dma_wait3A_1009] : memref<80x128xi32, #tpu.memory_space<vmem>> -> memref<1x128xi32, #tpu.memory_space<vmem>>
    %dma_wait3A_1011 = tpu.memref_squeeze %dma_wait3A_1010 : memref<1x128xi32, #tpu.memory_space<vmem>> -> memref<128xi32, #tpu.memory_space<vmem>>
    %dma_wait3A_1012 = arith.constant 0 : i32
    %dma_wait3A_1013 = arith.constant 0 : i32
    %dma_wait3A_1014 = tpu.memref_slice %arg2[%dma_wait3A_1012, %dma_wait3A_1013] : memref<10240x128xf32, #tpu.memory_space<hbm>> -> memref<10240x128xf32, #tpu.memory_space<hbm>>
    tpu.wait_indirect_dma semaphore(%arg10 : memref<!tpu.dma_semaphore, #tpu.memory_space<semaphore_mem>>) src(%dma_wait3A_1014 : memref<10240x128xf32, #tpu.memory_space<hbm>>) dst(%arg7 : memref<128x128xf32, #tpu.memory_space<vmem>>)
    %dma_start3A_1015 = arith.constant 64 : i32
    %dma_start3A_1016 = arith.constant 0 : i32
    %dma_start3A_1017 = tpu.memref_slice %arg6[%dma_start3A_1015, %dma_start3A_1016] : memref<80x128xi32, #tpu.memory_space<vmem>> -> memref<1x128xi32, #tpu.memory_space<vmem>>
    %dma_start3A_1018 = tpu.memref_squeeze %dma_start3A_1017 : memref<1x128xi32, #tpu.memory_space<vmem>> -> memref<128xi32, #tpu.memory_space<vmem>>
    %dma_start3A_1019 = arith.constant 0 : i32
    %dma_start3A_1020 = arith.constant 0 : i32
    %dma_start3A_1021 = tpu.memref_slice %arg2[%dma_start3A_1019, %dma_start3A_1020] : memref<10240x128xf32, #tpu.memory_space<hbm>> -> memref<10240x128xf32, #tpu.memory_space<hbm>>
    tpu.enqueue_indirect_dma source(%dma_start3A_1021 : memref<10240x128xf32, #tpu.memory_space<hbm>>) target(%arg7 : memref<128x128xf32, #tpu.memory_space<vmem>>) offsets(%dma_start3A_1018 : memref<128xi32, #tpu.memory_space<vmem>>) semaphore(%arg10 : memref<!tpu.dma_semaphore, #tpu.memory_space<semaphore_mem>>)
    %dma_wait3A_1022 = arith.constant 62 : i32
    %dma_wait3A_1023 = arith.constant 0 : i32
    %dma_wait3A_1024 = tpu.memref_slice %arg6[%dma_wait3A_1022, %dma_wait3A_1023] : memref<80x128xi32, #tpu.memory_space<vmem>> -> memref<1x128xi32, #tpu.memory_space<vmem>>
    %dma_wait3A_1025 = tpu.memref_squeeze %dma_wait3A_1024 : memref<1x128xi32, #tpu.memory_space<vmem>> -> memref<128xi32, #tpu.memory_space<vmem>>
    %dma_wait3A_1026 = arith.constant 0 : i32
    %dma_wait3A_1027 = arith.constant 0 : i32
    %dma_wait3A_1028 = tpu.memref_slice %arg2[%dma_wait3A_1026, %dma_wait3A_1027] : memref<10240x128xf32, #tpu.memory_space<hbm>> -> memref<10240x128xf32, #tpu.memory_space<hbm>>
    tpu.wait_indirect_dma semaphore(%arg11 : memref<!tpu.dma_semaphore, #tpu.memory_space<semaphore_mem>>) src(%dma_wait3A_1028 : memref<10240x128xf32, #tpu.memory_space<hbm>>) dst(%arg8 : memref<128x128xf32, #tpu.memory_space<vmem>>)
    %dma_start3A_1029 = arith.constant 66 : i32
    %dma_start3A_1030 = arith.constant 0 : i32
    %dma_start3A_1031 = tpu.memref_slice %arg6[%dma_start3A_1029, %dma_start3A_1030] : memref<80x128xi32, #tpu.memory_space<vmem>> -> memref<1x128xi32, #tpu.memory_space<vmem>>
    %dma_start3A_1032 = tpu.memref_squeeze %dma_start3A_1031 : memref<1x128xi32, #tpu.memory_space<vmem>> -> memref<128xi32, #tpu.memory_space<vmem>>
    %dma_start3A_1033 = arith.constant 0 : i32
    %dma_start3A_1034 = arith.constant 0 : i32
    %dma_start3A_1035 = tpu.memref_slice %arg2[%dma_start3A_1033, %dma_start3A_1034] : memref<10240x128xf32, #tpu.memory_space<hbm>> -> memref<10240x128xf32, #tpu.memory_space<hbm>>
    tpu.enqueue_indirect_dma source(%dma_start3A_1035 : memref<10240x128xf32, #tpu.memory_space<hbm>>) target(%arg8 : memref<128x128xf32, #tpu.memory_space<vmem>>) offsets(%dma_start3A_1032 : memref<128xi32, #tpu.memory_space<vmem>>) semaphore(%arg11 : memref<!tpu.dma_semaphore, #tpu.memory_space<semaphore_mem>>)
    %dma_wait3A_1036 = arith.constant 64 : i32
    %dma_wait3A_1037 = arith.constant 0 : i32
    %dma_wait3A_1038 = tpu.memref_slice %arg6[%dma_wait3A_1036, %dma_wait3A_1037] : memref<80x128xi32, #tpu.memory_space<vmem>> -> memref<1x128xi32, #tpu.memory_space<vmem>>
    %dma_wait3A_1039 = tpu.memref_squeeze %dma_wait3A_1038 : memref<1x128xi32, #tpu.memory_space<vmem>> -> memref<128xi32, #tpu.memory_space<vmem>>
    %dma_wait3A_1040 = arith.constant 0 : i32
    %dma_wait3A_1041 = arith.constant 0 : i32
    %dma_wait3A_1042 = tpu.memref_slice %arg2[%dma_wait3A_1040, %dma_wait3A_1041] : memref<10240x128xf32, #tpu.memory_space<hbm>> -> memref<10240x128xf32, #tpu.memory_space<hbm>>
    tpu.wait_indirect_dma semaphore(%arg10 : memref<!tpu.dma_semaphore, #tpu.memory_space<semaphore_mem>>) src(%dma_wait3A_1042 : memref<10240x128xf32, #tpu.memory_space<hbm>>) dst(%arg7 : memref<128x128xf32, #tpu.memory_space<vmem>>)
    %dma_start3A_1043 = arith.constant 68 : i32
    %dma_start3A_1044 = arith.constant 0 : i32
    %dma_start3A_1045 = tpu.memref_slice %arg6[%dma_start3A_1043, %dma_start3A_1044] : memref<80x128xi32, #tpu.memory_space<vmem>> -> memref<1x128xi32, #tpu.memory_space<vmem>>
    %dma_start3A_1046 = tpu.memref_squeeze %dma_start3A_1045 : memref<1x128xi32, #tpu.memory_space<vmem>> -> memref<128xi32, #tpu.memory_space<vmem>>
    %dma_start3A_1047 = arith.constant 0 : i32
    %dma_start3A_1048 = arith.constant 0 : i32
    %dma_start3A_1049 = tpu.memref_slice %arg2[%dma_start3A_1047, %dma_start3A_1048] : memref<10240x128xf32, #tpu.memory_space<hbm>> -> memref<10240x128xf32, #tpu.memory_space<hbm>>
    tpu.enqueue_indirect_dma source(%dma_start3A_1049 : memref<10240x128xf32, #tpu.memory_space<hbm>>) target(%arg7 : memref<128x128xf32, #tpu.memory_space<vmem>>) offsets(%dma_start3A_1046 : memref<128xi32, #tpu.memory_space<vmem>>) semaphore(%arg10 : memref<!tpu.dma_semaphore, #tpu.memory_space<semaphore_mem>>)
    %dma_wait3A_1050 = arith.constant 66 : i32
    %dma_wait3A_1051 = arith.constant 0 : i32
    %dma_wait3A_1052 = tpu.memref_slice %arg6[%dma_wait3A_1050, %dma_wait3A_1051] : memref<80x128xi32, #tpu.memory_space<vmem>> -> memref<1x128xi32, #tpu.memory_space<vmem>>
    %dma_wait3A_1053 = tpu.memref_squeeze %dma_wait3A_1052 : memref<1x128xi32, #tpu.memory_space<vmem>> -> memref<128xi32, #tpu.memory_space<vmem>>
    %dma_wait3A_1054 = arith.constant 0 : i32
    %dma_wait3A_1055 = arith.constant 0 : i32
    %dma_wait3A_1056 = tpu.memref_slice %arg2[%dma_wait3A_1054, %dma_wait3A_1055] : memref<10240x128xf32, #tpu.memory_space<hbm>> -> memref<10240x128xf32, #tpu.memory_space<hbm>>
    tpu.wait_indirect_dma semaphore(%arg11 : memref<!tpu.dma_semaphore, #tpu.memory_space<semaphore_mem>>) src(%dma_wait3A_1056 : memref<10240x128xf32, #tpu.memory_space<hbm>>) dst(%arg8 : memref<128x128xf32, #tpu.memory_space<vmem>>)
    %dma_start3A_1057 = arith.constant 70 : i32
    %dma_start3A_1058 = arith.constant 0 : i32
    %dma_start3A_1059 = tpu.memref_slice %arg6[%dma_start3A_1057, %dma_start3A_1058] : memref<80x128xi32, #tpu.memory_space<vmem>> -> memref<1x128xi32, #tpu.memory_space<vmem>>
    %dma_start3A_1060 = tpu.memref_squeeze %dma_start3A_1059 : memref<1x128xi32, #tpu.memory_space<vmem>> -> memref<128xi32, #tpu.memory_space<vmem>>
    %dma_start3A_1061 = arith.constant 0 : i32
    %dma_start3A_1062 = arith.constant 0 : i32
    %dma_start3A_1063 = tpu.memref_slice %arg2[%dma_start3A_1061, %dma_start3A_1062] : memref<10240x128xf32, #tpu.memory_space<hbm>> -> memref<10240x128xf32, #tpu.memory_space<hbm>>
    tpu.enqueue_indirect_dma source(%dma_start3A_1063 : memref<10240x128xf32, #tpu.memory_space<hbm>>) target(%arg8 : memref<128x128xf32, #tpu.memory_space<vmem>>) offsets(%dma_start3A_1060 : memref<128xi32, #tpu.memory_space<vmem>>) semaphore(%arg11 : memref<!tpu.dma_semaphore, #tpu.memory_space<semaphore_mem>>)
    %dma_wait3A_1064 = arith.constant 68 : i32
    %dma_wait3A_1065 = arith.constant 0 : i32
    %dma_wait3A_1066 = tpu.memref_slice %arg6[%dma_wait3A_1064, %dma_wait3A_1065] : memref<80x128xi32, #tpu.memory_space<vmem>> -> memref<1x128xi32, #tpu.memory_space<vmem>>
    %dma_wait3A_1067 = tpu.memref_squeeze %dma_wait3A_1066 : memref<1x128xi32, #tpu.memory_space<vmem>> -> memref<128xi32, #tpu.memory_space<vmem>>
    %dma_wait3A_1068 = arith.constant 0 : i32
    %dma_wait3A_1069 = arith.constant 0 : i32
    %dma_wait3A_1070 = tpu.memref_slice %arg2[%dma_wait3A_1068, %dma_wait3A_1069] : memref<10240x128xf32, #tpu.memory_space<hbm>> -> memref<10240x128xf32, #tpu.memory_space<hbm>>
    tpu.wait_indirect_dma semaphore(%arg10 : memref<!tpu.dma_semaphore, #tpu.memory_space<semaphore_mem>>) src(%dma_wait3A_1070 : memref<10240x128xf32, #tpu.memory_space<hbm>>) dst(%arg7 : memref<128x128xf32, #tpu.memory_space<vmem>>)
    %dma_start3A_1071 = arith.constant 72 : i32
    %dma_start3A_1072 = arith.constant 0 : i32
    %dma_start3A_1073 = tpu.memref_slice %arg6[%dma_start3A_1071, %dma_start3A_1072] : memref<80x128xi32, #tpu.memory_space<vmem>> -> memref<1x128xi32, #tpu.memory_space<vmem>>
    %dma_start3A_1074 = tpu.memref_squeeze %dma_start3A_1073 : memref<1x128xi32, #tpu.memory_space<vmem>> -> memref<128xi32, #tpu.memory_space<vmem>>
    %dma_start3A_1075 = arith.constant 0 : i32
    %dma_start3A_1076 = arith.constant 0 : i32
    %dma_start3A_1077 = tpu.memref_slice %arg2[%dma_start3A_1075, %dma_start3A_1076] : memref<10240x128xf32, #tpu.memory_space<hbm>> -> memref<10240x128xf32, #tpu.memory_space<hbm>>
    tpu.enqueue_indirect_dma source(%dma_start3A_1077 : memref<10240x128xf32, #tpu.memory_space<hbm>>) target(%arg7 : memref<128x128xf32, #tpu.memory_space<vmem>>) offsets(%dma_start3A_1074 : memref<128xi32, #tpu.memory_space<vmem>>) semaphore(%arg10 : memref<!tpu.dma_semaphore, #tpu.memory_space<semaphore_mem>>)
    %dma_wait3A_1078 = arith.constant 70 : i32
    %dma_wait3A_1079 = arith.constant 0 : i32
    %dma_wait3A_1080 = tpu.memref_slice %arg6[%dma_wait3A_1078, %dma_wait3A_1079] : memref<80x128xi32, #tpu.memory_space<vmem>> -> memref<1x128xi32, #tpu.memory_space<vmem>>
    %dma_wait3A_1081 = tpu.memref_squeeze %dma_wait3A_1080 : memref<1x128xi32, #tpu.memory_space<vmem>> -> memref<128xi32, #tpu.memory_space<vmem>>
    %dma_wait3A_1082 = arith.constant 0 : i32
    %dma_wait3A_1083 = arith.constant 0 : i32
    %dma_wait3A_1084 = tpu.memref_slice %arg2[%dma_wait3A_1082, %dma_wait3A_1083] : memref<10240x128xf32, #tpu.memory_space<hbm>> -> memref<10240x128xf32, #tpu.memory_space<hbm>>
    tpu.wait_indirect_dma semaphore(%arg11 : memref<!tpu.dma_semaphore, #tpu.memory_space<semaphore_mem>>) src(%dma_wait3A_1084 : memref<10240x128xf32, #tpu.memory_space<hbm>>) dst(%arg8 : memref<128x128xf32, #tpu.memory_space<vmem>>)
    %dma_start3A_1085 = arith.constant 74 : i32
    %dma_start3A_1086 = arith.constant 0 : i32
    %dma_start3A_1087 = tpu.memref_slice %arg6[%dma_start3A_1085, %dma_start3A_1086] : memref<80x128xi32, #tpu.memory_space<vmem>> -> memref<1x128xi32, #tpu.memory_space<vmem>>
    %dma_start3A_1088 = tpu.memref_squeeze %dma_start3A_1087 : memref<1x128xi32, #tpu.memory_space<vmem>> -> memref<128xi32, #tpu.memory_space<vmem>>
    %dma_start3A_1089 = arith.constant 0 : i32
    %dma_start3A_1090 = arith.constant 0 : i32
    %dma_start3A_1091 = tpu.memref_slice %arg2[%dma_start3A_1089, %dma_start3A_1090] : memref<10240x128xf32, #tpu.memory_space<hbm>> -> memref<10240x128xf32, #tpu.memory_space<hbm>>
    tpu.enqueue_indirect_dma source(%dma_start3A_1091 : memref<10240x128xf32, #tpu.memory_space<hbm>>) target(%arg8 : memref<128x128xf32, #tpu.memory_space<vmem>>) offsets(%dma_start3A_1088 : memref<128xi32, #tpu.memory_space<vmem>>) semaphore(%arg11 : memref<!tpu.dma_semaphore, #tpu.memory_space<semaphore_mem>>)
    %dma_wait3A_1092 = arith.constant 72 : i32
    %dma_wait3A_1093 = arith.constant 0 : i32
    %dma_wait3A_1094 = tpu.memref_slice %arg6[%dma_wait3A_1092, %dma_wait3A_1093] : memref<80x128xi32, #tpu.memory_space<vmem>> -> memref<1x128xi32, #tpu.memory_space<vmem>>
    %dma_wait3A_1095 = tpu.memref_squeeze %dma_wait3A_1094 : memref<1x128xi32, #tpu.memory_space<vmem>> -> memref<128xi32, #tpu.memory_space<vmem>>
    %dma_wait3A_1096 = arith.constant 0 : i32
    %dma_wait3A_1097 = arith.constant 0 : i32
    %dma_wait3A_1098 = tpu.memref_slice %arg2[%dma_wait3A_1096, %dma_wait3A_1097] : memref<10240x128xf32, #tpu.memory_space<hbm>> -> memref<10240x128xf32, #tpu.memory_space<hbm>>
    tpu.wait_indirect_dma semaphore(%arg10 : memref<!tpu.dma_semaphore, #tpu.memory_space<semaphore_mem>>) src(%dma_wait3A_1098 : memref<10240x128xf32, #tpu.memory_space<hbm>>) dst(%arg7 : memref<128x128xf32, #tpu.memory_space<vmem>>)
    %dma_start3A_1099 = arith.constant 76 : i32
    %dma_start3A_1100 = arith.constant 0 : i32
    %dma_start3A_1101 = tpu.memref_slice %arg6[%dma_start3A_1099, %dma_start3A_1100] : memref<80x128xi32, #tpu.memory_space<vmem>> -> memref<1x128xi32, #tpu.memory_space<vmem>>
    %dma_start3A_1102 = tpu.memref_squeeze %dma_start3A_1101 : memref<1x128xi32, #tpu.memory_space<vmem>> -> memref<128xi32, #tpu.memory_space<vmem>>
    %dma_start3A_1103 = arith.constant 0 : i32
    %dma_start3A_1104 = arith.constant 0 : i32
    %dma_start3A_1105 = tpu.memref_slice %arg2[%dma_start3A_1103, %dma_start3A_1104] : memref<10240x128xf32, #tpu.memory_space<hbm>> -> memref<10240x128xf32, #tpu.memory_space<hbm>>
    tpu.enqueue_indirect_dma source(%dma_start3A_1105 : memref<10240x128xf32, #tpu.memory_space<hbm>>) target(%arg7 : memref<128x128xf32, #tpu.memory_space<vmem>>) offsets(%dma_start3A_1102 : memref<128xi32, #tpu.memory_space<vmem>>) semaphore(%arg10 : memref<!tpu.dma_semaphore, #tpu.memory_space<semaphore_mem>>)
    %dma_wait3A_1106 = arith.constant 74 : i32
    %dma_wait3A_1107 = arith.constant 0 : i32
    %dma_wait3A_1108 = tpu.memref_slice %arg6[%dma_wait3A_1106, %dma_wait3A_1107] : memref<80x128xi32, #tpu.memory_space<vmem>> -> memref<1x128xi32, #tpu.memory_space<vmem>>
    %dma_wait3A_1109 = tpu.memref_squeeze %dma_wait3A_1108 : memref<1x128xi32, #tpu.memory_space<vmem>> -> memref<128xi32, #tpu.memory_space<vmem>>
    %dma_wait3A_1110 = arith.constant 0 : i32
    %dma_wait3A_1111 = arith.constant 0 : i32
    %dma_wait3A_1112 = tpu.memref_slice %arg2[%dma_wait3A_1110, %dma_wait3A_1111] : memref<10240x128xf32, #tpu.memory_space<hbm>> -> memref<10240x128xf32, #tpu.memory_space<hbm>>
    tpu.wait_indirect_dma semaphore(%arg11 : memref<!tpu.dma_semaphore, #tpu.memory_space<semaphore_mem>>) src(%dma_wait3A_1112 : memref<10240x128xf32, #tpu.memory_space<hbm>>) dst(%arg8 : memref<128x128xf32, #tpu.memory_space<vmem>>)
    %dma_start3A_1113 = arith.constant 78 : i32
    %dma_start3A_1114 = arith.constant 0 : i32
    %dma_start3A_1115 = tpu.memref_slice %arg6[%dma_start3A_1113, %dma_start3A_1114] : memref<80x128xi32, #tpu.memory_space<vmem>> -> memref<1x128xi32, #tpu.memory_space<vmem>>
    %dma_start3A_1116 = tpu.memref_squeeze %dma_start3A_1115 : memref<1x128xi32, #tpu.memory_space<vmem>> -> memref<128xi32, #tpu.memory_space<vmem>>
    %dma_start3A_1117 = arith.constant 0 : i32
    %dma_start3A_1118 = arith.constant 0 : i32
    %dma_start3A_1119 = tpu.memref_slice %arg2[%dma_start3A_1117, %dma_start3A_1118] : memref<10240x128xf32, #tpu.memory_space<hbm>> -> memref<10240x128xf32, #tpu.memory_space<hbm>>
    tpu.enqueue_indirect_dma source(%dma_start3A_1119 : memref<10240x128xf32, #tpu.memory_space<hbm>>) target(%arg8 : memref<128x128xf32, #tpu.memory_space<vmem>>) offsets(%dma_start3A_1116 : memref<128xi32, #tpu.memory_space<vmem>>) semaphore(%arg11 : memref<!tpu.dma_semaphore, #tpu.memory_space<semaphore_mem>>)
    %dma_wait3A_1120 = arith.constant 76 : i32
    %dma_wait3A_1121 = arith.constant 0 : i32
    %dma_wait3A_1122 = tpu.memref_slice %arg6[%dma_wait3A_1120, %dma_wait3A_1121] : memref<80x128xi32, #tpu.memory_space<vmem>> -> memref<1x128xi32, #tpu.memory_space<vmem>>
    %dma_wait3A_1123 = tpu.memref_squeeze %dma_wait3A_1122 : memref<1x128xi32, #tpu.memory_space<vmem>> -> memref<128xi32, #tpu.memory_space<vmem>>
    %dma_wait3A_1124 = arith.constant 0 : i32
    %dma_wait3A_1125 = arith.constant 0 : i32
    %dma_wait3A_1126 = tpu.memref_slice %arg2[%dma_wait3A_1124, %dma_wait3A_1125] : memref<10240x128xf32, #tpu.memory_space<hbm>> -> memref<10240x128xf32, #tpu.memory_space<hbm>>
    tpu.wait_indirect_dma semaphore(%arg10 : memref<!tpu.dma_semaphore, #tpu.memory_space<semaphore_mem>>) src(%dma_wait3A_1126 : memref<10240x128xf32, #tpu.memory_space<hbm>>) dst(%arg7 : memref<128x128xf32, #tpu.memory_space<vmem>>)
    %dma_wait3A_1127 = arith.constant 78 : i32
    %dma_wait3A_1128 = arith.constant 0 : i32
    %dma_wait3A_1129 = tpu.memref_slice %arg6[%dma_wait3A_1127, %dma_wait3A_1128] : memref<80x128xi32, #tpu.memory_space<vmem>> -> memref<1x128xi32, #tpu.memory_space<vmem>>
    %dma_wait3A_1130 = tpu.memref_squeeze %dma_wait3A_1129 : memref<1x128xi32, #tpu.memory_space<vmem>> -> memref<128xi32, #tpu.memory_space<vmem>>
    %dma_wait3A_1131 = arith.constant 0 : i32
    %dma_wait3A_1132 = arith.constant 0 : i32
    %dma_wait3A_1133 = tpu.memref_slice %arg2[%dma_wait3A_1131, %dma_wait3A_1132] : memref<10240x128xf32, #tpu.memory_space<hbm>> -> memref<10240x128xf32, #tpu.memory_space<hbm>>
    tpu.wait_indirect_dma semaphore(%arg11 : memref<!tpu.dma_semaphore, #tpu.memory_space<semaphore_mem>>) src(%dma_wait3A_1133 : memref<10240x128xf32, #tpu.memory_space<hbm>>) dst(%arg8 : memref<128x128xf32, #tpu.memory_space<vmem>>)
    %barrier3A_1134 = arith.constant 0 : index
    tpu.barrier barrier_id(%barrier3A_1134)
    %mul3A_1135 = arith.constant 640 : i32
    %mul3A_1136 = arith.muli %arg1, %mul3A_1135 : i32
    %mul3A_1137 = arith.constant 640 : i32
    %mul3A_1138 = arith.muli %arg1, %mul3A_1137 : i32
    "tpu.region"() ({
      %run_scoped3A_1139 = tpu.sem_alloc : memref<!tpu.dma_semaphore, #tpu.memory_space<semaphore_mem>>
      %dma_start3A_1140 = arith.constant 0 : i32
      %dma_start3A_1141 = tpu.memref_slice %arg5[%arg0, %mul3A_1138, %dma_start3A_1140] : memref<2x10240x128xf32, #tpu.memory_space<hbm>> -> memref<1x640x128xf32, #tpu.memory_space<hbm>>
      %dma_start3A_1142 = tpu.memref_squeeze %dma_start3A_1141 : memref<1x640x128xf32, #tpu.memory_space<hbm>> -> memref<640x128xf32, #tpu.memory_space<hbm>>
      %dma_start3A_1143 = arith.constant 0 : i32
      %dma_start3A_1144 = tpu.memref_slice %arg9[%mul3A_1136, %dma_start3A_1143] : memref<10240x128xf32, #tpu.memory_space<vmem_shared>> -> memref<640x128xf32, #tpu.memory_space<vmem_shared>>
      tpu.enqueue_dma source(%dma_start3A_1144 : memref<640x128xf32, #tpu.memory_space<vmem_shared>>) target(%dma_start3A_1142 : memref<640x128xf32, #tpu.memory_space<hbm>>) target_semaphore(%run_scoped3A_1139 : memref<!tpu.dma_semaphore, #tpu.memory_space<semaphore_mem>>)
      %dma_wait3A_1145 = arith.constant 0 : i32
      %dma_wait3A_1146 = tpu.memref_slice %arg5[%arg0, %mul3A_1138, %dma_wait3A_1145] : memref<2x10240x128xf32, #tpu.memory_space<hbm>> -> memref<1x640x128xf32, #tpu.memory_space<hbm>>
      %dma_wait3A_1147 = tpu.memref_squeeze %dma_wait3A_1146 : memref<1x640x128xf32, #tpu.memory_space<hbm>> -> memref<640x128xf32, #tpu.memory_space<hbm>>
      %dma_wait3A_1148 = arith.constant 0 : i32
      %dma_wait3A_1149 = tpu.memref_slice %arg9[%mul3A_1136, %dma_wait3A_1148] : memref<10240x128xf32, #tpu.memory_space<vmem_shared>> -> memref<640x128xf32, #tpu.memory_space<vmem_shared>>
      tpu.wait_dma2 semaphore(%run_scoped3A_1139 : memref<!tpu.dma_semaphore, #tpu.memory_space<semaphore_mem>>) src(%dma_wait3A_1149 : memref<640x128xf32, #tpu.memory_space<vmem_shared>>) dst(%dma_wait3A_1147 : memref<640x128xf32, #tpu.memory_space<hbm>>)
      tpu.yield
    }) : () -> ()
    return
  }
}

#map = affine_map<(d0, d1) -> (0, 0)>
#map1 = affine_map<(d0, d1) -> (0, 0, 0)>
module attributes {stable_mosaic.version = 14 : i64} {
  func.func @_deg_body(%arg0: i32, %arg1: i32, %arg2: memref<2560x128xi32, #tpu.memory_space<hbm>>, %arg3: memref<640x16xf32, #tpu.memory_space<hbm>>, %arg4: memref<128x16xf32, #tpu.memory_space<hbm>>, %arg5: memref<2x10240x16xf32, #tpu.memory_space<hbm>>, %arg6: memref<128xi32, #tpu.memory_space<vmem>>, %arg7: memref<128x16xf32, #tpu.memory_space<vmem>>, %arg8: memref<10240x16xf32, #tpu.memory_space<vmem_shared>>) attributes {dimension_semantics = [#tpu.dimension_semantics<core_parallel>, #tpu.dimension_semantics<subcore_parallel>], iteration_bounds = array<i64: 2, 16>, scalar_prefetch = 0 : i64, scratch_operands = 3 : i64, tpu.core_type = #tpu.core_type<sc_vector_subcore>, window_params = [{transform_indices = #map}, {transform_indices = #map}, {transform_indices = #map}, {transform_indices = #map1}]} {
    %mul3A = arith.constant 16 : i32
    %mul3A_0 = arith.muli %arg0, %mul3A : i32
    %add3A = arith.addi %mul3A_0, %arg1 : i32
    %mul3A_1 = arith.constant 640 : i32
    %mul3A_2 = arith.muli %arg1, %mul3A_1 : i32
    "tpu.region"() ({
      %run_scoped3A = tpu.sem_alloc : memref<!tpu.dma_semaphore, #tpu.memory_space<semaphore_mem>>
      %dma_start3A = arith.constant 0 : i32
      %dma_start3A_13 = tpu.memref_slice %arg8[%mul3A_2, %dma_start3A] : memref<10240x16xf32, #tpu.memory_space<vmem_shared>> -> memref<640x16xf32, #tpu.memory_space<vmem_shared>>
      tpu.enqueue_dma source(%arg3 : memref<640x16xf32, #tpu.memory_space<hbm>>) target(%dma_start3A_13 : memref<640x16xf32, #tpu.memory_space<vmem_shared>>) target_semaphore(%run_scoped3A : memref<!tpu.dma_semaphore, #tpu.memory_space<semaphore_mem>>)
      %dma_wait3A = arith.constant 0 : i32
      %dma_wait3A_14 = tpu.memref_slice %arg8[%mul3A_2, %dma_wait3A] : memref<10240x16xf32, #tpu.memory_space<vmem_shared>> -> memref<640x16xf32, #tpu.memory_space<vmem_shared>>
      tpu.wait_dma2 semaphore(%run_scoped3A : memref<!tpu.dma_semaphore, #tpu.memory_space<semaphore_mem>>) src(%arg3 : memref<640x16xf32, #tpu.memory_space<hbm>>) dst(%dma_wait3A_14 : memref<640x16xf32, #tpu.memory_space<vmem_shared>>)
      tpu.yield
    }) : () -> ()
    "tpu.region"() ({
      %run_scoped3A = tpu.sem_alloc : memref<!tpu.dma_semaphore, #tpu.memory_space<semaphore_mem>>
      tpu.enqueue_dma source(%arg4 : memref<128x16xf32, #tpu.memory_space<hbm>>) target(%arg7 : memref<128x16xf32, #tpu.memory_space<vmem>>) target_semaphore(%run_scoped3A : memref<!tpu.dma_semaphore, #tpu.memory_space<semaphore_mem>>)
      tpu.wait_dma2 semaphore(%run_scoped3A : memref<!tpu.dma_semaphore, #tpu.memory_space<semaphore_mem>>) src(%arg4 : memref<128x16xf32, #tpu.memory_space<hbm>>) dst(%arg7 : memref<128x16xf32, #tpu.memory_space<vmem>>)
      tpu.yield
    }) : () -> ()
    %barrier3A = arith.constant 0 : index
    tpu.barrier barrier_id(%barrier3A)
    %scan3A = arith.constant 0 : i32
    %scan3A_3 = arith.constant 0 : i32
    %scan3A_4 = arith.constant 80 : i32
    %scan3A_5 = arith.addi %scan3A_3, %scan3A_4 : i32
    %scan3A_6 = arith.constant 1 : i32
    scf.for %scan3A_13 = %scan3A_3 to %scan3A_5 step %scan3A_6  : i32 {
      %mul3A_14 = arith.constant 80 : i32
      %mul3A_15 = arith.muli %add3A, %mul3A_14 : i32
      %add3A_16 = arith.addi %mul3A_15, %scan3A_13 : i32
      "tpu.region"() ({
        %run_scoped3A = tpu.sem_alloc : memref<!tpu.dma_semaphore, #tpu.memory_space<semaphore_mem>>
        %dma_start3A = arith.constant 0 : i32
        %dma_start3A_17 = tpu.memref_slice %arg2[%add3A_16, %dma_start3A] : memref<2560x128xi32, #tpu.memory_space<hbm>> -> memref<1x128xi32, #tpu.memory_space<hbm>>
        %dma_start3A_18 = tpu.memref_squeeze %dma_start3A_17 : memref<1x128xi32, #tpu.memory_space<hbm>> -> memref<128xi32, #tpu.memory_space<hbm>>
        %dma_start3A_19 = arith.constant 0 : i32
        %dma_start3A_20 = tpu.memref_slice %arg2[%add3A_16, %dma_start3A_19] : memref<2560x128xi32, #tpu.memory_space<hbm>> -> memref<1x128xi32, #tpu.memory_space<hbm>>
        %dma_start3A_21 = tpu.memref_squeeze %dma_start3A_20 : memref<1x128xi32, #tpu.memory_space<hbm>> -> memref<128xi32, #tpu.memory_space<hbm>>
        tpu.enqueue_dma source(%dma_start3A_21 : memref<128xi32, #tpu.memory_space<hbm>>) target(%arg6 : memref<128xi32, #tpu.memory_space<vmem>>) target_semaphore(%run_scoped3A : memref<!tpu.dma_semaphore, #tpu.memory_space<semaphore_mem>>)
        %dma_wait3A = arith.constant 0 : i32
        %dma_wait3A_22 = tpu.memref_slice %arg2[%add3A_16, %dma_wait3A] : memref<2560x128xi32, #tpu.memory_space<hbm>> -> memref<1x128xi32, #tpu.memory_space<hbm>>
        %dma_wait3A_23 = tpu.memref_squeeze %dma_wait3A_22 : memref<1x128xi32, #tpu.memory_space<hbm>> -> memref<128xi32, #tpu.memory_space<hbm>>
        %dma_wait3A_24 = arith.constant 0 : i32
        %dma_wait3A_25 = tpu.memref_slice %arg2[%add3A_16, %dma_wait3A_24] : memref<2560x128xi32, #tpu.memory_space<hbm>> -> memref<1x128xi32, #tpu.memory_space<hbm>>
        %dma_wait3A_26 = tpu.memref_squeeze %dma_wait3A_25 : memref<1x128xi32, #tpu.memory_space<hbm>> -> memref<128xi32, #tpu.memory_space<hbm>>
        tpu.wait_dma2 semaphore(%run_scoped3A : memref<!tpu.dma_semaphore, #tpu.memory_space<semaphore_mem>>) src(%dma_wait3A_26 : memref<128xi32, #tpu.memory_space<hbm>>) dst(%arg6 : memref<128xi32, #tpu.memory_space<vmem>>)
        tpu.yield
      }) : () -> ()
      "tpu.region"() ({
        %run_scoped3A = tpu.sem_alloc : memref<!tpu.dma_semaphore, #tpu.memory_space<semaphore_mem>>
        %dma_start3A = arith.constant 0 : i32
        %dma_start3A_17 = arith.constant 0 : i32
        %dma_start3A_18 = tpu.memref_slice %arg8[%dma_start3A, %dma_start3A_17] : memref<10240x16xf32, #tpu.memory_space<vmem_shared>> -> memref<10240x16xf32, #tpu.memory_space<vmem_shared>>
        tpu.enqueue_indirect_dma source(%arg7 : memref<128x16xf32, #tpu.memory_space<vmem>>) target(%dma_start3A_18 : memref<10240x16xf32, #tpu.memory_space<vmem_shared>>) offsets(%arg6 : memref<128xi32, #tpu.memory_space<vmem>>) semaphore(%run_scoped3A : memref<!tpu.dma_semaphore, #tpu.memory_space<semaphore_mem>>) {add = true}
        %dma_wait3A = arith.constant 0 : i32
        %dma_wait3A_19 = arith.constant 0 : i32
        %dma_wait3A_20 = tpu.memref_slice %arg8[%dma_wait3A, %dma_wait3A_19] : memref<10240x16xf32, #tpu.memory_space<vmem_shared>> -> memref<10240x16xf32, #tpu.memory_space<vmem_shared>>
        tpu.wait_indirect_dma semaphore(%run_scoped3A : memref<!tpu.dma_semaphore, #tpu.memory_space<semaphore_mem>>) src(%arg7 : memref<128x16xf32, #tpu.memory_space<vmem>>) dst(%dma_wait3A_20 : memref<10240x16xf32, #tpu.memory_space<vmem_shared>>)
        tpu.yield
      }) : () -> ()
    }
    %scan3A_7 = arith.constant 80 : i32
    %barrier3A_8 = arith.constant 0 : index
    tpu.barrier barrier_id(%barrier3A_8)
    %mul3A_9 = arith.constant 640 : i32
    %mul3A_10 = arith.muli %arg1, %mul3A_9 : i32
    %mul3A_11 = arith.constant 640 : i32
    %mul3A_12 = arith.muli %arg1, %mul3A_11 : i32
    "tpu.region"() ({
      %run_scoped3A = tpu.sem_alloc : memref<!tpu.dma_semaphore, #tpu.memory_space<semaphore_mem>>
      %dma_start3A = arith.constant 0 : i32
      %dma_start3A_13 = tpu.memref_slice %arg5[%arg0, %mul3A_12, %dma_start3A] : memref<2x10240x16xf32, #tpu.memory_space<hbm>> -> memref<1x640x16xf32, #tpu.memory_space<hbm>>
      %dma_start3A_14 = tpu.memref_squeeze %dma_start3A_13 : memref<1x640x16xf32, #tpu.memory_space<hbm>> -> memref<640x16xf32, #tpu.memory_space<hbm>>
      %dma_start3A_15 = arith.constant 0 : i32
      %dma_start3A_16 = tpu.memref_slice %arg8[%mul3A_10, %dma_start3A_15] : memref<10240x16xf32, #tpu.memory_space<vmem_shared>> -> memref<640x16xf32, #tpu.memory_space<vmem_shared>>
      tpu.enqueue_dma source(%dma_start3A_16 : memref<640x16xf32, #tpu.memory_space<vmem_shared>>) target(%dma_start3A_14 : memref<640x16xf32, #tpu.memory_space<hbm>>) target_semaphore(%run_scoped3A : memref<!tpu.dma_semaphore, #tpu.memory_space<semaphore_mem>>)
      %dma_wait3A = arith.constant 0 : i32
      %dma_wait3A_17 = tpu.memref_slice %arg5[%arg0, %mul3A_12, %dma_wait3A] : memref<2x10240x16xf32, #tpu.memory_space<hbm>> -> memref<1x640x16xf32, #tpu.memory_space<hbm>>
      %dma_wait3A_18 = tpu.memref_squeeze %dma_wait3A_17 : memref<1x640x16xf32, #tpu.memory_space<hbm>> -> memref<640x16xf32, #tpu.memory_space<hbm>>
      %dma_wait3A_19 = arith.constant 0 : i32
      %dma_wait3A_20 = tpu.memref_slice %arg8[%mul3A_10, %dma_wait3A_19] : memref<10240x16xf32, #tpu.memory_space<vmem_shared>> -> memref<640x16xf32, #tpu.memory_space<vmem_shared>>
      tpu.wait_dma2 semaphore(%run_scoped3A : memref<!tpu.dma_semaphore, #tpu.memory_space<semaphore_mem>>) src(%dma_wait3A_20 : memref<640x16xf32, #tpu.memory_space<vmem_shared>>) dst(%dma_wait3A_18 : memref<640x16xf32, #tpu.memory_space<hbm>>)
      tpu.yield
    }) : () -> ()
    return
  }
}

#map = affine_map<(d0, d1) -> (0, 0)>
#map1 = affine_map<(d0, d1) -> (0, 0, 0)>
module attributes {stable_mosaic.version = 14 : i64} {
  func.func @_scatter_body(%arg0: i32, %arg1: i32, %arg2: memref<10240x128xf32, #tpu.memory_space<hbm>>, %arg3: memref<5120x128xi32, #tpu.memory_space<hbm>>, %arg4: memref<640x128xf32, #tpu.memory_space<hbm>>, %arg5: memref<2x10240x128xf32, #tpu.memory_space<hbm>>, %arg6: memref<80x128xi32, #tpu.memory_space<vmem>>, %arg7: memref<128x128xf32, #tpu.memory_space<vmem>>, %arg8: memref<128x128xf32, #tpu.memory_space<vmem>>, %arg9: memref<10240x128xf32, #tpu.memory_space<vmem_shared>>, %arg10: memref<!tpu.dma_semaphore, #tpu.memory_space<semaphore_mem>>, %arg11: memref<!tpu.dma_semaphore, #tpu.memory_space<semaphore_mem>>, %arg12: memref<!tpu.dma_semaphore, #tpu.memory_space<semaphore_mem>>, %arg13: memref<!tpu.dma_semaphore, #tpu.memory_space<semaphore_mem>>) attributes {dimension_semantics = [#tpu.dimension_semantics<core_parallel>, #tpu.dimension_semantics<subcore_parallel>], iteration_bounds = array<i64: 2, 16>, scalar_prefetch = 0 : i64, scratch_operands = 8 : i64, tpu.core_type = #tpu.core_type<sc_vector_subcore>, window_params = [{transform_indices = #map}, {transform_indices = #map}, {transform_indices = #map}, {transform_indices = #map1}]} {
    %mul3A = arith.constant 16 : i32
    %mul3A_0 = arith.muli %arg0, %mul3A : i32
    %add3A = arith.addi %mul3A_0, %arg1 : i32
    %mul3A_1 = arith.constant 640 : i32
    %mul3A_2 = arith.muli %arg1, %mul3A_1 : i32
    "tpu.region"() ({
      %run_scoped3A_1139 = tpu.sem_alloc : memref<!tpu.dma_semaphore, #tpu.memory_space<semaphore_mem>>
      %dma_start3A_1140 = arith.constant 0 : i32
      %dma_start3A_1141 = tpu.memref_slice %arg9[%mul3A_2, %dma_start3A_1140] : memref<10240x128xf32, #tpu.memory_space<vmem_shared>> -> memref<640x128xf32, #tpu.memory_space<vmem_shared>>
      tpu.enqueue_dma source(%arg4 : memref<640x128xf32, #tpu.memory_space<hbm>>) target(%dma_start3A_1141 : memref<640x128xf32, #tpu.memory_space<vmem_shared>>) target_semaphore(%run_scoped3A_1139 : memref<!tpu.dma_semaphore, #tpu.memory_space<semaphore_mem>>)
      %dma_wait3A_1142 = arith.constant 0 : i32
      %dma_wait3A_1143 = tpu.memref_slice %arg9[%mul3A_2, %dma_wait3A_1142] : memref<10240x128xf32, #tpu.memory_space<vmem_shared>> -> memref<640x128xf32, #tpu.memory_space<vmem_shared>>
      tpu.wait_dma2 semaphore(%run_scoped3A_1139 : memref<!tpu.dma_semaphore, #tpu.memory_space<semaphore_mem>>) src(%arg4 : memref<640x128xf32, #tpu.memory_space<hbm>>) dst(%dma_wait3A_1143 : memref<640x128xf32, #tpu.memory_space<vmem_shared>>)
      tpu.yield
    }) : () -> ()
    %barrier3A = arith.constant 0 : index
    tpu.barrier barrier_id(%barrier3A)
    %mul3A_3 = arith.constant 80 : i32
    %mul3A_4 = arith.muli %add3A, %mul3A_3 : i32
    %add3A_5 = arith.constant 0 : i32
    %add3A_6 = arith.addi %mul3A_4, %add3A_5 : i32
    %mul3A_7 = arith.constant 2 : i32
    %mul3A_8 = arith.muli %mul3A_7, %add3A_6 : i32
    "tpu.region"() ({
      %run_scoped3A_1139 = tpu.sem_alloc : memref<!tpu.dma_semaphore, #tpu.memory_space<semaphore_mem>>
      %dma_start3A_1140 = arith.constant 0 : i32
      %dma_start3A_1141 = tpu.memref_slice %arg3[%mul3A_8, %dma_start3A_1140] : memref<5120x128xi32, #tpu.memory_space<hbm>> -> memref<80x128xi32, #tpu.memory_space<hbm>>
      %dma_start3A_1142 = arith.constant 0 : i32
      %dma_start3A_1143 = tpu.memref_slice %arg3[%mul3A_8, %dma_start3A_1142] : memref<5120x128xi32, #tpu.memory_space<hbm>> -> memref<80x128xi32, #tpu.memory_space<hbm>>
      tpu.enqueue_dma source(%dma_start3A_1143 : memref<80x128xi32, #tpu.memory_space<hbm>>) target(%arg6 : memref<80x128xi32, #tpu.memory_space<vmem>>) target_semaphore(%run_scoped3A_1139 : memref<!tpu.dma_semaphore, #tpu.memory_space<semaphore_mem>>)
      %dma_wait3A_1144 = arith.constant 0 : i32
      %dma_wait3A_1145 = tpu.memref_slice %arg3[%mul3A_8, %dma_wait3A_1144] : memref<5120x128xi32, #tpu.memory_space<hbm>> -> memref<80x128xi32, #tpu.memory_space<hbm>>
      %dma_wait3A_1146 = arith.constant 0 : i32
      %dma_wait3A_1147 = tpu.memref_slice %arg3[%mul3A_8, %dma_wait3A_1146] : memref<5120x128xi32, #tpu.memory_space<hbm>> -> memref<80x128xi32, #tpu.memory_space<hbm>>
      tpu.wait_dma2 semaphore(%run_scoped3A_1139 : memref<!tpu.dma_semaphore, #tpu.memory_space<semaphore_mem>>) src(%dma_wait3A_1147 : memref<80x128xi32, #tpu.memory_space<hbm>>) dst(%arg6 : memref<80x128xi32, #tpu.memory_space<vmem>>)
      tpu.yield
    }) : () -> ()
    %dma_start3A = arith.constant 0 : i32
    %dma_start3A_9 = arith.constant 0 : i32
    %dma_start3A_10 = tpu.memref_slice %arg6[%dma_start3A, %dma_start3A_9] : memref<80x128xi32, #tpu.memory_space<vmem>> -> memref<1x128xi32, #tpu.memory_space<vmem>>
    %dma_start3A_11 = tpu.memref_squeeze %dma_start3A_10 : memref<1x128xi32, #tpu.memory_space<vmem>> -> memref<128xi32, #tpu.memory_space<vmem>>
    %dma_start3A_12 = arith.constant 0 : i32
    %dma_start3A_13 = arith.constant 0 : i32
    %dma_start3A_14 = tpu.memref_slice %arg2[%dma_start3A_12, %dma_start3A_13] : memref<10240x128xf32, #tpu.memory_space<hbm>> -> memref<10240x128xf32, #tpu.memory_space<hbm>>
    tpu.enqueue_indirect_dma source(%dma_start3A_14 : memref<10240x128xf32, #tpu.memory_space<hbm>>) target(%arg7 : memref<128x128xf32, #tpu.memory_space<vmem>>) offsets(%dma_start3A_11 : memref<128xi32, #tpu.memory_space<vmem>>) semaphore(%arg10 : memref<!tpu.dma_semaphore, #tpu.memory_space<semaphore_mem>>)
    %dma_start3A_15 = arith.constant 2 : i32
    %dma_start3A_16 = arith.constant 0 : i32
    %dma_start3A_17 = tpu.memref_slice %arg6[%dma_start3A_15, %dma_start3A_16] : memref<80x128xi32, #tpu.memory_space<vmem>> -> memref<1x128xi32, #tpu.memory_space<vmem>>
    %dma_start3A_18 = tpu.memref_squeeze %dma_start3A_17 : memref<1x128xi32, #tpu.memory_space<vmem>> -> memref<128xi32, #tpu.memory_space<vmem>>
    %dma_start3A_19 = arith.constant 0 : i32
    %dma_start3A_20 = arith.constant 0 : i32
    %dma_start3A_21 = tpu.memref_slice %arg2[%dma_start3A_19, %dma_start3A_20] : memref<10240x128xf32, #tpu.memory_space<hbm>> -> memref<10240x128xf32, #tpu.memory_space<hbm>>
    tpu.enqueue_indirect_dma source(%dma_start3A_21 : memref<10240x128xf32, #tpu.memory_space<hbm>>) target(%arg8 : memref<128x128xf32, #tpu.memory_space<vmem>>) offsets(%dma_start3A_18 : memref<128xi32, #tpu.memory_space<vmem>>) semaphore(%arg11 : memref<!tpu.dma_semaphore, #tpu.memory_space<semaphore_mem>>)
    %dma_wait3A = arith.constant 0 : i32
    %dma_wait3A_22 = arith.constant 0 : i32
    %dma_wait3A_23 = tpu.memref_slice %arg6[%dma_wait3A, %dma_wait3A_22] : memref<80x128xi32, #tpu.memory_space<vmem>> -> memref<1x128xi32, #tpu.memory_space<vmem>>
    %dma_wait3A_24 = tpu.memref_squeeze %dma_wait3A_23 : memref<1x128xi32, #tpu.memory_space<vmem>> -> memref<128xi32, #tpu.memory_space<vmem>>
    %dma_wait3A_25 = arith.constant 0 : i32
    %dma_wait3A_26 = arith.constant 0 : i32
    %dma_wait3A_27 = tpu.memref_slice %arg2[%dma_wait3A_25, %dma_wait3A_26] : memref<10240x128xf32, #tpu.memory_space<hbm>> -> memref<10240x128xf32, #tpu.memory_space<hbm>>
    tpu.wait_indirect_dma semaphore(%arg10 : memref<!tpu.dma_semaphore, #tpu.memory_space<semaphore_mem>>) src(%dma_wait3A_27 : memref<10240x128xf32, #tpu.memory_space<hbm>>) dst(%arg7 : memref<128x128xf32, #tpu.memory_space<vmem>>)
    %run_scoped3A = arith.constant 1 : i32
    "tpu.region"() ({
      %run_scoped3A_1139 = tpu.sem_alloc : memref<!tpu.dma_semaphore, #tpu.memory_space<semaphore_mem>>
      %dma_start3A_1140 = arith.constant 0 : i32
      %dma_start3A_1141 = tpu.memref_slice %arg6[%run_scoped3A, %dma_start3A_1140] : memref<80x128xi32, #tpu.memory_space<vmem>> -> memref<1x128xi32, #tpu.memory_space<vmem>>
      %dma_start3A_1142 = tpu.memref_squeeze %dma_start3A_1141 : memref<1x128xi32, #tpu.memory_space<vmem>> -> memref<128xi32, #tpu.memory_space<vmem>>
      %dma_start3A_1143 = arith.constant 0 : i32
      %dma_start3A_1144 = arith.constant 0 : i32
      %dma_start3A_1145 = tpu.memref_slice %arg9[%dma_start3A_1143, %dma_start3A_1144] : memref<10240x128xf32, #tpu.memory_space<vmem_shared>> -> memref<10240x128xf32, #tpu.memory_space<vmem_shared>>
      tpu.enqueue_indirect_dma source(%arg7 : memref<128x128xf32, #tpu.memory_space<vmem>>) target(%dma_start3A_1145 : memref<10240x128xf32, #tpu.memory_space<vmem_shared>>) offsets(%dma_start3A_1142 : memref<128xi32, #tpu.memory_space<vmem>>) semaphore(%run_scoped3A_1139 : memref<!tpu.dma_semaphore, #tpu.memory_space<semaphore_mem>>) {add = true}
      %dma_wait3A_1146 = arith.constant 0 : i32
      %dma_wait3A_1147 = tpu.memref_slice %arg6[%run_scoped3A, %dma_wait3A_1146] : memref<80x128xi32, #tpu.memory_space<vmem>> -> memref<1x128xi32, #tpu.memory_space<vmem>>
      %dma_wait3A_1148 = tpu.memref_squeeze %dma_wait3A_1147 : memref<1x128xi32, #tpu.memory_space<vmem>> -> memref<128xi32, #tpu.memory_space<vmem>>
      %dma_wait3A_1149 = arith.constant 0 : i32
      %dma_wait3A_1150 = arith.constant 0 : i32
      %dma_wait3A_1151 = tpu.memref_slice %arg9[%dma_wait3A_1149, %dma_wait3A_1150] : memref<10240x128xf32, #tpu.memory_space<vmem_shared>> -> memref<10240x128xf32, #tpu.memory_space<vmem_shared>>
      tpu.wait_indirect_dma semaphore(%run_scoped3A_1139 : memref<!tpu.dma_semaphore, #tpu.memory_space<semaphore_mem>>) src(%arg7 : memref<128x128xf32, #tpu.memory_space<vmem>>) dst(%dma_wait3A_1151 : memref<10240x128xf32, #tpu.memory_space<vmem_shared>>)
      tpu.yield
    }) : () -> ()
    %dma_start3A_28 = arith.constant 4 : i32
    %dma_start3A_29 = arith.constant 0 : i32
    %dma_start3A_30 = tpu.memref_slice %arg6[%dma_start3A_28, %dma_start3A_29] : memref<80x128xi32, #tpu.memory_space<vmem>> -> memref<1x128xi32, #tpu.memory_space<vmem>>
    %dma_start3A_31 = tpu.memref_squeeze %dma_start3A_30 : memref<1x128xi32, #tpu.memory_space<vmem>> -> memref<128xi32, #tpu.memory_space<vmem>>
    %dma_start3A_32 = arith.constant 0 : i32
    %dma_start3A_33 = arith.constant 0 : i32
    %dma_start3A_34 = tpu.memref_slice %arg2[%dma_start3A_32, %dma_start3A_33] : memref<10240x128xf32, #tpu.memory_space<hbm>> -> memref<10240x128xf32, #tpu.memory_space<hbm>>
    tpu.enqueue_indirect_dma source(%dma_start3A_34 : memref<10240x128xf32, #tpu.memory_space<hbm>>) target(%arg7 : memref<128x128xf32, #tpu.memory_space<vmem>>) offsets(%dma_start3A_31 : memref<128xi32, #tpu.memory_space<vmem>>) semaphore(%arg10 : memref<!tpu.dma_semaphore, #tpu.memory_space<semaphore_mem>>)
    %dma_wait3A_35 = arith.constant 2 : i32
    %dma_wait3A_36 = arith.constant 0 : i32
    %dma_wait3A_37 = tpu.memref_slice %arg6[%dma_wait3A_35, %dma_wait3A_36] : memref<80x128xi32, #tpu.memory_space<vmem>> -> memref<1x128xi32, #tpu.memory_space<vmem>>
    %dma_wait3A_38 = tpu.memref_squeeze %dma_wait3A_37 : memref<1x128xi32, #tpu.memory_space<vmem>> -> memref<128xi32, #tpu.memory_space<vmem>>
    %dma_wait3A_39 = arith.constant 0 : i32
    %dma_wait3A_40 = arith.constant 0 : i32
    %dma_wait3A_41 = tpu.memref_slice %arg2[%dma_wait3A_39, %dma_wait3A_40] : memref<10240x128xf32, #tpu.memory_space<hbm>> -> memref<10240x128xf32, #tpu.memory_space<hbm>>
    tpu.wait_indirect_dma semaphore(%arg11 : memref<!tpu.dma_semaphore, #tpu.memory_space<semaphore_mem>>) src(%dma_wait3A_41 : memref<10240x128xf32, #tpu.memory_space<hbm>>) dst(%arg8 : memref<128x128xf32, #tpu.memory_space<vmem>>)
    %dma_start3A_42 = arith.constant 6 : i32
    %dma_start3A_43 = arith.constant 0 : i32
    %dma_start3A_44 = tpu.memref_slice %arg6[%dma_start3A_42, %dma_start3A_43] : memref<80x128xi32, #tpu.memory_space<vmem>> -> memref<1x128xi32, #tpu.memory_space<vmem>>
    %dma_start3A_45 = tpu.memref_squeeze %dma_start3A_44 : memref<1x128xi32, #tpu.memory_space<vmem>> -> memref<128xi32, #tpu.memory_space<vmem>>
    %dma_start3A_46 = arith.constant 0 : i32
    %dma_start3A_47 = arith.constant 0 : i32
    %dma_start3A_48 = tpu.memref_slice %arg2[%dma_start3A_46, %dma_start3A_47] : memref<10240x128xf32, #tpu.memory_space<hbm>> -> memref<10240x128xf32, #tpu.memory_space<hbm>>
    tpu.enqueue_indirect_dma source(%dma_start3A_48 : memref<10240x128xf32, #tpu.memory_space<hbm>>) target(%arg8 : memref<128x128xf32, #tpu.memory_space<vmem>>) offsets(%dma_start3A_45 : memref<128xi32, #tpu.memory_space<vmem>>) semaphore(%arg11 : memref<!tpu.dma_semaphore, #tpu.memory_space<semaphore_mem>>)
    %dma_wait3A_49 = arith.constant 4 : i32
    %dma_wait3A_50 = arith.constant 0 : i32
    %dma_wait3A_51 = tpu.memref_slice %arg6[%dma_wait3A_49, %dma_wait3A_50] : memref<80x128xi32, #tpu.memory_space<vmem>> -> memref<1x128xi32, #tpu.memory_space<vmem>>
    %dma_wait3A_52 = tpu.memref_squeeze %dma_wait3A_51 : memref<1x128xi32, #tpu.memory_space<vmem>> -> memref<128xi32, #tpu.memory_space<vmem>>
    %dma_wait3A_53 = arith.constant 0 : i32
    %dma_wait3A_54 = arith.constant 0 : i32
    %dma_wait3A_55 = tpu.memref_slice %arg2[%dma_wait3A_53, %dma_wait3A_54] : memref<10240x128xf32, #tpu.memory_space<hbm>> -> memref<10240x128xf32, #tpu.memory_space<hbm>>
    tpu.wait_indirect_dma semaphore(%arg10 : memref<!tpu.dma_semaphore, #tpu.memory_space<semaphore_mem>>) src(%dma_wait3A_55 : memref<10240x128xf32, #tpu.memory_space<hbm>>) dst(%arg7 : memref<128x128xf32, #tpu.memory_space<vmem>>)
    %dma_start3A_56 = arith.constant 8 : i32
    %dma_start3A_57 = arith.constant 0 : i32
    %dma_start3A_58 = tpu.memref_slice %arg6[%dma_start3A_56, %dma_start3A_57] : memref<80x128xi32, #tpu.memory_space<vmem>> -> memref<1x128xi32, #tpu.memory_space<vmem>>
    %dma_start3A_59 = tpu.memref_squeeze %dma_start3A_58 : memref<1x128xi32, #tpu.memory_space<vmem>> -> memref<128xi32, #tpu.memory_space<vmem>>
    %dma_start3A_60 = arith.constant 0 : i32
    %dma_start3A_61 = arith.constant 0 : i32
    %dma_start3A_62 = tpu.memref_slice %arg2[%dma_start3A_60, %dma_start3A_61] : memref<10240x128xf32, #tpu.memory_space<hbm>> -> memref<10240x128xf32, #tpu.memory_space<hbm>>
    tpu.enqueue_indirect_dma source(%dma_start3A_62 : memref<10240x128xf32, #tpu.memory_space<hbm>>) target(%arg7 : memref<128x128xf32, #tpu.memory_space<vmem>>) offsets(%dma_start3A_59 : memref<128xi32, #tpu.memory_space<vmem>>) semaphore(%arg10 : memref<!tpu.dma_semaphore, #tpu.memory_space<semaphore_mem>>)
    %dma_wait3A_63 = arith.constant 6 : i32
    %dma_wait3A_64 = arith.constant 0 : i32
    %dma_wait3A_65 = tpu.memref_slice %arg6[%dma_wait3A_63, %dma_wait3A_64] : memref<80x128xi32, #tpu.memory_space<vmem>> -> memref<1x128xi32, #tpu.memory_space<vmem>>
    %dma_wait3A_66 = tpu.memref_squeeze %dma_wait3A_65 : memref<1x128xi32, #tpu.memory_space<vmem>> -> memref<128xi32, #tpu.memory_space<vmem>>
    %dma_wait3A_67 = arith.constant 0 : i32
    %dma_wait3A_68 = arith.constant 0 : i32
    %dma_wait3A_69 = tpu.memref_slice %arg2[%dma_wait3A_67, %dma_wait3A_68] : memref<10240x128xf32, #tpu.memory_space<hbm>> -> memref<10240x128xf32, #tpu.memory_space<hbm>>
    tpu.wait_indirect_dma semaphore(%arg11 : memref<!tpu.dma_semaphore, #tpu.memory_space<semaphore_mem>>) src(%dma_wait3A_69 : memref<10240x128xf32, #tpu.memory_space<hbm>>) dst(%arg8 : memref<128x128xf32, #tpu.memory_space<vmem>>)
    %dma_start3A_70 = arith.constant 10 : i32
    %dma_start3A_71 = arith.constant 0 : i32
    %dma_start3A_72 = tpu.memref_slice %arg6[%dma_start3A_70, %dma_start3A_71] : memref<80x128xi32, #tpu.memory_space<vmem>> -> memref<1x128xi32, #tpu.memory_space<vmem>>
    %dma_start3A_73 = tpu.memref_squeeze %dma_start3A_72 : memref<1x128xi32, #tpu.memory_space<vmem>> -> memref<128xi32, #tpu.memory_space<vmem>>
    %dma_start3A_74 = arith.constant 0 : i32
    %dma_start3A_75 = arith.constant 0 : i32
    %dma_start3A_76 = tpu.memref_slice %arg2[%dma_start3A_74, %dma_start3A_75] : memref<10240x128xf32, #tpu.memory_space<hbm>> -> memref<10240x128xf32, #tpu.memory_space<hbm>>
    tpu.enqueue_indirect_dma source(%dma_start3A_76 : memref<10240x128xf32, #tpu.memory_space<hbm>>) target(%arg8 : memref<128x128xf32, #tpu.memory_space<vmem>>) offsets(%dma_start3A_73 : memref<128xi32, #tpu.memory_space<vmem>>) semaphore(%arg11 : memref<!tpu.dma_semaphore, #tpu.memory_space<semaphore_mem>>)
    %dma_wait3A_77 = arith.constant 8 : i32
    %dma_wait3A_78 = arith.constant 0 : i32
    %dma_wait3A_79 = tpu.memref_slice %arg6[%dma_wait3A_77, %dma_wait3A_78] : memref<80x128xi32, #tpu.memory_space<vmem>> -> memref<1x128xi32, #tpu.memory_space<vmem>>
    %dma_wait3A_80 = tpu.memref_squeeze %dma_wait3A_79 : memref<1x128xi32, #tpu.memory_space<vmem>> -> memref<128xi32, #tpu.memory_space<vmem>>
    %dma_wait3A_81 = arith.constant 0 : i32
    %dma_wait3A_82 = arith.constant 0 : i32
    %dma_wait3A_83 = tpu.memref_slice %arg2[%dma_wait3A_81, %dma_wait3A_82] : memref<10240x128xf32, #tpu.memory_space<hbm>> -> memref<10240x128xf32, #tpu.memory_space<hbm>>
    tpu.wait_indirect_dma semaphore(%arg10 : memref<!tpu.dma_semaphore, #tpu.memory_space<semaphore_mem>>) src(%dma_wait3A_83 : memref<10240x128xf32, #tpu.memory_space<hbm>>) dst(%arg7 : memref<128x128xf32, #tpu.memory_space<vmem>>)
    %dma_start3A_84 = arith.constant 12 : i32
    %dma_start3A_85 = arith.constant 0 : i32
    %dma_start3A_86 = tpu.memref_slice %arg6[%dma_start3A_84, %dma_start3A_85] : memref<80x128xi32, #tpu.memory_space<vmem>> -> memref<1x128xi32, #tpu.memory_space<vmem>>
    %dma_start3A_87 = tpu.memref_squeeze %dma_start3A_86 : memref<1x128xi32, #tpu.memory_space<vmem>> -> memref<128xi32, #tpu.memory_space<vmem>>
    %dma_start3A_88 = arith.constant 0 : i32
    %dma_start3A_89 = arith.constant 0 : i32
    %dma_start3A_90 = tpu.memref_slice %arg2[%dma_start3A_88, %dma_start3A_89] : memref<10240x128xf32, #tpu.memory_space<hbm>> -> memref<10240x128xf32, #tpu.memory_space<hbm>>
    tpu.enqueue_indirect_dma source(%dma_start3A_90 : memref<10240x128xf32, #tpu.memory_space<hbm>>) target(%arg7 : memref<128x128xf32, #tpu.memory_space<vmem>>) offsets(%dma_start3A_87 : memref<128xi32, #tpu.memory_space<vmem>>) semaphore(%arg10 : memref<!tpu.dma_semaphore, #tpu.memory_space<semaphore_mem>>)
    %dma_wait3A_91 = arith.constant 10 : i32
    %dma_wait3A_92 = arith.constant 0 : i32
    %dma_wait3A_93 = tpu.memref_slice %arg6[%dma_wait3A_91, %dma_wait3A_92] : memref<80x128xi32, #tpu.memory_space<vmem>> -> memref<1x128xi32, #tpu.memory_space<vmem>>
    %dma_wait3A_94 = tpu.memref_squeeze %dma_wait3A_93 : memref<1x128xi32, #tpu.memory_space<vmem>> -> memref<128xi32, #tpu.memory_space<vmem>>
    %dma_wait3A_95 = arith.constant 0 : i32
    %dma_wait3A_96 = arith.constant 0 : i32
    %dma_wait3A_97 = tpu.memref_slice %arg2[%dma_wait3A_95, %dma_wait3A_96] : memref<10240x128xf32, #tpu.memory_space<hbm>> -> memref<10240x128xf32, #tpu.memory_space<hbm>>
    tpu.wait_indirect_dma semaphore(%arg11 : memref<!tpu.dma_semaphore, #tpu.memory_space<semaphore_mem>>) src(%dma_wait3A_97 : memref<10240x128xf32, #tpu.memory_space<hbm>>) dst(%arg8 : memref<128x128xf32, #tpu.memory_space<vmem>>)
    %dma_start3A_98 = arith.constant 14 : i32
    %dma_start3A_99 = arith.constant 0 : i32
    %dma_start3A_100 = tpu.memref_slice %arg6[%dma_start3A_98, %dma_start3A_99] : memref<80x128xi32, #tpu.memory_space<vmem>> -> memref<1x128xi32, #tpu.memory_space<vmem>>
    %dma_start3A_101 = tpu.memref_squeeze %dma_start3A_100 : memref<1x128xi32, #tpu.memory_space<vmem>> -> memref<128xi32, #tpu.memory_space<vmem>>
    %dma_start3A_102 = arith.constant 0 : i32
    %dma_start3A_103 = arith.constant 0 : i32
    %dma_start3A_104 = tpu.memref_slice %arg2[%dma_start3A_102, %dma_start3A_103] : memref<10240x128xf32, #tpu.memory_space<hbm>> -> memref<10240x128xf32, #tpu.memory_space<hbm>>
    tpu.enqueue_indirect_dma source(%dma_start3A_104 : memref<10240x128xf32, #tpu.memory_space<hbm>>) target(%arg8 : memref<128x128xf32, #tpu.memory_space<vmem>>) offsets(%dma_start3A_101 : memref<128xi32, #tpu.memory_space<vmem>>) semaphore(%arg11 : memref<!tpu.dma_semaphore, #tpu.memory_space<semaphore_mem>>)
    %dma_wait3A_105 = arith.constant 12 : i32
    %dma_wait3A_106 = arith.constant 0 : i32
    %dma_wait3A_107 = tpu.memref_slice %arg6[%dma_wait3A_105, %dma_wait3A_106] : memref<80x128xi32, #tpu.memory_space<vmem>> -> memref<1x128xi32, #tpu.memory_space<vmem>>
    %dma_wait3A_108 = tpu.memref_squeeze %dma_wait3A_107 : memref<1x128xi32, #tpu.memory_space<vmem>> -> memref<128xi32, #tpu.memory_space<vmem>>
    %dma_wait3A_109 = arith.constant 0 : i32
    %dma_wait3A_110 = arith.constant 0 : i32
    %dma_wait3A_111 = tpu.memref_slice %arg2[%dma_wait3A_109, %dma_wait3A_110] : memref<10240x128xf32, #tpu.memory_space<hbm>> -> memref<10240x128xf32, #tpu.memory_space<hbm>>
    tpu.wait_indirect_dma semaphore(%arg10 : memref<!tpu.dma_semaphore, #tpu.memory_space<semaphore_mem>>) src(%dma_wait3A_111 : memref<10240x128xf32, #tpu.memory_space<hbm>>) dst(%arg7 : memref<128x128xf32, #tpu.memory_space<vmem>>)
    %dma_start3A_112 = arith.constant 16 : i32
    %dma_start3A_113 = arith.constant 0 : i32
    %dma_start3A_114 = tpu.memref_slice %arg6[%dma_start3A_112, %dma_start3A_113] : memref<80x128xi32, #tpu.memory_space<vmem>> -> memref<1x128xi32, #tpu.memory_space<vmem>>
    %dma_start3A_115 = tpu.memref_squeeze %dma_start3A_114 : memref<1x128xi32, #tpu.memory_space<vmem>> -> memref<128xi32, #tpu.memory_space<vmem>>
    %dma_start3A_116 = arith.constant 0 : i32
    %dma_start3A_117 = arith.constant 0 : i32
    %dma_start3A_118 = tpu.memref_slice %arg2[%dma_start3A_116, %dma_start3A_117] : memref<10240x128xf32, #tpu.memory_space<hbm>> -> memref<10240x128xf32, #tpu.memory_space<hbm>>
    tpu.enqueue_indirect_dma source(%dma_start3A_118 : memref<10240x128xf32, #tpu.memory_space<hbm>>) target(%arg7 : memref<128x128xf32, #tpu.memory_space<vmem>>) offsets(%dma_start3A_115 : memref<128xi32, #tpu.memory_space<vmem>>) semaphore(%arg10 : memref<!tpu.dma_semaphore, #tpu.memory_space<semaphore_mem>>)
    %dma_wait3A_119 = arith.constant 14 : i32
    %dma_wait3A_120 = arith.constant 0 : i32
    %dma_wait3A_121 = tpu.memref_slice %arg6[%dma_wait3A_119, %dma_wait3A_120] : memref<80x128xi32, #tpu.memory_space<vmem>> -> memref<1x128xi32, #tpu.memory_space<vmem>>
    %dma_wait3A_122 = tpu.memref_squeeze %dma_wait3A_121 : memref<1x128xi32, #tpu.memory_space<vmem>> -> memref<128xi32, #tpu.memory_space<vmem>>
    %dma_wait3A_123 = arith.constant 0 : i32
    %dma_wait3A_124 = arith.constant 0 : i32
    %dma_wait3A_125 = tpu.memref_slice %arg2[%dma_wait3A_123, %dma_wait3A_124] : memref<10240x128xf32, #tpu.memory_space<hbm>> -> memref<10240x128xf32, #tpu.memory_space<hbm>>
    tpu.wait_indirect_dma semaphore(%arg11 : memref<!tpu.dma_semaphore, #tpu.memory_space<semaphore_mem>>) src(%dma_wait3A_125 : memref<10240x128xf32, #tpu.memory_space<hbm>>) dst(%arg8 : memref<128x128xf32, #tpu.memory_space<vmem>>)
    %dma_start3A_126 = arith.constant 18 : i32
    %dma_start3A_127 = arith.constant 0 : i32
    %dma_start3A_128 = tpu.memref_slice %arg6[%dma_start3A_126, %dma_start3A_127] : memref<80x128xi32, #tpu.memory_space<vmem>> -> memref<1x128xi32, #tpu.memory_space<vmem>>
    %dma_start3A_129 = tpu.memref_squeeze %dma_start3A_128 : memref<1x128xi32, #tpu.memory_space<vmem>> -> memref<128xi32, #tpu.memory_space<vmem>>
    %dma_start3A_130 = arith.constant 0 : i32
    %dma_start3A_131 = arith.constant 0 : i32
    %dma_start3A_132 = tpu.memref_slice %arg2[%dma_start3A_130, %dma_start3A_131] : memref<10240x128xf32, #tpu.memory_space<hbm>> -> memref<10240x128xf32, #tpu.memory_space<hbm>>
    tpu.enqueue_indirect_dma source(%dma_start3A_132 : memref<10240x128xf32, #tpu.memory_space<hbm>>) target(%arg8 : memref<128x128xf32, #tpu.memory_space<vmem>>) offsets(%dma_start3A_129 : memref<128xi32, #tpu.memory_space<vmem>>) semaphore(%arg11 : memref<!tpu.dma_semaphore, #tpu.memory_space<semaphore_mem>>)
    %dma_wait3A_133 = arith.constant 16 : i32
    %dma_wait3A_134 = arith.constant 0 : i32
    %dma_wait3A_135 = tpu.memref_slice %arg6[%dma_wait3A_133, %dma_wait3A_134] : memref<80x128xi32, #tpu.memory_space<vmem>> -> memref<1x128xi32, #tpu.memory_space<vmem>>
    %dma_wait3A_136 = tpu.memref_squeeze %dma_wait3A_135 : memref<1x128xi32, #tpu.memory_space<vmem>> -> memref<128xi32, #tpu.memory_space<vmem>>
    %dma_wait3A_137 = arith.constant 0 : i32
    %dma_wait3A_138 = arith.constant 0 : i32
    %dma_wait3A_139 = tpu.memref_slice %arg2[%dma_wait3A_137, %dma_wait3A_138] : memref<10240x128xf32, #tpu.memory_space<hbm>> -> memref<10240x128xf32, #tpu.memory_space<hbm>>
    tpu.wait_indirect_dma semaphore(%arg10 : memref<!tpu.dma_semaphore, #tpu.memory_space<semaphore_mem>>) src(%dma_wait3A_139 : memref<10240x128xf32, #tpu.memory_space<hbm>>) dst(%arg7 : memref<128x128xf32, #tpu.memory_space<vmem>>)
    %dma_start3A_140 = arith.constant 20 : i32
    %dma_start3A_141 = arith.constant 0 : i32
    %dma_start3A_142 = tpu.memref_slice %arg6[%dma_start3A_140, %dma_start3A_141] : memref<80x128xi32, #tpu.memory_space<vmem>> -> memref<1x128xi32, #tpu.memory_space<vmem>>
    %dma_start3A_143 = tpu.memref_squeeze %dma_start3A_142 : memref<1x128xi32, #tpu.memory_space<vmem>> -> memref<128xi32, #tpu.memory_space<vmem>>
    %dma_start3A_144 = arith.constant 0 : i32
    %dma_start3A_145 = arith.constant 0 : i32
    %dma_start3A_146 = tpu.memref_slice %arg2[%dma_start3A_144, %dma_start3A_145] : memref<10240x128xf32, #tpu.memory_space<hbm>> -> memref<10240x128xf32, #tpu.memory_space<hbm>>
    tpu.enqueue_indirect_dma source(%dma_start3A_146 : memref<10240x128xf32, #tpu.memory_space<hbm>>) target(%arg7 : memref<128x128xf32, #tpu.memory_space<vmem>>) offsets(%dma_start3A_143 : memref<128xi32, #tpu.memory_space<vmem>>) semaphore(%arg10 : memref<!tpu.dma_semaphore, #tpu.memory_space<semaphore_mem>>)
    %dma_wait3A_147 = arith.constant 18 : i32
    %dma_wait3A_148 = arith.constant 0 : i32
    %dma_wait3A_149 = tpu.memref_slice %arg6[%dma_wait3A_147, %dma_wait3A_148] : memref<80x128xi32, #tpu.memory_space<vmem>> -> memref<1x128xi32, #tpu.memory_space<vmem>>
    %dma_wait3A_150 = tpu.memref_squeeze %dma_wait3A_149 : memref<1x128xi32, #tpu.memory_space<vmem>> -> memref<128xi32, #tpu.memory_space<vmem>>
    %dma_wait3A_151 = arith.constant 0 : i32
    %dma_wait3A_152 = arith.constant 0 : i32
    %dma_wait3A_153 = tpu.memref_slice %arg2[%dma_wait3A_151, %dma_wait3A_152] : memref<10240x128xf32, #tpu.memory_space<hbm>> -> memref<10240x128xf32, #tpu.memory_space<hbm>>
    tpu.wait_indirect_dma semaphore(%arg11 : memref<!tpu.dma_semaphore, #tpu.memory_space<semaphore_mem>>) src(%dma_wait3A_153 : memref<10240x128xf32, #tpu.memory_space<hbm>>) dst(%arg8 : memref<128x128xf32, #tpu.memory_space<vmem>>)
    %dma_start3A_154 = arith.constant 22 : i32
    %dma_start3A_155 = arith.constant 0 : i32
    %dma_start3A_156 = tpu.memref_slice %arg6[%dma_start3A_154, %dma_start3A_155] : memref<80x128xi32, #tpu.memory_space<vmem>> -> memref<1x128xi32, #tpu.memory_space<vmem>>
    %dma_start3A_157 = tpu.memref_squeeze %dma_start3A_156 : memref<1x128xi32, #tpu.memory_space<vmem>> -> memref<128xi32, #tpu.memory_space<vmem>>
    %dma_start3A_158 = arith.constant 0 : i32
    %dma_start3A_159 = arith.constant 0 : i32
    %dma_start3A_160 = tpu.memref_slice %arg2[%dma_start3A_158, %dma_start3A_159] : memref<10240x128xf32, #tpu.memory_space<hbm>> -> memref<10240x128xf32, #tpu.memory_space<hbm>>
    tpu.enqueue_indirect_dma source(%dma_start3A_160 : memref<10240x128xf32, #tpu.memory_space<hbm>>) target(%arg8 : memref<128x128xf32, #tpu.memory_space<vmem>>) offsets(%dma_start3A_157 : memref<128xi32, #tpu.memory_space<vmem>>) semaphore(%arg11 : memref<!tpu.dma_semaphore, #tpu.memory_space<semaphore_mem>>)
    %dma_wait3A_161 = arith.constant 20 : i32
    %dma_wait3A_162 = arith.constant 0 : i32
    %dma_wait3A_163 = tpu.memref_slice %arg6[%dma_wait3A_161, %dma_wait3A_162] : memref<80x128xi32, #tpu.memory_space<vmem>> -> memref<1x128xi32, #tpu.memory_space<vmem>>
    %dma_wait3A_164 = tpu.memref_squeeze %dma_wait3A_163 : memref<1x128xi32, #tpu.memory_space<vmem>> -> memref<128xi32, #tpu.memory_space<vmem>>
    %dma_wait3A_165 = arith.constant 0 : i32
    %dma_wait3A_166 = arith.constant 0 : i32
    %dma_wait3A_167 = tpu.memref_slice %arg2[%dma_wait3A_165, %dma_wait3A_166] : memref<10240x128xf32, #tpu.memory_space<hbm>> -> memref<10240x128xf32, #tpu.memory_space<hbm>>
    tpu.wait_indirect_dma semaphore(%arg10 : memref<!tpu.dma_semaphore, #tpu.memory_space<semaphore_mem>>) src(%dma_wait3A_167 : memref<10240x128xf32, #tpu.memory_space<hbm>>) dst(%arg7 : memref<128x128xf32, #tpu.memory_space<vmem>>)
    %dma_start3A_168 = arith.constant 24 : i32
    %dma_start3A_169 = arith.constant 0 : i32
    %dma_start3A_170 = tpu.memref_slice %arg6[%dma_start3A_168, %dma_start3A_169] : memref<80x128xi32, #tpu.memory_space<vmem>> -> memref<1x128xi32, #tpu.memory_space<vmem>>
    %dma_start3A_171 = tpu.memref_squeeze %dma_start3A_170 : memref<1x128xi32, #tpu.memory_space<vmem>> -> memref<128xi32, #tpu.memory_space<vmem>>
    %dma_start3A_172 = arith.constant 0 : i32
    %dma_start3A_173 = arith.constant 0 : i32
    %dma_start3A_174 = tpu.memref_slice %arg2[%dma_start3A_172, %dma_start3A_173] : memref<10240x128xf32, #tpu.memory_space<hbm>> -> memref<10240x128xf32, #tpu.memory_space<hbm>>
    tpu.enqueue_indirect_dma source(%dma_start3A_174 : memref<10240x128xf32, #tpu.memory_space<hbm>>) target(%arg7 : memref<128x128xf32, #tpu.memory_space<vmem>>) offsets(%dma_start3A_171 : memref<128xi32, #tpu.memory_space<vmem>>) semaphore(%arg10 : memref<!tpu.dma_semaphore, #tpu.memory_space<semaphore_mem>>)
    %dma_wait3A_175 = arith.constant 22 : i32
    %dma_wait3A_176 = arith.constant 0 : i32
    %dma_wait3A_177 = tpu.memref_slice %arg6[%dma_wait3A_175, %dma_wait3A_176] : memref<80x128xi32, #tpu.memory_space<vmem>> -> memref<1x128xi32, #tpu.memory_space<vmem>>
    %dma_wait3A_178 = tpu.memref_squeeze %dma_wait3A_177 : memref<1x128xi32, #tpu.memory_space<vmem>> -> memref<128xi32, #tpu.memory_space<vmem>>
    %dma_wait3A_179 = arith.constant 0 : i32
    %dma_wait3A_180 = arith.constant 0 : i32
    %dma_wait3A_181 = tpu.memref_slice %arg2[%dma_wait3A_179, %dma_wait3A_180] : memref<10240x128xf32, #tpu.memory_space<hbm>> -> memref<10240x128xf32, #tpu.memory_space<hbm>>
    tpu.wait_indirect_dma semaphore(%arg11 : memref<!tpu.dma_semaphore, #tpu.memory_space<semaphore_mem>>) src(%dma_wait3A_181 : memref<10240x128xf32, #tpu.memory_space<hbm>>) dst(%arg8 : memref<128x128xf32, #tpu.memory_space<vmem>>)
    %dma_start3A_182 = arith.constant 26 : i32
    %dma_start3A_183 = arith.constant 0 : i32
    %dma_start3A_184 = tpu.memref_slice %arg6[%dma_start3A_182, %dma_start3A_183] : memref<80x128xi32, #tpu.memory_space<vmem>> -> memref<1x128xi32, #tpu.memory_space<vmem>>
    %dma_start3A_185 = tpu.memref_squeeze %dma_start3A_184 : memref<1x128xi32, #tpu.memory_space<vmem>> -> memref<128xi32, #tpu.memory_space<vmem>>
    %dma_start3A_186 = arith.constant 0 : i32
    %dma_start3A_187 = arith.constant 0 : i32
    %dma_start3A_188 = tpu.memref_slice %arg2[%dma_start3A_186, %dma_start3A_187] : memref<10240x128xf32, #tpu.memory_space<hbm>> -> memref<10240x128xf32, #tpu.memory_space<hbm>>
    tpu.enqueue_indirect_dma source(%dma_start3A_188 : memref<10240x128xf32, #tpu.memory_space<hbm>>) target(%arg8 : memref<128x128xf32, #tpu.memory_space<vmem>>) offsets(%dma_start3A_185 : memref<128xi32, #tpu.memory_space<vmem>>) semaphore(%arg11 : memref<!tpu.dma_semaphore, #tpu.memory_space<semaphore_mem>>)
    %dma_wait3A_189 = arith.constant 24 : i32
    %dma_wait3A_190 = arith.constant 0 : i32
    %dma_wait3A_191 = tpu.memref_slice %arg6[%dma_wait3A_189, %dma_wait3A_190] : memref<80x128xi32, #tpu.memory_space<vmem>> -> memref<1x128xi32, #tpu.memory_space<vmem>>
    %dma_wait3A_192 = tpu.memref_squeeze %dma_wait3A_191 : memref<1x128xi32, #tpu.memory_space<vmem>> -> memref<128xi32, #tpu.memory_space<vmem>>
    %dma_wait3A_193 = arith.constant 0 : i32
    %dma_wait3A_194 = arith.constant 0 : i32
    %dma_wait3A_195 = tpu.memref_slice %arg2[%dma_wait3A_193, %dma_wait3A_194] : memref<10240x128xf32, #tpu.memory_space<hbm>> -> memref<10240x128xf32, #tpu.memory_space<hbm>>
    tpu.wait_indirect_dma semaphore(%arg10 : memref<!tpu.dma_semaphore, #tpu.memory_space<semaphore_mem>>) src(%dma_wait3A_195 : memref<10240x128xf32, #tpu.memory_space<hbm>>) dst(%arg7 : memref<128x128xf32, #tpu.memory_space<vmem>>)
    %dma_start3A_196 = arith.constant 28 : i32
    %dma_start3A_197 = arith.constant 0 : i32
    %dma_start3A_198 = tpu.memref_slice %arg6[%dma_start3A_196, %dma_start3A_197] : memref<80x128xi32, #tpu.memory_space<vmem>> -> memref<1x128xi32, #tpu.memory_space<vmem>>
    %dma_start3A_199 = tpu.memref_squeeze %dma_start3A_198 : memref<1x128xi32, #tpu.memory_space<vmem>> -> memref<128xi32, #tpu.memory_space<vmem>>
    %dma_start3A_200 = arith.constant 0 : i32
    %dma_start3A_201 = arith.constant 0 : i32
    %dma_start3A_202 = tpu.memref_slice %arg2[%dma_start3A_200, %dma_start3A_201] : memref<10240x128xf32, #tpu.memory_space<hbm>> -> memref<10240x128xf32, #tpu.memory_space<hbm>>
    tpu.enqueue_indirect_dma source(%dma_start3A_202 : memref<10240x128xf32, #tpu.memory_space<hbm>>) target(%arg7 : memref<128x128xf32, #tpu.memory_space<vmem>>) offsets(%dma_start3A_199 : memref<128xi32, #tpu.memory_space<vmem>>) semaphore(%arg10 : memref<!tpu.dma_semaphore, #tpu.memory_space<semaphore_mem>>)
    %dma_wait3A_203 = arith.constant 26 : i32
    %dma_wait3A_204 = arith.constant 0 : i32
    %dma_wait3A_205 = tpu.memref_slice %arg6[%dma_wait3A_203, %dma_wait3A_204] : memref<80x128xi32, #tpu.memory_space<vmem>> -> memref<1x128xi32, #tpu.memory_space<vmem>>
    %dma_wait3A_206 = tpu.memref_squeeze %dma_wait3A_205 : memref<1x128xi32, #tpu.memory_space<vmem>> -> memref<128xi32, #tpu.memory_space<vmem>>
    %dma_wait3A_207 = arith.constant 0 : i32
    %dma_wait3A_208 = arith.constant 0 : i32
    %dma_wait3A_209 = tpu.memref_slice %arg2[%dma_wait3A_207, %dma_wait3A_208] : memref<10240x128xf32, #tpu.memory_space<hbm>> -> memref<10240x128xf32, #tpu.memory_space<hbm>>
    tpu.wait_indirect_dma semaphore(%arg11 : memref<!tpu.dma_semaphore, #tpu.memory_space<semaphore_mem>>) src(%dma_wait3A_209 : memref<10240x128xf32, #tpu.memory_space<hbm>>) dst(%arg8 : memref<128x128xf32, #tpu.memory_space<vmem>>)
    %dma_start3A_210 = arith.constant 30 : i32
    %dma_start3A_211 = arith.constant 0 : i32
    %dma_start3A_212 = tpu.memref_slice %arg6[%dma_start3A_210, %dma_start3A_211] : memref<80x128xi32, #tpu.memory_space<vmem>> -> memref<1x128xi32, #tpu.memory_space<vmem>>
    %dma_start3A_213 = tpu.memref_squeeze %dma_start3A_212 : memref<1x128xi32, #tpu.memory_space<vmem>> -> memref<128xi32, #tpu.memory_space<vmem>>
    %dma_start3A_214 = arith.constant 0 : i32
    %dma_start3A_215 = arith.constant 0 : i32
    %dma_start3A_216 = tpu.memref_slice %arg2[%dma_start3A_214, %dma_start3A_215] : memref<10240x128xf32, #tpu.memory_space<hbm>> -> memref<10240x128xf32, #tpu.memory_space<hbm>>
    tpu.enqueue_indirect_dma source(%dma_start3A_216 : memref<10240x128xf32, #tpu.memory_space<hbm>>) target(%arg8 : memref<128x128xf32, #tpu.memory_space<vmem>>) offsets(%dma_start3A_213 : memref<128xi32, #tpu.memory_space<vmem>>) semaphore(%arg11 : memref<!tpu.dma_semaphore, #tpu.memory_space<semaphore_mem>>)
    %dma_wait3A_217 = arith.constant 28 : i32
    %dma_wait3A_218 = arith.constant 0 : i32
    %dma_wait3A_219 = tpu.memref_slice %arg6[%dma_wait3A_217, %dma_wait3A_218] : memref<80x128xi32, #tpu.memory_space<vmem>> -> memref<1x128xi32, #tpu.memory_space<vmem>>
    %dma_wait3A_220 = tpu.memref_squeeze %dma_wait3A_219 : memref<1x128xi32, #tpu.memory_space<vmem>> -> memref<128xi32, #tpu.memory_space<vmem>>
    %dma_wait3A_221 = arith.constant 0 : i32
    %dma_wait3A_222 = arith.constant 0 : i32
    %dma_wait3A_223 = tpu.memref_slice %arg2[%dma_wait3A_221, %dma_wait3A_222] : memref<10240x128xf32, #tpu.memory_space<hbm>> -> memref<10240x128xf32, #tpu.memory_space<hbm>>
    tpu.wait_indirect_dma semaphore(%arg10 : memref<!tpu.dma_semaphore, #tpu.memory_space<semaphore_mem>>) src(%dma_wait3A_223 : memref<10240x128xf32, #tpu.memory_space<hbm>>) dst(%arg7 : memref<128x128xf32, #tpu.memory_space<vmem>>)
    %dma_start3A_224 = arith.constant 32 : i32
    %dma_start3A_225 = arith.constant 0 : i32
    %dma_start3A_226 = tpu.memref_slice %arg6[%dma_start3A_224, %dma_start3A_225] : memref<80x128xi32, #tpu.memory_space<vmem>> -> memref<1x128xi32, #tpu.memory_space<vmem>>
    %dma_start3A_227 = tpu.memref_squeeze %dma_start3A_226 : memref<1x128xi32, #tpu.memory_space<vmem>> -> memref<128xi32, #tpu.memory_space<vmem>>
    %dma_start3A_228 = arith.constant 0 : i32
    %dma_start3A_229 = arith.constant 0 : i32
    %dma_start3A_230 = tpu.memref_slice %arg2[%dma_start3A_228, %dma_start3A_229] : memref<10240x128xf32, #tpu.memory_space<hbm>> -> memref<10240x128xf32, #tpu.memory_space<hbm>>
    tpu.enqueue_indirect_dma source(%dma_start3A_230 : memref<10240x128xf32, #tpu.memory_space<hbm>>) target(%arg7 : memref<128x128xf32, #tpu.memory_space<vmem>>) offsets(%dma_start3A_227 : memref<128xi32, #tpu.memory_space<vmem>>) semaphore(%arg10 : memref<!tpu.dma_semaphore, #tpu.memory_space<semaphore_mem>>)
    %dma_wait3A_231 = arith.constant 30 : i32
    %dma_wait3A_232 = arith.constant 0 : i32
    %dma_wait3A_233 = tpu.memref_slice %arg6[%dma_wait3A_231, %dma_wait3A_232] : memref<80x128xi32, #tpu.memory_space<vmem>> -> memref<1x128xi32, #tpu.memory_space<vmem>>
    %dma_wait3A_234 = tpu.memref_squeeze %dma_wait3A_233 : memref<1x128xi32, #tpu.memory_space<vmem>> -> memref<128xi32, #tpu.memory_space<vmem>>
    %dma_wait3A_235 = arith.constant 0 : i32
    %dma_wait3A_236 = arith.constant 0 : i32
    %dma_wait3A_237 = tpu.memref_slice %arg2[%dma_wait3A_235, %dma_wait3A_236] : memref<10240x128xf32, #tpu.memory_space<hbm>> -> memref<10240x128xf32, #tpu.memory_space<hbm>>
    tpu.wait_indirect_dma semaphore(%arg11 : memref<!tpu.dma_semaphore, #tpu.memory_space<semaphore_mem>>) src(%dma_wait3A_237 : memref<10240x128xf32, #tpu.memory_space<hbm>>) dst(%arg8 : memref<128x128xf32, #tpu.memory_space<vmem>>)
    %dma_start3A_238 = arith.constant 34 : i32
    %dma_start3A_239 = arith.constant 0 : i32
    %dma_start3A_240 = tpu.memref_slice %arg6[%dma_start3A_238, %dma_start3A_239] : memref<80x128xi32, #tpu.memory_space<vmem>> -> memref<1x128xi32, #tpu.memory_space<vmem>>
    %dma_start3A_241 = tpu.memref_squeeze %dma_start3A_240 : memref<1x128xi32, #tpu.memory_space<vmem>> -> memref<128xi32, #tpu.memory_space<vmem>>
    %dma_start3A_242 = arith.constant 0 : i32
    %dma_start3A_243 = arith.constant 0 : i32
    %dma_start3A_244 = tpu.memref_slice %arg2[%dma_start3A_242, %dma_start3A_243] : memref<10240x128xf32, #tpu.memory_space<hbm>> -> memref<10240x128xf32, #tpu.memory_space<hbm>>
    tpu.enqueue_indirect_dma source(%dma_start3A_244 : memref<10240x128xf32, #tpu.memory_space<hbm>>) target(%arg8 : memref<128x128xf32, #tpu.memory_space<vmem>>) offsets(%dma_start3A_241 : memref<128xi32, #tpu.memory_space<vmem>>) semaphore(%arg11 : memref<!tpu.dma_semaphore, #tpu.memory_space<semaphore_mem>>)
    %dma_wait3A_245 = arith.constant 32 : i32
    %dma_wait3A_246 = arith.constant 0 : i32
    %dma_wait3A_247 = tpu.memref_slice %arg6[%dma_wait3A_245, %dma_wait3A_246] : memref<80x128xi32, #tpu.memory_space<vmem>> -> memref<1x128xi32, #tpu.memory_space<vmem>>
    %dma_wait3A_248 = tpu.memref_squeeze %dma_wait3A_247 : memref<1x128xi32, #tpu.memory_space<vmem>> -> memref<128xi32, #tpu.memory_space<vmem>>
    %dma_wait3A_249 = arith.constant 0 : i32
    %dma_wait3A_250 = arith.constant 0 : i32
    %dma_wait3A_251 = tpu.memref_slice %arg2[%dma_wait3A_249, %dma_wait3A_250] : memref<10240x128xf32, #tpu.memory_space<hbm>> -> memref<10240x128xf32, #tpu.memory_space<hbm>>
    tpu.wait_indirect_dma semaphore(%arg10 : memref<!tpu.dma_semaphore, #tpu.memory_space<semaphore_mem>>) src(%dma_wait3A_251 : memref<10240x128xf32, #tpu.memory_space<hbm>>) dst(%arg7 : memref<128x128xf32, #tpu.memory_space<vmem>>)
    %dma_start3A_252 = arith.constant 36 : i32
    %dma_start3A_253 = arith.constant 0 : i32
    %dma_start3A_254 = tpu.memref_slice %arg6[%dma_start3A_252, %dma_start3A_253] : memref<80x128xi32, #tpu.memory_space<vmem>> -> memref<1x128xi32, #tpu.memory_space<vmem>>
    %dma_start3A_255 = tpu.memref_squeeze %dma_start3A_254 : memref<1x128xi32, #tpu.memory_space<vmem>> -> memref<128xi32, #tpu.memory_space<vmem>>
    %dma_start3A_256 = arith.constant 0 : i32
    %dma_start3A_257 = arith.constant 0 : i32
    %dma_start3A_258 = tpu.memref_slice %arg2[%dma_start3A_256, %dma_start3A_257] : memref<10240x128xf32, #tpu.memory_space<hbm>> -> memref<10240x128xf32, #tpu.memory_space<hbm>>
    tpu.enqueue_indirect_dma source(%dma_start3A_258 : memref<10240x128xf32, #tpu.memory_space<hbm>>) target(%arg7 : memref<128x128xf32, #tpu.memory_space<vmem>>) offsets(%dma_start3A_255 : memref<128xi32, #tpu.memory_space<vmem>>) semaphore(%arg10 : memref<!tpu.dma_semaphore, #tpu.memory_space<semaphore_mem>>)
    %dma_wait3A_259 = arith.constant 34 : i32
    %dma_wait3A_260 = arith.constant 0 : i32
    %dma_wait3A_261 = tpu.memref_slice %arg6[%dma_wait3A_259, %dma_wait3A_260] : memref<80x128xi32, #tpu.memory_space<vmem>> -> memref<1x128xi32, #tpu.memory_space<vmem>>
    %dma_wait3A_262 = tpu.memref_squeeze %dma_wait3A_261 : memref<1x128xi32, #tpu.memory_space<vmem>> -> memref<128xi32, #tpu.memory_space<vmem>>
    %dma_wait3A_263 = arith.constant 0 : i32
    %dma_wait3A_264 = arith.constant 0 : i32
    %dma_wait3A_265 = tpu.memref_slice %arg2[%dma_wait3A_263, %dma_wait3A_264] : memref<10240x128xf32, #tpu.memory_space<hbm>> -> memref<10240x128xf32, #tpu.memory_space<hbm>>
    tpu.wait_indirect_dma semaphore(%arg11 : memref<!tpu.dma_semaphore, #tpu.memory_space<semaphore_mem>>) src(%dma_wait3A_265 : memref<10240x128xf32, #tpu.memory_space<hbm>>) dst(%arg8 : memref<128x128xf32, #tpu.memory_space<vmem>>)
    %dma_start3A_266 = arith.constant 38 : i32
    %dma_start3A_267 = arith.constant 0 : i32
    %dma_start3A_268 = tpu.memref_slice %arg6[%dma_start3A_266, %dma_start3A_267] : memref<80x128xi32, #tpu.memory_space<vmem>> -> memref<1x128xi32, #tpu.memory_space<vmem>>
    %dma_start3A_269 = tpu.memref_squeeze %dma_start3A_268 : memref<1x128xi32, #tpu.memory_space<vmem>> -> memref<128xi32, #tpu.memory_space<vmem>>
    %dma_start3A_270 = arith.constant 0 : i32
    %dma_start3A_271 = arith.constant 0 : i32
    %dma_start3A_272 = tpu.memref_slice %arg2[%dma_start3A_270, %dma_start3A_271] : memref<10240x128xf32, #tpu.memory_space<hbm>> -> memref<10240x128xf32, #tpu.memory_space<hbm>>
    tpu.enqueue_indirect_dma source(%dma_start3A_272 : memref<10240x128xf32, #tpu.memory_space<hbm>>) target(%arg8 : memref<128x128xf32, #tpu.memory_space<vmem>>) offsets(%dma_start3A_269 : memref<128xi32, #tpu.memory_space<vmem>>) semaphore(%arg11 : memref<!tpu.dma_semaphore, #tpu.memory_space<semaphore_mem>>)
    %dma_wait3A_273 = arith.constant 36 : i32
    %dma_wait3A_274 = arith.constant 0 : i32
    %dma_wait3A_275 = tpu.memref_slice %arg6[%dma_wait3A_273, %dma_wait3A_274] : memref<80x128xi32, #tpu.memory_space<vmem>> -> memref<1x128xi32, #tpu.memory_space<vmem>>
    %dma_wait3A_276 = tpu.memref_squeeze %dma_wait3A_275 : memref<1x128xi32, #tpu.memory_space<vmem>> -> memref<128xi32, #tpu.memory_space<vmem>>
    %dma_wait3A_277 = arith.constant 0 : i32
    %dma_wait3A_278 = arith.constant 0 : i32
    %dma_wait3A_279 = tpu.memref_slice %arg2[%dma_wait3A_277, %dma_wait3A_278] : memref<10240x128xf32, #tpu.memory_space<hbm>> -> memref<10240x128xf32, #tpu.memory_space<hbm>>
    tpu.wait_indirect_dma semaphore(%arg10 : memref<!tpu.dma_semaphore, #tpu.memory_space<semaphore_mem>>) src(%dma_wait3A_279 : memref<10240x128xf32, #tpu.memory_space<hbm>>) dst(%arg7 : memref<128x128xf32, #tpu.memory_space<vmem>>)
    %dma_start3A_280 = arith.constant 40 : i32
    %dma_start3A_281 = arith.constant 0 : i32
    %dma_start3A_282 = tpu.memref_slice %arg6[%dma_start3A_280, %dma_start3A_281] : memref<80x128xi32, #tpu.memory_space<vmem>> -> memref<1x128xi32, #tpu.memory_space<vmem>>
    %dma_start3A_283 = tpu.memref_squeeze %dma_start3A_282 : memref<1x128xi32, #tpu.memory_space<vmem>> -> memref<128xi32, #tpu.memory_space<vmem>>
    %dma_start3A_284 = arith.constant 0 : i32
    %dma_start3A_285 = arith.constant 0 : i32
    %dma_start3A_286 = tpu.memref_slice %arg2[%dma_start3A_284, %dma_start3A_285] : memref<10240x128xf32, #tpu.memory_space<hbm>> -> memref<10240x128xf32, #tpu.memory_space<hbm>>
    tpu.enqueue_indirect_dma source(%dma_start3A_286 : memref<10240x128xf32, #tpu.memory_space<hbm>>) target(%arg7 : memref<128x128xf32, #tpu.memory_space<vmem>>) offsets(%dma_start3A_283 : memref<128xi32, #tpu.memory_space<vmem>>) semaphore(%arg10 : memref<!tpu.dma_semaphore, #tpu.memory_space<semaphore_mem>>)
    %dma_wait3A_287 = arith.constant 38 : i32
    %dma_wait3A_288 = arith.constant 0 : i32
    %dma_wait3A_289 = tpu.memref_slice %arg6[%dma_wait3A_287, %dma_wait3A_288] : memref<80x128xi32, #tpu.memory_space<vmem>> -> memref<1x128xi32, #tpu.memory_space<vmem>>
    %dma_wait3A_290 = tpu.memref_squeeze %dma_wait3A_289 : memref<1x128xi32, #tpu.memory_space<vmem>> -> memref<128xi32, #tpu.memory_space<vmem>>
    %dma_wait3A_291 = arith.constant 0 : i32
    %dma_wait3A_292 = arith.constant 0 : i32
    %dma_wait3A_293 = tpu.memref_slice %arg2[%dma_wait3A_291, %dma_wait3A_292] : memref<10240x128xf32, #tpu.memory_space<hbm>> -> memref<10240x128xf32, #tpu.memory_space<hbm>>
    tpu.wait_indirect_dma semaphore(%arg11 : memref<!tpu.dma_semaphore, #tpu.memory_space<semaphore_mem>>) src(%dma_wait3A_293 : memref<10240x128xf32, #tpu.memory_space<hbm>>) dst(%arg8 : memref<128x128xf32, #tpu.memory_space<vmem>>)
    %dma_start3A_294 = arith.constant 42 : i32
    %dma_start3A_295 = arith.constant 0 : i32
    %dma_start3A_296 = tpu.memref_slice %arg6[%dma_start3A_294, %dma_start3A_295] : memref<80x128xi32, #tpu.memory_space<vmem>> -> memref<1x128xi32, #tpu.memory_space<vmem>>
    %dma_start3A_297 = tpu.memref_squeeze %dma_start3A_296 : memref<1x128xi32, #tpu.memory_space<vmem>> -> memref<128xi32, #tpu.memory_space<vmem>>
    %dma_start3A_298 = arith.constant 0 : i32
    %dma_start3A_299 = arith.constant 0 : i32
    %dma_start3A_300 = tpu.memref_slice %arg2[%dma_start3A_298, %dma_start3A_299] : memref<10240x128xf32, #tpu.memory_space<hbm>> -> memref<10240x128xf32, #tpu.memory_space<hbm>>
    tpu.enqueue_indirect_dma source(%dma_start3A_300 : memref<10240x128xf32, #tpu.memory_space<hbm>>) target(%arg8 : memref<128x128xf32, #tpu.memory_space<vmem>>) offsets(%dma_start3A_297 : memref<128xi32, #tpu.memory_space<vmem>>) semaphore(%arg11 : memref<!tpu.dma_semaphore, #tpu.memory_space<semaphore_mem>>)
    %dma_wait3A_301 = arith.constant 40 : i32
    %dma_wait3A_302 = arith.constant 0 : i32
    %dma_wait3A_303 = tpu.memref_slice %arg6[%dma_wait3A_301, %dma_wait3A_302] : memref<80x128xi32, #tpu.memory_space<vmem>> -> memref<1x128xi32, #tpu.memory_space<vmem>>
    %dma_wait3A_304 = tpu.memref_squeeze %dma_wait3A_303 : memref<1x128xi32, #tpu.memory_space<vmem>> -> memref<128xi32, #tpu.memory_space<vmem>>
    %dma_wait3A_305 = arith.constant 0 : i32
    %dma_wait3A_306 = arith.constant 0 : i32
    %dma_wait3A_307 = tpu.memref_slice %arg2[%dma_wait3A_305, %dma_wait3A_306] : memref<10240x128xf32, #tpu.memory_space<hbm>> -> memref<10240x128xf32, #tpu.memory_space<hbm>>
    tpu.wait_indirect_dma semaphore(%arg10 : memref<!tpu.dma_semaphore, #tpu.memory_space<semaphore_mem>>) src(%dma_wait3A_307 : memref<10240x128xf32, #tpu.memory_space<hbm>>) dst(%arg7 : memref<128x128xf32, #tpu.memory_space<vmem>>)
    %dma_start3A_308 = arith.constant 44 : i32
    %dma_start3A_309 = arith.constant 0 : i32
    %dma_start3A_310 = tpu.memref_slice %arg6[%dma_start3A_308, %dma_start3A_309] : memref<80x128xi32, #tpu.memory_space<vmem>> -> memref<1x128xi32, #tpu.memory_space<vmem>>
    %dma_start3A_311 = tpu.memref_squeeze %dma_start3A_310 : memref<1x128xi32, #tpu.memory_space<vmem>> -> memref<128xi32, #tpu.memory_space<vmem>>
    %dma_start3A_312 = arith.constant 0 : i32
    %dma_start3A_313 = arith.constant 0 : i32
    %dma_start3A_314 = tpu.memref_slice %arg2[%dma_start3A_312, %dma_start3A_313] : memref<10240x128xf32, #tpu.memory_space<hbm>> -> memref<10240x128xf32, #tpu.memory_space<hbm>>
    tpu.enqueue_indirect_dma source(%dma_start3A_314 : memref<10240x128xf32, #tpu.memory_space<hbm>>) target(%arg7 : memref<128x128xf32, #tpu.memory_space<vmem>>) offsets(%dma_start3A_311 : memref<128xi32, #tpu.memory_space<vmem>>) semaphore(%arg10 : memref<!tpu.dma_semaphore, #tpu.memory_space<semaphore_mem>>)
    %dma_wait3A_315 = arith.constant 42 : i32
    %dma_wait3A_316 = arith.constant 0 : i32
    %dma_wait3A_317 = tpu.memref_slice %arg6[%dma_wait3A_315, %dma_wait3A_316] : memref<80x128xi32, #tpu.memory_space<vmem>> -> memref<1x128xi32, #tpu.memory_space<vmem>>
    %dma_wait3A_318 = tpu.memref_squeeze %dma_wait3A_317 : memref<1x128xi32, #tpu.memory_space<vmem>> -> memref<128xi32, #tpu.memory_space<vmem>>
    %dma_wait3A_319 = arith.constant 0 : i32
    %dma_wait3A_320 = arith.constant 0 : i32
    %dma_wait3A_321 = tpu.memref_slice %arg2[%dma_wait3A_319, %dma_wait3A_320] : memref<10240x128xf32, #tpu.memory_space<hbm>> -> memref<10240x128xf32, #tpu.memory_space<hbm>>
    tpu.wait_indirect_dma semaphore(%arg11 : memref<!tpu.dma_semaphore, #tpu.memory_space<semaphore_mem>>) src(%dma_wait3A_321 : memref<10240x128xf32, #tpu.memory_space<hbm>>) dst(%arg8 : memref<128x128xf32, #tpu.memory_space<vmem>>)
    %dma_start3A_322 = arith.constant 46 : i32
    %dma_start3A_323 = arith.constant 0 : i32
    %dma_start3A_324 = tpu.memref_slice %arg6[%dma_start3A_322, %dma_start3A_323] : memref<80x128xi32, #tpu.memory_space<vmem>> -> memref<1x128xi32, #tpu.memory_space<vmem>>
    %dma_start3A_325 = tpu.memref_squeeze %dma_start3A_324 : memref<1x128xi32, #tpu.memory_space<vmem>> -> memref<128xi32, #tpu.memory_space<vmem>>
    %dma_start3A_326 = arith.constant 0 : i32
    %dma_start3A_327 = arith.constant 0 : i32
    %dma_start3A_328 = tpu.memref_slice %arg2[%dma_start3A_326, %dma_start3A_327] : memref<10240x128xf32, #tpu.memory_space<hbm>> -> memref<10240x128xf32, #tpu.memory_space<hbm>>
    tpu.enqueue_indirect_dma source(%dma_start3A_328 : memref<10240x128xf32, #tpu.memory_space<hbm>>) target(%arg8 : memref<128x128xf32, #tpu.memory_space<vmem>>) offsets(%dma_start3A_325 : memref<128xi32, #tpu.memory_space<vmem>>) semaphore(%arg11 : memref<!tpu.dma_semaphore, #tpu.memory_space<semaphore_mem>>)
    %dma_wait3A_329 = arith.constant 44 : i32
    %dma_wait3A_330 = arith.constant 0 : i32
    %dma_wait3A_331 = tpu.memref_slice %arg6[%dma_wait3A_329, %dma_wait3A_330] : memref<80x128xi32, #tpu.memory_space<vmem>> -> memref<1x128xi32, #tpu.memory_space<vmem>>
    %dma_wait3A_332 = tpu.memref_squeeze %dma_wait3A_331 : memref<1x128xi32, #tpu.memory_space<vmem>> -> memref<128xi32, #tpu.memory_space<vmem>>
    %dma_wait3A_333 = arith.constant 0 : i32
    %dma_wait3A_334 = arith.constant 0 : i32
    %dma_wait3A_335 = tpu.memref_slice %arg2[%dma_wait3A_333, %dma_wait3A_334] : memref<10240x128xf32, #tpu.memory_space<hbm>> -> memref<10240x128xf32, #tpu.memory_space<hbm>>
    tpu.wait_indirect_dma semaphore(%arg10 : memref<!tpu.dma_semaphore, #tpu.memory_space<semaphore_mem>>) src(%dma_wait3A_335 : memref<10240x128xf32, #tpu.memory_space<hbm>>) dst(%arg7 : memref<128x128xf32, #tpu.memory_space<vmem>>)
    %dma_start3A_336 = arith.constant 48 : i32
    %dma_start3A_337 = arith.constant 0 : i32
    %dma_start3A_338 = tpu.memref_slice %arg6[%dma_start3A_336, %dma_start3A_337] : memref<80x128xi32, #tpu.memory_space<vmem>> -> memref<1x128xi32, #tpu.memory_space<vmem>>
    %dma_start3A_339 = tpu.memref_squeeze %dma_start3A_338 : memref<1x128xi32, #tpu.memory_space<vmem>> -> memref<128xi32, #tpu.memory_space<vmem>>
    %dma_start3A_340 = arith.constant 0 : i32
    %dma_start3A_341 = arith.constant 0 : i32
    %dma_start3A_342 = tpu.memref_slice %arg2[%dma_start3A_340, %dma_start3A_341] : memref<10240x128xf32, #tpu.memory_space<hbm>> -> memref<10240x128xf32, #tpu.memory_space<hbm>>
    tpu.enqueue_indirect_dma source(%dma_start3A_342 : memref<10240x128xf32, #tpu.memory_space<hbm>>) target(%arg7 : memref<128x128xf32, #tpu.memory_space<vmem>>) offsets(%dma_start3A_339 : memref<128xi32, #tpu.memory_space<vmem>>) semaphore(%arg10 : memref<!tpu.dma_semaphore, #tpu.memory_space<semaphore_mem>>)
    %dma_wait3A_343 = arith.constant 46 : i32
    %dma_wait3A_344 = arith.constant 0 : i32
    %dma_wait3A_345 = tpu.memref_slice %arg6[%dma_wait3A_343, %dma_wait3A_344] : memref<80x128xi32, #tpu.memory_space<vmem>> -> memref<1x128xi32, #tpu.memory_space<vmem>>
    %dma_wait3A_346 = tpu.memref_squeeze %dma_wait3A_345 : memref<1x128xi32, #tpu.memory_space<vmem>> -> memref<128xi32, #tpu.memory_space<vmem>>
    %dma_wait3A_347 = arith.constant 0 : i32
    %dma_wait3A_348 = arith.constant 0 : i32
    %dma_wait3A_349 = tpu.memref_slice %arg2[%dma_wait3A_347, %dma_wait3A_348] : memref<10240x128xf32, #tpu.memory_space<hbm>> -> memref<10240x128xf32, #tpu.memory_space<hbm>>
    tpu.wait_indirect_dma semaphore(%arg11 : memref<!tpu.dma_semaphore, #tpu.memory_space<semaphore_mem>>) src(%dma_wait3A_349 : memref<10240x128xf32, #tpu.memory_space<hbm>>) dst(%arg8 : memref<128x128xf32, #tpu.memory_space<vmem>>)
    %dma_start3A_350 = arith.constant 50 : i32
    %dma_start3A_351 = arith.constant 0 : i32
    %dma_start3A_352 = tpu.memref_slice %arg6[%dma_start3A_350, %dma_start3A_351] : memref<80x128xi32, #tpu.memory_space<vmem>> -> memref<1x128xi32, #tpu.memory_space<vmem>>
    %dma_start3A_353 = tpu.memref_squeeze %dma_start3A_352 : memref<1x128xi32, #tpu.memory_space<vmem>> -> memref<128xi32, #tpu.memory_space<vmem>>
    %dma_start3A_354 = arith.constant 0 : i32
    %dma_start3A_355 = arith.constant 0 : i32
    %dma_start3A_356 = tpu.memref_slice %arg2[%dma_start3A_354, %dma_start3A_355] : memref<10240x128xf32, #tpu.memory_space<hbm>> -> memref<10240x128xf32, #tpu.memory_space<hbm>>
    tpu.enqueue_indirect_dma source(%dma_start3A_356 : memref<10240x128xf32, #tpu.memory_space<hbm>>) target(%arg8 : memref<128x128xf32, #tpu.memory_space<vmem>>) offsets(%dma_start3A_353 : memref<128xi32, #tpu.memory_space<vmem>>) semaphore(%arg11 : memref<!tpu.dma_semaphore, #tpu.memory_space<semaphore_mem>>)
    %dma_wait3A_357 = arith.constant 48 : i32
    %dma_wait3A_358 = arith.constant 0 : i32
    %dma_wait3A_359 = tpu.memref_slice %arg6[%dma_wait3A_357, %dma_wait3A_358] : memref<80x128xi32, #tpu.memory_space<vmem>> -> memref<1x128xi32, #tpu.memory_space<vmem>>
    %dma_wait3A_360 = tpu.memref_squeeze %dma_wait3A_359 : memref<1x128xi32, #tpu.memory_space<vmem>> -> memref<128xi32, #tpu.memory_space<vmem>>
    %dma_wait3A_361 = arith.constant 0 : i32
    %dma_wait3A_362 = arith.constant 0 : i32
    %dma_wait3A_363 = tpu.memref_slice %arg2[%dma_wait3A_361, %dma_wait3A_362] : memref<10240x128xf32, #tpu.memory_space<hbm>> -> memref<10240x128xf32, #tpu.memory_space<hbm>>
    tpu.wait_indirect_dma semaphore(%arg10 : memref<!tpu.dma_semaphore, #tpu.memory_space<semaphore_mem>>) src(%dma_wait3A_363 : memref<10240x128xf32, #tpu.memory_space<hbm>>) dst(%arg7 : memref<128x128xf32, #tpu.memory_space<vmem>>)
    %dma_start3A_364 = arith.constant 52 : i32
    %dma_start3A_365 = arith.constant 0 : i32
    %dma_start3A_366 = tpu.memref_slice %arg6[%dma_start3A_364, %dma_start3A_365] : memref<80x128xi32, #tpu.memory_space<vmem>> -> memref<1x128xi32, #tpu.memory_space<vmem>>
    %dma_start3A_367 = tpu.memref_squeeze %dma_start3A_366 : memref<1x128xi32, #tpu.memory_space<vmem>> -> memref<128xi32, #tpu.memory_space<vmem>>
    %dma_start3A_368 = arith.constant 0 : i32
    %dma_start3A_369 = arith.constant 0 : i32
    %dma_start3A_370 = tpu.memref_slice %arg2[%dma_start3A_368, %dma_start3A_369] : memref<10240x128xf32, #tpu.memory_space<hbm>> -> memref<10240x128xf32, #tpu.memory_space<hbm>>
    tpu.enqueue_indirect_dma source(%dma_start3A_370 : memref<10240x128xf32, #tpu.memory_space<hbm>>) target(%arg7 : memref<128x128xf32, #tpu.memory_space<vmem>>) offsets(%dma_start3A_367 : memref<128xi32, #tpu.memory_space<vmem>>) semaphore(%arg10 : memref<!tpu.dma_semaphore, #tpu.memory_space<semaphore_mem>>)
    %dma_wait3A_371 = arith.constant 50 : i32
    %dma_wait3A_372 = arith.constant 0 : i32
    %dma_wait3A_373 = tpu.memref_slice %arg6[%dma_wait3A_371, %dma_wait3A_372] : memref<80x128xi32, #tpu.memory_space<vmem>> -> memref<1x128xi32, #tpu.memory_space<vmem>>
    %dma_wait3A_374 = tpu.memref_squeeze %dma_wait3A_373 : memref<1x128xi32, #tpu.memory_space<vmem>> -> memref<128xi32, #tpu.memory_space<vmem>>
    %dma_wait3A_375 = arith.constant 0 : i32
    %dma_wait3A_376 = arith.constant 0 : i32
    %dma_wait3A_377 = tpu.memref_slice %arg2[%dma_wait3A_375, %dma_wait3A_376] : memref<10240x128xf32, #tpu.memory_space<hbm>> -> memref<10240x128xf32, #tpu.memory_space<hbm>>
    tpu.wait_indirect_dma semaphore(%arg11 : memref<!tpu.dma_semaphore, #tpu.memory_space<semaphore_mem>>) src(%dma_wait3A_377 : memref<10240x128xf32, #tpu.memory_space<hbm>>) dst(%arg8 : memref<128x128xf32, #tpu.memory_space<vmem>>)
    %dma_start3A_378 = arith.constant 54 : i32
    %dma_start3A_379 = arith.constant 0 : i32
    %dma_start3A_380 = tpu.memref_slice %arg6[%dma_start3A_378, %dma_start3A_379] : memref<80x128xi32, #tpu.memory_space<vmem>> -> memref<1x128xi32, #tpu.memory_space<vmem>>
    %dma_start3A_381 = tpu.memref_squeeze %dma_start3A_380 : memref<1x128xi32, #tpu.memory_space<vmem>> -> memref<128xi32, #tpu.memory_space<vmem>>
    %dma_start3A_382 = arith.constant 0 : i32
    %dma_start3A_383 = arith.constant 0 : i32
    %dma_start3A_384 = tpu.memref_slice %arg2[%dma_start3A_382, %dma_start3A_383] : memref<10240x128xf32, #tpu.memory_space<hbm>> -> memref<10240x128xf32, #tpu.memory_space<hbm>>
    tpu.enqueue_indirect_dma source(%dma_start3A_384 : memref<10240x128xf32, #tpu.memory_space<hbm>>) target(%arg8 : memref<128x128xf32, #tpu.memory_space<vmem>>) offsets(%dma_start3A_381 : memref<128xi32, #tpu.memory_space<vmem>>) semaphore(%arg11 : memref<!tpu.dma_semaphore, #tpu.memory_space<semaphore_mem>>)
    %dma_wait3A_385 = arith.constant 52 : i32
    %dma_wait3A_386 = arith.constant 0 : i32
    %dma_wait3A_387 = tpu.memref_slice %arg6[%dma_wait3A_385, %dma_wait3A_386] : memref<80x128xi32, #tpu.memory_space<vmem>> -> memref<1x128xi32, #tpu.memory_space<vmem>>
    %dma_wait3A_388 = tpu.memref_squeeze %dma_wait3A_387 : memref<1x128xi32, #tpu.memory_space<vmem>> -> memref<128xi32, #tpu.memory_space<vmem>>
    %dma_wait3A_389 = arith.constant 0 : i32
    %dma_wait3A_390 = arith.constant 0 : i32
    %dma_wait3A_391 = tpu.memref_slice %arg2[%dma_wait3A_389, %dma_wait3A_390] : memref<10240x128xf32, #tpu.memory_space<hbm>> -> memref<10240x128xf32, #tpu.memory_space<hbm>>
    tpu.wait_indirect_dma semaphore(%arg10 : memref<!tpu.dma_semaphore, #tpu.memory_space<semaphore_mem>>) src(%dma_wait3A_391 : memref<10240x128xf32, #tpu.memory_space<hbm>>) dst(%arg7 : memref<128x128xf32, #tpu.memory_space<vmem>>)
    %dma_start3A_392 = arith.constant 56 : i32
    %dma_start3A_393 = arith.constant 0 : i32
    %dma_start3A_394 = tpu.memref_slice %arg6[%dma_start3A_392, %dma_start3A_393] : memref<80x128xi32, #tpu.memory_space<vmem>> -> memref<1x128xi32, #tpu.memory_space<vmem>>
    %dma_start3A_395 = tpu.memref_squeeze %dma_start3A_394 : memref<1x128xi32, #tpu.memory_space<vmem>> -> memref<128xi32, #tpu.memory_space<vmem>>
    %dma_start3A_396 = arith.constant 0 : i32
    %dma_start3A_397 = arith.constant 0 : i32
    %dma_start3A_398 = tpu.memref_slice %arg2[%dma_start3A_396, %dma_start3A_397] : memref<10240x128xf32, #tpu.memory_space<hbm>> -> memref<10240x128xf32, #tpu.memory_space<hbm>>
    tpu.enqueue_indirect_dma source(%dma_start3A_398 : memref<10240x128xf32, #tpu.memory_space<hbm>>) target(%arg7 : memref<128x128xf32, #tpu.memory_space<vmem>>) offsets(%dma_start3A_395 : memref<128xi32, #tpu.memory_space<vmem>>) semaphore(%arg10 : memref<!tpu.dma_semaphore, #tpu.memory_space<semaphore_mem>>)
    %dma_wait3A_399 = arith.constant 54 : i32
    %dma_wait3A_400 = arith.constant 0 : i32
    %dma_wait3A_401 = tpu.memref_slice %arg6[%dma_wait3A_399, %dma_wait3A_400] : memref<80x128xi32, #tpu.memory_space<vmem>> -> memref<1x128xi32, #tpu.memory_space<vmem>>
    %dma_wait3A_402 = tpu.memref_squeeze %dma_wait3A_401 : memref<1x128xi32, #tpu.memory_space<vmem>> -> memref<128xi32, #tpu.memory_space<vmem>>
    %dma_wait3A_403 = arith.constant 0 : i32
    %dma_wait3A_404 = arith.constant 0 : i32
    %dma_wait3A_405 = tpu.memref_slice %arg2[%dma_wait3A_403, %dma_wait3A_404] : memref<10240x128xf32, #tpu.memory_space<hbm>> -> memref<10240x128xf32, #tpu.memory_space<hbm>>
    tpu.wait_indirect_dma semaphore(%arg11 : memref<!tpu.dma_semaphore, #tpu.memory_space<semaphore_mem>>) src(%dma_wait3A_405 : memref<10240x128xf32, #tpu.memory_space<hbm>>) dst(%arg8 : memref<128x128xf32, #tpu.memory_space<vmem>>)
    %dma_start3A_406 = arith.constant 58 : i32
    %dma_start3A_407 = arith.constant 0 : i32
    %dma_start3A_408 = tpu.memref_slice %arg6[%dma_start3A_406, %dma_start3A_407] : memref<80x128xi32, #tpu.memory_space<vmem>> -> memref<1x128xi32, #tpu.memory_space<vmem>>
    %dma_start3A_409 = tpu.memref_squeeze %dma_start3A_408 : memref<1x128xi32, #tpu.memory_space<vmem>> -> memref<128xi32, #tpu.memory_space<vmem>>
    %dma_start3A_410 = arith.constant 0 : i32
    %dma_start3A_411 = arith.constant 0 : i32
    %dma_start3A_412 = tpu.memref_slice %arg2[%dma_start3A_410, %dma_start3A_411] : memref<10240x128xf32, #tpu.memory_space<hbm>> -> memref<10240x128xf32, #tpu.memory_space<hbm>>
    tpu.enqueue_indirect_dma source(%dma_start3A_412 : memref<10240x128xf32, #tpu.memory_space<hbm>>) target(%arg8 : memref<128x128xf32, #tpu.memory_space<vmem>>) offsets(%dma_start3A_409 : memref<128xi32, #tpu.memory_space<vmem>>) semaphore(%arg11 : memref<!tpu.dma_semaphore, #tpu.memory_space<semaphore_mem>>)
    %dma_wait3A_413 = arith.constant 56 : i32
    %dma_wait3A_414 = arith.constant 0 : i32
    %dma_wait3A_415 = tpu.memref_slice %arg6[%dma_wait3A_413, %dma_wait3A_414] : memref<80x128xi32, #tpu.memory_space<vmem>> -> memref<1x128xi32, #tpu.memory_space<vmem>>
    %dma_wait3A_416 = tpu.memref_squeeze %dma_wait3A_415 : memref<1x128xi32, #tpu.memory_space<vmem>> -> memref<128xi32, #tpu.memory_space<vmem>>
    %dma_wait3A_417 = arith.constant 0 : i32
    %dma_wait3A_418 = arith.constant 0 : i32
    %dma_wait3A_419 = tpu.memref_slice %arg2[%dma_wait3A_417, %dma_wait3A_418] : memref<10240x128xf32, #tpu.memory_space<hbm>> -> memref<10240x128xf32, #tpu.memory_space<hbm>>
    tpu.wait_indirect_dma semaphore(%arg10 : memref<!tpu.dma_semaphore, #tpu.memory_space<semaphore_mem>>) src(%dma_wait3A_419 : memref<10240x128xf32, #tpu.memory_space<hbm>>) dst(%arg7 : memref<128x128xf32, #tpu.memory_space<vmem>>)
    %dma_start3A_420 = arith.constant 60 : i32
    %dma_start3A_421 = arith.constant 0 : i32
    %dma_start3A_422 = tpu.memref_slice %arg6[%dma_start3A_420, %dma_start3A_421] : memref<80x128xi32, #tpu.memory_space<vmem>> -> memref<1x128xi32, #tpu.memory_space<vmem>>
    %dma_start3A_423 = tpu.memref_squeeze %dma_start3A_422 : memref<1x128xi32, #tpu.memory_space<vmem>> -> memref<128xi32, #tpu.memory_space<vmem>>
    %dma_start3A_424 = arith.constant 0 : i32
    %dma_start3A_425 = arith.constant 0 : i32
    %dma_start3A_426 = tpu.memref_slice %arg2[%dma_start3A_424, %dma_start3A_425] : memref<10240x128xf32, #tpu.memory_space<hbm>> -> memref<10240x128xf32, #tpu.memory_space<hbm>>
    tpu.enqueue_indirect_dma source(%dma_start3A_426 : memref<10240x128xf32, #tpu.memory_space<hbm>>) target(%arg7 : memref<128x128xf32, #tpu.memory_space<vmem>>) offsets(%dma_start3A_423 : memref<128xi32, #tpu.memory_space<vmem>>) semaphore(%arg10 : memref<!tpu.dma_semaphore, #tpu.memory_space<semaphore_mem>>)
    %dma_wait3A_427 = arith.constant 58 : i32
    %dma_wait3A_428 = arith.constant 0 : i32
    %dma_wait3A_429 = tpu.memref_slice %arg6[%dma_wait3A_427, %dma_wait3A_428] : memref<80x128xi32, #tpu.memory_space<vmem>> -> memref<1x128xi32, #tpu.memory_space<vmem>>
    %dma_wait3A_430 = tpu.memref_squeeze %dma_wait3A_429 : memref<1x128xi32, #tpu.memory_space<vmem>> -> memref<128xi32, #tpu.memory_space<vmem>>
    %dma_wait3A_431 = arith.constant 0 : i32
    %dma_wait3A_432 = arith.constant 0 : i32
    %dma_wait3A_433 = tpu.memref_slice %arg2[%dma_wait3A_431, %dma_wait3A_432] : memref<10240x128xf32, #tpu.memory_space<hbm>> -> memref<10240x128xf32, #tpu.memory_space<hbm>>
    tpu.wait_indirect_dma semaphore(%arg11 : memref<!tpu.dma_semaphore, #tpu.memory_space<semaphore_mem>>) src(%dma_wait3A_433 : memref<10240x128xf32, #tpu.memory_space<hbm>>) dst(%arg8 : memref<128x128xf32, #tpu.memory_space<vmem>>)
    %dma_start3A_434 = arith.constant 62 : i32
    %dma_start3A_435 = arith.constant 0 : i32
    %dma_start3A_436 = tpu.memref_slice %arg6[%dma_start3A_434, %dma_start3A_435] : memref<80x128xi32, #tpu.memory_space<vmem>> -> memref<1x128xi32, #tpu.memory_space<vmem>>
    %dma_start3A_437 = tpu.memref_squeeze %dma_start3A_436 : memref<1x128xi32, #tpu.memory_space<vmem>> -> memref<128xi32, #tpu.memory_space<vmem>>
    %dma_start3A_438 = arith.constant 0 : i32
    %dma_start3A_439 = arith.constant 0 : i32
    %dma_start3A_440 = tpu.memref_slice %arg2[%dma_start3A_438, %dma_start3A_439] : memref<10240x128xf32, #tpu.memory_space<hbm>> -> memref<10240x128xf32, #tpu.memory_space<hbm>>
    tpu.enqueue_indirect_dma source(%dma_start3A_440 : memref<10240x128xf32, #tpu.memory_space<hbm>>) target(%arg8 : memref<128x128xf32, #tpu.memory_space<vmem>>) offsets(%dma_start3A_437 : memref<128xi32, #tpu.memory_space<vmem>>) semaphore(%arg11 : memref<!tpu.dma_semaphore, #tpu.memory_space<semaphore_mem>>)
    %dma_wait3A_441 = arith.constant 60 : i32
    %dma_wait3A_442 = arith.constant 0 : i32
    %dma_wait3A_443 = tpu.memref_slice %arg6[%dma_wait3A_441, %dma_wait3A_442] : memref<80x128xi32, #tpu.memory_space<vmem>> -> memref<1x128xi32, #tpu.memory_space<vmem>>
    %dma_wait3A_444 = tpu.memref_squeeze %dma_wait3A_443 : memref<1x128xi32, #tpu.memory_space<vmem>> -> memref<128xi32, #tpu.memory_space<vmem>>
    %dma_wait3A_445 = arith.constant 0 : i32
    %dma_wait3A_446 = arith.constant 0 : i32
    %dma_wait3A_447 = tpu.memref_slice %arg2[%dma_wait3A_445, %dma_wait3A_446] : memref<10240x128xf32, #tpu.memory_space<hbm>> -> memref<10240x128xf32, #tpu.memory_space<hbm>>
    tpu.wait_indirect_dma semaphore(%arg10 : memref<!tpu.dma_semaphore, #tpu.memory_space<semaphore_mem>>) src(%dma_wait3A_447 : memref<10240x128xf32, #tpu.memory_space<hbm>>) dst(%arg7 : memref<128x128xf32, #tpu.memory_space<vmem>>)
    %dma_start3A_448 = arith.constant 64 : i32
    %dma_start3A_449 = arith.constant 0 : i32
    %dma_start3A_450 = tpu.memref_slice %arg6[%dma_start3A_448, %dma_start3A_449] : memref<80x128xi32, #tpu.memory_space<vmem>> -> memref<1x128xi32, #tpu.memory_space<vmem>>
    %dma_start3A_451 = tpu.memref_squeeze %dma_start3A_450 : memref<1x128xi32, #tpu.memory_space<vmem>> -> memref<128xi32, #tpu.memory_space<vmem>>
    %dma_start3A_452 = arith.constant 0 : i32
    %dma_start3A_453 = arith.constant 0 : i32
    %dma_start3A_454 = tpu.memref_slice %arg2[%dma_start3A_452, %dma_start3A_453] : memref<10240x128xf32, #tpu.memory_space<hbm>> -> memref<10240x128xf32, #tpu.memory_space<hbm>>
    tpu.enqueue_indirect_dma source(%dma_start3A_454 : memref<10240x128xf32, #tpu.memory_space<hbm>>) target(%arg7 : memref<128x128xf32, #tpu.memory_space<vmem>>) offsets(%dma_start3A_451 : memref<128xi32, #tpu.memory_space<vmem>>) semaphore(%arg10 : memref<!tpu.dma_semaphore, #tpu.memory_space<semaphore_mem>>)
    %dma_wait3A_455 = arith.constant 62 : i32
    %dma_wait3A_456 = arith.constant 0 : i32
    %dma_wait3A_457 = tpu.memref_slice %arg6[%dma_wait3A_455, %dma_wait3A_456] : memref<80x128xi32, #tpu.memory_space<vmem>> -> memref<1x128xi32, #tpu.memory_space<vmem>>
    %dma_wait3A_458 = tpu.memref_squeeze %dma_wait3A_457 : memref<1x128xi32, #tpu.memory_space<vmem>> -> memref<128xi32, #tpu.memory_space<vmem>>
    %dma_wait3A_459 = arith.constant 0 : i32
    %dma_wait3A_460 = arith.constant 0 : i32
    %dma_wait3A_461 = tpu.memref_slice %arg2[%dma_wait3A_459, %dma_wait3A_460] : memref<10240x128xf32, #tpu.memory_space<hbm>> -> memref<10240x128xf32, #tpu.memory_space<hbm>>
    tpu.wait_indirect_dma semaphore(%arg11 : memref<!tpu.dma_semaphore, #tpu.memory_space<semaphore_mem>>) src(%dma_wait3A_461 : memref<10240x128xf32, #tpu.memory_space<hbm>>) dst(%arg8 : memref<128x128xf32, #tpu.memory_space<vmem>>)
    %dma_start3A_462 = arith.constant 66 : i32
    %dma_start3A_463 = arith.constant 0 : i32
    %dma_start3A_464 = tpu.memref_slice %arg6[%dma_start3A_462, %dma_start3A_463] : memref<80x128xi32, #tpu.memory_space<vmem>> -> memref<1x128xi32, #tpu.memory_space<vmem>>
    %dma_start3A_465 = tpu.memref_squeeze %dma_start3A_464 : memref<1x128xi32, #tpu.memory_space<vmem>> -> memref<128xi32, #tpu.memory_space<vmem>>
    %dma_start3A_466 = arith.constant 0 : i32
    %dma_start3A_467 = arith.constant 0 : i32
    %dma_start3A_468 = tpu.memref_slice %arg2[%dma_start3A_466, %dma_start3A_467] : memref<10240x128xf32, #tpu.memory_space<hbm>> -> memref<10240x128xf32, #tpu.memory_space<hbm>>
    tpu.enqueue_indirect_dma source(%dma_start3A_468 : memref<10240x128xf32, #tpu.memory_space<hbm>>) target(%arg8 : memref<128x128xf32, #tpu.memory_space<vmem>>) offsets(%dma_start3A_465 : memref<128xi32, #tpu.memory_space<vmem>>) semaphore(%arg11 : memref<!tpu.dma_semaphore, #tpu.memory_space<semaphore_mem>>)
    %dma_wait3A_469 = arith.constant 64 : i32
    %dma_wait3A_470 = arith.constant 0 : i32
    %dma_wait3A_471 = tpu.memref_slice %arg6[%dma_wait3A_469, %dma_wait3A_470] : memref<80x128xi32, #tpu.memory_space<vmem>> -> memref<1x128xi32, #tpu.memory_space<vmem>>
    %dma_wait3A_472 = tpu.memref_squeeze %dma_wait3A_471 : memref<1x128xi32, #tpu.memory_space<vmem>> -> memref<128xi32, #tpu.memory_space<vmem>>
    %dma_wait3A_473 = arith.constant 0 : i32
    %dma_wait3A_474 = arith.constant 0 : i32
    %dma_wait3A_475 = tpu.memref_slice %arg2[%dma_wait3A_473, %dma_wait3A_474] : memref<10240x128xf32, #tpu.memory_space<hbm>> -> memref<10240x128xf32, #tpu.memory_space<hbm>>
    tpu.wait_indirect_dma semaphore(%arg10 : memref<!tpu.dma_semaphore, #tpu.memory_space<semaphore_mem>>) src(%dma_wait3A_475 : memref<10240x128xf32, #tpu.memory_space<hbm>>) dst(%arg7 : memref<128x128xf32, #tpu.memory_space<vmem>>)
    %dma_start3A_476 = arith.constant 68 : i32
    %dma_start3A_477 = arith.constant 0 : i32
    %dma_start3A_478 = tpu.memref_slice %arg6[%dma_start3A_476, %dma_start3A_477] : memref<80x128xi32, #tpu.memory_space<vmem>> -> memref<1x128xi32, #tpu.memory_space<vmem>>
    %dma_start3A_479 = tpu.memref_squeeze %dma_start3A_478 : memref<1x128xi32, #tpu.memory_space<vmem>> -> memref<128xi32, #tpu.memory_space<vmem>>
    %dma_start3A_480 = arith.constant 0 : i32
    %dma_start3A_481 = arith.constant 0 : i32
    %dma_start3A_482 = tpu.memref_slice %arg2[%dma_start3A_480, %dma_start3A_481] : memref<10240x128xf32, #tpu.memory_space<hbm>> -> memref<10240x128xf32, #tpu.memory_space<hbm>>
    tpu.enqueue_indirect_dma source(%dma_start3A_482 : memref<10240x128xf32, #tpu.memory_space<hbm>>) target(%arg7 : memref<128x128xf32, #tpu.memory_space<vmem>>) offsets(%dma_start3A_479 : memref<128xi32, #tpu.memory_space<vmem>>) semaphore(%arg10 : memref<!tpu.dma_semaphore, #tpu.memory_space<semaphore_mem>>)
    %dma_wait3A_483 = arith.constant 66 : i32
    %dma_wait3A_484 = arith.constant 0 : i32
    %dma_wait3A_485 = tpu.memref_slice %arg6[%dma_wait3A_483, %dma_wait3A_484] : memref<80x128xi32, #tpu.memory_space<vmem>> -> memref<1x128xi32, #tpu.memory_space<vmem>>
    %dma_wait3A_486 = tpu.memref_squeeze %dma_wait3A_485 : memref<1x128xi32, #tpu.memory_space<vmem>> -> memref<128xi32, #tpu.memory_space<vmem>>
    %dma_wait3A_487 = arith.constant 0 : i32
    %dma_wait3A_488 = arith.constant 0 : i32
    %dma_wait3A_489 = tpu.memref_slice %arg2[%dma_wait3A_487, %dma_wait3A_488] : memref<10240x128xf32, #tpu.memory_space<hbm>> -> memref<10240x128xf32, #tpu.memory_space<hbm>>
    tpu.wait_indirect_dma semaphore(%arg11 : memref<!tpu.dma_semaphore, #tpu.memory_space<semaphore_mem>>) src(%dma_wait3A_489 : memref<10240x128xf32, #tpu.memory_space<hbm>>) dst(%arg8 : memref<128x128xf32, #tpu.memory_space<vmem>>)
    %dma_start3A_490 = arith.constant 70 : i32
    %dma_start3A_491 = arith.constant 0 : i32
    %dma_start3A_492 = tpu.memref_slice %arg6[%dma_start3A_490, %dma_start3A_491] : memref<80x128xi32, #tpu.memory_space<vmem>> -> memref<1x128xi32, #tpu.memory_space<vmem>>
    %dma_start3A_493 = tpu.memref_squeeze %dma_start3A_492 : memref<1x128xi32, #tpu.memory_space<vmem>> -> memref<128xi32, #tpu.memory_space<vmem>>
    %dma_start3A_494 = arith.constant 0 : i32
    %dma_start3A_495 = arith.constant 0 : i32
    %dma_start3A_496 = tpu.memref_slice %arg2[%dma_start3A_494, %dma_start3A_495] : memref<10240x128xf32, #tpu.memory_space<hbm>> -> memref<10240x128xf32, #tpu.memory_space<hbm>>
    tpu.enqueue_indirect_dma source(%dma_start3A_496 : memref<10240x128xf32, #tpu.memory_space<hbm>>) target(%arg8 : memref<128x128xf32, #tpu.memory_space<vmem>>) offsets(%dma_start3A_493 : memref<128xi32, #tpu.memory_space<vmem>>) semaphore(%arg11 : memref<!tpu.dma_semaphore, #tpu.memory_space<semaphore_mem>>)
    %dma_wait3A_497 = arith.constant 68 : i32
    %dma_wait3A_498 = arith.constant 0 : i32
    %dma_wait3A_499 = tpu.memref_slice %arg6[%dma_wait3A_497, %dma_wait3A_498] : memref<80x128xi32, #tpu.memory_space<vmem>> -> memref<1x128xi32, #tpu.memory_space<vmem>>
    %dma_wait3A_500 = tpu.memref_squeeze %dma_wait3A_499 : memref<1x128xi32, #tpu.memory_space<vmem>> -> memref<128xi32, #tpu.memory_space<vmem>>
    %dma_wait3A_501 = arith.constant 0 : i32
    %dma_wait3A_502 = arith.constant 0 : i32
    %dma_wait3A_503 = tpu.memref_slice %arg2[%dma_wait3A_501, %dma_wait3A_502] : memref<10240x128xf32, #tpu.memory_space<hbm>> -> memref<10240x128xf32, #tpu.memory_space<hbm>>
    tpu.wait_indirect_dma semaphore(%arg10 : memref<!tpu.dma_semaphore, #tpu.memory_space<semaphore_mem>>) src(%dma_wait3A_503 : memref<10240x128xf32, #tpu.memory_space<hbm>>) dst(%arg7 : memref<128x128xf32, #tpu.memory_space<vmem>>)
    %dma_start3A_504 = arith.constant 72 : i32
    %dma_start3A_505 = arith.constant 0 : i32
    %dma_start3A_506 = tpu.memref_slice %arg6[%dma_start3A_504, %dma_start3A_505] : memref<80x128xi32, #tpu.memory_space<vmem>> -> memref<1x128xi32, #tpu.memory_space<vmem>>
    %dma_start3A_507 = tpu.memref_squeeze %dma_start3A_506 : memref<1x128xi32, #tpu.memory_space<vmem>> -> memref<128xi32, #tpu.memory_space<vmem>>
    %dma_start3A_508 = arith.constant 0 : i32
    %dma_start3A_509 = arith.constant 0 : i32
    %dma_start3A_510 = tpu.memref_slice %arg2[%dma_start3A_508, %dma_start3A_509] : memref<10240x128xf32, #tpu.memory_space<hbm>> -> memref<10240x128xf32, #tpu.memory_space<hbm>>
    tpu.enqueue_indirect_dma source(%dma_start3A_510 : memref<10240x128xf32, #tpu.memory_space<hbm>>) target(%arg7 : memref<128x128xf32, #tpu.memory_space<vmem>>) offsets(%dma_start3A_507 : memref<128xi32, #tpu.memory_space<vmem>>) semaphore(%arg10 : memref<!tpu.dma_semaphore, #tpu.memory_space<semaphore_mem>>)
    %dma_wait3A_511 = arith.constant 70 : i32
    %dma_wait3A_512 = arith.constant 0 : i32
    %dma_wait3A_513 = tpu.memref_slice %arg6[%dma_wait3A_511, %dma_wait3A_512] : memref<80x128xi32, #tpu.memory_space<vmem>> -> memref<1x128xi32, #tpu.memory_space<vmem>>
    %dma_wait3A_514 = tpu.memref_squeeze %dma_wait3A_513 : memref<1x128xi32, #tpu.memory_space<vmem>> -> memref<128xi32, #tpu.memory_space<vmem>>
    %dma_wait3A_515 = arith.constant 0 : i32
    %dma_wait3A_516 = arith.constant 0 : i32
    %dma_wait3A_517 = tpu.memref_slice %arg2[%dma_wait3A_515, %dma_wait3A_516] : memref<10240x128xf32, #tpu.memory_space<hbm>> -> memref<10240x128xf32, #tpu.memory_space<hbm>>
    tpu.wait_indirect_dma semaphore(%arg11 : memref<!tpu.dma_semaphore, #tpu.memory_space<semaphore_mem>>) src(%dma_wait3A_517 : memref<10240x128xf32, #tpu.memory_space<hbm>>) dst(%arg8 : memref<128x128xf32, #tpu.memory_space<vmem>>)
    %dma_start3A_518 = arith.constant 74 : i32
    %dma_start3A_519 = arith.constant 0 : i32
    %dma_start3A_520 = tpu.memref_slice %arg6[%dma_start3A_518, %dma_start3A_519] : memref<80x128xi32, #tpu.memory_space<vmem>> -> memref<1x128xi32, #tpu.memory_space<vmem>>
    %dma_start3A_521 = tpu.memref_squeeze %dma_start3A_520 : memref<1x128xi32, #tpu.memory_space<vmem>> -> memref<128xi32, #tpu.memory_space<vmem>>
    %dma_start3A_522 = arith.constant 0 : i32
    %dma_start3A_523 = arith.constant 0 : i32
    %dma_start3A_524 = tpu.memref_slice %arg2[%dma_start3A_522, %dma_start3A_523] : memref<10240x128xf32, #tpu.memory_space<hbm>> -> memref<10240x128xf32, #tpu.memory_space<hbm>>
    tpu.enqueue_indirect_dma source(%dma_start3A_524 : memref<10240x128xf32, #tpu.memory_space<hbm>>) target(%arg8 : memref<128x128xf32, #tpu.memory_space<vmem>>) offsets(%dma_start3A_521 : memref<128xi32, #tpu.memory_space<vmem>>) semaphore(%arg11 : memref<!tpu.dma_semaphore, #tpu.memory_space<semaphore_mem>>)
    %dma_wait3A_525 = arith.constant 72 : i32
    %dma_wait3A_526 = arith.constant 0 : i32
    %dma_wait3A_527 = tpu.memref_slice %arg6[%dma_wait3A_525, %dma_wait3A_526] : memref<80x128xi32, #tpu.memory_space<vmem>> -> memref<1x128xi32, #tpu.memory_space<vmem>>
    %dma_wait3A_528 = tpu.memref_squeeze %dma_wait3A_527 : memref<1x128xi32, #tpu.memory_space<vmem>> -> memref<128xi32, #tpu.memory_space<vmem>>
    %dma_wait3A_529 = arith.constant 0 : i32
    %dma_wait3A_530 = arith.constant 0 : i32
    %dma_wait3A_531 = tpu.memref_slice %arg2[%dma_wait3A_529, %dma_wait3A_530] : memref<10240x128xf32, #tpu.memory_space<hbm>> -> memref<10240x128xf32, #tpu.memory_space<hbm>>
    tpu.wait_indirect_dma semaphore(%arg10 : memref<!tpu.dma_semaphore, #tpu.memory_space<semaphore_mem>>) src(%dma_wait3A_531 : memref<10240x128xf32, #tpu.memory_space<hbm>>) dst(%arg7 : memref<128x128xf32, #tpu.memory_space<vmem>>)
    %dma_start3A_532 = arith.constant 76 : i32
    %dma_start3A_533 = arith.constant 0 : i32
    %dma_start3A_534 = tpu.memref_slice %arg6[%dma_start3A_532, %dma_start3A_533] : memref<80x128xi32, #tpu.memory_space<vmem>> -> memref<1x128xi32, #tpu.memory_space<vmem>>
    %dma_start3A_535 = tpu.memref_squeeze %dma_start3A_534 : memref<1x128xi32, #tpu.memory_space<vmem>> -> memref<128xi32, #tpu.memory_space<vmem>>
    %dma_start3A_536 = arith.constant 0 : i32
    %dma_start3A_537 = arith.constant 0 : i32
    %dma_start3A_538 = tpu.memref_slice %arg2[%dma_start3A_536, %dma_start3A_537] : memref<10240x128xf32, #tpu.memory_space<hbm>> -> memref<10240x128xf32, #tpu.memory_space<hbm>>
    tpu.enqueue_indirect_dma source(%dma_start3A_538 : memref<10240x128xf32, #tpu.memory_space<hbm>>) target(%arg7 : memref<128x128xf32, #tpu.memory_space<vmem>>) offsets(%dma_start3A_535 : memref<128xi32, #tpu.memory_space<vmem>>) semaphore(%arg10 : memref<!tpu.dma_semaphore, #tpu.memory_space<semaphore_mem>>)
    %dma_wait3A_539 = arith.constant 74 : i32
    %dma_wait3A_540 = arith.constant 0 : i32
    %dma_wait3A_541 = tpu.memref_slice %arg6[%dma_wait3A_539, %dma_wait3A_540] : memref<80x128xi32, #tpu.memory_space<vmem>> -> memref<1x128xi32, #tpu.memory_space<vmem>>
    %dma_wait3A_542 = tpu.memref_squeeze %dma_wait3A_541 : memref<1x128xi32, #tpu.memory_space<vmem>> -> memref<128xi32, #tpu.memory_space<vmem>>
    %dma_wait3A_543 = arith.constant 0 : i32
    %dma_wait3A_544 = arith.constant 0 : i32
    %dma_wait3A_545 = tpu.memref_slice %arg2[%dma_wait3A_543, %dma_wait3A_544] : memref<10240x128xf32, #tpu.memory_space<hbm>> -> memref<10240x128xf32, #tpu.memory_space<hbm>>
    tpu.wait_indirect_dma semaphore(%arg11 : memref<!tpu.dma_semaphore, #tpu.memory_space<semaphore_mem>>) src(%dma_wait3A_545 : memref<10240x128xf32, #tpu.memory_space<hbm>>) dst(%arg8 : memref<128x128xf32, #tpu.memory_space<vmem>>)
    %dma_start3A_546 = arith.constant 78 : i32
    %dma_start3A_547 = arith.constant 0 : i32
    %dma_start3A_548 = tpu.memref_slice %arg6[%dma_start3A_546, %dma_start3A_547] : memref<80x128xi32, #tpu.memory_space<vmem>> -> memref<1x128xi32, #tpu.memory_space<vmem>>
    %dma_start3A_549 = tpu.memref_squeeze %dma_start3A_548 : memref<1x128xi32, #tpu.memory_space<vmem>> -> memref<128xi32, #tpu.memory_space<vmem>>
    %dma_start3A_550 = arith.constant 0 : i32
    %dma_start3A_551 = arith.constant 0 : i32
    %dma_start3A_552 = tpu.memref_slice %arg2[%dma_start3A_550, %dma_start3A_551] : memref<10240x128xf32, #tpu.memory_space<hbm>> -> memref<10240x128xf32, #tpu.memory_space<hbm>>
    tpu.enqueue_indirect_dma source(%dma_start3A_552 : memref<10240x128xf32, #tpu.memory_space<hbm>>) target(%arg8 : memref<128x128xf32, #tpu.memory_space<vmem>>) offsets(%dma_start3A_549 : memref<128xi32, #tpu.memory_space<vmem>>) semaphore(%arg11 : memref<!tpu.dma_semaphore, #tpu.memory_space<semaphore_mem>>)
    %dma_wait3A_553 = arith.constant 76 : i32
    %dma_wait3A_554 = arith.constant 0 : i32
    %dma_wait3A_555 = tpu.memref_slice %arg6[%dma_wait3A_553, %dma_wait3A_554] : memref<80x128xi32, #tpu.memory_space<vmem>> -> memref<1x128xi32, #tpu.memory_space<vmem>>
    %dma_wait3A_556 = tpu.memref_squeeze %dma_wait3A_555 : memref<1x128xi32, #tpu.memory_space<vmem>> -> memref<128xi32, #tpu.memory_space<vmem>>
    %dma_wait3A_557 = arith.constant 0 : i32
    %dma_wait3A_558 = arith.constant 0 : i32
    %dma_wait3A_559 = tpu.memref_slice %arg2[%dma_wait3A_557, %dma_wait3A_558] : memref<10240x128xf32, #tpu.memory_space<hbm>> -> memref<10240x128xf32, #tpu.memory_space<hbm>>
    tpu.wait_indirect_dma semaphore(%arg10 : memref<!tpu.dma_semaphore, #tpu.memory_space<semaphore_mem>>) src(%dma_wait3A_559 : memref<10240x128xf32, #tpu.memory_space<hbm>>) dst(%arg7 : memref<128x128xf32, #tpu.memory_space<vmem>>)
    %dma_wait3A_560 = arith.constant 78 : i32
    %dma_wait3A_561 = arith.constant 0 : i32
    %dma_wait3A_562 = tpu.memref_slice %arg6[%dma_wait3A_560, %dma_wait3A_561] : memref<80x128xi32, #tpu.memory_space<vmem>> -> memref<1x128xi32, #tpu.memory_space<vmem>>
    %dma_wait3A_563 = tpu.memref_squeeze %dma_wait3A_562 : memref<1x128xi32, #tpu.memory_space<vmem>> -> memref<128xi32, #tpu.memory_space<vmem>>
    %dma_wait3A_564 = arith.constant 0 : i32
    %dma_wait3A_565 = arith.constant 0 : i32
    %dma_wait3A_566 = tpu.memref_slice %arg2[%dma_wait3A_564, %dma_wait3A_565] : memref<10240x128xf32, #tpu.memory_space<hbm>> -> memref<10240x128xf32, #tpu.memory_space<hbm>>
    tpu.wait_indirect_dma semaphore(%arg11 : memref<!tpu.dma_semaphore, #tpu.memory_space<semaphore_mem>>) src(%dma_wait3A_566 : memref<10240x128xf32, #tpu.memory_space<hbm>>) dst(%arg8 : memref<128x128xf32, #tpu.memory_space<vmem>>)
    %mul3A_567 = arith.constant 80 : i32
    %mul3A_568 = arith.muli %add3A, %mul3A_567 : i32
    %add3A_569 = arith.constant 40 : i32
    %add3A_570 = arith.addi %mul3A_568, %add3A_569 : i32
    %mul3A_571 = arith.constant 2 : i32
    %mul3A_572 = arith.muli %mul3A_571, %add3A_570 : i32
    "tpu.region"() ({
      %run_scoped3A_1139 = tpu.sem_alloc : memref<!tpu.dma_semaphore, #tpu.memory_space<semaphore_mem>>
      %dma_start3A_1140 = arith.constant 0 : i32
      %dma_start3A_1141 = tpu.memref_slice %arg3[%mul3A_572, %dma_start3A_1140] : memref<5120x128xi32, #tpu.memory_space<hbm>> -> memref<80x128xi32, #tpu.memory_space<hbm>>
      %dma_start3A_1142 = arith.constant 0 : i32
      %dma_start3A_1143 = tpu.memref_slice %arg3[%mul3A_572, %dma_start3A_1142] : memref<5120x128xi32, #tpu.memory_space<hbm>> -> memref<80x128xi32, #tpu.memory_space<hbm>>
      tpu.enqueue_dma source(%dma_start3A_1143 : memref<80x128xi32, #tpu.memory_space<hbm>>) target(%arg6 : memref<80x128xi32, #tpu.memory_space<vmem>>) target_semaphore(%run_scoped3A_1139 : memref<!tpu.dma_semaphore, #tpu.memory_space<semaphore_mem>>)
      %dma_wait3A_1144 = arith.constant 0 : i32
      %dma_wait3A_1145 = tpu.memref_slice %arg3[%mul3A_572, %dma_wait3A_1144] : memref<5120x128xi32, #tpu.memory_space<hbm>> -> memref<80x128xi32, #tpu.memory_space<hbm>>
      %dma_wait3A_1146 = arith.constant 0 : i32
      %dma_wait3A_1147 = tpu.memref_slice %arg3[%mul3A_572, %dma_wait3A_1146] : memref<5120x128xi32, #tpu.memory_space<hbm>> -> memref<80x128xi32, #tpu.memory_space<hbm>>
      tpu.wait_dma2 semaphore(%run_scoped3A_1139 : memref<!tpu.dma_semaphore, #tpu.memory_space<semaphore_mem>>) src(%dma_wait3A_1147 : memref<80x128xi32, #tpu.memory_space<hbm>>) dst(%arg6 : memref<80x128xi32, #tpu.memory_space<vmem>>)
      tpu.yield
    }) : () -> ()
    %dma_start3A_573 = arith.constant 0 : i32
    %dma_start3A_574 = arith.constant 0 : i32
    %dma_start3A_575 = tpu.memref_slice %arg6[%dma_start3A_573, %dma_start3A_574] : memref<80x128xi32, #tpu.memory_space<vmem>> -> memref<1x128xi32, #tpu.memory_space<vmem>>
    %dma_start3A_576 = tpu.memref_squeeze %dma_start3A_575 : memref<1x128xi32, #tpu.memory_space<vmem>> -> memref<128xi32, #tpu.memory_space<vmem>>
    %dma_start3A_577 = arith.constant 0 : i32
    %dma_start3A_578 = arith.constant 0 : i32
    %dma_start3A_579 = tpu.memref_slice %arg2[%dma_start3A_577, %dma_start3A_578] : memref<10240x128xf32, #tpu.memory_space<hbm>> -> memref<10240x128xf32, #tpu.memory_space<hbm>>
    tpu.enqueue_indirect_dma source(%dma_start3A_579 : memref<10240x128xf32, #tpu.memory_space<hbm>>) target(%arg7 : memref<128x128xf32, #tpu.memory_space<vmem>>) offsets(%dma_start3A_576 : memref<128xi32, #tpu.memory_space<vmem>>) semaphore(%arg10 : memref<!tpu.dma_semaphore, #tpu.memory_space<semaphore_mem>>)
    %dma_start3A_580 = arith.constant 2 : i32
    %dma_start3A_581 = arith.constant 0 : i32
    %dma_start3A_582 = tpu.memref_slice %arg6[%dma_start3A_580, %dma_start3A_581] : memref<80x128xi32, #tpu.memory_space<vmem>> -> memref<1x128xi32, #tpu.memory_space<vmem>>
    %dma_start3A_583 = tpu.memref_squeeze %dma_start3A_582 : memref<1x128xi32, #tpu.memory_space<vmem>> -> memref<128xi32, #tpu.memory_space<vmem>>
    %dma_start3A_584 = arith.constant 0 : i32
    %dma_start3A_585 = arith.constant 0 : i32
    %dma_start3A_586 = tpu.memref_slice %arg2[%dma_start3A_584, %dma_start3A_585] : memref<10240x128xf32, #tpu.memory_space<hbm>> -> memref<10240x128xf32, #tpu.memory_space<hbm>>
    tpu.enqueue_indirect_dma source(%dma_start3A_586 : memref<10240x128xf32, #tpu.memory_space<hbm>>) target(%arg8 : memref<128x128xf32, #tpu.memory_space<vmem>>) offsets(%dma_start3A_583 : memref<128xi32, #tpu.memory_space<vmem>>) semaphore(%arg11 : memref<!tpu.dma_semaphore, #tpu.memory_space<semaphore_mem>>)
    %dma_wait3A_587 = arith.constant 0 : i32
    %dma_wait3A_588 = arith.constant 0 : i32
    %dma_wait3A_589 = tpu.memref_slice %arg6[%dma_wait3A_587, %dma_wait3A_588] : memref<80x128xi32, #tpu.memory_space<vmem>> -> memref<1x128xi32, #tpu.memory_space<vmem>>
    %dma_wait3A_590 = tpu.memref_squeeze %dma_wait3A_589 : memref<1x128xi32, #tpu.memory_space<vmem>> -> memref<128xi32, #tpu.memory_space<vmem>>
    %dma_wait3A_591 = arith.constant 0 : i32
    %dma_wait3A_592 = arith.constant 0 : i32
    %dma_wait3A_593 = tpu.memref_slice %arg2[%dma_wait3A_591, %dma_wait3A_592] : memref<10240x128xf32, #tpu.memory_space<hbm>> -> memref<10240x128xf32, #tpu.memory_space<hbm>>
    tpu.wait_indirect_dma semaphore(%arg10 : memref<!tpu.dma_semaphore, #tpu.memory_space<semaphore_mem>>) src(%dma_wait3A_593 : memref<10240x128xf32, #tpu.memory_space<hbm>>) dst(%arg7 : memref<128x128xf32, #tpu.memory_space<vmem>>)
    %run_scoped3A_594 = arith.constant 1 : i32
    "tpu.region"() ({
      %run_scoped3A_1139 = tpu.sem_alloc : memref<!tpu.dma_semaphore, #tpu.memory_space<semaphore_mem>>
      %dma_start3A_1140 = arith.constant 0 : i32
      %dma_start3A_1141 = tpu.memref_slice %arg6[%run_scoped3A_594, %dma_start3A_1140] : memref<80x128xi32, #tpu.memory_space<vmem>> -> memref<1x128xi32, #tpu.memory_space<vmem>>
      %dma_start3A_1142 = tpu.memref_squeeze %dma_start3A_1141 : memref<1x128xi32, #tpu.memory_space<vmem>> -> memref<128xi32, #tpu.memory_space<vmem>>
      %dma_start3A_1143 = arith.constant 0 : i32
      %dma_start3A_1144 = arith.constant 0 : i32
      %dma_start3A_1145 = tpu.memref_slice %arg9[%dma_start3A_1143, %dma_start3A_1144] : memref<10240x128xf32, #tpu.memory_space<vmem_shared>> -> memref<10240x128xf32, #tpu.memory_space<vmem_shared>>
      tpu.enqueue_indirect_dma source(%arg7 : memref<128x128xf32, #tpu.memory_space<vmem>>) target(%dma_start3A_1145 : memref<10240x128xf32, #tpu.memory_space<vmem_shared>>) offsets(%dma_start3A_1142 : memref<128xi32, #tpu.memory_space<vmem>>) semaphore(%run_scoped3A_1139 : memref<!tpu.dma_semaphore, #tpu.memory_space<semaphore_mem>>) {add = true}
      %dma_wait3A_1146 = arith.constant 0 : i32
      %dma_wait3A_1147 = tpu.memref_slice %arg6[%run_scoped3A_594, %dma_wait3A_1146] : memref<80x128xi32, #tpu.memory_space<vmem>> -> memref<1x128xi32, #tpu.memory_space<vmem>>
      %dma_wait3A_1148 = tpu.memref_squeeze %dma_wait3A_1147 : memref<1x128xi32, #tpu.memory_space<vmem>> -> memref<128xi32, #tpu.memory_space<vmem>>
      %dma_wait3A_1149 = arith.constant 0 : i32
      %dma_wait3A_1150 = arith.constant 0 : i32
      %dma_wait3A_1151 = tpu.memref_slice %arg9[%dma_wait3A_1149, %dma_wait3A_1150] : memref<10240x128xf32, #tpu.memory_space<vmem_shared>> -> memref<10240x128xf32, #tpu.memory_space<vmem_shared>>
      tpu.wait_indirect_dma semaphore(%run_scoped3A_1139 : memref<!tpu.dma_semaphore, #tpu.memory_space<semaphore_mem>>) src(%arg7 : memref<128x128xf32, #tpu.memory_space<vmem>>) dst(%dma_wait3A_1151 : memref<10240x128xf32, #tpu.memory_space<vmem_shared>>)
      tpu.yield
    }) : () -> ()
    %dma_start3A_595 = arith.constant 4 : i32
    %dma_start3A_596 = arith.constant 0 : i32
    %dma_start3A_597 = tpu.memref_slice %arg6[%dma_start3A_595, %dma_start3A_596] : memref<80x128xi32, #tpu.memory_space<vmem>> -> memref<1x128xi32, #tpu.memory_space<vmem>>
    %dma_start3A_598 = tpu.memref_squeeze %dma_start3A_597 : memref<1x128xi32, #tpu.memory_space<vmem>> -> memref<128xi32, #tpu.memory_space<vmem>>
    %dma_start3A_599 = arith.constant 0 : i32
    %dma_start3A_600 = arith.constant 0 : i32
    %dma_start3A_601 = tpu.memref_slice %arg2[%dma_start3A_599, %dma_start3A_600] : memref<10240x128xf32, #tpu.memory_space<hbm>> -> memref<10240x128xf32, #tpu.memory_space<hbm>>
    tpu.enqueue_indirect_dma source(%dma_start3A_601 : memref<10240x128xf32, #tpu.memory_space<hbm>>) target(%arg7 : memref<128x128xf32, #tpu.memory_space<vmem>>) offsets(%dma_start3A_598 : memref<128xi32, #tpu.memory_space<vmem>>) semaphore(%arg10 : memref<!tpu.dma_semaphore, #tpu.memory_space<semaphore_mem>>)
    %dma_wait3A_602 = arith.constant 2 : i32
    %dma_wait3A_603 = arith.constant 0 : i32
    %dma_wait3A_604 = tpu.memref_slice %arg6[%dma_wait3A_602, %dma_wait3A_603] : memref<80x128xi32, #tpu.memory_space<vmem>> -> memref<1x128xi32, #tpu.memory_space<vmem>>
    %dma_wait3A_605 = tpu.memref_squeeze %dma_wait3A_604 : memref<1x128xi32, #tpu.memory_space<vmem>> -> memref<128xi32, #tpu.memory_space<vmem>>
    %dma_wait3A_606 = arith.constant 0 : i32
    %dma_wait3A_607 = arith.constant 0 : i32
    %dma_wait3A_608 = tpu.memref_slice %arg2[%dma_wait3A_606, %dma_wait3A_607] : memref<10240x128xf32, #tpu.memory_space<hbm>> -> memref<10240x128xf32, #tpu.memory_space<hbm>>
    tpu.wait_indirect_dma semaphore(%arg11 : memref<!tpu.dma_semaphore, #tpu.memory_space<semaphore_mem>>) src(%dma_wait3A_608 : memref<10240x128xf32, #tpu.memory_space<hbm>>) dst(%arg8 : memref<128x128xf32, #tpu.memory_space<vmem>>)
    %dma_start3A_609 = arith.constant 6 : i32
    %dma_start3A_610 = arith.constant 0 : i32
    %dma_start3A_611 = tpu.memref_slice %arg6[%dma_start3A_609, %dma_start3A_610] : memref<80x128xi32, #tpu.memory_space<vmem>> -> memref<1x128xi32, #tpu.memory_space<vmem>>
    %dma_start3A_612 = tpu.memref_squeeze %dma_start3A_611 : memref<1x128xi32, #tpu.memory_space<vmem>> -> memref<128xi32, #tpu.memory_space<vmem>>
    %dma_start3A_613 = arith.constant 0 : i32
    %dma_start3A_614 = arith.constant 0 : i32
    %dma_start3A_615 = tpu.memref_slice %arg2[%dma_start3A_613, %dma_start3A_614] : memref<10240x128xf32, #tpu.memory_space<hbm>> -> memref<10240x128xf32, #tpu.memory_space<hbm>>
    tpu.enqueue_indirect_dma source(%dma_start3A_615 : memref<10240x128xf32, #tpu.memory_space<hbm>>) target(%arg8 : memref<128x128xf32, #tpu.memory_space<vmem>>) offsets(%dma_start3A_612 : memref<128xi32, #tpu.memory_space<vmem>>) semaphore(%arg11 : memref<!tpu.dma_semaphore, #tpu.memory_space<semaphore_mem>>)
    %dma_wait3A_616 = arith.constant 4 : i32
    %dma_wait3A_617 = arith.constant 0 : i32
    %dma_wait3A_618 = tpu.memref_slice %arg6[%dma_wait3A_616, %dma_wait3A_617] : memref<80x128xi32, #tpu.memory_space<vmem>> -> memref<1x128xi32, #tpu.memory_space<vmem>>
    %dma_wait3A_619 = tpu.memref_squeeze %dma_wait3A_618 : memref<1x128xi32, #tpu.memory_space<vmem>> -> memref<128xi32, #tpu.memory_space<vmem>>
    %dma_wait3A_620 = arith.constant 0 : i32
    %dma_wait3A_621 = arith.constant 0 : i32
    %dma_wait3A_622 = tpu.memref_slice %arg2[%dma_wait3A_620, %dma_wait3A_621] : memref<10240x128xf32, #tpu.memory_space<hbm>> -> memref<10240x128xf32, #tpu.memory_space<hbm>>
    tpu.wait_indirect_dma semaphore(%arg10 : memref<!tpu.dma_semaphore, #tpu.memory_space<semaphore_mem>>) src(%dma_wait3A_622 : memref<10240x128xf32, #tpu.memory_space<hbm>>) dst(%arg7 : memref<128x128xf32, #tpu.memory_space<vmem>>)
    %dma_start3A_623 = arith.constant 8 : i32
    %dma_start3A_624 = arith.constant 0 : i32
    %dma_start3A_625 = tpu.memref_slice %arg6[%dma_start3A_623, %dma_start3A_624] : memref<80x128xi32, #tpu.memory_space<vmem>> -> memref<1x128xi32, #tpu.memory_space<vmem>>
    %dma_start3A_626 = tpu.memref_squeeze %dma_start3A_625 : memref<1x128xi32, #tpu.memory_space<vmem>> -> memref<128xi32, #tpu.memory_space<vmem>>
    %dma_start3A_627 = arith.constant 0 : i32
    %dma_start3A_628 = arith.constant 0 : i32
    %dma_start3A_629 = tpu.memref_slice %arg2[%dma_start3A_627, %dma_start3A_628] : memref<10240x128xf32, #tpu.memory_space<hbm>> -> memref<10240x128xf32, #tpu.memory_space<hbm>>
    tpu.enqueue_indirect_dma source(%dma_start3A_629 : memref<10240x128xf32, #tpu.memory_space<hbm>>) target(%arg7 : memref<128x128xf32, #tpu.memory_space<vmem>>) offsets(%dma_start3A_626 : memref<128xi32, #tpu.memory_space<vmem>>) semaphore(%arg10 : memref<!tpu.dma_semaphore, #tpu.memory_space<semaphore_mem>>)
    %dma_wait3A_630 = arith.constant 6 : i32
    %dma_wait3A_631 = arith.constant 0 : i32
    %dma_wait3A_632 = tpu.memref_slice %arg6[%dma_wait3A_630, %dma_wait3A_631] : memref<80x128xi32, #tpu.memory_space<vmem>> -> memref<1x128xi32, #tpu.memory_space<vmem>>
    %dma_wait3A_633 = tpu.memref_squeeze %dma_wait3A_632 : memref<1x128xi32, #tpu.memory_space<vmem>> -> memref<128xi32, #tpu.memory_space<vmem>>
    %dma_wait3A_634 = arith.constant 0 : i32
    %dma_wait3A_635 = arith.constant 0 : i32
    %dma_wait3A_636 = tpu.memref_slice %arg2[%dma_wait3A_634, %dma_wait3A_635] : memref<10240x128xf32, #tpu.memory_space<hbm>> -> memref<10240x128xf32, #tpu.memory_space<hbm>>
    tpu.wait_indirect_dma semaphore(%arg11 : memref<!tpu.dma_semaphore, #tpu.memory_space<semaphore_mem>>) src(%dma_wait3A_636 : memref<10240x128xf32, #tpu.memory_space<hbm>>) dst(%arg8 : memref<128x128xf32, #tpu.memory_space<vmem>>)
    %dma_start3A_637 = arith.constant 10 : i32
    %dma_start3A_638 = arith.constant 0 : i32
    %dma_start3A_639 = tpu.memref_slice %arg6[%dma_start3A_637, %dma_start3A_638] : memref<80x128xi32, #tpu.memory_space<vmem>> -> memref<1x128xi32, #tpu.memory_space<vmem>>
    %dma_start3A_640 = tpu.memref_squeeze %dma_start3A_639 : memref<1x128xi32, #tpu.memory_space<vmem>> -> memref<128xi32, #tpu.memory_space<vmem>>
    %dma_start3A_641 = arith.constant 0 : i32
    %dma_start3A_642 = arith.constant 0 : i32
    %dma_start3A_643 = tpu.memref_slice %arg2[%dma_start3A_641, %dma_start3A_642] : memref<10240x128xf32, #tpu.memory_space<hbm>> -> memref<10240x128xf32, #tpu.memory_space<hbm>>
    tpu.enqueue_indirect_dma source(%dma_start3A_643 : memref<10240x128xf32, #tpu.memory_space<hbm>>) target(%arg8 : memref<128x128xf32, #tpu.memory_space<vmem>>) offsets(%dma_start3A_640 : memref<128xi32, #tpu.memory_space<vmem>>) semaphore(%arg11 : memref<!tpu.dma_semaphore, #tpu.memory_space<semaphore_mem>>)
    %dma_wait3A_644 = arith.constant 8 : i32
    %dma_wait3A_645 = arith.constant 0 : i32
    %dma_wait3A_646 = tpu.memref_slice %arg6[%dma_wait3A_644, %dma_wait3A_645] : memref<80x128xi32, #tpu.memory_space<vmem>> -> memref<1x128xi32, #tpu.memory_space<vmem>>
    %dma_wait3A_647 = tpu.memref_squeeze %dma_wait3A_646 : memref<1x128xi32, #tpu.memory_space<vmem>> -> memref<128xi32, #tpu.memory_space<vmem>>
    %dma_wait3A_648 = arith.constant 0 : i32
    %dma_wait3A_649 = arith.constant 0 : i32
    %dma_wait3A_650 = tpu.memref_slice %arg2[%dma_wait3A_648, %dma_wait3A_649] : memref<10240x128xf32, #tpu.memory_space<hbm>> -> memref<10240x128xf32, #tpu.memory_space<hbm>>
    tpu.wait_indirect_dma semaphore(%arg10 : memref<!tpu.dma_semaphore, #tpu.memory_space<semaphore_mem>>) src(%dma_wait3A_650 : memref<10240x128xf32, #tpu.memory_space<hbm>>) dst(%arg7 : memref<128x128xf32, #tpu.memory_space<vmem>>)
    %dma_start3A_651 = arith.constant 12 : i32
    %dma_start3A_652 = arith.constant 0 : i32
    %dma_start3A_653 = tpu.memref_slice %arg6[%dma_start3A_651, %dma_start3A_652] : memref<80x128xi32, #tpu.memory_space<vmem>> -> memref<1x128xi32, #tpu.memory_space<vmem>>
    %dma_start3A_654 = tpu.memref_squeeze %dma_start3A_653 : memref<1x128xi32, #tpu.memory_space<vmem>> -> memref<128xi32, #tpu.memory_space<vmem>>
    %dma_start3A_655 = arith.constant 0 : i32
    %dma_start3A_656 = arith.constant 0 : i32
    %dma_start3A_657 = tpu.memref_slice %arg2[%dma_start3A_655, %dma_start3A_656] : memref<10240x128xf32, #tpu.memory_space<hbm>> -> memref<10240x128xf32, #tpu.memory_space<hbm>>
    tpu.enqueue_indirect_dma source(%dma_start3A_657 : memref<10240x128xf32, #tpu.memory_space<hbm>>) target(%arg7 : memref<128x128xf32, #tpu.memory_space<vmem>>) offsets(%dma_start3A_654 : memref<128xi32, #tpu.memory_space<vmem>>) semaphore(%arg10 : memref<!tpu.dma_semaphore, #tpu.memory_space<semaphore_mem>>)
    %dma_wait3A_658 = arith.constant 10 : i32
    %dma_wait3A_659 = arith.constant 0 : i32
    %dma_wait3A_660 = tpu.memref_slice %arg6[%dma_wait3A_658, %dma_wait3A_659] : memref<80x128xi32, #tpu.memory_space<vmem>> -> memref<1x128xi32, #tpu.memory_space<vmem>>
    %dma_wait3A_661 = tpu.memref_squeeze %dma_wait3A_660 : memref<1x128xi32, #tpu.memory_space<vmem>> -> memref<128xi32, #tpu.memory_space<vmem>>
    %dma_wait3A_662 = arith.constant 0 : i32
    %dma_wait3A_663 = arith.constant 0 : i32
    %dma_wait3A_664 = tpu.memref_slice %arg2[%dma_wait3A_662, %dma_wait3A_663] : memref<10240x128xf32, #tpu.memory_space<hbm>> -> memref<10240x128xf32, #tpu.memory_space<hbm>>
    tpu.wait_indirect_dma semaphore(%arg11 : memref<!tpu.dma_semaphore, #tpu.memory_space<semaphore_mem>>) src(%dma_wait3A_664 : memref<10240x128xf32, #tpu.memory_space<hbm>>) dst(%arg8 : memref<128x128xf32, #tpu.memory_space<vmem>>)
    %dma_start3A_665 = arith.constant 14 : i32
    %dma_start3A_666 = arith.constant 0 : i32
    %dma_start3A_667 = tpu.memref_slice %arg6[%dma_start3A_665, %dma_start3A_666] : memref<80x128xi32, #tpu.memory_space<vmem>> -> memref<1x128xi32, #tpu.memory_space<vmem>>
    %dma_start3A_668 = tpu.memref_squeeze %dma_start3A_667 : memref<1x128xi32, #tpu.memory_space<vmem>> -> memref<128xi32, #tpu.memory_space<vmem>>
    %dma_start3A_669 = arith.constant 0 : i32
    %dma_start3A_670 = arith.constant 0 : i32
    %dma_start3A_671 = tpu.memref_slice %arg2[%dma_start3A_669, %dma_start3A_670] : memref<10240x128xf32, #tpu.memory_space<hbm>> -> memref<10240x128xf32, #tpu.memory_space<hbm>>
    tpu.enqueue_indirect_dma source(%dma_start3A_671 : memref<10240x128xf32, #tpu.memory_space<hbm>>) target(%arg8 : memref<128x128xf32, #tpu.memory_space<vmem>>) offsets(%dma_start3A_668 : memref<128xi32, #tpu.memory_space<vmem>>) semaphore(%arg11 : memref<!tpu.dma_semaphore, #tpu.memory_space<semaphore_mem>>)
    %dma_wait3A_672 = arith.constant 12 : i32
    %dma_wait3A_673 = arith.constant 0 : i32
    %dma_wait3A_674 = tpu.memref_slice %arg6[%dma_wait3A_672, %dma_wait3A_673] : memref<80x128xi32, #tpu.memory_space<vmem>> -> memref<1x128xi32, #tpu.memory_space<vmem>>
    %dma_wait3A_675 = tpu.memref_squeeze %dma_wait3A_674 : memref<1x128xi32, #tpu.memory_space<vmem>> -> memref<128xi32, #tpu.memory_space<vmem>>
    %dma_wait3A_676 = arith.constant 0 : i32
    %dma_wait3A_677 = arith.constant 0 : i32
    %dma_wait3A_678 = tpu.memref_slice %arg2[%dma_wait3A_676, %dma_wait3A_677] : memref<10240x128xf32, #tpu.memory_space<hbm>> -> memref<10240x128xf32, #tpu.memory_space<hbm>>
    tpu.wait_indirect_dma semaphore(%arg10 : memref<!tpu.dma_semaphore, #tpu.memory_space<semaphore_mem>>) src(%dma_wait3A_678 : memref<10240x128xf32, #tpu.memory_space<hbm>>) dst(%arg7 : memref<128x128xf32, #tpu.memory_space<vmem>>)
    %dma_start3A_679 = arith.constant 16 : i32
    %dma_start3A_680 = arith.constant 0 : i32
    %dma_start3A_681 = tpu.memref_slice %arg6[%dma_start3A_679, %dma_start3A_680] : memref<80x128xi32, #tpu.memory_space<vmem>> -> memref<1x128xi32, #tpu.memory_space<vmem>>
    %dma_start3A_682 = tpu.memref_squeeze %dma_start3A_681 : memref<1x128xi32, #tpu.memory_space<vmem>> -> memref<128xi32, #tpu.memory_space<vmem>>
    %dma_start3A_683 = arith.constant 0 : i32
    %dma_start3A_684 = arith.constant 0 : i32
    %dma_start3A_685 = tpu.memref_slice %arg2[%dma_start3A_683, %dma_start3A_684] : memref<10240x128xf32, #tpu.memory_space<hbm>> -> memref<10240x128xf32, #tpu.memory_space<hbm>>
    tpu.enqueue_indirect_dma source(%dma_start3A_685 : memref<10240x128xf32, #tpu.memory_space<hbm>>) target(%arg7 : memref<128x128xf32, #tpu.memory_space<vmem>>) offsets(%dma_start3A_682 : memref<128xi32, #tpu.memory_space<vmem>>) semaphore(%arg10 : memref<!tpu.dma_semaphore, #tpu.memory_space<semaphore_mem>>)
    %dma_wait3A_686 = arith.constant 14 : i32
    %dma_wait3A_687 = arith.constant 0 : i32
    %dma_wait3A_688 = tpu.memref_slice %arg6[%dma_wait3A_686, %dma_wait3A_687] : memref<80x128xi32, #tpu.memory_space<vmem>> -> memref<1x128xi32, #tpu.memory_space<vmem>>
    %dma_wait3A_689 = tpu.memref_squeeze %dma_wait3A_688 : memref<1x128xi32, #tpu.memory_space<vmem>> -> memref<128xi32, #tpu.memory_space<vmem>>
    %dma_wait3A_690 = arith.constant 0 : i32
    %dma_wait3A_691 = arith.constant 0 : i32
    %dma_wait3A_692 = tpu.memref_slice %arg2[%dma_wait3A_690, %dma_wait3A_691] : memref<10240x128xf32, #tpu.memory_space<hbm>> -> memref<10240x128xf32, #tpu.memory_space<hbm>>
    tpu.wait_indirect_dma semaphore(%arg11 : memref<!tpu.dma_semaphore, #tpu.memory_space<semaphore_mem>>) src(%dma_wait3A_692 : memref<10240x128xf32, #tpu.memory_space<hbm>>) dst(%arg8 : memref<128x128xf32, #tpu.memory_space<vmem>>)
    %dma_start3A_693 = arith.constant 18 : i32
    %dma_start3A_694 = arith.constant 0 : i32
    %dma_start3A_695 = tpu.memref_slice %arg6[%dma_start3A_693, %dma_start3A_694] : memref<80x128xi32, #tpu.memory_space<vmem>> -> memref<1x128xi32, #tpu.memory_space<vmem>>
    %dma_start3A_696 = tpu.memref_squeeze %dma_start3A_695 : memref<1x128xi32, #tpu.memory_space<vmem>> -> memref<128xi32, #tpu.memory_space<vmem>>
    %dma_start3A_697 = arith.constant 0 : i32
    %dma_start3A_698 = arith.constant 0 : i32
    %dma_start3A_699 = tpu.memref_slice %arg2[%dma_start3A_697, %dma_start3A_698] : memref<10240x128xf32, #tpu.memory_space<hbm>> -> memref<10240x128xf32, #tpu.memory_space<hbm>>
    tpu.enqueue_indirect_dma source(%dma_start3A_699 : memref<10240x128xf32, #tpu.memory_space<hbm>>) target(%arg8 : memref<128x128xf32, #tpu.memory_space<vmem>>) offsets(%dma_start3A_696 : memref<128xi32, #tpu.memory_space<vmem>>) semaphore(%arg11 : memref<!tpu.dma_semaphore, #tpu.memory_space<semaphore_mem>>)
    %dma_wait3A_700 = arith.constant 16 : i32
    %dma_wait3A_701 = arith.constant 0 : i32
    %dma_wait3A_702 = tpu.memref_slice %arg6[%dma_wait3A_700, %dma_wait3A_701] : memref<80x128xi32, #tpu.memory_space<vmem>> -> memref<1x128xi32, #tpu.memory_space<vmem>>
    %dma_wait3A_703 = tpu.memref_squeeze %dma_wait3A_702 : memref<1x128xi32, #tpu.memory_space<vmem>> -> memref<128xi32, #tpu.memory_space<vmem>>
    %dma_wait3A_704 = arith.constant 0 : i32
    %dma_wait3A_705 = arith.constant 0 : i32
    %dma_wait3A_706 = tpu.memref_slice %arg2[%dma_wait3A_704, %dma_wait3A_705] : memref<10240x128xf32, #tpu.memory_space<hbm>> -> memref<10240x128xf32, #tpu.memory_space<hbm>>
    tpu.wait_indirect_dma semaphore(%arg10 : memref<!tpu.dma_semaphore, #tpu.memory_space<semaphore_mem>>) src(%dma_wait3A_706 : memref<10240x128xf32, #tpu.memory_space<hbm>>) dst(%arg7 : memref<128x128xf32, #tpu.memory_space<vmem>>)
    %dma_start3A_707 = arith.constant 20 : i32
    %dma_start3A_708 = arith.constant 0 : i32
    %dma_start3A_709 = tpu.memref_slice %arg6[%dma_start3A_707, %dma_start3A_708] : memref<80x128xi32, #tpu.memory_space<vmem>> -> memref<1x128xi32, #tpu.memory_space<vmem>>
    %dma_start3A_710 = tpu.memref_squeeze %dma_start3A_709 : memref<1x128xi32, #tpu.memory_space<vmem>> -> memref<128xi32, #tpu.memory_space<vmem>>
    %dma_start3A_711 = arith.constant 0 : i32
    %dma_start3A_712 = arith.constant 0 : i32
    %dma_start3A_713 = tpu.memref_slice %arg2[%dma_start3A_711, %dma_start3A_712] : memref<10240x128xf32, #tpu.memory_space<hbm>> -> memref<10240x128xf32, #tpu.memory_space<hbm>>
    tpu.enqueue_indirect_dma source(%dma_start3A_713 : memref<10240x128xf32, #tpu.memory_space<hbm>>) target(%arg7 : memref<128x128xf32, #tpu.memory_space<vmem>>) offsets(%dma_start3A_710 : memref<128xi32, #tpu.memory_space<vmem>>) semaphore(%arg10 : memref<!tpu.dma_semaphore, #tpu.memory_space<semaphore_mem>>)
    %dma_wait3A_714 = arith.constant 18 : i32
    %dma_wait3A_715 = arith.constant 0 : i32
    %dma_wait3A_716 = tpu.memref_slice %arg6[%dma_wait3A_714, %dma_wait3A_715] : memref<80x128xi32, #tpu.memory_space<vmem>> -> memref<1x128xi32, #tpu.memory_space<vmem>>
    %dma_wait3A_717 = tpu.memref_squeeze %dma_wait3A_716 : memref<1x128xi32, #tpu.memory_space<vmem>> -> memref<128xi32, #tpu.memory_space<vmem>>
    %dma_wait3A_718 = arith.constant 0 : i32
    %dma_wait3A_719 = arith.constant 0 : i32
    %dma_wait3A_720 = tpu.memref_slice %arg2[%dma_wait3A_718, %dma_wait3A_719] : memref<10240x128xf32, #tpu.memory_space<hbm>> -> memref<10240x128xf32, #tpu.memory_space<hbm>>
    tpu.wait_indirect_dma semaphore(%arg11 : memref<!tpu.dma_semaphore, #tpu.memory_space<semaphore_mem>>) src(%dma_wait3A_720 : memref<10240x128xf32, #tpu.memory_space<hbm>>) dst(%arg8 : memref<128x128xf32, #tpu.memory_space<vmem>>)
    %dma_start3A_721 = arith.constant 22 : i32
    %dma_start3A_722 = arith.constant 0 : i32
    %dma_start3A_723 = tpu.memref_slice %arg6[%dma_start3A_721, %dma_start3A_722] : memref<80x128xi32, #tpu.memory_space<vmem>> -> memref<1x128xi32, #tpu.memory_space<vmem>>
    %dma_start3A_724 = tpu.memref_squeeze %dma_start3A_723 : memref<1x128xi32, #tpu.memory_space<vmem>> -> memref<128xi32, #tpu.memory_space<vmem>>
    %dma_start3A_725 = arith.constant 0 : i32
    %dma_start3A_726 = arith.constant 0 : i32
    %dma_start3A_727 = tpu.memref_slice %arg2[%dma_start3A_725, %dma_start3A_726] : memref<10240x128xf32, #tpu.memory_space<hbm>> -> memref<10240x128xf32, #tpu.memory_space<hbm>>
    tpu.enqueue_indirect_dma source(%dma_start3A_727 : memref<10240x128xf32, #tpu.memory_space<hbm>>) target(%arg8 : memref<128x128xf32, #tpu.memory_space<vmem>>) offsets(%dma_start3A_724 : memref<128xi32, #tpu.memory_space<vmem>>) semaphore(%arg11 : memref<!tpu.dma_semaphore, #tpu.memory_space<semaphore_mem>>)
    %dma_wait3A_728 = arith.constant 20 : i32
    %dma_wait3A_729 = arith.constant 0 : i32
    %dma_wait3A_730 = tpu.memref_slice %arg6[%dma_wait3A_728, %dma_wait3A_729] : memref<80x128xi32, #tpu.memory_space<vmem>> -> memref<1x128xi32, #tpu.memory_space<vmem>>
    %dma_wait3A_731 = tpu.memref_squeeze %dma_wait3A_730 : memref<1x128xi32, #tpu.memory_space<vmem>> -> memref<128xi32, #tpu.memory_space<vmem>>
    %dma_wait3A_732 = arith.constant 0 : i32
    %dma_wait3A_733 = arith.constant 0 : i32
    %dma_wait3A_734 = tpu.memref_slice %arg2[%dma_wait3A_732, %dma_wait3A_733] : memref<10240x128xf32, #tpu.memory_space<hbm>> -> memref<10240x128xf32, #tpu.memory_space<hbm>>
    tpu.wait_indirect_dma semaphore(%arg10 : memref<!tpu.dma_semaphore, #tpu.memory_space<semaphore_mem>>) src(%dma_wait3A_734 : memref<10240x128xf32, #tpu.memory_space<hbm>>) dst(%arg7 : memref<128x128xf32, #tpu.memory_space<vmem>>)
    %dma_start3A_735 = arith.constant 24 : i32
    %dma_start3A_736 = arith.constant 0 : i32
    %dma_start3A_737 = tpu.memref_slice %arg6[%dma_start3A_735, %dma_start3A_736] : memref<80x128xi32, #tpu.memory_space<vmem>> -> memref<1x128xi32, #tpu.memory_space<vmem>>
    %dma_start3A_738 = tpu.memref_squeeze %dma_start3A_737 : memref<1x128xi32, #tpu.memory_space<vmem>> -> memref<128xi32, #tpu.memory_space<vmem>>
    %dma_start3A_739 = arith.constant 0 : i32
    %dma_start3A_740 = arith.constant 0 : i32
    %dma_start3A_741 = tpu.memref_slice %arg2[%dma_start3A_739, %dma_start3A_740] : memref<10240x128xf32, #tpu.memory_space<hbm>> -> memref<10240x128xf32, #tpu.memory_space<hbm>>
    tpu.enqueue_indirect_dma source(%dma_start3A_741 : memref<10240x128xf32, #tpu.memory_space<hbm>>) target(%arg7 : memref<128x128xf32, #tpu.memory_space<vmem>>) offsets(%dma_start3A_738 : memref<128xi32, #tpu.memory_space<vmem>>) semaphore(%arg10 : memref<!tpu.dma_semaphore, #tpu.memory_space<semaphore_mem>>)
    %dma_wait3A_742 = arith.constant 22 : i32
    %dma_wait3A_743 = arith.constant 0 : i32
    %dma_wait3A_744 = tpu.memref_slice %arg6[%dma_wait3A_742, %dma_wait3A_743] : memref<80x128xi32, #tpu.memory_space<vmem>> -> memref<1x128xi32, #tpu.memory_space<vmem>>
    %dma_wait3A_745 = tpu.memref_squeeze %dma_wait3A_744 : memref<1x128xi32, #tpu.memory_space<vmem>> -> memref<128xi32, #tpu.memory_space<vmem>>
    %dma_wait3A_746 = arith.constant 0 : i32
    %dma_wait3A_747 = arith.constant 0 : i32
    %dma_wait3A_748 = tpu.memref_slice %arg2[%dma_wait3A_746, %dma_wait3A_747] : memref<10240x128xf32, #tpu.memory_space<hbm>> -> memref<10240x128xf32, #tpu.memory_space<hbm>>
    tpu.wait_indirect_dma semaphore(%arg11 : memref<!tpu.dma_semaphore, #tpu.memory_space<semaphore_mem>>) src(%dma_wait3A_748 : memref<10240x128xf32, #tpu.memory_space<hbm>>) dst(%arg8 : memref<128x128xf32, #tpu.memory_space<vmem>>)
    %dma_start3A_749 = arith.constant 26 : i32
    %dma_start3A_750 = arith.constant 0 : i32
    %dma_start3A_751 = tpu.memref_slice %arg6[%dma_start3A_749, %dma_start3A_750] : memref<80x128xi32, #tpu.memory_space<vmem>> -> memref<1x128xi32, #tpu.memory_space<vmem>>
    %dma_start3A_752 = tpu.memref_squeeze %dma_start3A_751 : memref<1x128xi32, #tpu.memory_space<vmem>> -> memref<128xi32, #tpu.memory_space<vmem>>
    %dma_start3A_753 = arith.constant 0 : i32
    %dma_start3A_754 = arith.constant 0 : i32
    %dma_start3A_755 = tpu.memref_slice %arg2[%dma_start3A_753, %dma_start3A_754] : memref<10240x128xf32, #tpu.memory_space<hbm>> -> memref<10240x128xf32, #tpu.memory_space<hbm>>
    tpu.enqueue_indirect_dma source(%dma_start3A_755 : memref<10240x128xf32, #tpu.memory_space<hbm>>) target(%arg8 : memref<128x128xf32, #tpu.memory_space<vmem>>) offsets(%dma_start3A_752 : memref<128xi32, #tpu.memory_space<vmem>>) semaphore(%arg11 : memref<!tpu.dma_semaphore, #tpu.memory_space<semaphore_mem>>)
    %dma_wait3A_756 = arith.constant 24 : i32
    %dma_wait3A_757 = arith.constant 0 : i32
    %dma_wait3A_758 = tpu.memref_slice %arg6[%dma_wait3A_756, %dma_wait3A_757] : memref<80x128xi32, #tpu.memory_space<vmem>> -> memref<1x128xi32, #tpu.memory_space<vmem>>
    %dma_wait3A_759 = tpu.memref_squeeze %dma_wait3A_758 : memref<1x128xi32, #tpu.memory_space<vmem>> -> memref<128xi32, #tpu.memory_space<vmem>>
    %dma_wait3A_760 = arith.constant 0 : i32
    %dma_wait3A_761 = arith.constant 0 : i32
    %dma_wait3A_762 = tpu.memref_slice %arg2[%dma_wait3A_760, %dma_wait3A_761] : memref<10240x128xf32, #tpu.memory_space<hbm>> -> memref<10240x128xf32, #tpu.memory_space<hbm>>
    tpu.wait_indirect_dma semaphore(%arg10 : memref<!tpu.dma_semaphore, #tpu.memory_space<semaphore_mem>>) src(%dma_wait3A_762 : memref<10240x128xf32, #tpu.memory_space<hbm>>) dst(%arg7 : memref<128x128xf32, #tpu.memory_space<vmem>>)
    %dma_start3A_763 = arith.constant 28 : i32
    %dma_start3A_764 = arith.constant 0 : i32
    %dma_start3A_765 = tpu.memref_slice %arg6[%dma_start3A_763, %dma_start3A_764] : memref<80x128xi32, #tpu.memory_space<vmem>> -> memref<1x128xi32, #tpu.memory_space<vmem>>
    %dma_start3A_766 = tpu.memref_squeeze %dma_start3A_765 : memref<1x128xi32, #tpu.memory_space<vmem>> -> memref<128xi32, #tpu.memory_space<vmem>>
    %dma_start3A_767 = arith.constant 0 : i32
    %dma_start3A_768 = arith.constant 0 : i32
    %dma_start3A_769 = tpu.memref_slice %arg2[%dma_start3A_767, %dma_start3A_768] : memref<10240x128xf32, #tpu.memory_space<hbm>> -> memref<10240x128xf32, #tpu.memory_space<hbm>>
    tpu.enqueue_indirect_dma source(%dma_start3A_769 : memref<10240x128xf32, #tpu.memory_space<hbm>>) target(%arg7 : memref<128x128xf32, #tpu.memory_space<vmem>>) offsets(%dma_start3A_766 : memref<128xi32, #tpu.memory_space<vmem>>) semaphore(%arg10 : memref<!tpu.dma_semaphore, #tpu.memory_space<semaphore_mem>>)
    %dma_wait3A_770 = arith.constant 26 : i32
    %dma_wait3A_771 = arith.constant 0 : i32
    %dma_wait3A_772 = tpu.memref_slice %arg6[%dma_wait3A_770, %dma_wait3A_771] : memref<80x128xi32, #tpu.memory_space<vmem>> -> memref<1x128xi32, #tpu.memory_space<vmem>>
    %dma_wait3A_773 = tpu.memref_squeeze %dma_wait3A_772 : memref<1x128xi32, #tpu.memory_space<vmem>> -> memref<128xi32, #tpu.memory_space<vmem>>
    %dma_wait3A_774 = arith.constant 0 : i32
    %dma_wait3A_775 = arith.constant 0 : i32
    %dma_wait3A_776 = tpu.memref_slice %arg2[%dma_wait3A_774, %dma_wait3A_775] : memref<10240x128xf32, #tpu.memory_space<hbm>> -> memref<10240x128xf32, #tpu.memory_space<hbm>>
    tpu.wait_indirect_dma semaphore(%arg11 : memref<!tpu.dma_semaphore, #tpu.memory_space<semaphore_mem>>) src(%dma_wait3A_776 : memref<10240x128xf32, #tpu.memory_space<hbm>>) dst(%arg8 : memref<128x128xf32, #tpu.memory_space<vmem>>)
    %dma_start3A_777 = arith.constant 30 : i32
    %dma_start3A_778 = arith.constant 0 : i32
    %dma_start3A_779 = tpu.memref_slice %arg6[%dma_start3A_777, %dma_start3A_778] : memref<80x128xi32, #tpu.memory_space<vmem>> -> memref<1x128xi32, #tpu.memory_space<vmem>>
    %dma_start3A_780 = tpu.memref_squeeze %dma_start3A_779 : memref<1x128xi32, #tpu.memory_space<vmem>> -> memref<128xi32, #tpu.memory_space<vmem>>
    %dma_start3A_781 = arith.constant 0 : i32
    %dma_start3A_782 = arith.constant 0 : i32
    %dma_start3A_783 = tpu.memref_slice %arg2[%dma_start3A_781, %dma_start3A_782] : memref<10240x128xf32, #tpu.memory_space<hbm>> -> memref<10240x128xf32, #tpu.memory_space<hbm>>
    tpu.enqueue_indirect_dma source(%dma_start3A_783 : memref<10240x128xf32, #tpu.memory_space<hbm>>) target(%arg8 : memref<128x128xf32, #tpu.memory_space<vmem>>) offsets(%dma_start3A_780 : memref<128xi32, #tpu.memory_space<vmem>>) semaphore(%arg11 : memref<!tpu.dma_semaphore, #tpu.memory_space<semaphore_mem>>)
    %dma_wait3A_784 = arith.constant 28 : i32
    %dma_wait3A_785 = arith.constant 0 : i32
    %dma_wait3A_786 = tpu.memref_slice %arg6[%dma_wait3A_784, %dma_wait3A_785] : memref<80x128xi32, #tpu.memory_space<vmem>> -> memref<1x128xi32, #tpu.memory_space<vmem>>
    %dma_wait3A_787 = tpu.memref_squeeze %dma_wait3A_786 : memref<1x128xi32, #tpu.memory_space<vmem>> -> memref<128xi32, #tpu.memory_space<vmem>>
    %dma_wait3A_788 = arith.constant 0 : i32
    %dma_wait3A_789 = arith.constant 0 : i32
    %dma_wait3A_790 = tpu.memref_slice %arg2[%dma_wait3A_788, %dma_wait3A_789] : memref<10240x128xf32, #tpu.memory_space<hbm>> -> memref<10240x128xf32, #tpu.memory_space<hbm>>
    tpu.wait_indirect_dma semaphore(%arg10 : memref<!tpu.dma_semaphore, #tpu.memory_space<semaphore_mem>>) src(%dma_wait3A_790 : memref<10240x128xf32, #tpu.memory_space<hbm>>) dst(%arg7 : memref<128x128xf32, #tpu.memory_space<vmem>>)
    %dma_start3A_791 = arith.constant 32 : i32
    %dma_start3A_792 = arith.constant 0 : i32
    %dma_start3A_793 = tpu.memref_slice %arg6[%dma_start3A_791, %dma_start3A_792] : memref<80x128xi32, #tpu.memory_space<vmem>> -> memref<1x128xi32, #tpu.memory_space<vmem>>
    %dma_start3A_794 = tpu.memref_squeeze %dma_start3A_793 : memref<1x128xi32, #tpu.memory_space<vmem>> -> memref<128xi32, #tpu.memory_space<vmem>>
    %dma_start3A_795 = arith.constant 0 : i32
    %dma_start3A_796 = arith.constant 0 : i32
    %dma_start3A_797 = tpu.memref_slice %arg2[%dma_start3A_795, %dma_start3A_796] : memref<10240x128xf32, #tpu.memory_space<hbm>> -> memref<10240x128xf32, #tpu.memory_space<hbm>>
    tpu.enqueue_indirect_dma source(%dma_start3A_797 : memref<10240x128xf32, #tpu.memory_space<hbm>>) target(%arg7 : memref<128x128xf32, #tpu.memory_space<vmem>>) offsets(%dma_start3A_794 : memref<128xi32, #tpu.memory_space<vmem>>) semaphore(%arg10 : memref<!tpu.dma_semaphore, #tpu.memory_space<semaphore_mem>>)
    %dma_wait3A_798 = arith.constant 30 : i32
    %dma_wait3A_799 = arith.constant 0 : i32
    %dma_wait3A_800 = tpu.memref_slice %arg6[%dma_wait3A_798, %dma_wait3A_799] : memref<80x128xi32, #tpu.memory_space<vmem>> -> memref<1x128xi32, #tpu.memory_space<vmem>>
    %dma_wait3A_801 = tpu.memref_squeeze %dma_wait3A_800 : memref<1x128xi32, #tpu.memory_space<vmem>> -> memref<128xi32, #tpu.memory_space<vmem>>
    %dma_wait3A_802 = arith.constant 0 : i32
    %dma_wait3A_803 = arith.constant 0 : i32
    %dma_wait3A_804 = tpu.memref_slice %arg2[%dma_wait3A_802, %dma_wait3A_803] : memref<10240x128xf32, #tpu.memory_space<hbm>> -> memref<10240x128xf32, #tpu.memory_space<hbm>>
    tpu.wait_indirect_dma semaphore(%arg11 : memref<!tpu.dma_semaphore, #tpu.memory_space<semaphore_mem>>) src(%dma_wait3A_804 : memref<10240x128xf32, #tpu.memory_space<hbm>>) dst(%arg8 : memref<128x128xf32, #tpu.memory_space<vmem>>)
    %dma_start3A_805 = arith.constant 34 : i32
    %dma_start3A_806 = arith.constant 0 : i32
    %dma_start3A_807 = tpu.memref_slice %arg6[%dma_start3A_805, %dma_start3A_806] : memref<80x128xi32, #tpu.memory_space<vmem>> -> memref<1x128xi32, #tpu.memory_space<vmem>>
    %dma_start3A_808 = tpu.memref_squeeze %dma_start3A_807 : memref<1x128xi32, #tpu.memory_space<vmem>> -> memref<128xi32, #tpu.memory_space<vmem>>
    %dma_start3A_809 = arith.constant 0 : i32
    %dma_start3A_810 = arith.constant 0 : i32
    %dma_start3A_811 = tpu.memref_slice %arg2[%dma_start3A_809, %dma_start3A_810] : memref<10240x128xf32, #tpu.memory_space<hbm>> -> memref<10240x128xf32, #tpu.memory_space<hbm>>
    tpu.enqueue_indirect_dma source(%dma_start3A_811 : memref<10240x128xf32, #tpu.memory_space<hbm>>) target(%arg8 : memref<128x128xf32, #tpu.memory_space<vmem>>) offsets(%dma_start3A_808 : memref<128xi32, #tpu.memory_space<vmem>>) semaphore(%arg11 : memref<!tpu.dma_semaphore, #tpu.memory_space<semaphore_mem>>)
    %dma_wait3A_812 = arith.constant 32 : i32
    %dma_wait3A_813 = arith.constant 0 : i32
    %dma_wait3A_814 = tpu.memref_slice %arg6[%dma_wait3A_812, %dma_wait3A_813] : memref<80x128xi32, #tpu.memory_space<vmem>> -> memref<1x128xi32, #tpu.memory_space<vmem>>
    %dma_wait3A_815 = tpu.memref_squeeze %dma_wait3A_814 : memref<1x128xi32, #tpu.memory_space<vmem>> -> memref<128xi32, #tpu.memory_space<vmem>>
    %dma_wait3A_816 = arith.constant 0 : i32
    %dma_wait3A_817 = arith.constant 0 : i32
    %dma_wait3A_818 = tpu.memref_slice %arg2[%dma_wait3A_816, %dma_wait3A_817] : memref<10240x128xf32, #tpu.memory_space<hbm>> -> memref<10240x128xf32, #tpu.memory_space<hbm>>
    tpu.wait_indirect_dma semaphore(%arg10 : memref<!tpu.dma_semaphore, #tpu.memory_space<semaphore_mem>>) src(%dma_wait3A_818 : memref<10240x128xf32, #tpu.memory_space<hbm>>) dst(%arg7 : memref<128x128xf32, #tpu.memory_space<vmem>>)
    %dma_start3A_819 = arith.constant 36 : i32
    %dma_start3A_820 = arith.constant 0 : i32
    %dma_start3A_821 = tpu.memref_slice %arg6[%dma_start3A_819, %dma_start3A_820] : memref<80x128xi32, #tpu.memory_space<vmem>> -> memref<1x128xi32, #tpu.memory_space<vmem>>
    %dma_start3A_822 = tpu.memref_squeeze %dma_start3A_821 : memref<1x128xi32, #tpu.memory_space<vmem>> -> memref<128xi32, #tpu.memory_space<vmem>>
    %dma_start3A_823 = arith.constant 0 : i32
    %dma_start3A_824 = arith.constant 0 : i32
    %dma_start3A_825 = tpu.memref_slice %arg2[%dma_start3A_823, %dma_start3A_824] : memref<10240x128xf32, #tpu.memory_space<hbm>> -> memref<10240x128xf32, #tpu.memory_space<hbm>>
    tpu.enqueue_indirect_dma source(%dma_start3A_825 : memref<10240x128xf32, #tpu.memory_space<hbm>>) target(%arg7 : memref<128x128xf32, #tpu.memory_space<vmem>>) offsets(%dma_start3A_822 : memref<128xi32, #tpu.memory_space<vmem>>) semaphore(%arg10 : memref<!tpu.dma_semaphore, #tpu.memory_space<semaphore_mem>>)
    %dma_wait3A_826 = arith.constant 34 : i32
    %dma_wait3A_827 = arith.constant 0 : i32
    %dma_wait3A_828 = tpu.memref_slice %arg6[%dma_wait3A_826, %dma_wait3A_827] : memref<80x128xi32, #tpu.memory_space<vmem>> -> memref<1x128xi32, #tpu.memory_space<vmem>>
    %dma_wait3A_829 = tpu.memref_squeeze %dma_wait3A_828 : memref<1x128xi32, #tpu.memory_space<vmem>> -> memref<128xi32, #tpu.memory_space<vmem>>
    %dma_wait3A_830 = arith.constant 0 : i32
    %dma_wait3A_831 = arith.constant 0 : i32
    %dma_wait3A_832 = tpu.memref_slice %arg2[%dma_wait3A_830, %dma_wait3A_831] : memref<10240x128xf32, #tpu.memory_space<hbm>> -> memref<10240x128xf32, #tpu.memory_space<hbm>>
    tpu.wait_indirect_dma semaphore(%arg11 : memref<!tpu.dma_semaphore, #tpu.memory_space<semaphore_mem>>) src(%dma_wait3A_832 : memref<10240x128xf32, #tpu.memory_space<hbm>>) dst(%arg8 : memref<128x128xf32, #tpu.memory_space<vmem>>)
    %dma_start3A_833 = arith.constant 38 : i32
    %dma_start3A_834 = arith.constant 0 : i32
    %dma_start3A_835 = tpu.memref_slice %arg6[%dma_start3A_833, %dma_start3A_834] : memref<80x128xi32, #tpu.memory_space<vmem>> -> memref<1x128xi32, #tpu.memory_space<vmem>>
    %dma_start3A_836 = tpu.memref_squeeze %dma_start3A_835 : memref<1x128xi32, #tpu.memory_space<vmem>> -> memref<128xi32, #tpu.memory_space<vmem>>
    %dma_start3A_837 = arith.constant 0 : i32
    %dma_start3A_838 = arith.constant 0 : i32
    %dma_start3A_839 = tpu.memref_slice %arg2[%dma_start3A_837, %dma_start3A_838] : memref<10240x128xf32, #tpu.memory_space<hbm>> -> memref<10240x128xf32, #tpu.memory_space<hbm>>
    tpu.enqueue_indirect_dma source(%dma_start3A_839 : memref<10240x128xf32, #tpu.memory_space<hbm>>) target(%arg8 : memref<128x128xf32, #tpu.memory_space<vmem>>) offsets(%dma_start3A_836 : memref<128xi32, #tpu.memory_space<vmem>>) semaphore(%arg11 : memref<!tpu.dma_semaphore, #tpu.memory_space<semaphore_mem>>)
    %dma_wait3A_840 = arith.constant 36 : i32
    %dma_wait3A_841 = arith.constant 0 : i32
    %dma_wait3A_842 = tpu.memref_slice %arg6[%dma_wait3A_840, %dma_wait3A_841] : memref<80x128xi32, #tpu.memory_space<vmem>> -> memref<1x128xi32, #tpu.memory_space<vmem>>
    %dma_wait3A_843 = tpu.memref_squeeze %dma_wait3A_842 : memref<1x128xi32, #tpu.memory_space<vmem>> -> memref<128xi32, #tpu.memory_space<vmem>>
    %dma_wait3A_844 = arith.constant 0 : i32
    %dma_wait3A_845 = arith.constant 0 : i32
    %dma_wait3A_846 = tpu.memref_slice %arg2[%dma_wait3A_844, %dma_wait3A_845] : memref<10240x128xf32, #tpu.memory_space<hbm>> -> memref<10240x128xf32, #tpu.memory_space<hbm>>
    tpu.wait_indirect_dma semaphore(%arg10 : memref<!tpu.dma_semaphore, #tpu.memory_space<semaphore_mem>>) src(%dma_wait3A_846 : memref<10240x128xf32, #tpu.memory_space<hbm>>) dst(%arg7 : memref<128x128xf32, #tpu.memory_space<vmem>>)
    %dma_start3A_847 = arith.constant 40 : i32
    %dma_start3A_848 = arith.constant 0 : i32
    %dma_start3A_849 = tpu.memref_slice %arg6[%dma_start3A_847, %dma_start3A_848] : memref<80x128xi32, #tpu.memory_space<vmem>> -> memref<1x128xi32, #tpu.memory_space<vmem>>
    %dma_start3A_850 = tpu.memref_squeeze %dma_start3A_849 : memref<1x128xi32, #tpu.memory_space<vmem>> -> memref<128xi32, #tpu.memory_space<vmem>>
    %dma_start3A_851 = arith.constant 0 : i32
    %dma_start3A_852 = arith.constant 0 : i32
    %dma_start3A_853 = tpu.memref_slice %arg2[%dma_start3A_851, %dma_start3A_852] : memref<10240x128xf32, #tpu.memory_space<hbm>> -> memref<10240x128xf32, #tpu.memory_space<hbm>>
    tpu.enqueue_indirect_dma source(%dma_start3A_853 : memref<10240x128xf32, #tpu.memory_space<hbm>>) target(%arg7 : memref<128x128xf32, #tpu.memory_space<vmem>>) offsets(%dma_start3A_850 : memref<128xi32, #tpu.memory_space<vmem>>) semaphore(%arg10 : memref<!tpu.dma_semaphore, #tpu.memory_space<semaphore_mem>>)
    %dma_wait3A_854 = arith.constant 38 : i32
    %dma_wait3A_855 = arith.constant 0 : i32
    %dma_wait3A_856 = tpu.memref_slice %arg6[%dma_wait3A_854, %dma_wait3A_855] : memref<80x128xi32, #tpu.memory_space<vmem>> -> memref<1x128xi32, #tpu.memory_space<vmem>>
    %dma_wait3A_857 = tpu.memref_squeeze %dma_wait3A_856 : memref<1x128xi32, #tpu.memory_space<vmem>> -> memref<128xi32, #tpu.memory_space<vmem>>
    %dma_wait3A_858 = arith.constant 0 : i32
    %dma_wait3A_859 = arith.constant 0 : i32
    %dma_wait3A_860 = tpu.memref_slice %arg2[%dma_wait3A_858, %dma_wait3A_859] : memref<10240x128xf32, #tpu.memory_space<hbm>> -> memref<10240x128xf32, #tpu.memory_space<hbm>>
    tpu.wait_indirect_dma semaphore(%arg11 : memref<!tpu.dma_semaphore, #tpu.memory_space<semaphore_mem>>) src(%dma_wait3A_860 : memref<10240x128xf32, #tpu.memory_space<hbm>>) dst(%arg8 : memref<128x128xf32, #tpu.memory_space<vmem>>)
    %dma_start3A_861 = arith.constant 42 : i32
    %dma_start3A_862 = arith.constant 0 : i32
    %dma_start3A_863 = tpu.memref_slice %arg6[%dma_start3A_861, %dma_start3A_862] : memref<80x128xi32, #tpu.memory_space<vmem>> -> memref<1x128xi32, #tpu.memory_space<vmem>>
    %dma_start3A_864 = tpu.memref_squeeze %dma_start3A_863 : memref<1x128xi32, #tpu.memory_space<vmem>> -> memref<128xi32, #tpu.memory_space<vmem>>
    %dma_start3A_865 = arith.constant 0 : i32
    %dma_start3A_866 = arith.constant 0 : i32
    %dma_start3A_867 = tpu.memref_slice %arg2[%dma_start3A_865, %dma_start3A_866] : memref<10240x128xf32, #tpu.memory_space<hbm>> -> memref<10240x128xf32, #tpu.memory_space<hbm>>
    tpu.enqueue_indirect_dma source(%dma_start3A_867 : memref<10240x128xf32, #tpu.memory_space<hbm>>) target(%arg8 : memref<128x128xf32, #tpu.memory_space<vmem>>) offsets(%dma_start3A_864 : memref<128xi32, #tpu.memory_space<vmem>>) semaphore(%arg11 : memref<!tpu.dma_semaphore, #tpu.memory_space<semaphore_mem>>)
    %dma_wait3A_868 = arith.constant 40 : i32
    %dma_wait3A_869 = arith.constant 0 : i32
    %dma_wait3A_870 = tpu.memref_slice %arg6[%dma_wait3A_868, %dma_wait3A_869] : memref<80x128xi32, #tpu.memory_space<vmem>> -> memref<1x128xi32, #tpu.memory_space<vmem>>
    %dma_wait3A_871 = tpu.memref_squeeze %dma_wait3A_870 : memref<1x128xi32, #tpu.memory_space<vmem>> -> memref<128xi32, #tpu.memory_space<vmem>>
    %dma_wait3A_872 = arith.constant 0 : i32
    %dma_wait3A_873 = arith.constant 0 : i32
    %dma_wait3A_874 = tpu.memref_slice %arg2[%dma_wait3A_872, %dma_wait3A_873] : memref<10240x128xf32, #tpu.memory_space<hbm>> -> memref<10240x128xf32, #tpu.memory_space<hbm>>
    tpu.wait_indirect_dma semaphore(%arg10 : memref<!tpu.dma_semaphore, #tpu.memory_space<semaphore_mem>>) src(%dma_wait3A_874 : memref<10240x128xf32, #tpu.memory_space<hbm>>) dst(%arg7 : memref<128x128xf32, #tpu.memory_space<vmem>>)
    %dma_start3A_875 = arith.constant 44 : i32
    %dma_start3A_876 = arith.constant 0 : i32
    %dma_start3A_877 = tpu.memref_slice %arg6[%dma_start3A_875, %dma_start3A_876] : memref<80x128xi32, #tpu.memory_space<vmem>> -> memref<1x128xi32, #tpu.memory_space<vmem>>
    %dma_start3A_878 = tpu.memref_squeeze %dma_start3A_877 : memref<1x128xi32, #tpu.memory_space<vmem>> -> memref<128xi32, #tpu.memory_space<vmem>>
    %dma_start3A_879 = arith.constant 0 : i32
    %dma_start3A_880 = arith.constant 0 : i32
    %dma_start3A_881 = tpu.memref_slice %arg2[%dma_start3A_879, %dma_start3A_880] : memref<10240x128xf32, #tpu.memory_space<hbm>> -> memref<10240x128xf32, #tpu.memory_space<hbm>>
    tpu.enqueue_indirect_dma source(%dma_start3A_881 : memref<10240x128xf32, #tpu.memory_space<hbm>>) target(%arg7 : memref<128x128xf32, #tpu.memory_space<vmem>>) offsets(%dma_start3A_878 : memref<128xi32, #tpu.memory_space<vmem>>) semaphore(%arg10 : memref<!tpu.dma_semaphore, #tpu.memory_space<semaphore_mem>>)
    %dma_wait3A_882 = arith.constant 42 : i32
    %dma_wait3A_883 = arith.constant 0 : i32
    %dma_wait3A_884 = tpu.memref_slice %arg6[%dma_wait3A_882, %dma_wait3A_883] : memref<80x128xi32, #tpu.memory_space<vmem>> -> memref<1x128xi32, #tpu.memory_space<vmem>>
    %dma_wait3A_885 = tpu.memref_squeeze %dma_wait3A_884 : memref<1x128xi32, #tpu.memory_space<vmem>> -> memref<128xi32, #tpu.memory_space<vmem>>
    %dma_wait3A_886 = arith.constant 0 : i32
    %dma_wait3A_887 = arith.constant 0 : i32
    %dma_wait3A_888 = tpu.memref_slice %arg2[%dma_wait3A_886, %dma_wait3A_887] : memref<10240x128xf32, #tpu.memory_space<hbm>> -> memref<10240x128xf32, #tpu.memory_space<hbm>>
    tpu.wait_indirect_dma semaphore(%arg11 : memref<!tpu.dma_semaphore, #tpu.memory_space<semaphore_mem>>) src(%dma_wait3A_888 : memref<10240x128xf32, #tpu.memory_space<hbm>>) dst(%arg8 : memref<128x128xf32, #tpu.memory_space<vmem>>)
    %dma_start3A_889 = arith.constant 46 : i32
    %dma_start3A_890 = arith.constant 0 : i32
    %dma_start3A_891 = tpu.memref_slice %arg6[%dma_start3A_889, %dma_start3A_890] : memref<80x128xi32, #tpu.memory_space<vmem>> -> memref<1x128xi32, #tpu.memory_space<vmem>>
    %dma_start3A_892 = tpu.memref_squeeze %dma_start3A_891 : memref<1x128xi32, #tpu.memory_space<vmem>> -> memref<128xi32, #tpu.memory_space<vmem>>
    %dma_start3A_893 = arith.constant 0 : i32
    %dma_start3A_894 = arith.constant 0 : i32
    %dma_start3A_895 = tpu.memref_slice %arg2[%dma_start3A_893, %dma_start3A_894] : memref<10240x128xf32, #tpu.memory_space<hbm>> -> memref<10240x128xf32, #tpu.memory_space<hbm>>
    tpu.enqueue_indirect_dma source(%dma_start3A_895 : memref<10240x128xf32, #tpu.memory_space<hbm>>) target(%arg8 : memref<128x128xf32, #tpu.memory_space<vmem>>) offsets(%dma_start3A_892 : memref<128xi32, #tpu.memory_space<vmem>>) semaphore(%arg11 : memref<!tpu.dma_semaphore, #tpu.memory_space<semaphore_mem>>)
    %dma_wait3A_896 = arith.constant 44 : i32
    %dma_wait3A_897 = arith.constant 0 : i32
    %dma_wait3A_898 = tpu.memref_slice %arg6[%dma_wait3A_896, %dma_wait3A_897] : memref<80x128xi32, #tpu.memory_space<vmem>> -> memref<1x128xi32, #tpu.memory_space<vmem>>
    %dma_wait3A_899 = tpu.memref_squeeze %dma_wait3A_898 : memref<1x128xi32, #tpu.memory_space<vmem>> -> memref<128xi32, #tpu.memory_space<vmem>>
    %dma_wait3A_900 = arith.constant 0 : i32
    %dma_wait3A_901 = arith.constant 0 : i32
    %dma_wait3A_902 = tpu.memref_slice %arg2[%dma_wait3A_900, %dma_wait3A_901] : memref<10240x128xf32, #tpu.memory_space<hbm>> -> memref<10240x128xf32, #tpu.memory_space<hbm>>
    tpu.wait_indirect_dma semaphore(%arg10 : memref<!tpu.dma_semaphore, #tpu.memory_space<semaphore_mem>>) src(%dma_wait3A_902 : memref<10240x128xf32, #tpu.memory_space<hbm>>) dst(%arg7 : memref<128x128xf32, #tpu.memory_space<vmem>>)
    %dma_start3A_903 = arith.constant 48 : i32
    %dma_start3A_904 = arith.constant 0 : i32
    %dma_start3A_905 = tpu.memref_slice %arg6[%dma_start3A_903, %dma_start3A_904] : memref<80x128xi32, #tpu.memory_space<vmem>> -> memref<1x128xi32, #tpu.memory_space<vmem>>
    %dma_start3A_906 = tpu.memref_squeeze %dma_start3A_905 : memref<1x128xi32, #tpu.memory_space<vmem>> -> memref<128xi32, #tpu.memory_space<vmem>>
    %dma_start3A_907 = arith.constant 0 : i32
    %dma_start3A_908 = arith.constant 0 : i32
    %dma_start3A_909 = tpu.memref_slice %arg2[%dma_start3A_907, %dma_start3A_908] : memref<10240x128xf32, #tpu.memory_space<hbm>> -> memref<10240x128xf32, #tpu.memory_space<hbm>>
    tpu.enqueue_indirect_dma source(%dma_start3A_909 : memref<10240x128xf32, #tpu.memory_space<hbm>>) target(%arg7 : memref<128x128xf32, #tpu.memory_space<vmem>>) offsets(%dma_start3A_906 : memref<128xi32, #tpu.memory_space<vmem>>) semaphore(%arg10 : memref<!tpu.dma_semaphore, #tpu.memory_space<semaphore_mem>>)
    %dma_wait3A_910 = arith.constant 46 : i32
    %dma_wait3A_911 = arith.constant 0 : i32
    %dma_wait3A_912 = tpu.memref_slice %arg6[%dma_wait3A_910, %dma_wait3A_911] : memref<80x128xi32, #tpu.memory_space<vmem>> -> memref<1x128xi32, #tpu.memory_space<vmem>>
    %dma_wait3A_913 = tpu.memref_squeeze %dma_wait3A_912 : memref<1x128xi32, #tpu.memory_space<vmem>> -> memref<128xi32, #tpu.memory_space<vmem>>
    %dma_wait3A_914 = arith.constant 0 : i32
    %dma_wait3A_915 = arith.constant 0 : i32
    %dma_wait3A_916 = tpu.memref_slice %arg2[%dma_wait3A_914, %dma_wait3A_915] : memref<10240x128xf32, #tpu.memory_space<hbm>> -> memref<10240x128xf32, #tpu.memory_space<hbm>>
    tpu.wait_indirect_dma semaphore(%arg11 : memref<!tpu.dma_semaphore, #tpu.memory_space<semaphore_mem>>) src(%dma_wait3A_916 : memref<10240x128xf32, #tpu.memory_space<hbm>>) dst(%arg8 : memref<128x128xf32, #tpu.memory_space<vmem>>)
    %dma_start3A_917 = arith.constant 50 : i32
    %dma_start3A_918 = arith.constant 0 : i32
    %dma_start3A_919 = tpu.memref_slice %arg6[%dma_start3A_917, %dma_start3A_918] : memref<80x128xi32, #tpu.memory_space<vmem>> -> memref<1x128xi32, #tpu.memory_space<vmem>>
    %dma_start3A_920 = tpu.memref_squeeze %dma_start3A_919 : memref<1x128xi32, #tpu.memory_space<vmem>> -> memref<128xi32, #tpu.memory_space<vmem>>
    %dma_start3A_921 = arith.constant 0 : i32
    %dma_start3A_922 = arith.constant 0 : i32
    %dma_start3A_923 = tpu.memref_slice %arg2[%dma_start3A_921, %dma_start3A_922] : memref<10240x128xf32, #tpu.memory_space<hbm>> -> memref<10240x128xf32, #tpu.memory_space<hbm>>
    tpu.enqueue_indirect_dma source(%dma_start3A_923 : memref<10240x128xf32, #tpu.memory_space<hbm>>) target(%arg8 : memref<128x128xf32, #tpu.memory_space<vmem>>) offsets(%dma_start3A_920 : memref<128xi32, #tpu.memory_space<vmem>>) semaphore(%arg11 : memref<!tpu.dma_semaphore, #tpu.memory_space<semaphore_mem>>)
    %dma_wait3A_924 = arith.constant 48 : i32
    %dma_wait3A_925 = arith.constant 0 : i32
    %dma_wait3A_926 = tpu.memref_slice %arg6[%dma_wait3A_924, %dma_wait3A_925] : memref<80x128xi32, #tpu.memory_space<vmem>> -> memref<1x128xi32, #tpu.memory_space<vmem>>
    %dma_wait3A_927 = tpu.memref_squeeze %dma_wait3A_926 : memref<1x128xi32, #tpu.memory_space<vmem>> -> memref<128xi32, #tpu.memory_space<vmem>>
    %dma_wait3A_928 = arith.constant 0 : i32
    %dma_wait3A_929 = arith.constant 0 : i32
    %dma_wait3A_930 = tpu.memref_slice %arg2[%dma_wait3A_928, %dma_wait3A_929] : memref<10240x128xf32, #tpu.memory_space<hbm>> -> memref<10240x128xf32, #tpu.memory_space<hbm>>
    tpu.wait_indirect_dma semaphore(%arg10 : memref<!tpu.dma_semaphore, #tpu.memory_space<semaphore_mem>>) src(%dma_wait3A_930 : memref<10240x128xf32, #tpu.memory_space<hbm>>) dst(%arg7 : memref<128x128xf32, #tpu.memory_space<vmem>>)
    %dma_start3A_931 = arith.constant 52 : i32
    %dma_start3A_932 = arith.constant 0 : i32
    %dma_start3A_933 = tpu.memref_slice %arg6[%dma_start3A_931, %dma_start3A_932] : memref<80x128xi32, #tpu.memory_space<vmem>> -> memref<1x128xi32, #tpu.memory_space<vmem>>
    %dma_start3A_934 = tpu.memref_squeeze %dma_start3A_933 : memref<1x128xi32, #tpu.memory_space<vmem>> -> memref<128xi32, #tpu.memory_space<vmem>>
    %dma_start3A_935 = arith.constant 0 : i32
    %dma_start3A_936 = arith.constant 0 : i32
    %dma_start3A_937 = tpu.memref_slice %arg2[%dma_start3A_935, %dma_start3A_936] : memref<10240x128xf32, #tpu.memory_space<hbm>> -> memref<10240x128xf32, #tpu.memory_space<hbm>>
    tpu.enqueue_indirect_dma source(%dma_start3A_937 : memref<10240x128xf32, #tpu.memory_space<hbm>>) target(%arg7 : memref<128x128xf32, #tpu.memory_space<vmem>>) offsets(%dma_start3A_934 : memref<128xi32, #tpu.memory_space<vmem>>) semaphore(%arg10 : memref<!tpu.dma_semaphore, #tpu.memory_space<semaphore_mem>>)
    %dma_wait3A_938 = arith.constant 50 : i32
    %dma_wait3A_939 = arith.constant 0 : i32
    %dma_wait3A_940 = tpu.memref_slice %arg6[%dma_wait3A_938, %dma_wait3A_939] : memref<80x128xi32, #tpu.memory_space<vmem>> -> memref<1x128xi32, #tpu.memory_space<vmem>>
    %dma_wait3A_941 = tpu.memref_squeeze %dma_wait3A_940 : memref<1x128xi32, #tpu.memory_space<vmem>> -> memref<128xi32, #tpu.memory_space<vmem>>
    %dma_wait3A_942 = arith.constant 0 : i32
    %dma_wait3A_943 = arith.constant 0 : i32
    %dma_wait3A_944 = tpu.memref_slice %arg2[%dma_wait3A_942, %dma_wait3A_943] : memref<10240x128xf32, #tpu.memory_space<hbm>> -> memref<10240x128xf32, #tpu.memory_space<hbm>>
    tpu.wait_indirect_dma semaphore(%arg11 : memref<!tpu.dma_semaphore, #tpu.memory_space<semaphore_mem>>) src(%dma_wait3A_944 : memref<10240x128xf32, #tpu.memory_space<hbm>>) dst(%arg8 : memref<128x128xf32, #tpu.memory_space<vmem>>)
    %dma_start3A_945 = arith.constant 54 : i32
    %dma_start3A_946 = arith.constant 0 : i32
    %dma_start3A_947 = tpu.memref_slice %arg6[%dma_start3A_945, %dma_start3A_946] : memref<80x128xi32, #tpu.memory_space<vmem>> -> memref<1x128xi32, #tpu.memory_space<vmem>>
    %dma_start3A_948 = tpu.memref_squeeze %dma_start3A_947 : memref<1x128xi32, #tpu.memory_space<vmem>> -> memref<128xi32, #tpu.memory_space<vmem>>
    %dma_start3A_949 = arith.constant 0 : i32
    %dma_start3A_950 = arith.constant 0 : i32
    %dma_start3A_951 = tpu.memref_slice %arg2[%dma_start3A_949, %dma_start3A_950] : memref<10240x128xf32, #tpu.memory_space<hbm>> -> memref<10240x128xf32, #tpu.memory_space<hbm>>
    tpu.enqueue_indirect_dma source(%dma_start3A_951 : memref<10240x128xf32, #tpu.memory_space<hbm>>) target(%arg8 : memref<128x128xf32, #tpu.memory_space<vmem>>) offsets(%dma_start3A_948 : memref<128xi32, #tpu.memory_space<vmem>>) semaphore(%arg11 : memref<!tpu.dma_semaphore, #tpu.memory_space<semaphore_mem>>)
    %dma_wait3A_952 = arith.constant 52 : i32
    %dma_wait3A_953 = arith.constant 0 : i32
    %dma_wait3A_954 = tpu.memref_slice %arg6[%dma_wait3A_952, %dma_wait3A_953] : memref<80x128xi32, #tpu.memory_space<vmem>> -> memref<1x128xi32, #tpu.memory_space<vmem>>
    %dma_wait3A_955 = tpu.memref_squeeze %dma_wait3A_954 : memref<1x128xi32, #tpu.memory_space<vmem>> -> memref<128xi32, #tpu.memory_space<vmem>>
    %dma_wait3A_956 = arith.constant 0 : i32
    %dma_wait3A_957 = arith.constant 0 : i32
    %dma_wait3A_958 = tpu.memref_slice %arg2[%dma_wait3A_956, %dma_wait3A_957] : memref<10240x128xf32, #tpu.memory_space<hbm>> -> memref<10240x128xf32, #tpu.memory_space<hbm>>
    tpu.wait_indirect_dma semaphore(%arg10 : memref<!tpu.dma_semaphore, #tpu.memory_space<semaphore_mem>>) src(%dma_wait3A_958 : memref<10240x128xf32, #tpu.memory_space<hbm>>) dst(%arg7 : memref<128x128xf32, #tpu.memory_space<vmem>>)
    %dma_start3A_959 = arith.constant 56 : i32
    %dma_start3A_960 = arith.constant 0 : i32
    %dma_start3A_961 = tpu.memref_slice %arg6[%dma_start3A_959, %dma_start3A_960] : memref<80x128xi32, #tpu.memory_space<vmem>> -> memref<1x128xi32, #tpu.memory_space<vmem>>
    %dma_start3A_962 = tpu.memref_squeeze %dma_start3A_961 : memref<1x128xi32, #tpu.memory_space<vmem>> -> memref<128xi32, #tpu.memory_space<vmem>>
    %dma_start3A_963 = arith.constant 0 : i32
    %dma_start3A_964 = arith.constant 0 : i32
    %dma_start3A_965 = tpu.memref_slice %arg2[%dma_start3A_963, %dma_start3A_964] : memref<10240x128xf32, #tpu.memory_space<hbm>> -> memref<10240x128xf32, #tpu.memory_space<hbm>>
    tpu.enqueue_indirect_dma source(%dma_start3A_965 : memref<10240x128xf32, #tpu.memory_space<hbm>>) target(%arg7 : memref<128x128xf32, #tpu.memory_space<vmem>>) offsets(%dma_start3A_962 : memref<128xi32, #tpu.memory_space<vmem>>) semaphore(%arg10 : memref<!tpu.dma_semaphore, #tpu.memory_space<semaphore_mem>>)
    %dma_wait3A_966 = arith.constant 54 : i32
    %dma_wait3A_967 = arith.constant 0 : i32
    %dma_wait3A_968 = tpu.memref_slice %arg6[%dma_wait3A_966, %dma_wait3A_967] : memref<80x128xi32, #tpu.memory_space<vmem>> -> memref<1x128xi32, #tpu.memory_space<vmem>>
    %dma_wait3A_969 = tpu.memref_squeeze %dma_wait3A_968 : memref<1x128xi32, #tpu.memory_space<vmem>> -> memref<128xi32, #tpu.memory_space<vmem>>
    %dma_wait3A_970 = arith.constant 0 : i32
    %dma_wait3A_971 = arith.constant 0 : i32
    %dma_wait3A_972 = tpu.memref_slice %arg2[%dma_wait3A_970, %dma_wait3A_971] : memref<10240x128xf32, #tpu.memory_space<hbm>> -> memref<10240x128xf32, #tpu.memory_space<hbm>>
    tpu.wait_indirect_dma semaphore(%arg11 : memref<!tpu.dma_semaphore, #tpu.memory_space<semaphore_mem>>) src(%dma_wait3A_972 : memref<10240x128xf32, #tpu.memory_space<hbm>>) dst(%arg8 : memref<128x128xf32, #tpu.memory_space<vmem>>)
    %dma_start3A_973 = arith.constant 58 : i32
    %dma_start3A_974 = arith.constant 0 : i32
    %dma_start3A_975 = tpu.memref_slice %arg6[%dma_start3A_973, %dma_start3A_974] : memref<80x128xi32, #tpu.memory_space<vmem>> -> memref<1x128xi32, #tpu.memory_space<vmem>>
    %dma_start3A_976 = tpu.memref_squeeze %dma_start3A_975 : memref<1x128xi32, #tpu.memory_space<vmem>> -> memref<128xi32, #tpu.memory_space<vmem>>
    %dma_start3A_977 = arith.constant 0 : i32
    %dma_start3A_978 = arith.constant 0 : i32
    %dma_start3A_979 = tpu.memref_slice %arg2[%dma_start3A_977, %dma_start3A_978] : memref<10240x128xf32, #tpu.memory_space<hbm>> -> memref<10240x128xf32, #tpu.memory_space<hbm>>
    tpu.enqueue_indirect_dma source(%dma_start3A_979 : memref<10240x128xf32, #tpu.memory_space<hbm>>) target(%arg8 : memref<128x128xf32, #tpu.memory_space<vmem>>) offsets(%dma_start3A_976 : memref<128xi32, #tpu.memory_space<vmem>>) semaphore(%arg11 : memref<!tpu.dma_semaphore, #tpu.memory_space<semaphore_mem>>)
    %dma_wait3A_980 = arith.constant 56 : i32
    %dma_wait3A_981 = arith.constant 0 : i32
    %dma_wait3A_982 = tpu.memref_slice %arg6[%dma_wait3A_980, %dma_wait3A_981] : memref<80x128xi32, #tpu.memory_space<vmem>> -> memref<1x128xi32, #tpu.memory_space<vmem>>
    %dma_wait3A_983 = tpu.memref_squeeze %dma_wait3A_982 : memref<1x128xi32, #tpu.memory_space<vmem>> -> memref<128xi32, #tpu.memory_space<vmem>>
    %dma_wait3A_984 = arith.constant 0 : i32
    %dma_wait3A_985 = arith.constant 0 : i32
    %dma_wait3A_986 = tpu.memref_slice %arg2[%dma_wait3A_984, %dma_wait3A_985] : memref<10240x128xf32, #tpu.memory_space<hbm>> -> memref<10240x128xf32, #tpu.memory_space<hbm>>
    tpu.wait_indirect_dma semaphore(%arg10 : memref<!tpu.dma_semaphore, #tpu.memory_space<semaphore_mem>>) src(%dma_wait3A_986 : memref<10240x128xf32, #tpu.memory_space<hbm>>) dst(%arg7 : memref<128x128xf32, #tpu.memory_space<vmem>>)
    %dma_start3A_987 = arith.constant 60 : i32
    %dma_start3A_988 = arith.constant 0 : i32
    %dma_start3A_989 = tpu.memref_slice %arg6[%dma_start3A_987, %dma_start3A_988] : memref<80x128xi32, #tpu.memory_space<vmem>> -> memref<1x128xi32, #tpu.memory_space<vmem>>
    %dma_start3A_990 = tpu.memref_squeeze %dma_start3A_989 : memref<1x128xi32, #tpu.memory_space<vmem>> -> memref<128xi32, #tpu.memory_space<vmem>>
    %dma_start3A_991 = arith.constant 0 : i32
    %dma_start3A_992 = arith.constant 0 : i32
    %dma_start3A_993 = tpu.memref_slice %arg2[%dma_start3A_991, %dma_start3A_992] : memref<10240x128xf32, #tpu.memory_space<hbm>> -> memref<10240x128xf32, #tpu.memory_space<hbm>>
    tpu.enqueue_indirect_dma source(%dma_start3A_993 : memref<10240x128xf32, #tpu.memory_space<hbm>>) target(%arg7 : memref<128x128xf32, #tpu.memory_space<vmem>>) offsets(%dma_start3A_990 : memref<128xi32, #tpu.memory_space<vmem>>) semaphore(%arg10 : memref<!tpu.dma_semaphore, #tpu.memory_space<semaphore_mem>>)
    %dma_wait3A_994 = arith.constant 58 : i32
    %dma_wait3A_995 = arith.constant 0 : i32
    %dma_wait3A_996 = tpu.memref_slice %arg6[%dma_wait3A_994, %dma_wait3A_995] : memref<80x128xi32, #tpu.memory_space<vmem>> -> memref<1x128xi32, #tpu.memory_space<vmem>>
    %dma_wait3A_997 = tpu.memref_squeeze %dma_wait3A_996 : memref<1x128xi32, #tpu.memory_space<vmem>> -> memref<128xi32, #tpu.memory_space<vmem>>
    %dma_wait3A_998 = arith.constant 0 : i32
    %dma_wait3A_999 = arith.constant 0 : i32
    %dma_wait3A_1000 = tpu.memref_slice %arg2[%dma_wait3A_998, %dma_wait3A_999] : memref<10240x128xf32, #tpu.memory_space<hbm>> -> memref<10240x128xf32, #tpu.memory_space<hbm>>
    tpu.wait_indirect_dma semaphore(%arg11 : memref<!tpu.dma_semaphore, #tpu.memory_space<semaphore_mem>>) src(%dma_wait3A_1000 : memref<10240x128xf32, #tpu.memory_space<hbm>>) dst(%arg8 : memref<128x128xf32, #tpu.memory_space<vmem>>)
    %dma_start3A_1001 = arith.constant 62 : i32
    %dma_start3A_1002 = arith.constant 0 : i32
    %dma_start3A_1003 = tpu.memref_slice %arg6[%dma_start3A_1001, %dma_start3A_1002] : memref<80x128xi32, #tpu.memory_space<vmem>> -> memref<1x128xi32, #tpu.memory_space<vmem>>
    %dma_start3A_1004 = tpu.memref_squeeze %dma_start3A_1003 : memref<1x128xi32, #tpu.memory_space<vmem>> -> memref<128xi32, #tpu.memory_space<vmem>>
    %dma_start3A_1005 = arith.constant 0 : i32
    %dma_start3A_1006 = arith.constant 0 : i32
    %dma_start3A_1007 = tpu.memref_slice %arg2[%dma_start3A_1005, %dma_start3A_1006] : memref<10240x128xf32, #tpu.memory_space<hbm>> -> memref<10240x128xf32, #tpu.memory_space<hbm>>
    tpu.enqueue_indirect_dma source(%dma_start3A_1007 : memref<10240x128xf32, #tpu.memory_space<hbm>>) target(%arg8 : memref<128x128xf32, #tpu.memory_space<vmem>>) offsets(%dma_start3A_1004 : memref<128xi32, #tpu.memory_space<vmem>>) semaphore(%arg11 : memref<!tpu.dma_semaphore, #tpu.memory_space<semaphore_mem>>)
    %dma_wait3A_1008 = arith.constant 60 : i32
    %dma_wait3A_1009 = arith.constant 0 : i32
    %dma_wait3A_1010 = tpu.memref_slice %arg6[%dma_wait3A_1008, %dma_wait3A_1009] : memref<80x128xi32, #tpu.memory_space<vmem>> -> memref<1x128xi32, #tpu.memory_space<vmem>>
    %dma_wait3A_1011 = tpu.memref_squeeze %dma_wait3A_1010 : memref<1x128xi32, #tpu.memory_space<vmem>> -> memref<128xi32, #tpu.memory_space<vmem>>
    %dma_wait3A_1012 = arith.constant 0 : i32
    %dma_wait3A_1013 = arith.constant 0 : i32
    %dma_wait3A_1014 = tpu.memref_slice %arg2[%dma_wait3A_1012, %dma_wait3A_1013] : memref<10240x128xf32, #tpu.memory_space<hbm>> -> memref<10240x128xf32, #tpu.memory_space<hbm>>
    tpu.wait_indirect_dma semaphore(%arg10 : memref<!tpu.dma_semaphore, #tpu.memory_space<semaphore_mem>>) src(%dma_wait3A_1014 : memref<10240x128xf32, #tpu.memory_space<hbm>>) dst(%arg7 : memref<128x128xf32, #tpu.memory_space<vmem>>)
    %dma_start3A_1015 = arith.constant 64 : i32
    %dma_start3A_1016 = arith.constant 0 : i32
    %dma_start3A_1017 = tpu.memref_slice %arg6[%dma_start3A_1015, %dma_start3A_1016] : memref<80x128xi32, #tpu.memory_space<vmem>> -> memref<1x128xi32, #tpu.memory_space<vmem>>
    %dma_start3A_1018 = tpu.memref_squeeze %dma_start3A_1017 : memref<1x128xi32, #tpu.memory_space<vmem>> -> memref<128xi32, #tpu.memory_space<vmem>>
    %dma_start3A_1019 = arith.constant 0 : i32
    %dma_start3A_1020 = arith.constant 0 : i32
    %dma_start3A_1021 = tpu.memref_slice %arg2[%dma_start3A_1019, %dma_start3A_1020] : memref<10240x128xf32, #tpu.memory_space<hbm>> -> memref<10240x128xf32, #tpu.memory_space<hbm>>
    tpu.enqueue_indirect_dma source(%dma_start3A_1021 : memref<10240x128xf32, #tpu.memory_space<hbm>>) target(%arg7 : memref<128x128xf32, #tpu.memory_space<vmem>>) offsets(%dma_start3A_1018 : memref<128xi32, #tpu.memory_space<vmem>>) semaphore(%arg10 : memref<!tpu.dma_semaphore, #tpu.memory_space<semaphore_mem>>)
    %dma_wait3A_1022 = arith.constant 62 : i32
    %dma_wait3A_1023 = arith.constant 0 : i32
    %dma_wait3A_1024 = tpu.memref_slice %arg6[%dma_wait3A_1022, %dma_wait3A_1023] : memref<80x128xi32, #tpu.memory_space<vmem>> -> memref<1x128xi32, #tpu.memory_space<vmem>>
    %dma_wait3A_1025 = tpu.memref_squeeze %dma_wait3A_1024 : memref<1x128xi32, #tpu.memory_space<vmem>> -> memref<128xi32, #tpu.memory_space<vmem>>
    %dma_wait3A_1026 = arith.constant 0 : i32
    %dma_wait3A_1027 = arith.constant 0 : i32
    %dma_wait3A_1028 = tpu.memref_slice %arg2[%dma_wait3A_1026, %dma_wait3A_1027] : memref<10240x128xf32, #tpu.memory_space<hbm>> -> memref<10240x128xf32, #tpu.memory_space<hbm>>
    tpu.wait_indirect_dma semaphore(%arg11 : memref<!tpu.dma_semaphore, #tpu.memory_space<semaphore_mem>>) src(%dma_wait3A_1028 : memref<10240x128xf32, #tpu.memory_space<hbm>>) dst(%arg8 : memref<128x128xf32, #tpu.memory_space<vmem>>)
    %dma_start3A_1029 = arith.constant 66 : i32
    %dma_start3A_1030 = arith.constant 0 : i32
    %dma_start3A_1031 = tpu.memref_slice %arg6[%dma_start3A_1029, %dma_start3A_1030] : memref<80x128xi32, #tpu.memory_space<vmem>> -> memref<1x128xi32, #tpu.memory_space<vmem>>
    %dma_start3A_1032 = tpu.memref_squeeze %dma_start3A_1031 : memref<1x128xi32, #tpu.memory_space<vmem>> -> memref<128xi32, #tpu.memory_space<vmem>>
    %dma_start3A_1033 = arith.constant 0 : i32
    %dma_start3A_1034 = arith.constant 0 : i32
    %dma_start3A_1035 = tpu.memref_slice %arg2[%dma_start3A_1033, %dma_start3A_1034] : memref<10240x128xf32, #tpu.memory_space<hbm>> -> memref<10240x128xf32, #tpu.memory_space<hbm>>
    tpu.enqueue_indirect_dma source(%dma_start3A_1035 : memref<10240x128xf32, #tpu.memory_space<hbm>>) target(%arg8 : memref<128x128xf32, #tpu.memory_space<vmem>>) offsets(%dma_start3A_1032 : memref<128xi32, #tpu.memory_space<vmem>>) semaphore(%arg11 : memref<!tpu.dma_semaphore, #tpu.memory_space<semaphore_mem>>)
    %dma_wait3A_1036 = arith.constant 64 : i32
    %dma_wait3A_1037 = arith.constant 0 : i32
    %dma_wait3A_1038 = tpu.memref_slice %arg6[%dma_wait3A_1036, %dma_wait3A_1037] : memref<80x128xi32, #tpu.memory_space<vmem>> -> memref<1x128xi32, #tpu.memory_space<vmem>>
    %dma_wait3A_1039 = tpu.memref_squeeze %dma_wait3A_1038 : memref<1x128xi32, #tpu.memory_space<vmem>> -> memref<128xi32, #tpu.memory_space<vmem>>
    %dma_wait3A_1040 = arith.constant 0 : i32
    %dma_wait3A_1041 = arith.constant 0 : i32
    %dma_wait3A_1042 = tpu.memref_slice %arg2[%dma_wait3A_1040, %dma_wait3A_1041] : memref<10240x128xf32, #tpu.memory_space<hbm>> -> memref<10240x128xf32, #tpu.memory_space<hbm>>
    tpu.wait_indirect_dma semaphore(%arg10 : memref<!tpu.dma_semaphore, #tpu.memory_space<semaphore_mem>>) src(%dma_wait3A_1042 : memref<10240x128xf32, #tpu.memory_space<hbm>>) dst(%arg7 : memref<128x128xf32, #tpu.memory_space<vmem>>)
    %dma_start3A_1043 = arith.constant 68 : i32
    %dma_start3A_1044 = arith.constant 0 : i32
    %dma_start3A_1045 = tpu.memref_slice %arg6[%dma_start3A_1043, %dma_start3A_1044] : memref<80x128xi32, #tpu.memory_space<vmem>> -> memref<1x128xi32, #tpu.memory_space<vmem>>
    %dma_start3A_1046 = tpu.memref_squeeze %dma_start3A_1045 : memref<1x128xi32, #tpu.memory_space<vmem>> -> memref<128xi32, #tpu.memory_space<vmem>>
    %dma_start3A_1047 = arith.constant 0 : i32
    %dma_start3A_1048 = arith.constant 0 : i32
    %dma_start3A_1049 = tpu.memref_slice %arg2[%dma_start3A_1047, %dma_start3A_1048] : memref<10240x128xf32, #tpu.memory_space<hbm>> -> memref<10240x128xf32, #tpu.memory_space<hbm>>
    tpu.enqueue_indirect_dma source(%dma_start3A_1049 : memref<10240x128xf32, #tpu.memory_space<hbm>>) target(%arg7 : memref<128x128xf32, #tpu.memory_space<vmem>>) offsets(%dma_start3A_1046 : memref<128xi32, #tpu.memory_space<vmem>>) semaphore(%arg10 : memref<!tpu.dma_semaphore, #tpu.memory_space<semaphore_mem>>)
    %dma_wait3A_1050 = arith.constant 66 : i32
    %dma_wait3A_1051 = arith.constant 0 : i32
    %dma_wait3A_1052 = tpu.memref_slice %arg6[%dma_wait3A_1050, %dma_wait3A_1051] : memref<80x128xi32, #tpu.memory_space<vmem>> -> memref<1x128xi32, #tpu.memory_space<vmem>>
    %dma_wait3A_1053 = tpu.memref_squeeze %dma_wait3A_1052 : memref<1x128xi32, #tpu.memory_space<vmem>> -> memref<128xi32, #tpu.memory_space<vmem>>
    %dma_wait3A_1054 = arith.constant 0 : i32
    %dma_wait3A_1055 = arith.constant 0 : i32
    %dma_wait3A_1056 = tpu.memref_slice %arg2[%dma_wait3A_1054, %dma_wait3A_1055] : memref<10240x128xf32, #tpu.memory_space<hbm>> -> memref<10240x128xf32, #tpu.memory_space<hbm>>
    tpu.wait_indirect_dma semaphore(%arg11 : memref<!tpu.dma_semaphore, #tpu.memory_space<semaphore_mem>>) src(%dma_wait3A_1056 : memref<10240x128xf32, #tpu.memory_space<hbm>>) dst(%arg8 : memref<128x128xf32, #tpu.memory_space<vmem>>)
    %dma_start3A_1057 = arith.constant 70 : i32
    %dma_start3A_1058 = arith.constant 0 : i32
    %dma_start3A_1059 = tpu.memref_slice %arg6[%dma_start3A_1057, %dma_start3A_1058] : memref<80x128xi32, #tpu.memory_space<vmem>> -> memref<1x128xi32, #tpu.memory_space<vmem>>
    %dma_start3A_1060 = tpu.memref_squeeze %dma_start3A_1059 : memref<1x128xi32, #tpu.memory_space<vmem>> -> memref<128xi32, #tpu.memory_space<vmem>>
    %dma_start3A_1061 = arith.constant 0 : i32
    %dma_start3A_1062 = arith.constant 0 : i32
    %dma_start3A_1063 = tpu.memref_slice %arg2[%dma_start3A_1061, %dma_start3A_1062] : memref<10240x128xf32, #tpu.memory_space<hbm>> -> memref<10240x128xf32, #tpu.memory_space<hbm>>
    tpu.enqueue_indirect_dma source(%dma_start3A_1063 : memref<10240x128xf32, #tpu.memory_space<hbm>>) target(%arg8 : memref<128x128xf32, #tpu.memory_space<vmem>>) offsets(%dma_start3A_1060 : memref<128xi32, #tpu.memory_space<vmem>>) semaphore(%arg11 : memref<!tpu.dma_semaphore, #tpu.memory_space<semaphore_mem>>)
    %dma_wait3A_1064 = arith.constant 68 : i32
    %dma_wait3A_1065 = arith.constant 0 : i32
    %dma_wait3A_1066 = tpu.memref_slice %arg6[%dma_wait3A_1064, %dma_wait3A_1065] : memref<80x128xi32, #tpu.memory_space<vmem>> -> memref<1x128xi32, #tpu.memory_space<vmem>>
    %dma_wait3A_1067 = tpu.memref_squeeze %dma_wait3A_1066 : memref<1x128xi32, #tpu.memory_space<vmem>> -> memref<128xi32, #tpu.memory_space<vmem>>
    %dma_wait3A_1068 = arith.constant 0 : i32
    %dma_wait3A_1069 = arith.constant 0 : i32
    %dma_wait3A_1070 = tpu.memref_slice %arg2[%dma_wait3A_1068, %dma_wait3A_1069] : memref<10240x128xf32, #tpu.memory_space<hbm>> -> memref<10240x128xf32, #tpu.memory_space<hbm>>
    tpu.wait_indirect_dma semaphore(%arg10 : memref<!tpu.dma_semaphore, #tpu.memory_space<semaphore_mem>>) src(%dma_wait3A_1070 : memref<10240x128xf32, #tpu.memory_space<hbm>>) dst(%arg7 : memref<128x128xf32, #tpu.memory_space<vmem>>)
    %dma_start3A_1071 = arith.constant 72 : i32
    %dma_start3A_1072 = arith.constant 0 : i32
    %dma_start3A_1073 = tpu.memref_slice %arg6[%dma_start3A_1071, %dma_start3A_1072] : memref<80x128xi32, #tpu.memory_space<vmem>> -> memref<1x128xi32, #tpu.memory_space<vmem>>
    %dma_start3A_1074 = tpu.memref_squeeze %dma_start3A_1073 : memref<1x128xi32, #tpu.memory_space<vmem>> -> memref<128xi32, #tpu.memory_space<vmem>>
    %dma_start3A_1075 = arith.constant 0 : i32
    %dma_start3A_1076 = arith.constant 0 : i32
    %dma_start3A_1077 = tpu.memref_slice %arg2[%dma_start3A_1075, %dma_start3A_1076] : memref<10240x128xf32, #tpu.memory_space<hbm>> -> memref<10240x128xf32, #tpu.memory_space<hbm>>
    tpu.enqueue_indirect_dma source(%dma_start3A_1077 : memref<10240x128xf32, #tpu.memory_space<hbm>>) target(%arg7 : memref<128x128xf32, #tpu.memory_space<vmem>>) offsets(%dma_start3A_1074 : memref<128xi32, #tpu.memory_space<vmem>>) semaphore(%arg10 : memref<!tpu.dma_semaphore, #tpu.memory_space<semaphore_mem>>)
    %dma_wait3A_1078 = arith.constant 70 : i32
    %dma_wait3A_1079 = arith.constant 0 : i32
    %dma_wait3A_1080 = tpu.memref_slice %arg6[%dma_wait3A_1078, %dma_wait3A_1079] : memref<80x128xi32, #tpu.memory_space<vmem>> -> memref<1x128xi32, #tpu.memory_space<vmem>>
    %dma_wait3A_1081 = tpu.memref_squeeze %dma_wait3A_1080 : memref<1x128xi32, #tpu.memory_space<vmem>> -> memref<128xi32, #tpu.memory_space<vmem>>
    %dma_wait3A_1082 = arith.constant 0 : i32
    %dma_wait3A_1083 = arith.constant 0 : i32
    %dma_wait3A_1084 = tpu.memref_slice %arg2[%dma_wait3A_1082, %dma_wait3A_1083] : memref<10240x128xf32, #tpu.memory_space<hbm>> -> memref<10240x128xf32, #tpu.memory_space<hbm>>
    tpu.wait_indirect_dma semaphore(%arg11 : memref<!tpu.dma_semaphore, #tpu.memory_space<semaphore_mem>>) src(%dma_wait3A_1084 : memref<10240x128xf32, #tpu.memory_space<hbm>>) dst(%arg8 : memref<128x128xf32, #tpu.memory_space<vmem>>)
    %dma_start3A_1085 = arith.constant 74 : i32
    %dma_start3A_1086 = arith.constant 0 : i32
    %dma_start3A_1087 = tpu.memref_slice %arg6[%dma_start3A_1085, %dma_start3A_1086] : memref<80x128xi32, #tpu.memory_space<vmem>> -> memref<1x128xi32, #tpu.memory_space<vmem>>
    %dma_start3A_1088 = tpu.memref_squeeze %dma_start3A_1087 : memref<1x128xi32, #tpu.memory_space<vmem>> -> memref<128xi32, #tpu.memory_space<vmem>>
    %dma_start3A_1089 = arith.constant 0 : i32
    %dma_start3A_1090 = arith.constant 0 : i32
    %dma_start3A_1091 = tpu.memref_slice %arg2[%dma_start3A_1089, %dma_start3A_1090] : memref<10240x128xf32, #tpu.memory_space<hbm>> -> memref<10240x128xf32, #tpu.memory_space<hbm>>
    tpu.enqueue_indirect_dma source(%dma_start3A_1091 : memref<10240x128xf32, #tpu.memory_space<hbm>>) target(%arg8 : memref<128x128xf32, #tpu.memory_space<vmem>>) offsets(%dma_start3A_1088 : memref<128xi32, #tpu.memory_space<vmem>>) semaphore(%arg11 : memref<!tpu.dma_semaphore, #tpu.memory_space<semaphore_mem>>)
    %dma_wait3A_1092 = arith.constant 72 : i32
    %dma_wait3A_1093 = arith.constant 0 : i32
    %dma_wait3A_1094 = tpu.memref_slice %arg6[%dma_wait3A_1092, %dma_wait3A_1093] : memref<80x128xi32, #tpu.memory_space<vmem>> -> memref<1x128xi32, #tpu.memory_space<vmem>>
    %dma_wait3A_1095 = tpu.memref_squeeze %dma_wait3A_1094 : memref<1x128xi32, #tpu.memory_space<vmem>> -> memref<128xi32, #tpu.memory_space<vmem>>
    %dma_wait3A_1096 = arith.constant 0 : i32
    %dma_wait3A_1097 = arith.constant 0 : i32
    %dma_wait3A_1098 = tpu.memref_slice %arg2[%dma_wait3A_1096, %dma_wait3A_1097] : memref<10240x128xf32, #tpu.memory_space<hbm>> -> memref<10240x128xf32, #tpu.memory_space<hbm>>
    tpu.wait_indirect_dma semaphore(%arg10 : memref<!tpu.dma_semaphore, #tpu.memory_space<semaphore_mem>>) src(%dma_wait3A_1098 : memref<10240x128xf32, #tpu.memory_space<hbm>>) dst(%arg7 : memref<128x128xf32, #tpu.memory_space<vmem>>)
    %dma_start3A_1099 = arith.constant 76 : i32
    %dma_start3A_1100 = arith.constant 0 : i32
    %dma_start3A_1101 = tpu.memref_slice %arg6[%dma_start3A_1099, %dma_start3A_1100] : memref<80x128xi32, #tpu.memory_space<vmem>> -> memref<1x128xi32, #tpu.memory_space<vmem>>
    %dma_start3A_1102 = tpu.memref_squeeze %dma_start3A_1101 : memref<1x128xi32, #tpu.memory_space<vmem>> -> memref<128xi32, #tpu.memory_space<vmem>>
    %dma_start3A_1103 = arith.constant 0 : i32
    %dma_start3A_1104 = arith.constant 0 : i32
    %dma_start3A_1105 = tpu.memref_slice %arg2[%dma_start3A_1103, %dma_start3A_1104] : memref<10240x128xf32, #tpu.memory_space<hbm>> -> memref<10240x128xf32, #tpu.memory_space<hbm>>
    tpu.enqueue_indirect_dma source(%dma_start3A_1105 : memref<10240x128xf32, #tpu.memory_space<hbm>>) target(%arg7 : memref<128x128xf32, #tpu.memory_space<vmem>>) offsets(%dma_start3A_1102 : memref<128xi32, #tpu.memory_space<vmem>>) semaphore(%arg10 : memref<!tpu.dma_semaphore, #tpu.memory_space<semaphore_mem>>)
    %dma_wait3A_1106 = arith.constant 74 : i32
    %dma_wait3A_1107 = arith.constant 0 : i32
    %dma_wait3A_1108 = tpu.memref_slice %arg6[%dma_wait3A_1106, %dma_wait3A_1107] : memref<80x128xi32, #tpu.memory_space<vmem>> -> memref<1x128xi32, #tpu.memory_space<vmem>>
    %dma_wait3A_1109 = tpu.memref_squeeze %dma_wait3A_1108 : memref<1x128xi32, #tpu.memory_space<vmem>> -> memref<128xi32, #tpu.memory_space<vmem>>
    %dma_wait3A_1110 = arith.constant 0 : i32
    %dma_wait3A_1111 = arith.constant 0 : i32
    %dma_wait3A_1112 = tpu.memref_slice %arg2[%dma_wait3A_1110, %dma_wait3A_1111] : memref<10240x128xf32, #tpu.memory_space<hbm>> -> memref<10240x128xf32, #tpu.memory_space<hbm>>
    tpu.wait_indirect_dma semaphore(%arg11 : memref<!tpu.dma_semaphore, #tpu.memory_space<semaphore_mem>>) src(%dma_wait3A_1112 : memref<10240x128xf32, #tpu.memory_space<hbm>>) dst(%arg8 : memref<128x128xf32, #tpu.memory_space<vmem>>)
    %dma_start3A_1113 = arith.constant 78 : i32
    %dma_start3A_1114 = arith.constant 0 : i32
    %dma_start3A_1115 = tpu.memref_slice %arg6[%dma_start3A_1113, %dma_start3A_1114] : memref<80x128xi32, #tpu.memory_space<vmem>> -> memref<1x128xi32, #tpu.memory_space<vmem>>
    %dma_start3A_1116 = tpu.memref_squeeze %dma_start3A_1115 : memref<1x128xi32, #tpu.memory_space<vmem>> -> memref<128xi32, #tpu.memory_space<vmem>>
    %dma_start3A_1117 = arith.constant 0 : i32
    %dma_start3A_1118 = arith.constant 0 : i32
    %dma_start3A_1119 = tpu.memref_slice %arg2[%dma_start3A_1117, %dma_start3A_1118] : memref<10240x128xf32, #tpu.memory_space<hbm>> -> memref<10240x128xf32, #tpu.memory_space<hbm>>
    tpu.enqueue_indirect_dma source(%dma_start3A_1119 : memref<10240x128xf32, #tpu.memory_space<hbm>>) target(%arg8 : memref<128x128xf32, #tpu.memory_space<vmem>>) offsets(%dma_start3A_1116 : memref<128xi32, #tpu.memory_space<vmem>>) semaphore(%arg11 : memref<!tpu.dma_semaphore, #tpu.memory_space<semaphore_mem>>)
    %dma_wait3A_1120 = arith.constant 76 : i32
    %dma_wait3A_1121 = arith.constant 0 : i32
    %dma_wait3A_1122 = tpu.memref_slice %arg6[%dma_wait3A_1120, %dma_wait3A_1121] : memref<80x128xi32, #tpu.memory_space<vmem>> -> memref<1x128xi32, #tpu.memory_space<vmem>>
    %dma_wait3A_1123 = tpu.memref_squeeze %dma_wait3A_1122 : memref<1x128xi32, #tpu.memory_space<vmem>> -> memref<128xi32, #tpu.memory_space<vmem>>
    %dma_wait3A_1124 = arith.constant 0 : i32
    %dma_wait3A_1125 = arith.constant 0 : i32
    %dma_wait3A_1126 = tpu.memref_slice %arg2[%dma_wait3A_1124, %dma_wait3A_1125] : memref<10240x128xf32, #tpu.memory_space<hbm>> -> memref<10240x128xf32, #tpu.memory_space<hbm>>
    tpu.wait_indirect_dma semaphore(%arg10 : memref<!tpu.dma_semaphore, #tpu.memory_space<semaphore_mem>>) src(%dma_wait3A_1126 : memref<10240x128xf32, #tpu.memory_space<hbm>>) dst(%arg7 : memref<128x128xf32, #tpu.memory_space<vmem>>)
    %dma_wait3A_1127 = arith.constant 78 : i32
    %dma_wait3A_1128 = arith.constant 0 : i32
    %dma_wait3A_1129 = tpu.memref_slice %arg6[%dma_wait3A_1127, %dma_wait3A_1128] : memref<80x128xi32, #tpu.memory_space<vmem>> -> memref<1x128xi32, #tpu.memory_space<vmem>>
    %dma_wait3A_1130 = tpu.memref_squeeze %dma_wait3A_1129 : memref<1x128xi32, #tpu.memory_space<vmem>> -> memref<128xi32, #tpu.memory_space<vmem>>
    %dma_wait3A_1131 = arith.constant 0 : i32
    %dma_wait3A_1132 = arith.constant 0 : i32
    %dma_wait3A_1133 = tpu.memref_slice %arg2[%dma_wait3A_1131, %dma_wait3A_1132] : memref<10240x128xf32, #tpu.memory_space<hbm>> -> memref<10240x128xf32, #tpu.memory_space<hbm>>
    tpu.wait_indirect_dma semaphore(%arg11 : memref<!tpu.dma_semaphore, #tpu.memory_space<semaphore_mem>>) src(%dma_wait3A_1133 : memref<10240x128xf32, #tpu.memory_space<hbm>>) dst(%arg8 : memref<128x128xf32, #tpu.memory_space<vmem>>)
    %barrier3A_1134 = arith.constant 0 : index
    tpu.barrier barrier_id(%barrier3A_1134)
    %mul3A_1135 = arith.constant 640 : i32
    %mul3A_1136 = arith.muli %arg1, %mul3A_1135 : i32
    %mul3A_1137 = arith.constant 640 : i32
    %mul3A_1138 = arith.muli %arg1, %mul3A_1137 : i32
    "tpu.region"() ({
      %run_scoped3A_1139 = tpu.sem_alloc : memref<!tpu.dma_semaphore, #tpu.memory_space<semaphore_mem>>
      %dma_start3A_1140 = arith.constant 0 : i32
      %dma_start3A_1141 = tpu.memref_slice %arg5[%arg0, %mul3A_1138, %dma_start3A_1140] : memref<2x10240x128xf32, #tpu.memory_space<hbm>> -> memref<1x640x128xf32, #tpu.memory_space<hbm>>
      %dma_start3A_1142 = tpu.memref_squeeze %dma_start3A_1141 : memref<1x640x128xf32, #tpu.memory_space<hbm>> -> memref<640x128xf32, #tpu.memory_space<hbm>>
      %dma_start3A_1143 = arith.constant 0 : i32
      %dma_start3A_1144 = tpu.memref_slice %arg9[%mul3A_1136, %dma_start3A_1143] : memref<10240x128xf32, #tpu.memory_space<vmem_shared>> -> memref<640x128xf32, #tpu.memory_space<vmem_shared>>
      tpu.enqueue_dma source(%dma_start3A_1144 : memref<640x128xf32, #tpu.memory_space<vmem_shared>>) target(%dma_start3A_1142 : memref<640x128xf32, #tpu.memory_space<hbm>>) target_semaphore(%run_scoped3A_1139 : memref<!tpu.dma_semaphore, #tpu.memory_space<semaphore_mem>>)
      %dma_wait3A_1145 = arith.constant 0 : i32
      %dma_wait3A_1146 = tpu.memref_slice %arg5[%arg0, %mul3A_1138, %dma_wait3A_1145] : memref<2x10240x128xf32, #tpu.memory_space<hbm>> -> memref<1x640x128xf32, #tpu.memory_space<hbm>>
      %dma_wait3A_1147 = tpu.memref_squeeze %dma_wait3A_1146 : memref<1x640x128xf32, #tpu.memory_space<hbm>> -> memref<640x128xf32, #tpu.memory_space<hbm>>
      %dma_wait3A_1148 = arith.constant 0 : i32
      %dma_wait3A_1149 = tpu.memref_slice %arg9[%mul3A_1136, %dma_wait3A_1148] : memref<10240x128xf32, #tpu.memory_space<vmem_shared>> -> memref<640x128xf32, #tpu.memory_space<vmem_shared>>
      tpu.wait_dma2 semaphore(%run_scoped3A_1139 : memref<!tpu.dma_semaphore, #tpu.memory_space<semaphore_mem>>) src(%dma_wait3A_1149 : memref<640x128xf32, #tpu.memory_space<vmem_shared>>) dst(%dma_wait3A_1147 : memref<640x128xf32, #tpu.memory_space<hbm>>)
      tpu.yield
    }) : () -> ()
    return
  }
}

module attributes {stable_mosaic.version = 14 : i64} {
  func.func @_prep_body(%arg0: i32, %arg1: memref<2x1024x16xf32, #tpu.memory_space<vmem>>, %arg2: memref<1024x128xf32, #tpu.memory_space<vmem>>, %arg3: memref<1024x128xf32, #tpu.memory_space<vmem>>, %arg4: memref<1024x128xf32, #tpu.memory_space<vmem>>) attributes {dimension_semantics = [#tpu.dimension_semantics<arbitrary>], iteration_bounds = array<i64: 10>, scalar_prefetch = 0 : i64, scratch_operands = 0 : i64, tpu.core_type = #tpu.core_type<tc>, window_params = [{transform_indices = @transform_0, window_bounds = array<i64: 2, 1024, 16>}, {transform_indices = @transform_1, window_bounds = array<i64: 1024, 128>}, {transform_indices = @transform_2, window_bounds = array<i64: 1024, 128>}, {transform_indices = @transform_3, window_bounds = array<i64: 1024, 128>}]} {
    %get3A = arith.constant 0 : index
    %get3A_0 = arith.constant 0 : index
    %get3A_1 = arith.constant 0 : index
    %get3A_2 = vector.load %arg1[%get3A, %get3A_0, %get3A_1] : memref<2x1024x16xf32, #tpu.memory_space<vmem>>, vector<2x1024x16xf32>
    %slice3A = vector.extract_strided_slice %get3A_2 {offsets = [0, 0, 0], sizes = [1, 1024, 1], strides = [1, 1, 1]} : vector<2x1024x16xf32> to vector<1x1024x1xf32>
    %squeeze3A = vector.shape_cast %slice3A : vector<1x1024x1xf32> to vector<1024x1xf32>
    %slice3A_3 = vector.extract_strided_slice %get3A_2 {offsets = [1, 0, 0], sizes = [1, 1024, 1], strides = [1, 1, 1]} : vector<2x1024x16xf32> to vector<1x1024x1xf32>
    %squeeze3A_4 = vector.shape_cast %slice3A_3 : vector<1x1024x1xf32> to vector<1024x1xf32>
    %add3A = arith.addf %squeeze3A, %squeeze3A_4 : vector<1024x1xf32>
    %add3A_5 = arith.constant 1.000000e+00 : f32
    %add3A_6 = vector.broadcast %add3A_5 : f32 to vector<1024x1xf32>
    %add3A_7 = arith.addf %add3A, %add3A_6 : vector<1024x1xf32>
    %rsqrt3A = math.rsqrt %add3A_7 : vector<1024x1xf32>
    %broadcast_in_dim3A = vector.shape_cast %rsqrt3A : vector<1024x1xf32> to vector<1024x1xf32>
    %broadcast_in_dim3A_8 = vector.broadcast %broadcast_in_dim3A : vector<1024x1xf32> to vector<1024x128xf32>
    %swap3A = arith.constant 0 : index
    %swap3A_9 = arith.constant 0 : index
    %swap3A_10 = vector.load %arg3[%swap3A, %swap3A_9] : memref<1024x128xf32, #tpu.memory_space<vmem>>, vector<1024x128xf32>
    tpu.vector_store %arg3[%swap3A, %swap3A_9], %broadcast_in_dim3A_8 {strides = array<i32>} : memref<1024x128xf32, #tpu.memory_space<vmem>>, vector<1024x128xf32>,
    %get3A_11 = arith.constant 0 : index
    %get3A_12 = arith.constant 0 : index
    %get3A_13 = vector.load %arg2[%get3A_11, %get3A_12] : memref<1024x128xf32, #tpu.memory_space<vmem>>, vector<1024x128xf32>
    %mul3A = vector.broadcast %rsqrt3A : vector<1024x1xf32> to vector<1024x128xf32>
    %mul3A_14 = arith.mulf %get3A_13, %mul3A : vector<1024x128xf32>
    %swap3A_15 = arith.constant 0 : index
    %swap3A_16 = arith.constant 0 : index
    %swap3A_17 = vector.load %arg4[%swap3A_15, %swap3A_16] : memref<1024x128xf32, #tpu.memory_space<vmem>>, vector<1024x128xf32>
    tpu.vector_store %arg4[%swap3A_15, %swap3A_16], %mul3A_14 {strides = array<i32>} : memref<1024x128xf32, #tpu.memory_space<vmem>>, vector<1024x128xf32>,
    return
  }
  func.func @transform_0(%arg0: i32) -> (i32, i32, i32) {
    %c0_i32 = arith.constant 0 : i32
    %c0_i32_0 = arith.constant 0 : i32
    %c0_i32_1 = arith.constant 0 : i32
    return %c0_i32, %arg0, %c0_i32_0 : i32, i32, i32
  }
  func.func @transform_1(%arg0: i32) -> (i32, i32) {
    %c0_i32 = arith.constant 0 : i32
    %c0_i32_0 = arith.constant 0 : i32
    return %arg0, %c0_i32 : i32, i32
  }
  func.func @transform_2(%arg0: i32) -> (i32, i32) {
    %c0_i32 = arith.constant 0 : i32
    %c0_i32_0 = arith.constant 0 : i32
    return %arg0, %c0_i32 : i32, i32
  }
  func.func @transform_3(%arg0: i32) -> (i32, i32) {
    %c0_i32 = arith.constant 0 : i32
    %c0_i32_0 = arith.constant 0 : i32
    return %arg0, %c0_i32 : i32, i32
  }
}

module attributes {stable_mosaic.version = 14 : i64} {
  func.func @_mlp_body(%arg0: i32, %arg1: memref<2x1024x128xf32, #tpu.memory_space<vmem>>, %arg2: memref<1024x128xf32, #tpu.memory_space<vmem>>, %arg3: memref<1024x128xf32, #tpu.memory_space<vmem>>, %arg4: memref<128x1024xf32, #tpu.memory_space<vmem>>, %arg5: memref<1x1024xf32, #tpu.memory_space<vmem>>, %arg6: memref<1024x128xf32, #tpu.memory_space<vmem>>, %arg7: memref<1024x128xf32, #tpu.memory_space<vmem>>) attributes {dimension_semantics = [#tpu.dimension_semantics<arbitrary>], iteration_bounds = array<i64: 10>, scalar_prefetch = 0 : i64, scratch_operands = 0 : i64, tpu.core_type = #tpu.core_type<tc>, window_params = [{transform_indices = @transform_0, window_bounds = array<i64: 2, 1024, 128>}, {transform_indices = @transform_1, window_bounds = array<i64: 1024, 128>}, {transform_indices = @transform_2, window_bounds = array<i64: 1024, 128>}, {pipeline_mode = #tpu.pipeline_mode<synchronous>, transform_indices = @transform_3, window_bounds = array<i64: 128, 1024>}, {pipeline_mode = #tpu.pipeline_mode<synchronous>, transform_indices = @transform_4, window_bounds = array<i64: 1, 1024>}, {pipeline_mode = #tpu.pipeline_mode<synchronous>, transform_indices = @transform_5, window_bounds = array<i64: 1024, 128>}, {transform_indices = @transform_6, window_bounds = array<i64: 1024, 128>}]} {
    %get3A = arith.constant 0 : index
    %get3A_0 = arith.constant 0 : index
    %get3A_1 = vector.load %arg3[%get3A, %get3A_0] : memref<1024x128xf32, #tpu.memory_space<vmem>>, vector<1024x128xf32>
    %get3A_2 = arith.constant 0 : index
    %get3A_3 = arith.constant 0 : index
    %get3A_4 = arith.constant 0 : index
    %get3A_5 = vector.load %arg1[%get3A_2, %get3A_3, %get3A_4] : memref<2x1024x128xf32, #tpu.memory_space<vmem>>, vector<1x1024x128xf32>
    %get3A_6 = vector.shape_cast %get3A_5 : vector<1x1024x128xf32> to vector<1024x128xf32>
    %get3A_7 = arith.constant 1 : index
    %get3A_8 = arith.constant 0 : index
    %get3A_9 = arith.constant 0 : index
    %get3A_10 = vector.load %arg1[%get3A_7, %get3A_8, %get3A_9] : memref<2x1024x128xf32, #tpu.memory_space<vmem>>, vector<1x1024x128xf32>
    %get3A_11 = vector.shape_cast %get3A_10 : vector<1x1024x128xf32> to vector<1024x128xf32>
    %add3A = arith.addf %get3A_6, %get3A_11 : vector<1024x128xf32>
    %get3A_12 = arith.constant 0 : index
    %get3A_13 = arith.constant 0 : index
    %get3A_14 = vector.load %arg2[%get3A_12, %get3A_13] : memref<1024x128xf32, #tpu.memory_space<vmem>>, vector<1024x128xf32>
    %add3A_15 = arith.addf %add3A, %get3A_14 : vector<1024x128xf32>
    %mul3A = arith.mulf %get3A_1, %add3A_15 : vector<1024x128xf32>
    %get3A_16 = arith.constant 0 : index
    %get3A_17 = arith.constant 0 : index
    %get3A_18 = vector.load %arg4[%get3A_16, %get3A_17] : memref<128x1024xf32, #tpu.memory_space<vmem>>, vector<128x1024xf32>
    %dot_general3A = arith.constant dense<0.000000e+00> : vector<1024x1024xf32>
    %dot_general3A_19 = tpu.matmul %mul3A, %get3A_18, %dot_general3A {dimension_numbers = #tpu.dot_dimension_numbers<[1], [0], [0], [1], [0, 0, 1, 1], [], []>, transpose_lhs_hint = false} : vector<1024x128xf32>, vector<128x1024xf32>, vector<1024x1024xf32> -> vector<1024x1024xf32>
    %get3A_20 = arith.constant 0 : index
    %get3A_21 = arith.constant 0 : index
    %get3A_22 = vector.load %arg5[%get3A_20, %get3A_21] : memref<1x1024xf32, #tpu.memory_space<vmem>>, vector<1x1024xf32>
    %add3A_23 = vector.broadcast %get3A_22 : vector<1x1024xf32> to vector<1024x1024xf32>
    %add3A_24 = arith.addf %dot_general3A_19, %add3A_23 : vector<1024x1024xf32>
    %max3A = arith.constant 0.000000e+00 : f32
    %max3A_25 = vector.broadcast %max3A : f32 to vector<1024x1024xf32>
    %max3A_26 = arith.maximumf %add3A_24, %max3A_25 : vector<1024x1024xf32>
    %get3A_27 = arith.constant 0 : index
    %get3A_28 = arith.constant 0 : index
    %get3A_29 = vector.load %arg6[%get3A_27, %get3A_28] : memref<1024x128xf32, #tpu.memory_space<vmem>>, vector<1024x128xf32>
    %dot_general3A_30 = arith.constant dense<0.000000e+00> : vector<1024x128xf32>
    %dot_general3A_31 = tpu.matmul %max3A_26, %get3A_29, %dot_general3A_30 {dimension_numbers = #tpu.dot_dimension_numbers<[1], [0], [0], [1], [0, 0, 1, 1], [], []>, transpose_lhs_hint = false} : vector<1024x1024xf32>, vector<1024x128xf32>, vector<1024x128xf32> -> vector<1024x128xf32>
    %mul3A_32 = arith.mulf %get3A_1, %dot_general3A_31 : vector<1024x128xf32>
    %swap3A = arith.constant 0 : index
    %swap3A_33 = arith.constant 0 : index
    %swap3A_34 = vector.load %arg7[%swap3A, %swap3A_33] : memref<1024x128xf32, #tpu.memory_space<vmem>>, vector<1024x128xf32>
    tpu.vector_store %arg7[%swap3A, %swap3A_33], %mul3A_32 {strides = array<i32>} : memref<1024x128xf32, #tpu.memory_space<vmem>>, vector<1024x128xf32>,
    return
  }
  func.func @transform_0(%arg0: i32) -> (i32, i32, i32) {
    %c0_i32 = arith.constant 0 : i32
    %c0_i32_0 = arith.constant 0 : i32
    %c0_i32_1 = arith.constant 0 : i32
    return %c0_i32, %arg0, %c0_i32_0 : i32, i32, i32
  }
  func.func @transform_1(%arg0: i32) -> (i32, i32) {
    %c0_i32 = arith.constant 0 : i32
    %c0_i32_0 = arith.constant 0 : i32
    return %arg0, %c0_i32 : i32, i32
  }
  func.func @transform_2(%arg0: i32) -> (i32, i32) {
    %c0_i32 = arith.constant 0 : i32
    %c0_i32_0 = arith.constant 0 : i32
    return %arg0, %c0_i32 : i32, i32
  }
  func.func @transform_3(%arg0: i32) -> (i32, i32) {
    %c0_i32 = arith.constant 0 : i32
    %c0_i32_0 = arith.constant 0 : i32
    %c0_i32_1 = arith.constant 0 : i32
    return %c0_i32, %c0_i32_0 : i32, i32
  }
  func.func @transform_4(%arg0: i32) -> (i32, i32) {
    %c0_i32 = arith.constant 0 : i32
    %c0_i32_0 = arith.constant 0 : i32
    %c0_i32_1 = arith.constant 0 : i32
    return %c0_i32, %c0_i32_0 : i32, i32
  }
  func.func @transform_5(%arg0: i32) -> (i32, i32) {
    %c0_i32 = arith.constant 0 : i32
    %c0_i32_0 = arith.constant 0 : i32
    %c0_i32_1 = arith.constant 0 : i32
    return %c0_i32, %c0_i32_0 : i32, i32
  }
  func.func @transform_6(%arg0: i32) -> (i32, i32) {
    %c0_i32 = arith.constant 0 : i32
    %c0_i32_0 = arith.constant 0 : i32
    return %arg0, %c0_i32 : i32, i32
  }
}

module attributes {stable_mosaic.version = 14 : i64} {
  func.func @_out_body(%arg0: i32, %arg1: memref<2x1024x128xf32, #tpu.memory_space<vmem>>, %arg2: memref<1024x128xf32, #tpu.memory_space<vmem>>, %arg3: memref<1024x128xf32, #tpu.memory_space<vmem>>, %arg4: memref<1x128xf32, #tpu.memory_space<vmem>>, %arg5: memref<128x1024xf32, #tpu.memory_space<vmem>>) attributes {dimension_semantics = [#tpu.dimension_semantics<arbitrary>], iteration_bounds = array<i64: 10>, scalar_prefetch = 0 : i64, scratch_operands = 0 : i64, tpu.core_type = #tpu.core_type<tc>, window_params = [{transform_indices = @transform_0, window_bounds = array<i64: 2, 1024, 128>}, {transform_indices = @transform_1, window_bounds = array<i64: 1024, 128>}, {transform_indices = @transform_2, window_bounds = array<i64: 1024, 128>}, {pipeline_mode = #tpu.pipeline_mode<synchronous>, transform_indices = @transform_3, window_bounds = array<i64: 1, 128>}, {transform_indices = @transform_4, window_bounds = array<i64: 128, 1024>}]} {
    %get3A = arith.constant 0 : index
    %get3A_0 = arith.constant 0 : index
    %get3A_1 = vector.load %arg3[%get3A, %get3A_0] : memref<1024x128xf32, #tpu.memory_space<vmem>>, vector<1024x128xf32>
    %get3A_2 = arith.constant 0 : index
    %get3A_3 = arith.constant 0 : index
    %get3A_4 = arith.constant 0 : index
    %get3A_5 = vector.load %arg1[%get3A_2, %get3A_3, %get3A_4] : memref<2x1024x128xf32, #tpu.memory_space<vmem>>, vector<1x1024x128xf32>
    %get3A_6 = vector.shape_cast %get3A_5 : vector<1x1024x128xf32> to vector<1024x128xf32>
    %get3A_7 = arith.constant 1 : index
    %get3A_8 = arith.constant 0 : index
    %get3A_9 = arith.constant 0 : index
    %get3A_10 = vector.load %arg1[%get3A_7, %get3A_8, %get3A_9] : memref<2x1024x128xf32, #tpu.memory_space<vmem>>, vector<1x1024x128xf32>
    %get3A_11 = vector.shape_cast %get3A_10 : vector<1x1024x128xf32> to vector<1024x128xf32>
    %add3A = arith.addf %get3A_6, %get3A_11 : vector<1024x128xf32>
    %get3A_12 = arith.constant 0 : index
    %get3A_13 = arith.constant 0 : index
    %get3A_14 = vector.load %arg2[%get3A_12, %get3A_13] : memref<1024x128xf32, #tpu.memory_space<vmem>>, vector<1024x128xf32>
    %add3A_15 = arith.addf %add3A, %get3A_14 : vector<1024x128xf32>
    %mul3A = arith.mulf %get3A_1, %add3A_15 : vector<1024x128xf32>
    %get3A_16 = arith.constant 0 : index
    %get3A_17 = arith.constant 0 : index
    %get3A_18 = vector.load %arg4[%get3A_16, %get3A_17] : memref<1x128xf32, #tpu.memory_space<vmem>>, vector<1x128xf32>
    %add3A_19 = vector.broadcast %get3A_18 : vector<1x128xf32> to vector<1024x128xf32>
    %add3A_20 = arith.addf %mul3A, %add3A_19 : vector<1024x128xf32>
    %transpose3A = tpu.transpose %add3A_20, [1, 0] : vector<1024x128xf32> -> vector<128x1024xf32>
    %swap3A = arith.constant 0 : index
    %swap3A_21 = arith.constant 0 : index
    %swap3A_22 = vector.load %arg5[%swap3A, %swap3A_21] : memref<128x1024xf32, #tpu.memory_space<vmem>>, vector<128x1024xf32>
    tpu.vector_store %arg5[%swap3A, %swap3A_21], %transpose3A {strides = array<i32>} : memref<128x1024xf32, #tpu.memory_space<vmem>>, vector<128x1024xf32>,
    return
  }
  func.func @transform_0(%arg0: i32) -> (i32, i32, i32) {
    %c0_i32 = arith.constant 0 : i32
    %c0_i32_0 = arith.constant 0 : i32
    %c0_i32_1 = arith.constant 0 : i32
    return %c0_i32, %arg0, %c0_i32_0 : i32, i32, i32
  }
  func.func @transform_1(%arg0: i32) -> (i32, i32) {
    %c0_i32 = arith.constant 0 : i32
    %c0_i32_0 = arith.constant 0 : i32
    return %arg0, %c0_i32 : i32, i32
  }
  func.func @transform_2(%arg0: i32) -> (i32, i32) {
    %c0_i32 = arith.constant 0 : i32
    %c0_i32_0 = arith.constant 0 : i32
    return %arg0, %c0_i32 : i32, i32
  }
  func.func @transform_3(%arg0: i32) -> (i32, i32) {
    %c0_i32 = arith.constant 0 : i32
    %c0_i32_0 = arith.constant 0 : i32
    %c0_i32_1 = arith.constant 0 : i32
    return %c0_i32, %c0_i32_0 : i32, i32
  }
  func.func @transform_4(%arg0: i32) -> (i32, i32) {
    %c0_i32 = arith.constant 0 : i32
    %c0_i32_0 = arith.constant 0 : i32
    return %c0_i32, %arg0 : i32, i32
  }
}

</mosaic_0001>

<sc_bundles>
// kernel: kernel.11.cloned.1.call-start
scs
__scs_entry_jumppad:
0x0: {  	(pc) =	sbr.rel $0x88, $3  }
0x1: {  	(tag) =	ssettag $0x0;
	lr =	simm.s32 $0x1  }
0x2: {  	[smem:$0x3F9B] =	sst lr;
	_ =	strace $0xD0000000  }
0x3: {  	_ = 	snop  }
0x4: {  	_ = 	snop  }
0x5: {  	_ = 	snop  }
0x6: {  	_ = 	snop  }
0x7: {  	_ = 	snop  }
__scs_overlays_trampoline_lowered:
0x8: {  	[smem:$0x3FAA] =	sst s0  }
0x9: {  	[smem:$0x3FAB] =	sst s1  }
0xa: {  	[smem:$0x3FAC] =	sst s2  }
0xb: {  	[smem:$0x3FAD] =	sst s3  }
0xc: {  	[smem:$0x3FAE] =	sst s4  }
0xd: {  	[smem:$0x3FAF] =	sst s5  }
0xe: {  	[smem:$0x3FB0] =	sst s6  }
0xf: {  	[smem:$0x3FB1] =	sst s7  }
0x10: {  	[smem:$0x3FB2] =	sst s8  }
0x11: {  	[smem:$0x3FB3] =	sst s9;
	s0 =	simm.s32 @!p0 $0x0  }
0x12: {  	s1 =	sld [smem:$0x3F99];
	s0 =	simm.s32 @p0 $0x1  }
0x13: {  	[smem:$0x3FB4] =	sst s0;
	s0 =	simm.s32 @!p1 $0x0  }
0x14: {  	s2 =	sld [smem:$0x3F98];
	s0 =	simm.s32 @p1 $0x1  }
0x15: {  	[smem:$0x3FB5] =	sst s0;
	s0 =	simm.s32 @!p2 $0x0  }
0x16: {  	s3 =	sld [smem:$0x3FDB];
	s0 =	simm.s32 @p2 $0x1  }
0x17: {  	s4 =	simm.s32 $0x1BF5;
	[smem:$0x3FB7] =	sst s0  }
0x18: {  	s0 =	sld [smem:$0x3F9A];
	_ =	swait.ge [sflag:s4], $0x0  }
0x19: {  	s7 =	sld [smem:$0x3F9B]  }
0x1a: {  	s8 =	sadd.s32 $0xFFFFE003, lr  }
0x1b: {  	s9 =	sadd.s32 $0xFFFFFEF7, lr;
	s5 =	simm.s32 $0xFFFFFFFF;
	p2 =	slt.u32 s8, $0xFFFFF086  }
0x1c: {  	p1 =	slt.u32 s9, $0xF7A;
	s5 =	simm.s32 @!p2 $0x0  }
0x1d: {  	s5 =	simm.s32 @p1 $0x1;
	p0 =	seq.s32 s7, s2  }
0x1e: {  	s7 =	smul.u32 @!p0 $0xF7A, s2;
	p2 =	seq.s32 @!p0 s5, $0x0  }
0x1f: {  	s9 =	smul.u32 $0xF7A, s1;
	s8 =	simm.s32 @!p0 $0x1BF5;
	p2 =	por !p2, p0  }
0x20: {  	[sflag:s8] =	ssyncset.s32 @!p0 $0xFFFFF086;
	s6 =	sadd.s32 @!p0 s3, s7;
	s7 =	simm.s32 @!p0 $0x108  }
0x21: {  	s3 =	sadd.s32 s3, s9;
	s6 =	sadd.s32 @!p0 $0x88, s6;
	s7 =	simm.s32 @p2 $0x1082  }
0x22: {  	[simem:s7], [sflag:s8] =	dma.local @!p0 [hbm:s6], $0xF7A  }
0x23: {  	s9 =	sor.u32 $0xD0000000, s2;
	s6 =	simm.s32 $0x108;
	_ =	swait.ge @!p0 [sflag:s8], $0x0  }
0x24: {  	s3 =	sadd.s32 $0x88, s3;
	s6 =	simm.s32 @!p1 $0x1082;
	[sflag:s4] =	ssyncset.s32 $0xFFFFF086  }
0x25: {  	[simem:s6], [sflag:s4] =	dma.local [hbm:s3], $0xF7A  }
0x26: {  	[smem:$0x3F9B] =	sst s1;
	(tag) =	ssettag s2;
	_ =	strace s9  }
0x27: {  	s1 =	sld [smem:$0x3FAB]  }
0x28: {  	s2 =	sld [smem:$0x3FAC]  }
0x29: {  	s4 =	sld [smem:$0x3FAE]  }
0x2a: {  	p0 =	seq.s32 s5, $0x0;
	s5 =	sld [smem:$0x3FAF]  }
0x2b: {  	s6 =	sld [smem:$0x3FB0]  }
0x2c: {  	s7 =	sld [smem:$0x3FB1]  }
0x2d: {  	s3 =	simm.s32 $0x108;
	s8 =	sld [smem:$0x3FB2]  }
0x2e: {  	s3 =	simm.s32 @!p0 $0x1082;
	s9 =	sld [smem:$0x3FB3]  }
0x2f: {  	lr =	sadd.s32 s0, s3;
	s0 =	sld [smem:$0x3FAA]  }
0x30: {  	s3 =	sld [smem:$0x3FAD]  }
0x31: {  	[smem:$0x3FB6] =	sst s10  }
0x32: {  	s10 =	sld [smem:$0x3FB4];
	_ =	sdelay $0x3  }
0x33: {  	p0 =	seq.s32 s10, $0x1;
	s10 =	sld [smem:$0x3FB6];
	_ =	sdelay $0x3  }
0x34: {  	[smem:$0x3FB6] =	sst s10  }
0x35: {  	s10 =	sld [smem:$0x3FB5];
	_ =	sdelay $0x3  }
0x36: {  	p1 =	seq.s32 s10, $0x1;
	s10 =	sld [smem:$0x3FB6];
	_ =	sdelay $0x3  }
0x37: {  	[smem:$0x3FB6] =	sst s10  }
0x38: {  	s10 =	sld [smem:$0x3FB7]  }
0x39: {  	_ = 	snop;
	(pc) =	sbr.ind lr, $3  }
0x3a: {  	_ = 	snop  }
0x3b: {  	_ = 	snop  }
0x3c: {  	p2 =	seq.s32 s10, $0x1;
	s10 =	sld [smem:$0x3FB6]  }
0x3d: {  	_ =	shalt  }
0x3e: {  	_ =	shalt  }
0x3f: {  	_ =	shalt  }
0x40: {  	_ =	shalt  }
0x41: {  	_ =	shalt  }
0x42: {  	_ =	shalt  }
0x43: {  	_ =	shalt  }
0x44: {  	_ =	shalt  }
0x45: {  	_ =	shalt  }
0x46: {  	_ =	shalt  }
0x47: {  	_ =	shalt  }
0x48: {  	_ =	shalt  }
0x49: {  	_ =	shalt  }
0x4a: {  	_ =	shalt  }
0x4b: {  	_ =	shalt  }
0x4c: {  	_ =	shalt  }
0x4d: {  	_ =	shalt  }
0x4e: {  	_ =	shalt  }
0x4f: {  	_ =	shalt  }
0x50: {  	_ =	shalt  }
0x51: {  	_ =	shalt  }
0x52: {  	_ =	shalt  }
0x53: {  	_ =	shalt  }
0x54: {  	_ =	shalt  }
0x55: {  	_ =	shalt  }
0x56: {  	_ =	shalt  }
0x57: {  	_ =	shalt  }
0x58: {  	_ =	shalt  }
0x59: {  	_ =	shalt  }
0x5a: {  	_ =	shalt  }
0x5b: {  	_ =	shalt  }
0x5c: {  	_ =	shalt  }
0x5d: {  	_ =	shalt  }
0x5e: {  	_ =	shalt  }
0x5f: {  	_ =	shalt  }
0x60: {  	_ =	shalt  }
0x61: {  	_ =	shalt  }
0x62: {  	_ =	shalt  }
0x63: {  	_ =	shalt  }
0x64: {  	_ =	shalt  }
0x65: {  	_ =	shalt  }
0x66: {  	_ =	shalt  }
0x67: {  	_ =	shalt  }
0x68: {  	_ =	shalt  }
0x69: {  	_ =	shalt  }
0x6a: {  	_ =	shalt  }
0x6b: {  	_ =	shalt  }
0x6c: {  	_ =	shalt  }
0x6d: {  	_ =	shalt  }
0x6e: {  	_ =	shalt  }
0x6f: {  	_ =	shalt  }
0x70: {  	_ =	shalt  }
0x71: {  	_ =	shalt  }
0x72: {  	_ =	shalt  }
0x73: {  	_ =	shalt  }
0x74: {  	_ =	shalt  }
0x75: {  	_ =	shalt  }
0x76: {  	_ =	shalt  }
0x77: {  	_ =	shalt  }
0x78: {  	_ =	shalt  }
0x79: {  	_ =	shalt  }
0x7a: {  	_ =	shalt  }
0x7b: {  	_ =	shalt  }
0x7c: {  	_ =	shalt  }
0x7d: {  	_ =	shalt  }
0x7e: {  	_ =	shalt  }
0x7f: {  	_ =	shalt  }
0x80: {  	_ =	shalt  }
0x81: {  	_ =	shalt  }
0x82: {  	_ =	shalt  }
0x83: {  	_ =	shalt  }
0x84: {  	_ =	shalt  }
0x85: {  	_ =	shalt  }
0x86: {  	_ =	shalt  }
0x87: {  	_ =	shalt  }
.Lfunc_end0:
.L_simem_size_0:
called_computation.1_lowered:
.L_overlay_start_0:
0x88: {  	s2 =	sld [smem:$0x3FD9]  }
0x89: {  	s3 =	sld [smem:$0x3FFE];
	_ =	sdelay $0x1  }
0x8a: {  	s1 =	srdreg.scid  }
0x8b: {  	s0 =	sand.u32 $0x1, s1  }
0x8c: {  	s17 =	sshll.u32 s0, $0xA;
	s2 =	sadd.s32 s3, s2  }
0x8d: {  	s2 =	sadd.s32 s2, s17  }
0x8e: {  	[smem:$0x3FC2] =	sst s2  }
0x8f: {  	_ = 	snop  }
0x90: {  	s2 =	sld [smem:$0x3FD0];
	(tm) =	ssettm $0x1  }
0x91: {  	s18 =	sld [smem:$0x3FFB];
	_ =	sdelay $0x3  }
0x92: {  	_ =	strace s18  }
0x93: {  	s3 =	sld [smem:$0x3FFC];
	_ =	sdelay $0x3  }
0x94: {  	_ =	strace s3  }
0x95: {  	s3 =	sld [smem:$0x3FFD];
	_ =	sdelay $0x3  }
0x96: {  	_ =	strace s3  }
0x97: {  	_ =	strace $0x8FFFFFFF  }
0x98: {  	s19 =	sld [smem:$0x3FDB];
	_ =	sdelay $0x1  }
0x99: {  	s4 =	simm.s32 $_scs_section_size  }
0x9a: {  	s5 =	simm.s32 $_size__tile_overlayer_lowered;
	s6 =	simm.s32 $_tile_overlayer_lowered  }
0x9b: {  	s22 =	simm.s32 $0x1BFF;
	s21 =	sshll.u32 s6, $0x1;
	s3 =	sadd.s32 s4, s19  }
0x9c: {  	s7 =	simm.s32 $0x0;
	s20 =	sshll.u32 s5, $0x1;
	s5 =	sadd.s32 s21, s3  }
0x9d: {  	[timem:s7], [sflag:s22] =	dma.local [hbm:s5], s20  }
0x9e: {  	_ =	swait.ge [sflag:s22], s20  }
0x9f: {  	s4 =	ssub.s32 $0x0, s20;
	[sflag:s22] =	ssyncset.done $0x0  }
0xa0: {  	[sflag:s22] =	ssyncadd.s32 s4;
	_ =	sdelay $0x1  }
0xa1: {  	s23 =	simm.s32 $0x1B8B  }
0xa2: {  	_ =	swait.ge [sflag:s23], $0x1  }
0xa3: {  	[sflag:s23] =	ssyncset.done $0x0  }
0xa4: {  	s25 =	simm.s32 $0x1B8E;
	s24 =	sld [smem:$0x3FFE];
	[sflag:s23] =	ssyncadd.s32 $0xFFFFFFFF  }
0xa5: {  	s26 =	simm.s32 $execute0_lowered;
	[smem:$0x3FD2] =	sst s25  }
0xa6: {  	s5 =	sshll.u32 s26, $0x1;
	_ =	strace $0x80000049;
	[dreg:$0x1] =	wrdreg $0xFFFFFFFF  }
0xa7: {  	s28 =	simm.s32 $_size_execute0_lowered;
	s3 =	sadd.s32 s3, s5;
	[dreg:$0x0] =	wrdreg $0x0  }
0xa8: {  	s5 =	sshll.u32 s28, $0x1;
	[dreg:$0x2] =	wrdreg s3  }
0xa9: {  	[dreg:$0x3] =	wrdreg s5  }
0xaa: {  	[dreg:$0x4] =	wrdreg $0xC0  }
0xab: {  	_ =	task [dreg:s7], $0x5FFFF  }
0xac: {  	[dreg:$0x1] =	wrdreg $0xFFFFFFFF  }
0xad: {  	[dreg:$0x0] =	wrdreg $0x60  }
0xae: {  	[dreg:$0x2] =	wrdreg s24  }
0xaf: {  	[dreg:$0x3] =	wrdreg s2  }
0xb0: {  	[dreg:$0x4] =	wrdreg $0xA8000  }
0xb1: {  	[dreg:$0x5] =	wrdreg $0x9  }
0xb2: {  	_ =	task.clear_ibuf [dreg:s7], $0x6FFFF;
	_ =	strace $0x90000049  }
0xb3: {  	s29 =	simm.s32 $0x9;
	_ =	strace $0x8000004B  }
0xb4: {  	_ =	swait.ge [sflag:s29], $0x1  }
0xb5: {  	[sflag:s29] =	ssyncadd.s32 $0xFFFFFFFF  }
0xb6: {  	_ =	strace $0x9000004B  }
0xb7: {  	_ =	sfence  }
0xb8: {  	s30 =	sld [smem:$0x0];
	_ =	sdelay $0x2  }
0xb9: {  	s31 =	sshll.u32 s1, $0xD;
	s1 =	sshrl.u32 s1, $0x2  }
0xba: {  	s3 =	sand.u32 $0x4000, s31;
	s1 =	sadd.s32 s1, s30  }
0xbb: {  	s0 =	sor.u32 s3, s0;
	s1 =	sshll.u32 s1, $0x11  }
0xbc: {  	s0 =	sor.u32 s1, s0  }
0xbd: {  	s0 =	sadd.s32 $0x8F2B, s0  }
0xbe: {  	[sflag:s0] =	ssyncadd.remote.s32 $0x1  }
0xbf: {  	_ =	sfence.sel $0xFFFF  }
0xc0: {  	[dreg:$0x0] =	wrdreg $0xFFFFFFFF;
	(pc) =	sbr.abs _section_cstart, $3  }
0xc1: {  	[dreg:$0x1] =	wrdreg $0xFFFFFFFF  }
0xc2: {  	_ =	task.clear_ibuf [dreg:s7], $0x2FFFF;
	_ =	strace $0x9FFFFFFF  }
0xc3: {  	(tm) =	ssettm $0x7FFFFFFF  }
tec
execute0_lowered:
.L_overlay_start_1:
0x0: {  	(tag) =	ssettag $0x1  }
0x1: {  	s1 =	rddreg [dreg:$0x0]  }
0x2: {  	s2 =	rddreg [dreg:$0x1]  }
0x3: {  	s9 =	rddreg [dreg:$0x2];
	s22 =	stileid.u32  }
0x4: {  	s0 =	srdreg.scid;
	s30 =	simm.s32 $0x0;
	s5 =	smul.u32 $0x14000, s22  }
0x5: {  	s3 =	sand.u32 $0x1, s0;
	[smem:$0x7FF] =	sst s30;
	s7 =	smul.u32 $0x50000, s22  }
0x6: {  	s8 =	sadd.s32 $0x2A600, s1;
	s28 =	sshll.u32 s22, $0x6;
	s6 =	sshll.u32 s3, $0x4  }
0x7: {  	[dreg:$0xa] =	wrdreg s3;
	s4 =	smul.u32 $0x140000, s3;
	s6 =	sor.u32 s22, s6  }
0x8: {  	_ =	strace $0x8000004A;
	[dreg:$0x4] =	wrdreg s8;
	s23 =	smul.u32 $0xA00, s6  }
0x9: {  	s25 =	sshrl.u32 s7, $0x2;
	s4 =	sadd.s32 s5, s4;
	s6 =	smul.u32 $0x5000, s6  }
0xa: {  	s7 =	sadd.s32 s25, s9;
	s29 =	rddreg [dreg:$0x4];
	s4 =	sshrl.u32 s4, $0x3  }
0xb: {  	s24 =	sadd.s32 s4, s1;
	s5 =	sadd.s32 s2, s23;
	s6 =	sshrl.u32 s6, $0x3  }
0xc: {  	[dreg:$0x5] =	wrdreg s5;
	s2 =	sadd.s32 s2, s6;
	s31 =	sadd.s32 $0x2CE00, s24  }
0xd: {  	s4 =	sor.u32 $0x1C03, s28;
	s2 =	sadd.s32 $0x500, s2;
	[dreg:$0x7] =	wrdreg s31  }
0xe: {  	s6 =	sshrl.u32 s7, $0x3;
	s5 =	simm.s32 $0x3;
	[dreg:$0x6] =	wrdreg s2  }
0xf: {  	[spmem:s6], [sflag:s4] =	dma.local [hbm:s29], $0x2800  }
0x10: {  	_ =	swait.ge [sflag:s5], $0x2800  }
0x11: {  	[sflag:s5] =	ssyncset.done $0x0  }
0x12: {  	[sflag:s5] =	ssyncadd.s32 $0xFFFFD800  }
0x13: {  	[bflag:$0x0] =	sbarrier.arrive $0xFFFF  }
0x14: {  	s0 =	rddreg [dreg:$0x5]  }
0x15: {  	[tilespmem:s30], [sflag:$0x3] =	stream.linear.gather [hbm4b:s0+s30], $0x2800, $0x38;
	[tilespmem:$0x1E800] =	vst v63  }
0x16: {  	_ =	swait.ge [sflag:s5], $0x2800  }
0x17: {  	s26 =	smov.u32 s9;
	s8 =	simm.s32 $0x80;
	[sflag:s5] =	ssyncset.done $0x0  }
0x18: {  	s9 =	simm.s32 $0x2800;
	s7 =	sadd.s32 $0x2600, s1;
	[sflag:s5] =	ssyncadd.s32 $0xFFFFD800  }
0x19: {  	[tilespmem:s9], [sflag:$0x1] =	stream.indirect.gather [hbm4b:s7+s8], $0x80, s30, s8, $0xb8;
	[tilespmem:$0x1E800] =	vst v63  }
0x1a: {  	s11 =	simm.s32 $0x6800;
	s12 =	simm.s32 $0x1;
	s1 =	simm.s32 $0x100  }
0x1b: {  	[tilespmem:s11], [sflag:$0x2] =	stream.indirect.gather [hbm4b:s7+s8], $0x80, s1, s8, $0xb8;
	[tilespmem:$0x1E800] =	vst v63  }
0x1c: {  	_ =	swait.ge [sflag:s12], $0x4000  }
0x1d: {  	[sflag:s12] =	ssyncset.done $0x0  }
0x1e: {  	[sflag:s12] =	ssyncadd.s32 $0xFFFFC000  }
0x1f: {  	[spmem:s26] =	stream.indirect.scatter.add.f32 [tilespmem:s9], [sflag:$0x3], $0x80, s8, s8, $0xb8;
	[tilespmem:$0x1E800] =	vst v63  }
0x20: {  	_ =	swait.ge [sflag:s5], $0x4000  }
0x21: {  	[sflag:s5] =	ssyncset.done $0x0  }
0x22: {  	s14 =	simm.s32 $0x2;
	s2 =	simm.s32 $0x200;
	[sflag:s5] =	ssyncadd.s32 $0xFFFFC000  }
0x23: {  	[tilespmem:s9], [sflag:$0x1] =	stream.indirect.gather [hbm4b:s7+s8], $0x80, s2, s8, $0xb8;
	[tilespmem:$0x1E800] =	vst v63  }
0x24: {  	_ =	swait.ge [sflag:s14], $0x4000  }
0x25: {  	[sflag:s14] =	ssyncset.done $0x0  }
0x26: {  	s3 =	simm.s32 $0x300;
	[sflag:s14] =	ssyncadd.s32 $0xFFFFC000  }
0x27: {  	[tilespmem:s11], [sflag:$0x2] =	stream.indirect.gather [hbm4b:s7+s8], $0x80, s3, s8, $0xb8;
	[tilespmem:$0x1E800] =	vst v63  }
0x28: {  	_ =	swait.ge [sflag:s12], $0x4000  }
0x29: {  	[sflag:s12] =	ssyncset.done $0x0  }
0x2a: {  	s10 =	simm.s32 $0x400;
	[sflag:s12] =	ssyncadd.s32 $0xFFFFC000  }
0x2b: {  	[tilespmem:s9], [sflag:$0x1] =	stream.indirect.gather [hbm4b:s7+s8], $0x80, s10, s8, $0xb8;
	[tilespmem:$0x1E800] =	vst v63  }
0x2c: {  	_ =	swait.ge [sflag:s14], $0x4000  }
0x2d: {  	[sflag:s14] =	ssyncset.done $0x0  }
0x2e: {  	s13 =	simm.s32 $0x500;
	[sflag:s14] =	ssyncadd.s32 $0xFFFFC000  }
0x2f: {  	[tilespmem:s11], [sflag:$0x2] =	stream.indirect.gather [hbm4b:s7+s8], $0x80, s13, s8, $0xb8;
	[tilespmem:$0x1E800] =	vst v63  }
0x30: {  	_ =	swait.ge [sflag:s12], $0x4000  }
0x31: {  	[sflag:s12] =	ssyncset.done $0x0  }
0x32: {  	s15 =	simm.s32 $0x600;
	[sflag:s12] =	ssyncadd.s32 $0xFFFFC000  }
0x33: {  	[tilespmem:s9], [sflag:$0x1] =	stream.indirect.gather [hbm4b:s7+s8], $0x80, s15, s8, $0xb8;
	[tilespmem:$0x1E800] =	vst v63  }
0x34: {  	_ =	swait.ge [sflag:s14], $0x4000  }
0x35: {  	[sflag:s14] =	ssyncset.done $0x0  }
0x36: {  	s16 =	simm.s32 $0x700;
	[sflag:s14] =	ssyncadd.s32 $0xFFFFC000  }
0x37: {  	[tilespmem:s11], [sflag:$0x2] =	stream.indirect.gather [hbm4b:s7+s8], $0x80, s16, s8, $0xb8;
	[tilespmem:$0x1E800] =	vst v63  }
0x38: {  	_ =	swait.ge [sflag:s12], $0x4000  }
0x39: {  	[sflag:s12] =	ssyncset.done $0x0  }
0x3a: {  	s17 =	simm.s32 $0x800;
	[sflag:s12] =	ssyncadd.s32 $0xFFFFC000  }
0x3b: {  	[tilespmem:s9], [sflag:$0x1] =	stream.indirect.gather [hbm4b:s7+s8], $0x80, s17, s8, $0xb8;
	[tilespmem:$0x1E800] =	vst v63  }
0x3c: {  	_ =	swait.ge [sflag:s14], $0x4000  }
0x3d: {  	[sflag:s14] =	ssyncset.done $0x0  }
0x3e: {  	s18 =	simm.s32 $0x900;
	[sflag:s14] =	ssyncadd.s32 $0xFFFFC000  }
0x3f: {  	[tilespmem:s11], [sflag:$0x2] =	stream.indirect.gather [hbm4b:s7+s8], $0x80, s18, s8, $0xb8;
	[tilespmem:$0x1E800] =	vst v63  }
0x40: {  	_ =	swait.ge [sflag:s12], $0x4000  }
0x41: {  	[sflag:s12] =	ssyncset.done $0x0  }
0x42: {  	s19 =	simm.s32 $0xA00;
	[sflag:s12] =	ssyncadd.s32 $0xFFFFC000  }
0x43: {  	[tilespmem:s9], [sflag:$0x1] =	stream.indirect.gather [hbm4b:s7+s8], $0x80, s19, s8, $0xb8;
	[tilespmem:$0x1E800] =	vst v63  }
0x44: {  	_ =	swait.ge [sflag:s14], $0x4000  }
0x45: {  	[sflag:s14] =	ssyncset.done $0x0  }
0x46: {  	s20 =	simm.s32 $0xB00;
	[sflag:s14] =	ssyncadd.s32 $0xFFFFC000  }
0x47: {  	[tilespmem:s11], [sflag:$0x2] =	stream.indirect.gather [hbm4b:s7+s8], $0x80, s20, s8, $0xb8;
	[tilespmem:$0x1E800] =	vst v63  }
0x48: {  	_ =	swait.ge [sflag:s12], $0x4000  }
0x49: {  	[sflag:s12] =	ssyncset.done $0x0  }
0x4a: {  	s21 =	simm.s32 $0xC00;
	[sflag:s12] =	ssyncadd.s32 $0xFFFFC000  }
0x4b: {  	[tilespmem:s9], [sflag:$0x1] =	stream.indirect.gather [hbm4b:s7+s8], $0x80, s21, s8, $0xb8;
	[tilespmem:$0x1E800] =	vst v63  }
0x4c: {  	_ =	swait.ge [sflag:s14], $0x4000  }
0x4d: {  	[sflag:s14] =	ssyncset.done $0x0  }
0x4e: {  	s22 =	simm.s32 $0xD00;
	[sflag:s14] =	ssyncadd.s32 $0xFFFFC000  }
0x4f: {  	[tilespmem:s11], [sflag:$0x2] =	stream.indirect.gather [hbm4b:s7+s8], $0x80, s22, s8, $0xb8;
	[tilespmem:$0x1E800] =	vst v63  }
0x50: {  	_ =	swait.ge [sflag:s12], $0x4000  }
0x51: {  	[sflag:s12] =	ssyncset.done $0x0  }
0x52: {  	s23 =	simm.s32 $0xE00;
	[sflag:s12] =	ssyncadd.s32 $0xFFFFC000  }
0x53: {  	[tilespmem:s9], [sflag:$0x1] =	stream.indirect.gather [hbm4b:s7+s8], $0x80, s23, s8, $0xb8;
	[tilespmem:$0x1E800] =	vst v63  }
0x54: {  	_ =	swait.ge [sflag:s14], $0x4000  }
0x55: {  	[sflag:s14] =	ssyncset.done $0x0  }
0x56: {  	s24 =	simm.s32 $0xF00;
	[sflag:s14] =	ssyncadd.s32 $0xFFFFC000  }
0x57: {  	[tilespmem:s11], [sflag:$0x2] =	stream.indirect.gather [hbm4b:s7+s8], $0x80, s24, s8, $0xb8;
	[tilespmem:$0x1E800] =	vst v63  }
0x58: {  	_ =	swait.ge [sflag:s12], $0x4000  }
0x59: {  	[sflag:s12] =	ssyncset.done $0x0  }
0x5a: {  	s25 =	simm.s32 $0x1000;
	[sflag:s12] =	ssyncadd.s32 $0xFFFFC000  }
0x5b: {  	[tilespmem:s9], [sflag:$0x1] =	stream.indirect.gather [hbm4b:s7+s8], $0x80, s25, s8, $0xb8;
	[tilespmem:$0x1E800] =	vst v63  }
0x5c: {  	_ =	swait.ge [sflag:s14], $0x4000  }
0x5d: {  	[sflag:s14] =	ssyncset.done $0x0  }
0x5e: {  	s26 =	simm.s32 $0x1100;
	[sflag:s14] =	ssyncadd.s32 $0xFFFFC000  }
0x5f: {  	[tilespmem:s11], [sflag:$0x2] =	stream.indirect.gather [hbm4b:s7+s8], $0x80, s26, s8, $0xb8;
	[tilespmem:$0x1E800] =	vst v63  }
0x60: {  	_ =	swait.ge [sflag:s12], $0x4000  }
0x61: {  	[sflag:s12] =	ssyncset.done $0x0  }
0x62: {  	s28 =	simm.s32 $0x1200;
	[sflag:s12] =	ssyncadd.s32 $0xFFFFC000  }
0x63: {  	[tilespmem:s9], [sflag:$0x1] =	stream.indirect.gather [hbm4b:s7+s8], $0x80, s28, s8, $0xb8;
	[tilespmem:$0x1E800] =	vst v63  }
0x64: {  	_ =	swait.ge [sflag:s14], $0x4000  }
0x65: {  	[sflag:s14] =	ssyncset.done $0x0  }
0x66: {  	s29 =	simm.s32 $0x1300;
	[sflag:s14] =	ssyncadd.s32 $0xFFFFC000  }
0x67: {  	[tilespmem:s11], [sflag:$0x2] =	stream.indirect.gather [hbm4b:s7+s8], $0x80, s29, s8, $0xb8;
	[tilespmem:$0x1E800] =	vst v63  }
0x68: {  	_ =	swait.ge [sflag:s12], $0x4000  }
0x69: {  	[sflag:s12] =	ssyncset.done $0x0  }
0x6a: {  	s31 =	simm.s32 $0x1400;
	[sflag:s12] =	ssyncadd.s32 $0xFFFFC000  }
0x6b: {  	[tilespmem:s9], [sflag:$0x1] =	stream.indirect.gather [hbm4b:s7+s8], $0x80, s31, s8, $0xb8;
	[tilespmem:$0x1E800] =	vst v63  }
0x6c: {  	_ =	swait.ge [sflag:s14], $0x4000  }
0x6d: {  	[sflag:s14] =	ssyncset.done $0x0  }
0x6e: {  	s29 =	simm.s32 $0x1500;
	[sflag:s14] =	ssyncadd.s32 $0xFFFFC000  }
0x6f: {  	[tilespmem:s11], [sflag:$0x2] =	stream.indirect.gather [hbm4b:s7+s8], $0x80, s29, s8, $0xb8;
	[tilespmem:$0x1E800] =	vst v63  }
0x70: {  	_ =	swait.ge [sflag:s12], $0x4000  }
0x71: {  	[sflag:s12] =	ssyncset.done $0x0  }
0x72: {  	s28 =	simm.s32 $0x1600;
	[sflag:s12] =	ssyncadd.s32 $0xFFFFC000  }
0x73: {  	[tilespmem:s9], [sflag:$0x1] =	stream.indirect.gather [hbm4b:s7+s8], $0x80, s28, s8, $0xb8;
	[tilespmem:$0x1E800] =	vst v63  }
0x74: {  	_ =	swait.ge [sflag:s14], $0x4000  }
0x75: {  	[sflag:s14] =	ssyncset.done $0x0  }
0x76: {  	s26 =	simm.s32 $0x1700;
	[sflag:s14] =	ssyncadd.s32 $0xFFFFC000  }
0x77: {  	[tilespmem:s11], [sflag:$0x2] =	stream.indirect.gather [hbm4b:s7+s8], $0x80, s26, s8, $0xb8;
	[tilespmem:$0x1E800] =	vst v63  }
0x78: {  	_ =	swait.ge [sflag:s12], $0x4000  }
0x79: {  	[sflag:s12] =	ssyncset.done $0x0  }
0x7a: {  	s25 =	simm.s32 $0x1800;
	[sflag:s12] =	ssyncadd.s32 $0xFFFFC000  }
0x7b: {  	[tilespmem:s9], [sflag:$0x1] =	stream.indirect.gather [hbm4b:s7+s8], $0x80, s25, s8, $0xb8;
	[tilespmem:$0x1E800] =	vst v63  }
0x7c: {  	_ =	swait.ge [sflag:s14], $0x4000  }
0x7d: {  	[sflag:s14] =	ssyncset.done $0x0  }
0x7e: {  	s24 =	simm.s32 $0x1900;
	[sflag:s14] =	ssyncadd.s32 $0xFFFFC000  }
0x7f: {  	[tilespmem:s11], [sflag:$0x2] =	stream.indirect.gather [hbm4b:s7+s8], $0x80, s24, s8, $0xb8;
	[tilespmem:$0x1E800] =	vst v63  }
0x80: {  	_ =	swait.ge [sflag:s12], $0x4000  }
0x81: {  	[sflag:s12] =	ssyncset.done $0x0  }
0x82: {  	s23 =	simm.s32 $0x1A00;
	[sflag:s12] =	ssyncadd.s32 $0xFFFFC000  }
0x83: {  	[tilespmem:s9], [sflag:$0x1] =	stream.indirect.gather [hbm4b:s7+s8], $0x80, s23, s8, $0xb8;
	[tilespmem:$0x1E800] =	vst v63  }
0x84: {  	_ =	swait.ge [sflag:s14], $0x4000  }
0x85: {  	[sflag:s14] =	ssyncset.done $0x0  }
0x86: {  	s22 =	simm.s32 $0x1B00;
	[sflag:s14] =	ssyncadd.s32 $0xFFFFC000  }
0x87: {  	[tilespmem:s11], [sflag:$0x2] =	stream.indirect.gather [hbm4b:s7+s8], $0x80, s22, s8, $0xb8;
	[tilespmem:$0x1E800] =	vst v63  }
0x88: {  	_ =	swait.ge [sflag:s12], $0x4000  }
0x89: {  	[sflag:s12] =	ssyncset.done $0x0  }
0x8a: {  	s21 =	simm.s32 $0x1C00;
	[sflag:s12] =	ssyncadd.s32 $0xFFFFC000  }
0x8b: {  	[tilespmem:s9], [sflag:$0x1] =	stream.indirect.gather [hbm4b:s7+s8], $0x80, s21, s8, $0xb8;
	[tilespmem:$0x1E800] =	vst v63  }
0x8c: {  	_ =	swait.ge [sflag:s14], $0x4000  }
0x8d: {  	[sflag:s14] =	ssyncset.done $0x0  }
0x8e: {  	s20 =	simm.s32 $0x1D00;
	[sflag:s14] =	ssyncadd.s32 $0xFFFFC000  }
0x8f: {  	[tilespmem:s11], [sflag:$0x2] =	stream.indirect.gather [hbm4b:s7+s8], $0x80, s20, s8, $0xb8;
	[tilespmem:$0x1E800] =	vst v63  }
0x90: {  	_ =	swait.ge [sflag:s12], $0x4000  }
0x91: {  	[sflag:s12] =	ssyncset.done $0x0  }
0x92: {  	s19 =	simm.s32 $0x1E00;
	[sflag:s12] =	ssyncadd.s32 $0xFFFFC000  }
0x93: {  	[tilespmem:s9], [sflag:$0x1] =	stream.indirect.gather [hbm4b:s7+s8], $0x80, s19, s8, $0xb8;
	[tilespmem:$0x1E800] =	vst v63  }
0x94: {  	_ =	swait.ge [sflag:s14], $0x4000  }
0x95: {  	[sflag:s14] =	ssyncset.done $0x0  }
0x96: {  	s18 =	simm.s32 $0x1F00;
	[sflag:s14] =	ssyncadd.s32 $0xFFFFC000  }
0x97: {  	[tilespmem:s11], [sflag:$0x2] =	stream.indirect.gather [hbm4b:s7+s8], $0x80, s18, s8, $0xb8;
	[tilespmem:$0x1E800] =	vst v63  }
0x98: {  	_ =	swait.ge [sflag:s12], $0x4000  }
0x99: {  	[sflag:s12] =	ssyncset.done $0x0  }
0x9a: {  	s17 =	simm.s32 $0x2000;
	[sflag:s12] =	ssyncadd.s32 $0xFFFFC000  }
0x9b: {  	[tilespmem:s9], [sflag:$0x1] =	stream.indirect.gather [hbm4b:s7+s8], $0x80, s17, s8, $0xb8;
	[tilespmem:$0x1E800] =	vst v63  }
0x9c: {  	_ =	swait.ge [sflag:s14], $0x4000  }
0x9d: {  	[sflag:s14] =	ssyncset.done $0x0  }
0x9e: {  	s16 =	simm.s32 $0x2100;
	[sflag:s14] =	ssyncadd.s32 $0xFFFFC000  }
0x9f: {  	[tilespmem:s11], [sflag:$0x2] =	stream.indirect.gather [hbm4b:s7+s8], $0x80, s16, s8, $0xb8;
	[tilespmem:$0x1E800] =	vst v63  }
0xa0: {  	_ =	swait.ge [sflag:s12], $0x4000  }
0xa1: {  	[sflag:s12] =	ssyncset.done $0x0  }
0xa2: {  	s15 =	simm.s32 $0x2200;
	[sflag:s12] =	ssyncadd.s32 $0xFFFFC000  }
0xa3: {  	[tilespmem:s9], [sflag:$0x1] =	stream.indirect.gather [hbm4b:s7+s8], $0x80, s15, s8, $0xb8;
	[tilespmem:$0x1E800] =	vst v63  }
0xa4: {  	_ =	swait.ge [sflag:s14], $0x4000  }
0xa5: {  	[sflag:s14] =	ssyncset.done $0x0  }
0xa6: {  	s13 =	simm.s32 $0x2300;
	[sflag:s14] =	ssyncadd.s32 $0xFFFFC000  }
0xa7: {  	[tilespmem:s11], [sflag:$0x2] =	stream.indirect.gather [hbm4b:s7+s8], $0x80, s13, s8, $0xb8;
	[tilespmem:$0x1E800] =	vst v63  }
0xa8: {  	_ =	swait.ge [sflag:s12], $0x4000  }
0xa9: {  	[sflag:s12] =	ssyncset.done $0x0  }
0xaa: {  	s10 =	simm.s32 $0x2400;
	[sflag:s12] =	ssyncadd.s32 $0xFFFFC000  }
0xab: {  	[tilespmem:s9], [sflag:$0x1] =	stream.indirect.gather [hbm4b:s7+s8], $0x80, s10, s8, $0xb8;
	[tilespmem:$0x1E800] =	vst v63  }
0xac: {  	_ =	swait.ge [sflag:s14], $0x4000  }
0xad: {  	[sflag:s14] =	ssyncset.done $0x0  }
0xae: {  	s3 =	simm.s32 $0x2500;
	[sflag:s14] =	ssyncadd.s32 $0xFFFFC000  }
0xaf: {  	[tilespmem:s11], [sflag:$0x2] =	stream.indirect.gather [hbm4b:s7+s8], $0x80, s3, s8, $0xb8;
	[tilespmem:$0x1E800] =	vst v63  }
0xb0: {  	_ =	swait.ge [sflag:s12], $0x4000  }
0xb1: {  	[sflag:s12] =	ssyncset.done $0x0  }
0xb2: {  	s2 =	simm.s32 $0x2600;
	[sflag:s12] =	ssyncadd.s32 $0xFFFFC000  }
0xb3: {  	[tilespmem:s9], [sflag:$0x1] =	stream.indirect.gather [hbm4b:s7+s8], $0x80, s2, s8, $0xb8;
	[tilespmem:$0x1E800] =	vst v63  }
0xb4: {  	_ =	swait.ge [sflag:s14], $0x4000  }
0xb5: {  	[sflag:s14] =	ssyncset.done $0x0  }
0xb6: {  	s1 =	simm.s32 $0x2700;
	[sflag:s14] =	ssyncadd.s32 $0xFFFFC000  }
0xb7: {  	[tilespmem:s11], [sflag:$0x2] =	stream.indirect.gather [hbm4b:s7+s8], $0x80, s1, s8, $0xb8;
	[tilespmem:$0x1E800] =	vst v63  }
0xb8: {  	_ =	swait.ge [sflag:s12], $0x4000  }
0xb9: {  	[sflag:s12] =	ssyncset.done $0x0  }
0xba: {  	[sflag:s12] =	ssyncadd.s32 $0xFFFFC000  }
0xbb: {  	_ =	swait.ge [sflag:s14], $0x4000  }
0xbc: {  	[sflag:s14] =	ssyncset.done $0x0  }
0xbd: {  	s0 =	rddreg [dreg:$0x6];
	[sflag:s14] =	ssyncadd.s32 $0xFFFFC000  }
0xbe: {  	[tilespmem:s30], [sflag:$0x3] =	stream.linear.gather [hbm4b:s0+s30], $0x2800, $0x38;
	[tilespmem:$0x1E800] =	vst v63  }
0xbf: {  	_ =	swait.ge [sflag:s5], $0x2800  }
0xc0: {  	[sflag:s5] =	ssyncset.done $0x0  }
0xc1: {  	[sflag:s5] =	ssyncadd.s32 $0xFFFFD800  }
0xc2: {  	[tilespmem:s9], [sflag:$0x1] =	stream.indirect.gather [hbm4b:s7+s8], $0x80, s30, s8, $0xb8;
	[tilespmem:$0x1E800] =	vst v63  }
0xc3: {  	s30 =	simm.s32 $0x100  }
0xc4: {  	[tilespmem:s11], [sflag:$0x2] =	stream.indirect.gather [hbm4b:s7+s8], $0x80, s30, s8, $0xb8;
	[tilespmem:$0x1E800] =	vst v63  }
0xc5: {  	_ =	swait.ge [sflag:s12], $0x4000  }
0xc6: {  	[sflag:s12] =	ssyncset.done $0x0  }
0xc7: {  	[sflag:s12] =	ssyncadd.s32 $0xFFFFC000  }
0xc8: {  	s30 =	rddreg [dreg:$0x2]  }
0xc9: {  	[spmem:s30] =	stream.indirect.scatter.add.f32 [tilespmem:s9], [sflag:$0x3], $0x80, s8, s8, $0xb8;
	[tilespmem:$0x1E800] =	vst v63  }
0xca: {  	_ =	swait.ge [sflag:s5], $0x4000  }
0xcb: {  	[sflag:s5] =	ssyncset.done $0x0  }
0xcc: {  	s30 =	simm.s32 $0x200;
	[sflag:s5] =	ssyncadd.s32 $0xFFFFC000  }
0xcd: {  	[tilespmem:s9], [sflag:$0x1] =	stream.indirect.gather [hbm4b:s7+s8], $0x80, s30, s8, $0xb8;
	[tilespmem:$0x1E800] =	vst v63  }
0xce: {  	_ =	swait.ge [sflag:s14], $0x4000  }
0xcf: {  	[sflag:s14] =	ssyncset.done $0x0  }
0xd0: {  	s30 =	simm.s32 $0x300;
	[sflag:s14] =	ssyncadd.s32 $0xFFFFC000  }
0xd1: {  	[tilespmem:s11], [sflag:$0x2] =	stream.indirect.gather [hbm4b:s7+s8], $0x80, s30, s8, $0xb8;
	[tilespmem:$0x1E800] =	vst v63  }
0xd2: {  	_ =	swait.ge [sflag:s12], $0x4000  }
0xd3: {  	[sflag:s12] =	ssyncset.done $0x0  }
0xd4: {  	s30 =	simm.s32 $0x400;
	[sflag:s12] =	ssyncadd.s32 $0xFFFFC000  }
0xd5: {  	[tilespmem:s9], [sflag:$0x1] =	stream.indirect.gather [hbm4b:s7+s8], $0x80, s30, s8, $0xb8;
	[tilespmem:$0x1E800] =	vst v63  }
0xd6: {  	_ =	swait.ge [sflag:s14], $0x4000  }
0xd7: {  	[sflag:s14] =	ssyncset.done $0x0  }
0xd8: {  	s30 =	simm.s32 $0x500;
	[sflag:s14] =	ssyncadd.s32 $0xFFFFC000  }
0xd9: {  	[tilespmem:s11], [sflag:$0x2] =	stream.indirect.gather [hbm4b:s7+s8], $0x80, s30, s8, $0xb8;
	[tilespmem:$0x1E800] =	vst v63  }
0xda: {  	_ =	swait.ge [sflag:s12], $0x4000  }
0xdb: {  	[sflag:s12] =	ssyncset.done $0x0  }
0xdc: {  	s30 =	simm.s32 $0x600;
	[sflag:s12] =	ssyncadd.s32 $0xFFFFC000  }
0xdd: {  	[tilespmem:s9], [sflag:$0x1] =	stream.indirect.gather [hbm4b:s7+s8], $0x80, s30, s8, $0xb8;
	[tilespmem:$0x1E800] =	vst v63  }
0xde: {  	_ =	swait.ge [sflag:s14], $0x4000  }
0xdf: {  	[sflag:s14] =	ssyncset.done $0x0  }
0xe0: {  	s30 =	simm.s32 $0x700;
	[sflag:s14] =	ssyncadd.s32 $0xFFFFC000  }
0xe1: {  	[tilespmem:s11], [sflag:$0x2] =	stream.indirect.gather [hbm4b:s7+s8], $0x80, s30, s8, $0xb8;
	[tilespmem:$0x1E800] =	vst v63  }
0xe2: {  	_ =	swait.ge [sflag:s12], $0x4000  }
0xe3: {  	[sflag:s12] =	ssyncset.done $0x0  }
0xe4: {  	s30 =	simm.s32 $0x800;
	[sflag:s12] =	ssyncadd.s32 $0xFFFFC000  }
0xe5: {  	[tilespmem:s9], [sflag:$0x1] =	stream.indirect.gather [hbm4b:s7+s8], $0x80, s30, s8, $0xb8;
	[tilespmem:$0x1E800] =	vst v63  }
0xe6: {  	_ =	swait.ge [sflag:s14], $0x4000  }
0xe7: {  	[sflag:s14] =	ssyncset.done $0x0  }
0xe8: {  	s30 =	simm.s32 $0x900;
	[sflag:s14] =	ssyncadd.s32 $0xFFFFC000  }
0xe9: {  	[tilespmem:s11], [sflag:$0x2] =	stream.indirect.gather [hbm4b:s7+s8], $0x80, s30, s8, $0xb8;
	[tilespmem:$0x1E800] =	vst v63  }
0xea: {  	_ =	swait.ge [sflag:s12], $0x4000  }
0xeb: {  	[sflag:s12] =	ssyncset.done $0x0  }
0xec: {  	s30 =	simm.s32 $0xA00;
	[sflag:s12] =	ssyncadd.s32 $0xFFFFC000  }
0xed: {  	[tilespmem:s9], [sflag:$0x1] =	stream.indirect.gather [hbm4b:s7+s8], $0x80, s30, s8, $0xb8;
	[tilespmem:$0x1E800] =	vst v63  }
0xee: {  	_ =	swait.ge [sflag:s14], $0x4000  }
0xef: {  	[sflag:s14] =	ssyncset.done $0x0  }
0xf0: {  	s30 =	simm.s32 $0xB00;
	[sflag:s14] =	ssyncadd.s32 $0xFFFFC000  }
0xf1: {  	[tilespmem:s11], [sflag:$0x2] =	stream.indirect.gather [hbm4b:s7+s8], $0x80, s30, s8, $0xb8;
	[tilespmem:$0x1E800] =	vst v63  }
0xf2: {  	_ =	swait.ge [sflag:s12], $0x4000  }
0xf3: {  	[sflag:s12] =	ssyncset.done $0x0  }
0xf4: {  	s30 =	simm.s32 $0xC00;
	[sflag:s12] =	ssyncadd.s32 $0xFFFFC000  }
0xf5: {  	[tilespmem:s9], [sflag:$0x1] =	stream.indirect.gather [hbm4b:s7+s8], $0x80, s30, s8, $0xb8;
	[tilespmem:$0x1E800] =	vst v63  }
0xf6: {  	_ =	swait.ge [sflag:s14], $0x4000  }
0xf7: {  	[sflag:s14] =	ssyncset.done $0x0  }
0xf8: {  	s30 =	simm.s32 $0xD00;
	[sflag:s14] =	ssyncadd.s32 $0xFFFFC000  }
0xf9: {  	[tilespmem:s11], [sflag:$0x2] =	stream.indirect.gather [hbm4b:s7+s8], $0x80, s30, s8, $0xb8;
	[tilespmem:$0x1E800] =	vst v63  }
0xfa: {  	_ =	swait.ge [sflag:s12], $0x4000  }
0xfb: {  	[sflag:s12] =	ssyncset.done $0x0  }
0xfc: {  	s30 =	simm.s32 $0xE00;
	[sflag:s12] =	ssyncadd.s32 $0xFFFFC000  }
0xfd: {  	[tilespmem:s9], [sflag:$0x1] =	stream.indirect.gather [hbm4b:s7+s8], $0x80, s30, s8, $0xb8;
	[tilespmem:$0x1E800] =	vst v63  }
0xfe: {  	_ =	swait.ge [sflag:s14], $0x4000  }
0xff: {  	[sflag:s14] =	ssyncset.done $0x0  }
0x100: {  	s30 =	simm.s32 $0xF00;
	[sflag:s14] =	ssyncadd.s32 $0xFFFFC000  }
0x101: {  	[tilespmem:s11], [sflag:$0x2] =	stream.indirect.gather [hbm4b:s7+s8], $0x80, s30, s8, $0xb8;
	[tilespmem:$0x1E800] =	vst v63  }
0x102: {  	_ =	swait.ge [sflag:s12], $0x4000  }
0x103: {  	[sflag:s12] =	ssyncset.done $0x0  }
0x104: {  	s30 =	simm.s32 $0x1000;
	[sflag:s12] =	ssyncadd.s32 $0xFFFFC000  }
0x105: {  	[tilespmem:s9], [sflag:$0x1] =	stream.indirect.gather [hbm4b:s7+s8], $0x80, s30, s8, $0xb8;
	[tilespmem:$0x1E800] =	vst v63  }
0x106: {  	_ =	swait.ge [sflag:s14], $0x4000  }
0x107: {  	[sflag:s14] =	ssyncset.done $0x0  }
0x108: {  	s30 =	simm.s32 $0x1100;
	[sflag:s14] =	ssyncadd.s32 $0xFFFFC000  }
0x109: {  	[tilespmem:s11], [sflag:$0x2] =	stream.indirect.gather [hbm4b:s7+s8], $0x80, s30, s8, $0xb8;
	[tilespmem:$0x1E800] =	vst v63  }
0x10a: {  	_ =	swait.ge [sflag:s12], $0x4000  }
0x10b: {  	[sflag:s12] =	ssyncset.done $0x0  }
0x10c: {  	s30 =	simm.s32 $0x1200;
	[sflag:s12] =	ssyncadd.s32 $0xFFFFC000  }
0x10d: {  	[tilespmem:s9], [sflag:$0x1] =	stream.indirect.gather [hbm4b:s7+s8], $0x80, s30, s8, $0xb8;
	[tilespmem:$0x1E800] =	vst v63  }
0x10e: {  	_ =	swait.ge [sflag:s14], $0x4000  }
0x10f: {  	[sflag:s14] =	ssyncset.done $0x0  }
0x110: {  	s30 =	simm.s32 $0x1300;
	[sflag:s14] =	ssyncadd.s32 $0xFFFFC000  }
0x111: {  	[tilespmem:s11], [sflag:$0x2] =	stream.indirect.gather [hbm4b:s7+s8], $0x80, s30, s8, $0xb8;
	[tilespmem:$0x1E800] =	vst v63  }
0x112: {  	_ =	swait.ge [sflag:s12], $0x4000  }
0x113: {  	[sflag:s12] =	ssyncset.done $0x0  }
0x114: {  	[sflag:s12] =	ssyncadd.s32 $0xFFFFC000  }
0x115: {  	[tilespmem:s9], [sflag:$0x1] =	stream.indirect.gather [hbm4b:s7+s8], $0x80, s31, s8, $0xb8;
	[tilespmem:$0x1E800] =	vst v63  }
0x116: {  	_ =	swait.ge [sflag:s14], $0x4000  }
0x117: {  	[sflag:s14] =	ssyncset.done $0x0  }
0x118: {  	[sflag:s14] =	ssyncadd.s32 $0xFFFFC000  }
0x119: {  	[tilespmem:s11], [sflag:$0x2] =	stream.indirect.gather [hbm4b:s7+s8], $0x80, s29, s8, $0xb8;
	[tilespmem:$0x1E800] =	vst v63  }
0x11a: {  	_ =	swait.ge [sflag:s12], $0x4000  }
0x11b: {  	[sflag:s12] =	ssyncset.done $0x0  }
0x11c: {  	[sflag:s12] =	ssyncadd.s32 $0xFFFFC000  }
0x11d: {  	[tilespmem:s9], [sflag:$0x1] =	stream.indirect.gather [hbm4b:s7+s8], $0x80, s28, s8, $0xb8;
	[tilespmem:$0x1E800] =	vst v63  }
0x11e: {  	_ =	swait.ge [sflag:s14], $0x4000  }
0x11f: {  	[sflag:s14] =	ssyncset.done $0x0  }
0x120: {  	[sflag:s14] =	ssyncadd.s32 $0xFFFFC000  }
0x121: {  	[tilespmem:s11], [sflag:$0x2] =	stream.indirect.gather [hbm4b:s7+s8], $0x80, s26, s8, $0xb8;
	[tilespmem:$0x1E800] =	vst v63  }
0x122: {  	_ =	swait.ge [sflag:s12], $0x4000  }
0x123: {  	[sflag:s12] =	ssyncset.done $0x0  }
0x124: {  	[sflag:s12] =	ssyncadd.s32 $0xFFFFC000  }
0x125: {  	[tilespmem:s9], [sflag:$0x1] =	stream.indirect.gather [hbm4b:s7+s8], $0x80, s25, s8, $0xb8;
	[tilespmem:$0x1E800] =	vst v63  }
0x126: {  	_ =	swait.ge [sflag:s14], $0x4000  }
0x127: {  	[sflag:s14] =	ssyncset.done $0x0  }
0x128: {  	[sflag:s14] =	ssyncadd.s32 $0xFFFFC000  }
0x129: {  	[tilespmem:s11], [sflag:$0x2] =	stream.indirect.gather [hbm4b:s7+s8], $0x80, s24, s8, $0xb8;
	[tilespmem:$0x1E800] =	vst v63  }
0x12a: {  	_ =	swait.ge [sflag:s12], $0x4000  }
0x12b: {  	[sflag:s12] =	ssyncset.done $0x0  }
0x12c: {  	[sflag:s12] =	ssyncadd.s32 $0xFFFFC000  }
0x12d: {  	[tilespmem:s9], [sflag:$0x1] =	stream.indirect.gather [hbm4b:s7+s8], $0x80, s23, s8, $0xb8;
	[tilespmem:$0x1E800] =	vst v63  }
0x12e: {  	_ =	swait.ge [sflag:s14], $0x4000  }
0x12f: {  	[sflag:s14] =	ssyncset.done $0x0  }
0x130: {  	[sflag:s14] =	ssyncadd.s32 $0xFFFFC000  }
0x131: {  	[tilespmem:s11], [sflag:$0x2] =	stream.indirect.gather [hbm4b:s7+s8], $0x80, s22, s8, $0xb8;
	[tilespmem:$0x1E800] =	vst v63  }
0x132: {  	_ =	swait.ge [sflag:s12], $0x4000  }
0x133: {  	[sflag:s12] =	ssyncset.done $0x0  }
0x134: {  	[sflag:s12] =	ssyncadd.s32 $0xFFFFC000  }
0x135: {  	[tilespmem:s9], [sflag:$0x1] =	stream.indirect.gather [hbm4b:s7+s8], $0x80, s21, s8, $0xb8;
	[tilespmem:$0x1E800] =	vst v63  }
0x136: {  	_ =	swait.ge [sflag:s14], $0x4000  }
0x137: {  	[sflag:s14] =	ssyncset.done $0x0  }
0x138: {  	[sflag:s14] =	ssyncadd.s32 $0xFFFFC000  }
0x139: {  	[tilespmem:s11], [sflag:$0x2] =	stream.indirect.gather [hbm4b:s7+s8], $0x80, s20, s8, $0xb8;
	[tilespmem:$0x1E800] =	vst v63  }
0x13a: {  	_ =	swait.ge [sflag:s12], $0x4000  }
0x13b: {  	[sflag:s12] =	ssyncset.done $0x0  }
0x13c: {  	[sflag:s12] =	ssyncadd.s32 $0xFFFFC000  }
0x13d: {  	[tilespmem:s9], [sflag:$0x1] =	stream.indirect.gather [hbm4b:s7+s8], $0x80, s19, s8, $0xb8;
	[tilespmem:$0x1E800] =	vst v63  }
0x13e: {  	_ =	swait.ge [sflag:s14], $0x4000  }
0x13f: {  	[sflag:s14] =	ssyncset.done $0x0  }
0x140: {  	[sflag:s14] =	ssyncadd.s32 $0xFFFFC000  }
0x141: {  	[tilespmem:s11], [sflag:$0x2] =	stream.indirect.gather [hbm4b:s7+s8], $0x80, s18, s8, $0xb8;
	[tilespmem:$0x1E800] =	vst v63  }
0x142: {  	_ =	swait.ge [sflag:s12], $0x4000  }
0x143: {  	[sflag:s12] =	ssyncset.done $0x0  }
0x144: {  	[sflag:s12] =	ssyncadd.s32 $0xFFFFC000  }
0x145: {  	[tilespmem:s9], [sflag:$0x1] =	stream.indirect.gather [hbm4b:s7+s8], $0x80, s17, s8, $0xb8;
	[tilespmem:$0x1E800] =	vst v63  }
0x146: {  	_ =	swait.ge [sflag:s14], $0x4000  }
0x147: {  	[sflag:s14] =	ssyncset.done $0x0  }
0x148: {  	[sflag:s14] =	ssyncadd.s32 $0xFFFFC000  }
0x149: {  	[tilespmem:s11], [sflag:$0x2] =	stream.indirect.gather [hbm4b:s7+s8], $0x80, s16, s8, $0xb8;
	[tilespmem:$0x1E800] =	vst v63  }
0x14a: {  	_ =	swait.ge [sflag:s12], $0x4000  }
0x14b: {  	[sflag:s12] =	ssyncset.done $0x0  }
0x14c: {  	[sflag:s12] =	ssyncadd.s32 $0xFFFFC000  }
0x14d: {  	[tilespmem:s9], [sflag:$0x1] =	stream.indirect.gather [hbm4b:s7+s8], $0x80, s15, s8, $0xb8;
	[tilespmem:$0x1E800] =	vst v63  }
0x14e: {  	_ =	swait.ge [sflag:s14], $0x4000  }
0x14f: {  	[sflag:s14] =	ssyncset.done $0x0  }
0x150: {  	[sflag:s14] =	ssyncadd.s32 $0xFFFFC000  }
0x151: {  	[tilespmem:s11], [sflag:$0x2] =	stream.indirect.gather [hbm4b:s7+s8], $0x80, s13, s8, $0xb8;
	[tilespmem:$0x1E800] =	vst v63  }
0x152: {  	_ =	swait.ge [sflag:s12], $0x4000  }
0x153: {  	[sflag:s12] =	ssyncset.done $0x0  }
0x154: {  	[sflag:s12] =	ssyncadd.s32 $0xFFFFC000  }
0x155: {  	[tilespmem:s9], [sflag:$0x1] =	stream.indirect.gather [hbm4b:s7+s8], $0x80, s10, s8, $0xb8;
	[tilespmem:$0x1E800] =	vst v63  }
0x156: {  	_ =	swait.ge [sflag:s14], $0x4000  }
0x157: {  	[sflag:s14] =	ssyncset.done $0x0  }
0x158: {  	[sflag:s14] =	ssyncadd.s32 $0xFFFFC000  }
0x159: {  	[tilespmem:s11], [sflag:$0x2] =	stream.indirect.gather [hbm4b:s7+s8], $0x80, s3, s8, $0xb8;
	[tilespmem:$0x1E800] =	vst v63  }
0x15a: {  	_ =	swait.ge [sflag:s12], $0x4000  }
0x15b: {  	[sflag:s12] =	ssyncset.done $0x0  }
0x15c: {  	[sflag:s12] =	ssyncadd.s32 $0xFFFFC000  }
0x15d: {  	[tilespmem:s9], [sflag:$0x1] =	stream.indirect.gather [hbm4b:s7+s8], $0x80, s2, s8, $0xb8;
	[tilespmem:$0x1E800] =	vst v63  }
0x15e: {  	_ =	swait.ge [sflag:s14], $0x4000  }
0x15f: {  	[sflag:s14] =	ssyncset.done $0x0  }
0x160: {  	[sflag:s14] =	ssyncadd.s32 $0xFFFFC000  }
0x161: {  	[tilespmem:s11], [sflag:$0x2] =	stream.indirect.gather [hbm4b:s7+s8], $0x80, s1, s8, $0xb8;
	[tilespmem:$0x1E800] =	vst v63  }
0x162: {  	_ =	swait.ge [sflag:s12], $0x4000  }
0x163: {  	[sflag:s12] =	ssyncset.done $0x0  }
0x164: {  	[sflag:s12] =	ssyncadd.s32 $0xFFFFC000  }
0x165: {  	_ =	swait.ge [sflag:s14], $0x4000  }
0x166: {  	[sflag:s14] =	ssyncset.done $0x0  }
0x167: {  	[sflag:s14] =	ssyncadd.s32 $0xFFFFC000  }
0x168: {  	[bflag:$0x0] =	sbarrier.arrive $0xFFFF  }
0x169: {  	s29 =	rddreg [dreg:$0xa]  }
0x16a: {  	s30 =	ssub.s32 $0x2, s29  }
0x16b: {  	s0 =	sshrl.u32 s30, $0x1  }
0x16c: {  	s0 =	ssub.s32 s30, s0  }
0x16d: {  	s0 =	smax.u32 s0, $0x1  }
0x16e: {  	p0 =	sne.s32 s0, $0x1  }
.Ltmp0:
0x16f: {  	s31 =	rddreg [dreg:$0x7];
	(pc) =	sbr.rel @!p0 .LBB2_3-.Ltmp0, $4  }
0x170: {  	[dreg:$0x8] =	wrdreg s4  }
0x171: {  	[dreg:$0x9] =	wrdreg s6  }
0x172: {  	[hbm:s31], [sflag:s4] =	dma.local [spmem:s6], $0x2800  }
0x173: {  	_ =	swait.ge [sflag:s5], $0x2800;
	s0 =	sadd.s32 $0xFFFFFFFF, s0  }
0x174: {  	s4 =	simm.s32 $0x0  }
0x175: {  	s10 =	simm.s32 $0x100;
	s13 =	simm.s32 $0x200;
	s15 =	simm.s32 $0x300  }
0x176: {  	s16 =	simm.s32 $0x400;
	s17 =	simm.s32 $0x500;
	s18 =	simm.s32 $0x600  }
0x177: {  	s19 =	simm.s32 $0x700;
	s20 =	simm.s32 $0x800;
	s21 =	simm.s32 $0x900  }
0x178: {  	s22 =	simm.s32 $0xA00;
	s23 =	simm.s32 $0xB00;
	s24 =	simm.s32 $0xC00  }
0x179: {  	s25 =	simm.s32 $0xD00;
	s26 =	simm.s32 $0xE00;
	s28 =	simm.s32 $0xF00  }
0x17a: {  	s29 =	simm.s32 $0x1000;
	s30 =	simm.s32 $0x1100;
	s31 =	simm.s32 $0x1200  }
.LBB2_2:
0x17b: {  	s1 =	rddreg [dreg:$0x4]  }
0x17c: {  	[sflag:s5] =	ssyncset.done $0x0;
	s6 =	rddreg [dreg:$0x8]  }
0x17d: {  	s3 =	rddreg [dreg:$0x9];
	[sflag:s5] =	ssyncadd.s32 $0xFFFFD800  }
0x17e: {  	[spmem:s3], [sflag:s6] =	dma.local [hbm:s1], $0x2800  }
0x17f: {  	_ =	swait.ge [sflag:s5], $0x2800  }
0x180: {  	[sflag:s5] =	ssyncset.done $0x0  }
0x181: {  	[sflag:s5] =	ssyncadd.s32 $0xFFFFD800  }
0x182: {  	[bflag:$0x0] =	sbarrier.arrive $0xFFFF  }
0x183: {  	s2 =	rddreg [dreg:$0x5]  }
0x184: {  	[tilespmem:s4], [sflag:$0x3] =	stream.linear.gather [hbm4b:s2+s4], $0x2800, $0x38;
	[tilespmem:$0x1E800] =	vst v63  }
0x185: {  	_ =	swait.ge [sflag:s5], $0x2800  }
0x186: {  	[sflag:s5] =	ssyncset.done $0x0  }
0x187: {  	[sflag:s5] =	ssyncadd.s32 $0xFFFFD800  }
0x188: {  	[tilespmem:s9], [sflag:$0x1] =	stream.indirect.gather [hbm4b:s7+s8], $0x80, s4, s8, $0xb8;
	[tilespmem:$0x1E800] =	vst v63  }
0x189: {  	_ = 	snop  }
0x18a: {  	[tilespmem:s11], [sflag:$0x2] =	stream.indirect.gather [hbm4b:s7+s8], $0x80, s10, s8, $0xb8;
	[tilespmem:$0x1E800] =	vst v63  }
0x18b: {  	_ =	swait.ge [sflag:s12], $0x4000  }
0x18c: {  	[sflag:s12] =	ssyncset.done $0x0  }
0x18d: {  	[sflag:s12] =	ssyncadd.s32 $0xFFFFC000  }
0x18e: {  	s2 =	rddreg [dreg:$0x2]  }
0x18f: {  	[spmem:s2] =	stream.indirect.scatter.add.f32 [tilespmem:s9], [sflag:$0x3], $0x80, s8, s8, $0xb8;
	[tilespmem:$0x1E800] =	vst v63  }
0x190: {  	_ =	swait.ge [sflag:s5], $0x4000  }
0x191: {  	[sflag:s5] =	ssyncset.done $0x0  }
0x192: {  	[sflag:s5] =	ssyncadd.s32 $0xFFFFC000  }
0x193: {  	[tilespmem:s9], [sflag:$0x1] =	stream.indirect.gather [hbm4b:s7+s8], $0x80, s13, s8, $0xb8;
	[tilespmem:$0x1E800] =	vst v63  }
0x194: {  	_ =	swait.ge [sflag:s14], $0x4000  }
0x195: {  	[sflag:s14] =	ssyncset.done $0x0  }
0x196: {  	[sflag:s14] =	ssyncadd.s32 $0xFFFFC000  }
0x197: {  	[tilespmem:s11], [sflag:$0x2] =	stream.indirect.gather [hbm4b:s7+s8], $0x80, s15, s8, $0xb8;
	[tilespmem:$0x1E800] =	vst v63  }
0x198: {  	_ =	swait.ge [sflag:s12], $0x4000  }
0x199: {  	[sflag:s12] =	ssyncset.done $0x0  }
0x19a: {  	[sflag:s12] =	ssyncadd.s32 $0xFFFFC000  }
0x19b: {  	[tilespmem:s9], [sflag:$0x1] =	stream.indirect.gather [hbm4b:s7+s8], $0x80, s16, s8, $0xb8;
	[tilespmem:$0x1E800] =	vst v63  }
0x19c: {  	_ =	swait.ge [sflag:s14], $0x4000  }
0x19d: {  	[sflag:s14] =	ssyncset.done $0x0  }
0x19e: {  	[sflag:s14] =	ssyncadd.s32 $0xFFFFC000  }
0x19f: {  	[tilespmem:s11], [sflag:$0x2] =	stream.indirect.gather [hbm4b:s7+s8], $0x80, s17, s8, $0xb8;
	[tilespmem:$0x1E800] =	vst v63  }
0x1a0: {  	_ =	swait.ge [sflag:s12], $0x4000  }
0x1a1: {  	[sflag:s12] =	ssyncset.done $0x0  }
0x1a2: {  	[sflag:s12] =	ssyncadd.s32 $0xFFFFC000  }
0x1a3: {  	[tilespmem:s9], [sflag:$0x1] =	stream.indirect.gather [hbm4b:s7+s8], $0x80, s18, s8, $0xb8;
	[tilespmem:$0x1E800] =	vst v63  }
0x1a4: {  	_ =	swait.ge [sflag:s14], $0x4000  }
0x1a5: {  	[sflag:s14] =	ssyncset.done $0x0  }
0x1a6: {  	[sflag:s14] =	ssyncadd.s32 $0xFFFFC000  }
0x1a7: {  	[tilespmem:s11], [sflag:$0x2] =	stream.indirect.gather [hbm4b:s7+s8], $0x80, s19, s8, $0xb8;
	[tilespmem:$0x1E800] =	vst v63  }
0x1a8: {  	_ =	swait.ge [sflag:s12], $0x4000  }
0x1a9: {  	[sflag:s12] =	ssyncset.done $0x0  }
0x1aa: {  	[sflag:s12] =	ssyncadd.s32 $0xFFFFC000  }
0x1ab: {  	[tilespmem:s9], [sflag:$0x1] =	stream.indirect.gather [hbm4b:s7+s8], $0x80, s20, s8, $0xb8;
	[tilespmem:$0x1E800] =	vst v63  }
0x1ac: {  	_ =	swait.ge [sflag:s14], $0x4000  }
0x1ad: {  	[sflag:s14] =	ssyncset.done $0x0  }
0x1ae: {  	[sflag:s14] =	ssyncadd.s32 $0xFFFFC000  }
0x1af: {  	[tilespmem:s11], [sflag:$0x2] =	stream.indirect.gather [hbm4b:s7+s8], $0x80, s21, s8, $0xb8;
	[tilespmem:$0x1E800] =	vst v63  }
0x1b0: {  	_ =	swait.ge [sflag:s12], $0x4000  }
0x1b1: {  	[sflag:s12] =	ssyncset.done $0x0  }
0x1b2: {  	[sflag:s12] =	ssyncadd.s32 $0xFFFFC000  }
0x1b3: {  	[tilespmem:s9], [sflag:$0x1] =	stream.indirect.gather [hbm4b:s7+s8], $0x80, s22, s8, $0xb8;
	[tilespmem:$0x1E800] =	vst v63  }
0x1b4: {  	_ =	swait.ge [sflag:s14], $0x4000  }
0x1b5: {  	[sflag:s14] =	ssyncset.done $0x0  }
0x1b6: {  	[sflag:s14] =	ssyncadd.s32 $0xFFFFC000  }
0x1b7: {  	[tilespmem:s11], [sflag:$0x2] =	stream.indirect.gather [hbm4b:s7+s8], $0x80, s23, s8, $0xb8;
	[tilespmem:$0x1E800] =	vst v63  }
0x1b8: {  	_ =	swait.ge [sflag:s12], $0x4000  }
0x1b9: {  	[sflag:s12] =	ssyncset.done $0x0  }
0x1ba: {  	[sflag:s12] =	ssyncadd.s32 $0xFFFFC000  }
0x1bb: {  	[tilespmem:s9], [sflag:$0x1] =	stream.indirect.gather [hbm4b:s7+s8], $0x80, s24, s8, $0xb8;
	[tilespmem:$0x1E800] =	vst v63  }
0x1bc: {  	_ =	swait.ge [sflag:s14], $0x4000  }
0x1bd: {  	[sflag:s14] =	ssyncset.done $0x0  }
0x1be: {  	[sflag:s14] =	ssyncadd.s32 $0xFFFFC000  }
0x1bf: {  	[tilespmem:s11], [sflag:$0x2] =	stream.indirect.gather [hbm4b:s7+s8], $0x80, s25, s8, $0xb8;
	[tilespmem:$0x1E800] =	vst v63  }
0x1c0: {  	_ =	swait.ge [sflag:s12], $0x4000  }
0x1c1: {  	[sflag:s12] =	ssyncset.done $0x0  }
0x1c2: {  	[sflag:s12] =	ssyncadd.s32 $0xFFFFC000  }
0x1c3: {  	[tilespmem:s9], [sflag:$0x1] =	stream.indirect.gather [hbm4b:s7+s8], $0x80, s26, s8, $0xb8;
	[tilespmem:$0x1E800] =	vst v63  }
0x1c4: {  	_ =	swait.ge [sflag:s14], $0x4000  }
0x1c5: {  	[sflag:s14] =	ssyncset.done $0x0  }
0x1c6: {  	[sflag:s14] =	ssyncadd.s32 $0xFFFFC000  }
0x1c7: {  	[tilespmem:s11], [sflag:$0x2] =	stream.indirect.gather [hbm4b:s7+s8], $0x80, s28, s8, $0xb8;
	[tilespmem:$0x1E800] =	vst v63  }
0x1c8: {  	_ =	swait.ge [sflag:s12], $0x4000  }
0x1c9: {  	[sflag:s12] =	ssyncset.done $0x0  }
0x1ca: {  	[sflag:s12] =	ssyncadd.s32 $0xFFFFC000  }
0x1cb: {  	[tilespmem:s9], [sflag:$0x1] =	stream.indirect.gather [hbm4b:s7+s8], $0x80, s29, s8, $0xb8;
	[tilespmem:$0x1E800] =	vst v63  }
0x1cc: {  	_ =	swait.ge [sflag:s14], $0x4000  }
0x1cd: {  	[sflag:s14] =	ssyncset.done $0x0  }
0x1ce: {  	[sflag:s14] =	ssyncadd.s32 $0xFFFFC000  }
0x1cf: {  	[tilespmem:s11], [sflag:$0x2] =	stream.indirect.gather [hbm4b:s7+s8], $0x80, s30, s8, $0xb8;
	[tilespmem:$0x1E800] =	vst v63  }
0x1d0: {  	_ =	swait.ge [sflag:s12], $0x4000  }
0x1d1: {  	[sflag:s12] =	ssyncset.done $0x0  }
0x1d2: {  	[sflag:s12] =	ssyncadd.s32 $0xFFFFC000  }
0x1d3: {  	[tilespmem:s9], [sflag:$0x1] =	stream.indirect.gather [hbm4b:s7+s8], $0x80, s31, s8, $0xb8;
	[tilespmem:$0x1E800] =	vst v63  }
0x1d4: {  	_ =	swait.ge [sflag:s14], $0x4000  }
0x1d5: {  	[sflag:s14] =	ssyncset.done $0x0  }
0x1d6: {  	s1 =	simm.s32 $0x1300;
	[sflag:s14] =	ssyncadd.s32 $0xFFFFC000  }
0x1d7: {  	[tilespmem:s11], [sflag:$0x2] =	stream.indirect.gather [hbm4b:s7+s8], $0x80, s1, s8, $0xb8;
	[tilespmem:$0x1E800] =	vst v63  }
0x1d8: {  	_ =	swait.ge [sflag:s12], $0x4000  }
0x1d9: {  	[sflag:s12] =	ssyncset.done $0x0  }
0x1da: {  	s1 =	simm.s32 $0x1400;
	[sflag:s12] =	ssyncadd.s32 $0xFFFFC000  }
0x1db: {  	[tilespmem:s9], [sflag:$0x1] =	stream.indirect.gather [hbm4b:s7+s8], $0x80, s1, s8, $0xb8;
	[tilespmem:$0x1E800] =	vst v63  }
0x1dc: {  	_ =	swait.ge [sflag:s14], $0x4000  }
0x1dd: {  	[sflag:s14] =	ssyncset.done $0x0  }
0x1de: {  	s1 =	simm.s32 $0x1500;
	[sflag:s14] =	ssyncadd.s32 $0xFFFFC000  }
0x1df: {  	[tilespmem:s11], [sflag:$0x2] =	stream.indirect.gather [hbm4b:s7+s8], $0x80, s1, s8, $0xb8;
	[tilespmem:$0x1E800] =	vst v63  }
0x1e0: {  	_ =	swait.ge [sflag:s12], $0x4000  }
0x1e1: {  	[sflag:s12] =	ssyncset.done $0x0  }
0x1e2: {  	s1 =	simm.s32 $0x1600;
	[sflag:s12] =	ssyncadd.s32 $0xFFFFC000  }
0x1e3: {  	[tilespmem:s9], [sflag:$0x1] =	stream.indirect.gather [hbm4b:s7+s8], $0x80, s1, s8, $0xb8;
	[tilespmem:$0x1E800] =	vst v63  }
0x1e4: {  	_ =	swait.ge [sflag:s14], $0x4000  }
0x1e5: {  	[sflag:s14] =	ssyncset.done $0x0  }
0x1e6: {  	s1 =	simm.s32 $0x1700;
	[sflag:s14] =	ssyncadd.s32 $0xFFFFC000  }
0x1e7: {  	[tilespmem:s11], [sflag:$0x2] =	stream.indirect.gather [hbm4b:s7+s8], $0x80, s1, s8, $0xb8;
	[tilespmem:$0x1E800] =	vst v63  }
0x1e8: {  	_ =	swait.ge [sflag:s12], $0x4000  }
0x1e9: {  	[sflag:s12] =	ssyncset.done $0x0  }
0x1ea: {  	s1 =	simm.s32 $0x1800;
	[sflag:s12] =	ssyncadd.s32 $0xFFFFC000  }
0x1eb: {  	[tilespmem:s9], [sflag:$0x1] =	stream.indirect.gather [hbm4b:s7+s8], $0x80, s1, s8, $0xb8;
	[tilespmem:$0x1E800] =	vst v63  }
0x1ec: {  	_ =	swait.ge [sflag:s14], $0x4000  }
0x1ed: {  	[sflag:s14] =	ssyncset.done $0x0  }
0x1ee: {  	s1 =	simm.s32 $0x1900;
	[sflag:s14] =	ssyncadd.s32 $0xFFFFC000  }
0x1ef: {  	[tilespmem:s11], [sflag:$0x2] =	stream.indirect.gather [hbm4b:s7+s8], $0x80, s1, s8, $0xb8;
	[tilespmem:$0x1E800] =	vst v63  }
0x1f0: {  	_ =	swait.ge [sflag:s12], $0x4000  }
0x1f1: {  	[sflag:s12] =	ssyncset.done $0x0  }
0x1f2: {  	s1 =	simm.s32 $0x1A00;
	[sflag:s12] =	ssyncadd.s32 $0xFFFFC000  }
0x1f3: {  	[tilespmem:s9], [sflag:$0x1] =	stream.indirect.gather [hbm4b:s7+s8], $0x80, s1, s8, $0xb8;
	[tilespmem:$0x1E800] =	vst v63  }
0x1f4: {  	_ =	swait.ge [sflag:s14], $0x4000  }
0x1f5: {  	[sflag:s14] =	ssyncset.done $0x0  }
0x1f6: {  	s1 =	simm.s32 $0x1B00;
	[sflag:s14] =	ssyncadd.s32 $0xFFFFC000  }
0x1f7: {  	[tilespmem:s11], [sflag:$0x2] =	stream.indirect.gather [hbm4b:s7+s8], $0x80, s1, s8, $0xb8;
	[tilespmem:$0x1E800] =	vst v63  }
0x1f8: {  	_ =	swait.ge [sflag:s12], $0x4000  }
0x1f9: {  	[sflag:s12] =	ssyncset.done $0x0  }
0x1fa: {  	s1 =	simm.s32 $0x1C00;
	[sflag:s12] =	ssyncadd.s32 $0xFFFFC000  }
0x1fb: {  	[tilespmem:s9], [sflag:$0x1] =	stream.indirect.gather [hbm4b:s7+s8], $0x80, s1, s8, $0xb8;
	[tilespmem:$0x1E800] =	vst v63  }
0x1fc: {  	_ =	swait.ge [sflag:s14], $0x4000  }
0x1fd: {  	[sflag:s14] =	ssyncset.done $0x0  }
0x1fe: {  	s1 =	simm.s32 $0x1D00;
	[sflag:s14] =	ssyncadd.s32 $0xFFFFC000  }
0x1ff: {  	[tilespmem:s11], [sflag:$0x2] =	stream.indirect.gather [hbm4b:s7+s8], $0x80, s1, s8, $0xb8;
	[tilespmem:$0x1E800] =	vst v63  }
0x200: {  	_ =	swait.ge [sflag:s12], $0x4000  }
0x201: {  	[sflag:s12] =	ssyncset.done $0x0  }
0x202: {  	s1 =	simm.s32 $0x1E00;
	[sflag:s12] =	ssyncadd.s32 $0xFFFFC000  }
0x203: {  	[tilespmem:s9], [sflag:$0x1] =	stream.indirect.gather [hbm4b:s7+s8], $0x80, s1, s8, $0xb8;
	[tilespmem:$0x1E800] =	vst v63  }
0x204: {  	_ =	swait.ge [sflag:s14], $0x4000  }
0x205: {  	[sflag:s14] =	ssyncset.done $0x0  }
0x206: {  	s1 =	simm.s32 $0x1F00;
	[sflag:s14] =	ssyncadd.s32 $0xFFFFC000  }
0x207: {  	[tilespmem:s11], [sflag:$0x2] =	stream.indirect.gather [hbm4b:s7+s8], $0x80, s1, s8, $0xb8;
	[tilespmem:$0x1E800] =	vst v63  }
0x208: {  	_ =	swait.ge [sflag:s12], $0x4000  }
0x209: {  	[sflag:s12] =	ssyncset.done $0x0  }
0x20a: {  	s1 =	simm.s32 $0x2000;
	[sflag:s12] =	ssyncadd.s32 $0xFFFFC000  }
0x20b: {  	[tilespmem:s9], [sflag:$0x1] =	stream.indirect.gather [hbm4b:s7+s8], $0x80, s1, s8, $0xb8;
	[tilespmem:$0x1E800] =	vst v63  }
0x20c: {  	_ =	swait.ge [sflag:s14], $0x4000  }
0x20d: {  	[sflag:s14] =	ssyncset.done $0x0  }
0x20e: {  	s1 =	simm.s32 $0x2100;
	[sflag:s14] =	ssyncadd.s32 $0xFFFFC000  }
0x20f: {  	[tilespmem:s11], [sflag:$0x2] =	stream.indirect.gather [hbm4b:s7+s8], $0x80, s1, s8, $0xb8;
	[tilespmem:$0x1E800] =	vst v63  }
0x210: {  	_ =	swait.ge [sflag:s12], $0x4000  }
0x211: {  	[sflag:s12] =	ssyncset.done $0x0  }
0x212: {  	s1 =	simm.s32 $0x2200;
	[sflag:s12] =	ssyncadd.s32 $0xFFFFC000  }
0x213: {  	[tilespmem:s9], [sflag:$0x1] =	stream.indirect.gather [hbm4b:s7+s8], $0x80, s1, s8, $0xb8;
	[tilespmem:$0x1E800] =	vst v63  }
0x214: {  	_ =	swait.ge [sflag:s14], $0x4000  }
0x215: {  	[sflag:s14] =	ssyncset.done $0x0  }
0x216: {  	s1 =	simm.s32 $0x2300;
	[sflag:s14] =	ssyncadd.s32 $0xFFFFC000  }
0x217: {  	[tilespmem:s11], [sflag:$0x2] =	stream.indirect.gather [hbm4b:s7+s8], $0x80, s1, s8, $0xb8;
	[tilespmem:$0x1E800] =	vst v63  }
0x218: {  	_ =	swait.ge [sflag:s12], $0x4000  }
0x219: {  	[sflag:s12] =	ssyncset.done $0x0  }
0x21a: {  	s1 =	simm.s32 $0x2400;
	[sflag:s12] =	ssyncadd.s32 $0xFFFFC000  }
0x21b: {  	[tilespmem:s9], [sflag:$0x1] =	stream.indirect.gather [hbm4b:s7+s8], $0x80, s1, s8, $0xb8;
	[tilespmem:$0x1E800] =	vst v63  }
0x21c: {  	_ =	swait.ge [sflag:s14], $0x4000  }
0x21d: {  	[sflag:s14] =	ssyncset.done $0x0  }
0x21e: {  	s1 =	simm.s32 $0x2500;
	[sflag:s14] =	ssyncadd.s32 $0xFFFFC000  }
0x21f: {  	[tilespmem:s11], [sflag:$0x2] =	stream.indirect.gather [hbm4b:s7+s8], $0x80, s1, s8, $0xb8;
	[tilespmem:$0x1E800] =	vst v63  }
0x220: {  	_ =	swait.ge [sflag:s12], $0x4000  }
0x221: {  	[sflag:s12] =	ssyncset.done $0x0  }
0x222: {  	s1 =	simm.s32 $0x2600;
	[sflag:s12] =	ssyncadd.s32 $0xFFFFC000  }
0x223: {  	[tilespmem:s9], [sflag:$0x1] =	stream.indirect.gather [hbm4b:s7+s8], $0x80, s1, s8, $0xb8;
	[tilespmem:$0x1E800] =	vst v63  }
0x224: {  	_ =	swait.ge [sflag:s14], $0x4000  }
0x225: {  	[sflag:s14] =	ssyncset.done $0x0  }
0x226: {  	s1 =	simm.s32 $0x2700;
	[sflag:s14] =	ssyncadd.s32 $0xFFFFC000  }
0x227: {  	[tilespmem:s11], [sflag:$0x2] =	stream.indirect.gather [hbm4b:s7+s8], $0x80, s1, s8, $0xb8;
	[tilespmem:$0x1E800] =	vst v63  }
0x228: {  	_ =	swait.ge [sflag:s12], $0x4000  }
0x229: {  	[sflag:s12] =	ssyncset.done $0x0  }
0x22a: {  	[sflag:s12] =	ssyncadd.s32 $0xFFFFC000  }
0x22b: {  	_ =	swait.ge [sflag:s14], $0x4000  }
0x22c: {  	[sflag:s14] =	ssyncset.done $0x0  }
0x22d: {  	s1 =	rddreg [dreg:$0x6];
	[sflag:s14] =	ssyncadd.s32 $0xFFFFC000  }
0x22e: {  	[tilespmem:s4], [sflag:$0x3] =	stream.linear.gather [hbm4b:s1+s4], $0x2800, $0x38;
	[tilespmem:$0x1E800] =	vst v63  }
0x22f: {  	_ =	swait.ge [sflag:s5], $0x2800  }
0x230: {  	[sflag:s5] =	ssyncset.done $0x0  }
0x231: {  	[sflag:s5] =	ssyncadd.s32 $0xFFFFD800  }
0x232: {  	[tilespmem:s9], [sflag:$0x1] =	stream.indirect.gather [hbm4b:s7+s8], $0x80, s4, s8, $0xb8;
	[tilespmem:$0x1E800] =	vst v63  }
0x233: {  	_ = 	snop  }
0x234: {  	[tilespmem:s11], [sflag:$0x2] =	stream.indirect.gather [hbm4b:s7+s8], $0x80, s10, s8, $0xb8;
	[tilespmem:$0x1E800] =	vst v63  }
0x235: {  	_ =	swait.ge [sflag:s12], $0x4000  }
0x236: {  	[sflag:s12] =	ssyncset.done $0x0  }
0x237: {  	[sflag:s12] =	ssyncadd.s32 $0xFFFFC000  }
0x238: {  	[spmem:s2] =	stream.indirect.scatter.add.f32 [tilespmem:s9], [sflag:$0x3], $0x80, s8, s8, $0xb8;
	[tilespmem:$0x1E800] =	vst v63  }
0x239: {  	_ =	swait.ge [sflag:s5], $0x4000  }
0x23a: {  	[sflag:s5] =	ssyncset.done $0x0  }
0x23b: {  	[sflag:s5] =	ssyncadd.s32 $0xFFFFC000  }
0x23c: {  	[tilespmem:s9], [sflag:$0x1] =	stream.indirect.gather [hbm4b:s7+s8], $0x80, s13, s8, $0xb8;
	[tilespmem:$0x1E800] =	vst v63  }
0x23d: {  	_ =	swait.ge [sflag:s14], $0x4000  }
0x23e: {  	[sflag:s14] =	ssyncset.done $0x0  }
0x23f: {  	[sflag:s14] =	ssyncadd.s32 $0xFFFFC000  }
0x240: {  	[tilespmem:s11], [sflag:$0x2] =	stream.indirect.gather [hbm4b:s7+s8], $0x80, s15, s8, $0xb8;
	[tilespmem:$0x1E800] =	vst v63  }
0x241: {  	_ =	swait.ge [sflag:s12], $0x4000  }
0x242: {  	[sflag:s12] =	ssyncset.done $0x0  }
0x243: {  	[sflag:s12] =	ssyncadd.s32 $0xFFFFC000  }
0x244: {  	[tilespmem:s9], [sflag:$0x1] =	stream.indirect.gather [hbm4b:s7+s8], $0x80, s16, s8, $0xb8;
	[tilespmem:$0x1E800] =	vst v63  }
0x245: {  	_ =	swait.ge [sflag:s14], $0x4000  }
0x246: {  	[sflag:s14] =	ssyncset.done $0x0  }
0x247: {  	[sflag:s14] =	ssyncadd.s32 $0xFFFFC000  }
0x248: {  	[tilespmem:s11], [sflag:$0x2] =	stream.indirect.gather [hbm4b:s7+s8], $0x80, s17, s8, $0xb8;
	[tilespmem:$0x1E800] =	vst v63  }
0x249: {  	_ =	swait.ge [sflag:s12], $0x4000  }
0x24a: {  	[sflag:s12] =	ssyncset.done $0x0  }
0x24b: {  	[sflag:s12] =	ssyncadd.s32 $0xFFFFC000  }
0x24c: {  	[tilespmem:s9], [sflag:$0x1] =	stream.indirect.gather [hbm4b:s7+s8], $0x80, s18, s8, $0xb8;
	[tilespmem:$0x1E800] =	vst v63  }
0x24d: {  	_ =	swait.ge [sflag:s14], $0x4000  }
0x24e: {  	[sflag:s14] =	ssyncset.done $0x0  }
0x24f: {  	[sflag:s14] =	ssyncadd.s32 $0xFFFFC000  }
0x250: {  	[tilespmem:s11], [sflag:$0x2] =	stream.indirect.gather [hbm4b:s7+s8], $0x80, s19, s8, $0xb8;
	[tilespmem:$0x1E800] =	vst v63  }
0x251: {  	_ =	swait.ge [sflag:s12], $0x4000  }
0x252: {  	[sflag:s12] =	ssyncset.done $0x0  }
0x253: {  	[sflag:s12] =	ssyncadd.s32 $0xFFFFC000  }
0x254: {  	[tilespmem:s9], [sflag:$0x1] =	stream.indirect.gather [hbm4b:s7+s8], $0x80, s20, s8, $0xb8;
	[tilespmem:$0x1E800] =	vst v63  }
0x255: {  	_ =	swait.ge [sflag:s14], $0x4000  }
0x256: {  	[sflag:s14] =	ssyncset.done $0x0  }
0x257: {  	[sflag:s14] =	ssyncadd.s32 $0xFFFFC000  }
0x258: {  	[tilespmem:s11], [sflag:$0x2] =	stream.indirect.gather [hbm4b:s7+s8], $0x80, s21, s8, $0xb8;
	[tilespmem:$0x1E800] =	vst v63  }
0x259: {  	_ =	swait.ge [sflag:s12], $0x4000  }
0x25a: {  	[sflag:s12] =	ssyncset.done $0x0  }
0x25b: {  	[sflag:s12] =	ssyncadd.s32 $0xFFFFC000  }
0x25c: {  	[tilespmem:s9], [sflag:$0x1] =	stream.indirect.gather [hbm4b:s7+s8], $0x80, s22, s8, $0xb8;
	[tilespmem:$0x1E800] =	vst v63  }
0x25d: {  	_ =	swait.ge [sflag:s14], $0x4000  }
0x25e: {  	[sflag:s14] =	ssyncset.done $0x0  }
0x25f: {  	[sflag:s14] =	ssyncadd.s32 $0xFFFFC000  }
0x260: {  	[tilespmem:s11], [sflag:$0x2] =	stream.indirect.gather [hbm4b:s7+s8], $0x80, s23, s8, $0xb8;
	[tilespmem:$0x1E800] =	vst v63  }
0x261: {  	_ =	swait.ge [sflag:s12], $0x4000  }
0x262: {  	[sflag:s12] =	ssyncset.done $0x0  }
0x263: {  	[sflag:s12] =	ssyncadd.s32 $0xFFFFC000  }
0x264: {  	[tilespmem:s9], [sflag:$0x1] =	stream.indirect.gather [hbm4b:s7+s8], $0x80, s24, s8, $0xb8;
	[tilespmem:$0x1E800] =	vst v63  }
0x265: {  	_ =	swait.ge [sflag:s14], $0x4000  }
0x266: {  	[sflag:s14] =	ssyncset.done $0x0  }
0x267: {  	[sflag:s14] =	ssyncadd.s32 $0xFFFFC000  }
0x268: {  	[tilespmem:s11], [sflag:$0x2] =	stream.indirect.gather [hbm4b:s7+s8], $0x80, s25, s8, $0xb8;
	[tilespmem:$0x1E800] =	vst v63  }
0x269: {  	_ =	swait.ge [sflag:s12], $0x4000  }
0x26a: {  	[sflag:s12] =	ssyncset.done $0x0  }
0x26b: {  	[sflag:s12] =	ssyncadd.s32 $0xFFFFC000  }
0x26c: {  	[tilespmem:s9], [sflag:$0x1] =	stream.indirect.gather [hbm4b:s7+s8], $0x80, s26, s8, $0xb8;
	[tilespmem:$0x1E800] =	vst v63  }
0x26d: {  	_ =	swait.ge [sflag:s14], $0x4000  }
0x26e: {  	[sflag:s14] =	ssyncset.done $0x0  }
0x26f: {  	[sflag:s14] =	ssyncadd.s32 $0xFFFFC000  }
0x270: {  	[tilespmem:s11], [sflag:$0x2] =	stream.indirect.gather [hbm4b:s7+s8], $0x80, s28, s8, $0xb8;
	[tilespmem:$0x1E800] =	vst v63  }
0x271: {  	_ =	swait.ge [sflag:s12], $0x4000  }
0x272: {  	[sflag:s12] =	ssyncset.done $0x0  }
0x273: {  	[sflag:s12] =	ssyncadd.s32 $0xFFFFC000  }
0x274: {  	[tilespmem:s9], [sflag:$0x1] =	stream.indirect.gather [hbm4b:s7+s8], $0x80, s29, s8, $0xb8;
	[tilespmem:$0x1E800] =	vst v63  }
0x275: {  	_ =	swait.ge [sflag:s14], $0x4000  }
0x276: {  	[sflag:s14] =	ssyncset.done $0x0  }
0x277: {  	[sflag:s14] =	ssyncadd.s32 $0xFFFFC000  }
0x278: {  	[tilespmem:s11], [sflag:$0x2] =	stream.indirect.gather [hbm4b:s7+s8], $0x80, s30, s8, $0xb8;
	[tilespmem:$0x1E800] =	vst v63  }
0x279: {  	_ =	swait.ge [sflag:s12], $0x4000  }
0x27a: {  	[sflag:s12] =	ssyncset.done $0x0  }
0x27b: {  	[sflag:s12] =	ssyncadd.s32 $0xFFFFC000  }
0x27c: {  	[tilespmem:s9], [sflag:$0x1] =	stream.indirect.gather [hbm4b:s7+s8], $0x80, s31, s8, $0xb8;
	[tilespmem:$0x1E800] =	vst v63  }
0x27d: {  	_ =	swait.ge [sflag:s14], $0x4000  }
0x27e: {  	[sflag:s14] =	ssyncset.done $0x0  }
0x27f: {  	s2 =	simm.s32 $0x1300;
	[sflag:s14] =	ssyncadd.s32 $0xFFFFC000  }
0x280: {  	[tilespmem:s11], [sflag:$0x2] =	stream.indirect.gather [hbm4b:s7+s8], $0x80, s2, s8, $0xb8;
	[tilespmem:$0x1E800] =	vst v63  }
0x281: {  	_ =	swait.ge [sflag:s12], $0x4000  }
0x282: {  	[sflag:s12] =	ssyncset.done $0x0  }
0x283: {  	s2 =	simm.s32 $0x1400;
	[sflag:s12] =	ssyncadd.s32 $0xFFFFC000  }
0x284: {  	[tilespmem:s9], [sflag:$0x1] =	stream.indirect.gather [hbm4b:s7+s8], $0x80, s2, s8, $0xb8;
	[tilespmem:$0x1E800] =	vst v63  }
0x285: {  	_ =	swait.ge [sflag:s14], $0x4000  }
0x286: {  	[sflag:s14] =	ssyncset.done $0x0  }
0x287: {  	s2 =	simm.s32 $0x1500;
	[sflag:s14] =	ssyncadd.s32 $0xFFFFC000  }
0x288: {  	[tilespmem:s11], [sflag:$0x2] =	stream.indirect.gather [hbm4b:s7+s8], $0x80, s2, s8, $0xb8;
	[tilespmem:$0x1E800] =	vst v63  }
0x289: {  	_ =	swait.ge [sflag:s12], $0x4000  }
0x28a: {  	[sflag:s12] =	ssyncset.done $0x0  }
0x28b: {  	s2 =	simm.s32 $0x1600;
	[sflag:s12] =	ssyncadd.s32 $0xFFFFC000  }
0x28c: {  	[tilespmem:s9], [sflag:$0x1] =	stream.indirect.gather [hbm4b:s7+s8], $0x80, s2, s8, $0xb8;
	[tilespmem:$0x1E800] =	vst v63  }
0x28d: {  	_ =	swait.ge [sflag:s14], $0x4000  }
0x28e: {  	[sflag:s14] =	ssyncset.done $0x0  }
0x28f: {  	s2 =	simm.s32 $0x1700;
	[sflag:s14] =	ssyncadd.s32 $0xFFFFC000  }
0x290: {  	[tilespmem:s11], [sflag:$0x2] =	stream.indirect.gather [hbm4b:s7+s8], $0x80, s2, s8, $0xb8;
	[tilespmem:$0x1E800] =	vst v63  }
0x291: {  	_ =	swait.ge [sflag:s12], $0x4000  }
0x292: {  	[sflag:s12] =	ssyncset.done $0x0  }
0x293: {  	s2 =	simm.s32 $0x1800;
	[sflag:s12] =	ssyncadd.s32 $0xFFFFC000  }
0x294: {  	[tilespmem:s9], [sflag:$0x1] =	stream.indirect.gather [hbm4b:s7+s8], $0x80, s2, s8, $0xb8;
	[tilespmem:$0x1E800] =	vst v63  }
0x295: {  	_ =	swait.ge [sflag:s14], $0x4000  }
0x296: {  	[sflag:s14] =	ssyncset.done $0x0  }
0x297: {  	s2 =	simm.s32 $0x1900;
	[sflag:s14] =	ssyncadd.s32 $0xFFFFC000  }
0x298: {  	[tilespmem:s11], [sflag:$0x2] =	stream.indirect.gather [hbm4b:s7+s8], $0x80, s2, s8, $0xb8;
	[tilespmem:$0x1E800] =	vst v63  }
0x299: {  	_ =	swait.ge [sflag:s12], $0x4000  }
0x29a: {  	[sflag:s12] =	ssyncset.done $0x0  }
0x29b: {  	s2 =	simm.s32 $0x1A00;
	[sflag:s12] =	ssyncadd.s32 $0xFFFFC000  }
0x29c: {  	[tilespmem:s9], [sflag:$0x1] =	stream.indirect.gather [hbm4b:s7+s8], $0x80, s2, s8, $0xb8;
	[tilespmem:$0x1E800] =	vst v63  }
0x29d: {  	_ =	swait.ge [sflag:s14], $0x4000  }
0x29e: {  	[sflag:s14] =	ssyncset.done $0x0  }
0x29f: {  	s2 =	simm.s32 $0x1B00;
	[sflag:s14] =	ssyncadd.s32 $0xFFFFC000  }
0x2a0: {  	[tilespmem:s11], [sflag:$0x2] =	stream.indirect.gather [hbm4b:s7+s8], $0x80, s2, s8, $0xb8;
	[tilespmem:$0x1E800] =	vst v63  }
0x2a1: {  	_ =	swait.ge [sflag:s12], $0x4000  }
0x2a2: {  	[sflag:s12] =	ssyncset.done $0x0  }
0x2a3: {  	s2 =	simm.s32 $0x1C00;
	[sflag:s12] =	ssyncadd.s32 $0xFFFFC000  }
0x2a4: {  	[tilespmem:s9], [sflag:$0x1] =	stream.indirect.gather [hbm4b:s7+s8], $0x80, s2, s8, $0xb8;
	[tilespmem:$0x1E800] =	vst v63  }
0x2a5: {  	_ =	swait.ge [sflag:s14], $0x4000  }
0x2a6: {  	[sflag:s14] =	ssyncset.done $0x0  }
0x2a7: {  	s2 =	simm.s32 $0x1D00;
	[sflag:s14] =	ssyncadd.s32 $0xFFFFC000  }
0x2a8: {  	[tilespmem:s11], [sflag:$0x2] =	stream.indirect.gather [hbm4b:s7+s8], $0x80, s2, s8, $0xb8;
	[tilespmem:$0x1E800] =	vst v63  }
0x2a9: {  	_ =	swait.ge [sflag:s12], $0x4000  }
0x2aa: {  	[sflag:s12] =	ssyncset.done $0x0  }
0x2ab: {  	s2 =	simm.s32 $0x1E00;
	[sflag:s12] =	ssyncadd.s32 $0xFFFFC000  }
0x2ac: {  	[tilespmem:s9], [sflag:$0x1] =	stream.indirect.gather [hbm4b:s7+s8], $0x80, s2, s8, $0xb8;
	[tilespmem:$0x1E800] =	vst v63  }
0x2ad: {  	_ =	swait.ge [sflag:s14], $0x4000  }
0x2ae: {  	[sflag:s14] =	ssyncset.done $0x0  }
0x2af: {  	s2 =	simm.s32 $0x1F00;
	[sflag:s14] =	ssyncadd.s32 $0xFFFFC000  }
0x2b0: {  	[tilespmem:s11], [sflag:$0x2] =	stream.indirect.gather [hbm4b:s7+s8], $0x80, s2, s8, $0xb8;
	[tilespmem:$0x1E800] =	vst v63  }
0x2b1: {  	_ =	swait.ge [sflag:s12], $0x4000  }
0x2b2: {  	[sflag:s12] =	ssyncset.done $0x0  }
0x2b3: {  	s2 =	simm.s32 $0x2000;
	[sflag:s12] =	ssyncadd.s32 $0xFFFFC000  }
0x2b4: {  	[tilespmem:s9], [sflag:$0x1] =	stream.indirect.gather [hbm4b:s7+s8], $0x80, s2, s8, $0xb8;
	[tilespmem:$0x1E800] =	vst v63  }
0x2b5: {  	_ =	swait.ge [sflag:s14], $0x4000  }
0x2b6: {  	[sflag:s14] =	ssyncset.done $0x0  }
0x2b7: {  	s2 =	simm.s32 $0x2100;
	[sflag:s14] =	ssyncadd.s32 $0xFFFFC000  }
0x2b8: {  	[tilespmem:s11], [sflag:$0x2] =	stream.indirect.gather [hbm4b:s7+s8], $0x80, s2, s8, $0xb8;
	[tilespmem:$0x1E800] =	vst v63  }
0x2b9: {  	_ =	swait.ge [sflag:s12], $0x4000  }
0x2ba: {  	[sflag:s12] =	ssyncset.done $0x0  }
0x2bb: {  	s2 =	simm.s32 $0x2200;
	[sflag:s12] =	ssyncadd.s32 $0xFFFFC000  }
0x2bc: {  	[tilespmem:s9], [sflag:$0x1] =	stream.indirect.gather [hbm4b:s7+s8], $0x80, s2, s8, $0xb8;
	[tilespmem:$0x1E800] =	vst v63  }
0x2bd: {  	_ =	swait.ge [sflag:s14], $0x4000  }
0x2be: {  	[sflag:s14] =	ssyncset.done $0x0  }
0x2bf: {  	s2 =	simm.s32 $0x2300;
	[sflag:s14] =	ssyncadd.s32 $0xFFFFC000  }
0x2c0: {  	[tilespmem:s11], [sflag:$0x2] =	stream.indirect.gather [hbm4b:s7+s8], $0x80, s2, s8, $0xb8;
	[tilespmem:$0x1E800] =	vst v63  }
0x2c1: {  	_ =	swait.ge [sflag:s12], $0x4000  }
0x2c2: {  	[sflag:s12] =	ssyncset.done $0x0  }
0x2c3: {  	s2 =	simm.s32 $0x2400;
	[sflag:s12] =	ssyncadd.s32 $0xFFFFC000  }
0x2c4: {  	[tilespmem:s9], [sflag:$0x1] =	stream.indirect.gather [hbm4b:s7+s8], $0x80, s2, s8, $0xb8;
	[tilespmem:$0x1E800] =	vst v63  }
0x2c5: {  	_ =	swait.ge [sflag:s14], $0x4000  }
0x2c6: {  	[sflag:s14] =	ssyncset.done $0x0  }
0x2c7: {  	s2 =	simm.s32 $0x2500;
	[sflag:s14] =	ssyncadd.s32 $0xFFFFC000  }
0x2c8: {  	[tilespmem:s11], [sflag:$0x2] =	stream.indirect.gather [hbm4b:s7+s8], $0x80, s2, s8, $0xb8;
	[tilespmem:$0x1E800] =	vst v63  }
0x2c9: {  	_ =	swait.ge [sflag:s12], $0x4000  }
0x2ca: {  	[sflag:s12] =	ssyncset.done $0x0  }
0x2cb: {  	s2 =	simm.s32 $0x2600;
	[sflag:s12] =	ssyncadd.s32 $0xFFFFC000  }
0x2cc: {  	[tilespmem:s9], [sflag:$0x1] =	stream.indirect.gather [hbm4b:s7+s8], $0x80, s2, s8, $0xb8;
	[tilespmem:$0x1E800] =	vst v63  }
0x2cd: {  	_ =	swait.ge [sflag:s14], $0x4000  }
0x2ce: {  	[sflag:s14] =	ssyncset.done $0x0  }
0x2cf: {  	s2 =	simm.s32 $0x2700;
	[sflag:s14] =	ssyncadd.s32 $0xFFFFC000  }
0x2d0: {  	[tilespmem:s11], [sflag:$0x2] =	stream.indirect.gather [hbm4b:s7+s8], $0x80, s2, s8, $0xb8;
	[tilespmem:$0x1E800] =	vst v63  }
0x2d1: {  	_ =	swait.ge [sflag:s12], $0x4000  }
0x2d2: {  	[sflag:s12] =	ssyncset.done $0x0  }
0x2d3: {  	[sflag:s12] =	ssyncadd.s32 $0xFFFFC000  }
0x2d4: {  	_ =	swait.ge [sflag:s14], $0x4000  }
0x2d5: {  	p0 =	sne.s32 s0, $0x1;
	[sflag:s14] =	ssyncset.done $0x0  }
.Ltmp1:
0x2d6: {  	[sflag:s14] =	ssyncadd.s32 $0xFFFFC000;
	(pc) =	sbr.rel @p0 .LBB2_2-.Ltmp1, $4  }
0x2d7: {  	[bflag:$0x0] =	sbarrier.arrive $0xFFFF  }
0x2d8: {  	s2 =	rddreg [dreg:$0x7]  }
0x2d9: {  	[hbm:s2], [sflag:s6] =	dma.local [spmem:s3], $0x2800  }
0x2da: {  	s0 =	sadd.s32 $0xFFFFFFFF, s0;
	_ =	swait.ge [sflag:s5], $0x2800  }
.LBB2_3:
0x2db: {  	[sflag:s5] =	ssyncset.done $0x0  }
0x2dc: {  	[sflag:s5] =	ssyncadd.s32 $0xFFFFD800  }
0x2dd: {  	_ =	sfence.sel $0x180000  }
0x2de: {  	[bflag:$0x0] =	sbarrier.arrive $0xFFFF  }
0x2df: {  	_ =	strace $0x9000004A  }
0x2e0: {  	s0 =	stileid.u32;
	[bflag:$0x2] =	sbarrier.arrive $0xFFFF  }
0x2e1: {  	p0 =	sne.s32 s0, $0x0;
	s0 =	rddreg [dreg:$0x3]  }
0x2e2: {  	s0 =	sadd.s32 @!p0 $0x100000, s0  }
0x2e3: {  	[sflag:s0] =	ssyncadd.tile.s32 @!p0 $0x1;
	_ =	shalt  }
.Lfunc_end2:
_tile_overlayer_lowered:
.L_overlay_start_2:
0x2e4: {  	(tag) =	ssettag $0x2  }
0x2e5: {  	s0 =	rddreg [dreg:$0x0];
	s2 =	stileid.u32  }
0x2e6: {  	s1 =	rddreg [dreg:$0x1];
	p0 =	sne.s32 s2, $0x0  }
0x2e7: {  	s3 =	rddreg [dreg:$0x2];
	[bflag:$0x3] =	sbarrier.arrive $0xFFFF;
	s2 =	simm.s32 @!p0 $0x1C03  }
0x2e8: {  	[timem:s3], [sflag:s2] =	dma.local @!p0 [hbm:s0], s1  }
0x2e9: {  	s0 =	simm.s32 @!p0 $0x3  }
0x2ea: {  	_ =	swait.ge @!p0 [sflag:s0], s1  }
0x2eb: {  	s1 =	ssub.s32 @!p0 $0x0, s1;
	[sflag:s0] =	ssyncset.done @!p0 $0x0  }
0x2ec: {  	[sflag:s0] =	ssyncadd.s32 @!p0 s1  }
0x2ed: {  	[bflag:$0x3] =	sbarrier.arrive $0xFFFF  }
0x2ee: {  	_ =	shalt  }

// kernel: kernel.14.cloned.1.call-start
scs
__scs_entry_jumppad:
0x0: {  	(pc) =	sbr.rel $0x88, $3  }
0x1: {  	(tag) =	ssettag $0x0;
	lr =	simm.s32 $0x1  }
0x2: {  	[smem:$0x3F9B] =	sst lr;
	_ =	strace $0xD0000000  }
0x3: {  	_ = 	snop  }
0x4: {  	_ = 	snop  }
0x5: {  	_ = 	snop  }
0x6: {  	_ = 	snop  }
0x7: {  	_ = 	snop  }
__scs_overlays_trampoline_lowered:
0x8: {  	[smem:$0x3FAA] =	sst s0  }
0x9: {  	[smem:$0x3FAB] =	sst s1  }
0xa: {  	[smem:$0x3FAC] =	sst s2  }
0xb: {  	[smem:$0x3FAD] =	sst s3  }
0xc: {  	[smem:$0x3FAE] =	sst s4  }
0xd: {  	[smem:$0x3FAF] =	sst s5  }
0xe: {  	[smem:$0x3FB0] =	sst s6  }
0xf: {  	[smem:$0x3FB1] =	sst s7  }
0x10: {  	[smem:$0x3FB2] =	sst s8  }
0x11: {  	[smem:$0x3FB3] =	sst s9;
	s0 =	simm.s32 @!p0 $0x0  }
0x12: {  	s1 =	sld [smem:$0x3F99];
	s0 =	simm.s32 @p0 $0x1  }
0x13: {  	[smem:$0x3FB4] =	sst s0;
	s0 =	simm.s32 @!p1 $0x0  }
0x14: {  	s2 =	sld [smem:$0x3F98];
	s0 =	simm.s32 @p1 $0x1  }
0x15: {  	[smem:$0x3FB5] =	sst s0;
	s0 =	simm.s32 @!p2 $0x0  }
0x16: {  	s3 =	sld [smem:$0x3FDB];
	s0 =	simm.s32 @p2 $0x1  }
0x17: {  	s4 =	simm.s32 $0x1BF5;
	[smem:$0x3FB7] =	sst s0  }
0x18: {  	s0 =	sld [smem:$0x3F9A];
	_ =	swait.ge [sflag:s4], $0x0  }
0x19: {  	s7 =	sld [smem:$0x3F9B]  }
0x1a: {  	s8 =	sadd.s32 $0xFFFFE003, lr  }
0x1b: {  	s9 =	sadd.s32 $0xFFFFFEF7, lr;
	s5 =	simm.s32 $0xFFFFFFFF;
	p2 =	slt.u32 s8, $0xFFFFF086  }
0x1c: {  	p1 =	slt.u32 s9, $0xF7A;
	s5 =	simm.s32 @!p2 $0x0  }
0x1d: {  	s5 =	simm.s32 @p1 $0x1;
	p0 =	seq.s32 s7, s2  }
0x1e: {  	s7 =	smul.u32 @!p0 $0xF7A, s2;
	p2 =	seq.s32 @!p0 s5, $0x0  }
0x1f: {  	s9 =	smul.u32 $0xF7A, s1;
	s8 =	simm.s32 @!p0 $0x1BF5;
	p2 =	por !p2, p0  }
0x20: {  	[sflag:s8] =	ssyncset.s32 @!p0 $0xFFFFF086;
	s6 =	sadd.s32 @!p0 s3, s7;
	s7 =	simm.s32 @!p0 $0x108  }
0x21: {  	s3 =	sadd.s32 s3, s9;
	s6 =	sadd.s32 @!p0 $0x88, s6;
	s7 =	simm.s32 @p2 $0x1082  }
0x22: {  	[simem:s7], [sflag:s8] =	dma.local @!p0 [hbm:s6], $0xF7A  }
0x23: {  	s9 =	sor.u32 $0xD0000000, s2;
	s6 =	simm.s32 $0x108;
	_ =	swait.ge @!p0 [sflag:s8], $0x0  }
0x24: {  	s3 =	sadd.s32 $0x88, s3;
	s6 =	simm.s32 @!p1 $0x1082;
	[sflag:s4] =	ssyncset.s32 $0xFFFFF086  }
0x25: {  	[simem:s6], [sflag:s4] =	dma.local [hbm:s3], $0xF7A  }
0x26: {  	[smem:$0x3F9B] =	sst s1;
	(tag) =	ssettag s2;
	_ =	strace s9  }
0x27: {  	s1 =	sld [smem:$0x3FAB]  }
0x28: {  	s2 =	sld [smem:$0x3FAC]  }
0x29: {  	s4 =	sld [smem:$0x3FAE]  }
0x2a: {  	p0 =	seq.s32 s5, $0x0;
	s5 =	sld [smem:$0x3FAF]  }
0x2b: {  	s6 =	sld [smem:$0x3FB0]  }
0x2c: {  	s7 =	sld [smem:$0x3FB1]  }
0x2d: {  	s3 =	simm.s32 $0x108;
	s8 =	sld [smem:$0x3FB2]  }
0x2e: {  	s3 =	simm.s32 @!p0 $0x1082;
	s9 =	sld [smem:$0x3FB3]  }
0x2f: {  	lr =	sadd.s32 s0, s3;
	s0 =	sld [smem:$0x3FAA]  }
0x30: {  	s3 =	sld [smem:$0x3FAD]  }
0x31: {  	[smem:$0x3FB6] =	sst s10  }
0x32: {  	s10 =	sld [smem:$0x3FB4];
	_ =	sdelay $0x3  }
0x33: {  	p0 =	seq.s32 s10, $0x1;
	s10 =	sld [smem:$0x3FB6];
	_ =	sdelay $0x3  }
0x34: {  	[smem:$0x3FB6] =	sst s10  }
0x35: {  	s10 =	sld [smem:$0x3FB5];
	_ =	sdelay $0x3  }
0x36: {  	p1 =	seq.s32 s10, $0x1;
	s10 =	sld [smem:$0x3FB6];
	_ =	sdelay $0x3  }
0x37: {  	[smem:$0x3FB6] =	sst s10  }
0x38: {  	s10 =	sld [smem:$0x3FB7]  }
0x39: {  	_ = 	snop;
	(pc) =	sbr.ind lr, $3  }
0x3a: {  	_ = 	snop  }
0x3b: {  	_ = 	snop  }
0x3c: {  	p2 =	seq.s32 s10, $0x1;
	s10 =	sld [smem:$0x3FB6]  }
0x3d: {  	_ =	shalt  }
0x3e: {  	_ =	shalt  }
0x3f: {  	_ =	shalt  }
0x40: {  	_ =	shalt  }
0x41: {  	_ =	shalt  }
0x42: {  	_ =	shalt  }
0x43: {  	_ =	shalt  }
0x44: {  	_ =	shalt  }
0x45: {  	_ =	shalt  }
0x46: {  	_ =	shalt  }
0x47: {  	_ =	shalt  }
0x48: {  	_ =	shalt  }
0x49: {  	_ =	shalt  }
0x4a: {  	_ =	shalt  }
0x4b: {  	_ =	shalt  }
0x4c: {  	_ =	shalt  }
0x4d: {  	_ =	shalt  }
0x4e: {  	_ =	shalt  }
0x4f: {  	_ =	shalt  }
0x50: {  	_ =	shalt  }
0x51: {  	_ =	shalt  }
0x52: {  	_ =	shalt  }
0x53: {  	_ =	shalt  }
0x54: {  	_ =	shalt  }
0x55: {  	_ =	shalt  }
0x56: {  	_ =	shalt  }
0x57: {  	_ =	shalt  }
0x58: {  	_ =	shalt  }
0x59: {  	_ =	shalt  }
0x5a: {  	_ =	shalt  }
0x5b: {  	_ =	shalt  }
0x5c: {  	_ =	shalt  }
0x5d: {  	_ =	shalt  }
0x5e: {  	_ =	shalt  }
0x5f: {  	_ =	shalt  }
0x60: {  	_ =	shalt  }
0x61: {  	_ =	shalt  }
0x62: {  	_ =	shalt  }
0x63: {  	_ =	shalt  }
0x64: {  	_ =	shalt  }
0x65: {  	_ =	shalt  }
0x66: {  	_ =	shalt  }
0x67: {  	_ =	shalt  }
0x68: {  	_ =	shalt  }
0x69: {  	_ =	shalt  }
0x6a: {  	_ =	shalt  }
0x6b: {  	_ =	shalt  }
0x6c: {  	_ =	shalt  }
0x6d: {  	_ =	shalt  }
0x6e: {  	_ =	shalt  }
0x6f: {  	_ =	shalt  }
0x70: {  	_ =	shalt  }
0x71: {  	_ =	shalt  }
0x72: {  	_ =	shalt  }
0x73: {  	_ =	shalt  }
0x74: {  	_ =	shalt  }
0x75: {  	_ =	shalt  }
0x76: {  	_ =	shalt  }
0x77: {  	_ =	shalt  }
0x78: {  	_ =	shalt  }
0x79: {  	_ =	shalt  }
0x7a: {  	_ =	shalt  }
0x7b: {  	_ =	shalt  }
0x7c: {  	_ =	shalt  }
0x7d: {  	_ =	shalt  }
0x7e: {  	_ =	shalt  }
0x7f: {  	_ =	shalt  }
0x80: {  	_ =	shalt  }
0x81: {  	_ =	shalt  }
0x82: {  	_ =	shalt  }
0x83: {  	_ =	shalt  }
0x84: {  	_ =	shalt  }
0x85: {  	_ =	shalt  }
0x86: {  	_ =	shalt  }
0x87: {  	_ =	shalt  }
.Lfunc_end0:
.L_simem_size_0:
called_computation.2_lowered:
.L_overlay_start_0:
0x88: {  	s2 =	sld [smem:$0x3FD9]  }
0x89: {  	s3 =	sld [smem:$0x3FFE];
	_ =	sdelay $0x1  }
0x8a: {  	s1 =	srdreg.scid  }
0x8b: {  	s0 =	sand.u32 $0x1, s1  }
0x8c: {  	s17 =	sshll.u32 s0, $0xA;
	s2 =	sadd.s32 s3, s2  }
0x8d: {  	s2 =	sadd.s32 s2, s17  }
0x8e: {  	[smem:$0x3FC2] =	sst s2  }
0x8f: {  	_ = 	snop  }
0x90: {  	s2 =	sld [smem:$0x3FD0];
	(tm) =	ssettm $0x1  }
0x91: {  	s18 =	sld [smem:$0x3FFB];
	_ =	sdelay $0x3  }
0x92: {  	_ =	strace s18  }
0x93: {  	s3 =	sld [smem:$0x3FFC];
	_ =	sdelay $0x3  }
0x94: {  	_ =	strace s3  }
0x95: {  	s3 =	sld [smem:$0x3FFD];
	_ =	sdelay $0x3  }
0x96: {  	_ =	strace s3  }
0x97: {  	_ =	strace $0x8FFFFFFF  }
0x98: {  	s19 =	sld [smem:$0x3FDB];
	_ =	sdelay $0x1  }
0x99: {  	s4 =	simm.s32 $_scs_section_size  }
0x9a: {  	s5 =	simm.s32 $_size__tile_overlayer_lowered;
	s6 =	simm.s32 $_tile_overlayer_lowered  }
0x9b: {  	s22 =	simm.s32 $0x1BFF;
	s21 =	sshll.u32 s6, $0x1;
	s3 =	sadd.s32 s4, s19  }
0x9c: {  	s7 =	simm.s32 $0x0;
	s20 =	sshll.u32 s5, $0x1;
	s5 =	sadd.s32 s21, s3  }
0x9d: {  	[timem:s7], [sflag:s22] =	dma.local [hbm:s5], s20  }
0x9e: {  	_ =	swait.ge [sflag:s22], s20  }
0x9f: {  	s4 =	ssub.s32 $0x0, s20;
	[sflag:s22] =	ssyncset.done $0x0  }
0xa0: {  	[sflag:s22] =	ssyncadd.s32 s4;
	_ =	sdelay $0x1  }
0xa1: {  	s23 =	simm.s32 $0x1B8B  }
0xa2: {  	_ =	swait.ge [sflag:s23], $0x1  }
0xa3: {  	[sflag:s23] =	ssyncset.done $0x0  }
0xa4: {  	s25 =	simm.s32 $0x1B8E;
	s24 =	sld [smem:$0x3FFE];
	[sflag:s23] =	ssyncadd.s32 $0xFFFFFFFF  }
0xa5: {  	s26 =	simm.s32 $execute0_lowered;
	[smem:$0x3FD2] =	sst s25  }
0xa6: {  	s5 =	sshll.u32 s26, $0x1;
	_ =	strace $0x8000004C;
	[dreg:$0x1] =	wrdreg $0xFFFFFFFF  }
0xa7: {  	s28 =	simm.s32 $_size_execute0_lowered;
	s3 =	sadd.s32 s3, s5;
	[dreg:$0x0] =	wrdreg $0x0  }
0xa8: {  	s5 =	sshll.u32 s28, $0x1;
	[dreg:$0x2] =	wrdreg s3  }
0xa9: {  	[dreg:$0x3] =	wrdreg s5  }
0xaa: {  	[dreg:$0x4] =	wrdreg $0xC0  }
0xab: {  	_ =	task [dreg:s7], $0x5FFFF  }
0xac: {  	[dreg:$0x1] =	wrdreg $0xFFFFFFFF  }
0xad: {  	[dreg:$0x0] =	wrdreg $0x60  }
0xae: {  	[dreg:$0x2] =	wrdreg s24  }
0xaf: {  	[dreg:$0x3] =	wrdreg s2  }
0xb0: {  	[dreg:$0x4] =	wrdreg $0xA8000  }
0xb1: {  	[dreg:$0x5] =	wrdreg $0x9  }
0xb2: {  	_ =	task.clear_ibuf [dreg:s7], $0x6FFFF;
	_ =	strace $0x9000004C  }
0xb3: {  	s29 =	simm.s32 $0x9;
	_ =	strace $0x8000004E  }
0xb4: {  	_ =	swait.ge [sflag:s29], $0x1  }
0xb5: {  	[sflag:s29] =	ssyncadd.s32 $0xFFFFFFFF  }
0xb6: {  	_ =	strace $0x9000004E  }
0xb7: {  	_ =	sfence  }
0xb8: {  	s30 =	sld [smem:$0x0];
	_ =	sdelay $0x2  }
0xb9: {  	s31 =	sshll.u32 s1, $0xD;
	s1 =	sshrl.u32 s1, $0x2  }
0xba: {  	s3 =	sand.u32 $0x4000, s31;
	s1 =	sadd.s32 s1, s30  }
0xbb: {  	s0 =	sor.u32 s3, s0;
	s1 =	sshll.u32 s1, $0x11  }
0xbc: {  	s0 =	sor.u32 s1, s0  }
0xbd: {  	s0 =	sadd.s32 $0x8F2B, s0  }
0xbe: {  	[sflag:s0] =	ssyncadd.remote.s32 $0x1  }
0xbf: {  	_ =	sfence.sel $0xFFFF  }
0xc0: {  	[dreg:$0x0] =	wrdreg $0xFFFFFFFF;
	(pc) =	sbr.abs _section_cstart, $3  }
0xc1: {  	[dreg:$0x1] =	wrdreg $0xFFFFFFFF  }
0xc2: {  	_ =	task.clear_ibuf [dreg:s7], $0x2FFFF;
	_ =	strace $0x9FFFFFFF  }
0xc3: {  	(tm) =	ssettm $0x7FFFFFFF  }
tec
execute0_lowered:
.L_overlay_start_1:
0x0: {  	(tag) =	ssettag $0x1  }
0x1: {  	s1 =	rddreg [dreg:$0x0]  }
0x2: {  	s2 =	rddreg [dreg:$0x1]  }
0x3: {  	s9 =	rddreg [dreg:$0x2];
	s22 =	stileid.u32  }
0x4: {  	s0 =	srdreg.scid;
	s30 =	simm.s32 $0x0;
	s5 =	smul.u32 $0x14000, s22  }
0x5: {  	s3 =	sand.u32 $0x1, s0;
	[smem:$0x7FF] =	sst s30;
	s7 =	smul.u32 $0x50000, s22  }
0x6: {  	s8 =	sadd.s32 $0x2A600, s1;
	s28 =	sshll.u32 s22, $0x6;
	s6 =	sshll.u32 s3, $0x4  }
0x7: {  	[dreg:$0xa] =	wrdreg s3;
	s4 =	smul.u32 $0x140000, s3;
	s6 =	sor.u32 s22, s6  }
0x8: {  	_ =	strace $0x8000004D;
	[dreg:$0x4] =	wrdreg s8;
	s23 =	smul.u32 $0xA00, s6  }
0x9: {  	s25 =	sshrl.u32 s7, $0x2;
	s4 =	sadd.s32 s5, s4;
	s6 =	smul.u32 $0x5000, s6  }
0xa: {  	s7 =	sadd.s32 s25, s9;
	s29 =	rddreg [dreg:$0x4];
	s4 =	sshrl.u32 s4, $0x3  }
0xb: {  	s24 =	sadd.s32 s4, s1;
	s5 =	sadd.s32 s2, s23;
	s6 =	sshrl.u32 s6, $0x3  }
0xc: {  	[dreg:$0x5] =	wrdreg s5;
	s2 =	sadd.s32 s2, s6;
	s31 =	sadd.s32 $0x2CE00, s24  }
0xd: {  	s4 =	sor.u32 $0x1C03, s28;
	s2 =	sadd.s32 $0x500, s2;
	[dreg:$0x7] =	wrdreg s31  }
0xe: {  	s6 =	sshrl.u32 s7, $0x3;
	s5 =	simm.s32 $0x3;
	[dreg:$0x6] =	wrdreg s2  }
0xf: {  	[spmem:s6], [sflag:s4] =	dma.local [hbm:s29], $0x2800  }
0x10: {  	_ =	swait.ge [sflag:s5], $0x2800  }
0x11: {  	[sflag:s5] =	ssyncset.done $0x0  }
0x12: {  	[sflag:s5] =	ssyncadd.s32 $0xFFFFD800  }
0x13: {  	[bflag:$0x0] =	sbarrier.arrive $0xFFFF  }
0x14: {  	s0 =	rddreg [dreg:$0x5]  }
0x15: {  	[tilespmem:s30], [sflag:$0x3] =	stream.linear.gather [hbm4b:s0+s30], $0x2800, $0x38;
	[tilespmem:$0x1E800] =	vst v63  }
0x16: {  	_ =	swait.ge [sflag:s5], $0x2800  }
0x17: {  	s26 =	smov.u32 s9;
	s8 =	simm.s32 $0x80;
	[sflag:s5] =	ssyncset.done $0x0  }
0x18: {  	s9 =	simm.s32 $0x2800;
	s7 =	sadd.s32 $0x2600, s1;
	[sflag:s5] =	ssyncadd.s32 $0xFFFFD800  }
0x19: {  	[tilespmem:s9], [sflag:$0x1] =	stream.indirect.gather [hbm4b:s7+s8], $0x80, s30, s8, $0xb8;
	[tilespmem:$0x1E800] =	vst v63  }
0x1a: {  	s11 =	simm.s32 $0x6800;
	s12 =	simm.s32 $0x1;
	s1 =	simm.s32 $0x100  }
0x1b: {  	[tilespmem:s11], [sflag:$0x2] =	stream.indirect.gather [hbm4b:s7+s8], $0x80, s1, s8, $0xb8;
	[tilespmem:$0x1E800] =	vst v63  }
0x1c: {  	_ =	swait.ge [sflag:s12], $0x4000  }
0x1d: {  	[sflag:s12] =	ssyncset.done $0x0  }
0x1e: {  	[sflag:s12] =	ssyncadd.s32 $0xFFFFC000  }
0x1f: {  	[spmem:s26] =	stream.indirect.scatter.add.f32 [tilespmem:s9], [sflag:$0x3], $0x80, s8, s8, $0xb8;
	[tilespmem:$0x1E800] =	vst v63  }
0x20: {  	_ =	swait.ge [sflag:s5], $0x4000  }
0x21: {  	[sflag:s5] =	ssyncset.done $0x0  }
0x22: {  	s14 =	simm.s32 $0x2;
	s2 =	simm.s32 $0x200;
	[sflag:s5] =	ssyncadd.s32 $0xFFFFC000  }
0x23: {  	[tilespmem:s9], [sflag:$0x1] =	stream.indirect.gather [hbm4b:s7+s8], $0x80, s2, s8, $0xb8;
	[tilespmem:$0x1E800] =	vst v63  }
0x24: {  	_ =	swait.ge [sflag:s14], $0x4000  }
0x25: {  	[sflag:s14] =	ssyncset.done $0x0  }
0x26: {  	s3 =	simm.s32 $0x300;
	[sflag:s14] =	ssyncadd.s32 $0xFFFFC000  }
0x27: {  	[tilespmem:s11], [sflag:$0x2] =	stream.indirect.gather [hbm4b:s7+s8], $0x80, s3, s8, $0xb8;
	[tilespmem:$0x1E800] =	vst v63  }
0x28: {  	_ =	swait.ge [sflag:s12], $0x4000  }
0x29: {  	[sflag:s12] =	ssyncset.done $0x0  }
0x2a: {  	s10 =	simm.s32 $0x400;
	[sflag:s12] =	ssyncadd.s32 $0xFFFFC000  }
0x2b: {  	[tilespmem:s9], [sflag:$0x1] =	stream.indirect.gather [hbm4b:s7+s8], $0x80, s10, s8, $0xb8;
	[tilespmem:$0x1E800] =	vst v63  }
0x2c: {  	_ =	swait.ge [sflag:s14], $0x4000  }
0x2d: {  	[sflag:s14] =	ssyncset.done $0x0  }
0x2e: {  	s13 =	simm.s32 $0x500;
	[sflag:s14] =	ssyncadd.s32 $0xFFFFC000  }
0x2f: {  	[tilespmem:s11], [sflag:$0x2] =	stream.indirect.gather [hbm4b:s7+s8], $0x80, s13, s8, $0xb8;
	[tilespmem:$0x1E800] =	vst v63  }
0x30: {  	_ =	swait.ge [sflag:s12], $0x4000  }
0x31: {  	[sflag:s12] =	ssyncset.done $0x0  }
0x32: {  	s15 =	simm.s32 $0x600;
	[sflag:s12] =	ssyncadd.s32 $0xFFFFC000  }
0x33: {  	[tilespmem:s9], [sflag:$0x1] =	stream.indirect.gather [hbm4b:s7+s8], $0x80, s15, s8, $0xb8;
	[tilespmem:$0x1E800] =	vst v63  }
0x34: {  	_ =	swait.ge [sflag:s14], $0x4000  }
0x35: {  	[sflag:s14] =	ssyncset.done $0x0  }
0x36: {  	s16 =	simm.s32 $0x700;
	[sflag:s14] =	ssyncadd.s32 $0xFFFFC000  }
0x37: {  	[tilespmem:s11], [sflag:$0x2] =	stream.indirect.gather [hbm4b:s7+s8], $0x80, s16, s8, $0xb8;
	[tilespmem:$0x1E800] =	vst v63  }
0x38: {  	_ =	swait.ge [sflag:s12], $0x4000  }
0x39: {  	[sflag:s12] =	ssyncset.done $0x0  }
0x3a: {  	s17 =	simm.s32 $0x800;
	[sflag:s12] =	ssyncadd.s32 $0xFFFFC000  }
0x3b: {  	[tilespmem:s9], [sflag:$0x1] =	stream.indirect.gather [hbm4b:s7+s8], $0x80, s17, s8, $0xb8;
	[tilespmem:$0x1E800] =	vst v63  }
0x3c: {  	_ =	swait.ge [sflag:s14], $0x4000  }
0x3d: {  	[sflag:s14] =	ssyncset.done $0x0  }
0x3e: {  	s18 =	simm.s32 $0x900;
	[sflag:s14] =	ssyncadd.s32 $0xFFFFC000  }
0x3f: {  	[tilespmem:s11], [sflag:$0x2] =	stream.indirect.gather [hbm4b:s7+s8], $0x80, s18, s8, $0xb8;
	[tilespmem:$0x1E800] =	vst v63  }
0x40: {  	_ =	swait.ge [sflag:s12], $0x4000  }
0x41: {  	[sflag:s12] =	ssyncset.done $0x0  }
0x42: {  	s19 =	simm.s32 $0xA00;
	[sflag:s12] =	ssyncadd.s32 $0xFFFFC000  }
0x43: {  	[tilespmem:s9], [sflag:$0x1] =	stream.indirect.gather [hbm4b:s7+s8], $0x80, s19, s8, $0xb8;
	[tilespmem:$0x1E800] =	vst v63  }
0x44: {  	_ =	swait.ge [sflag:s14], $0x4000  }
0x45: {  	[sflag:s14] =	ssyncset.done $0x0  }
0x46: {  	s20 =	simm.s32 $0xB00;
	[sflag:s14] =	ssyncadd.s32 $0xFFFFC000  }
0x47: {  	[tilespmem:s11], [sflag:$0x2] =	stream.indirect.gather [hbm4b:s7+s8], $0x80, s20, s8, $0xb8;
	[tilespmem:$0x1E800] =	vst v63  }
0x48: {  	_ =	swait.ge [sflag:s12], $0x4000  }
0x49: {  	[sflag:s12] =	ssyncset.done $0x0  }
0x4a: {  	s21 =	simm.s32 $0xC00;
	[sflag:s12] =	ssyncadd.s32 $0xFFFFC000  }
0x4b: {  	[tilespmem:s9], [sflag:$0x1] =	stream.indirect.gather [hbm4b:s7+s8], $0x80, s21, s8, $0xb8;
	[tilespmem:$0x1E800] =	vst v63  }
0x4c: {  	_ =	swait.ge [sflag:s14], $0x4000  }
0x4d: {  	[sflag:s14] =	ssyncset.done $0x0  }
0x4e: {  	s22 =	simm.s32 $0xD00;
	[sflag:s14] =	ssyncadd.s32 $0xFFFFC000  }
0x4f: {  	[tilespmem:s11], [sflag:$0x2] =	stream.indirect.gather [hbm4b:s7+s8], $0x80, s22, s8, $0xb8;
	[tilespmem:$0x1E800] =	vst v63  }
0x50: {  	_ =	swait.ge [sflag:s12], $0x4000  }
0x51: {  	[sflag:s12] =	ssyncset.done $0x0  }
0x52: {  	s23 =	simm.s32 $0xE00;
	[sflag:s12] =	ssyncadd.s32 $0xFFFFC000  }
0x53: {  	[tilespmem:s9], [sflag:$0x1] =	stream.indirect.gather [hbm4b:s7+s8], $0x80, s23, s8, $0xb8;
	[tilespmem:$0x1E800] =	vst v63  }
0x54: {  	_ =	swait.ge [sflag:s14], $0x4000  }
0x55: {  	[sflag:s14] =	ssyncset.done $0x0  }
0x56: {  	s24 =	simm.s32 $0xF00;
	[sflag:s14] =	ssyncadd.s32 $0xFFFFC000  }
0x57: {  	[tilespmem:s11], [sflag:$0x2] =	stream.indirect.gather [hbm4b:s7+s8], $0x80, s24, s8, $0xb8;
	[tilespmem:$0x1E800] =	vst v63  }
0x58: {  	_ =	swait.ge [sflag:s12], $0x4000  }
0x59: {  	[sflag:s12] =	ssyncset.done $0x0  }
0x5a: {  	s25 =	simm.s32 $0x1000;
	[sflag:s12] =	ssyncadd.s32 $0xFFFFC000  }
0x5b: {  	[tilespmem:s9], [sflag:$0x1] =	stream.indirect.gather [hbm4b:s7+s8], $0x80, s25, s8, $0xb8;
	[tilespmem:$0x1E800] =	vst v63  }
0x5c: {  	_ =	swait.ge [sflag:s14], $0x4000  }
0x5d: {  	[sflag:s14] =	ssyncset.done $0x0  }
0x5e: {  	s26 =	simm.s32 $0x1100;
	[sflag:s14] =	ssyncadd.s32 $0xFFFFC000  }
0x5f: {  	[tilespmem:s11], [sflag:$0x2] =	stream.indirect.gather [hbm4b:s7+s8], $0x80, s26, s8, $0xb8;
	[tilespmem:$0x1E800] =	vst v63  }
0x60: {  	_ =	swait.ge [sflag:s12], $0x4000  }
0x61: {  	[sflag:s12] =	ssyncset.done $0x0  }
0x62: {  	s28 =	simm.s32 $0x1200;
	[sflag:s12] =	ssyncadd.s32 $0xFFFFC000  }
0x63: {  	[tilespmem:s9], [sflag:$0x1] =	stream.indirect.gather [hbm4b:s7+s8], $0x80, s28, s8, $0xb8;
	[tilespmem:$0x1E800] =	vst v63  }
0x64: {  	_ =	swait.ge [sflag:s14], $0x4000  }
0x65: {  	[sflag:s14] =	ssyncset.done $0x0  }
0x66: {  	s29 =	simm.s32 $0x1300;
	[sflag:s14] =	ssyncadd.s32 $0xFFFFC000  }
0x67: {  	[tilespmem:s11], [sflag:$0x2] =	stream.indirect.gather [hbm4b:s7+s8], $0x80, s29, s8, $0xb8;
	[tilespmem:$0x1E800] =	vst v63  }
0x68: {  	_ =	swait.ge [sflag:s12], $0x4000  }
0x69: {  	[sflag:s12] =	ssyncset.done $0x0  }
0x6a: {  	s31 =	simm.s32 $0x1400;
	[sflag:s12] =	ssyncadd.s32 $0xFFFFC000  }
0x6b: {  	[tilespmem:s9], [sflag:$0x1] =	stream.indirect.gather [hbm4b:s7+s8], $0x80, s31, s8, $0xb8;
	[tilespmem:$0x1E800] =	vst v63  }
0x6c: {  	_ =	swait.ge [sflag:s14], $0x4000  }
0x6d: {  	[sflag:s14] =	ssyncset.done $0x0  }
0x6e: {  	s29 =	simm.s32 $0x1500;
	[sflag:s14] =	ssyncadd.s32 $0xFFFFC000  }
0x6f: {  	[tilespmem:s11], [sflag:$0x2] =	stream.indirect.gather [hbm4b:s7+s8], $0x80, s29, s8, $0xb8;
	[tilespmem:$0x1E800] =	vst v63  }
0x70: {  	_ =	swait.ge [sflag:s12], $0x4000  }
0x71: {  	[sflag:s12] =	ssyncset.done $0x0  }
0x72: {  	s28 =	simm.s32 $0x1600;
	[sflag:s12] =	ssyncadd.s32 $0xFFFFC000  }
0x73: {  	[tilespmem:s9], [sflag:$0x1] =	stream.indirect.gather [hbm4b:s7+s8], $0x80, s28, s8, $0xb8;
	[tilespmem:$0x1E800] =	vst v63  }
0x74: {  	_ =	swait.ge [sflag:s14], $0x4000  }
0x75: {  	[sflag:s14] =	ssyncset.done $0x0  }
0x76: {  	s26 =	simm.s32 $0x1700;
	[sflag:s14] =	ssyncadd.s32 $0xFFFFC000  }
0x77: {  	[tilespmem:s11], [sflag:$0x2] =	stream.indirect.gather [hbm4b:s7+s8], $0x80, s26, s8, $0xb8;
	[tilespmem:$0x1E800] =	vst v63  }
0x78: {  	_ =	swait.ge [sflag:s12], $0x4000  }
0x79: {  	[sflag:s12] =	ssyncset.done $0x0  }
0x7a: {  	s25 =	simm.s32 $0x1800;
	[sflag:s12] =	ssyncadd.s32 $0xFFFFC000  }
0x7b: {  	[tilespmem:s9], [sflag:$0x1] =	stream.indirect.gather [hbm4b:s7+s8], $0x80, s25, s8, $0xb8;
	[tilespmem:$0x1E800] =	vst v63  }
0x7c: {  	_ =	swait.ge [sflag:s14], $0x4000  }
0x7d: {  	[sflag:s14] =	ssyncset.done $0x0  }
0x7e: {  	s24 =	simm.s32 $0x1900;
	[sflag:s14] =	ssyncadd.s32 $0xFFFFC000  }
0x7f: {  	[tilespmem:s11], [sflag:$0x2] =	stream.indirect.gather [hbm4b:s7+s8], $0x80, s24, s8, $0xb8;
	[tilespmem:$0x1E800] =	vst v63  }
0x80: {  	_ =	swait.ge [sflag:s12], $0x4000  }
0x81: {  	[sflag:s12] =	ssyncset.done $0x0  }
0x82: {  	s23 =	simm.s32 $0x1A00;
	[sflag:s12] =	ssyncadd.s32 $0xFFFFC000  }
0x83: {  	[tilespmem:s9], [sflag:$0x1] =	stream.indirect.gather [hbm4b:s7+s8], $0x80, s23, s8, $0xb8;
	[tilespmem:$0x1E800] =	vst v63  }
0x84: {  	_ =	swait.ge [sflag:s14], $0x4000  }
0x85: {  	[sflag:s14] =	ssyncset.done $0x0  }
0x86: {  	s22 =	simm.s32 $0x1B00;
	[sflag:s14] =	ssyncadd.s32 $0xFFFFC000  }
0x87: {  	[tilespmem:s11], [sflag:$0x2] =	stream.indirect.gather [hbm4b:s7+s8], $0x80, s22, s8, $0xb8;
	[tilespmem:$0x1E800] =	vst v63  }
0x88: {  	_ =	swait.ge [sflag:s12], $0x4000  }
0x89: {  	[sflag:s12] =	ssyncset.done $0x0  }
0x8a: {  	s21 =	simm.s32 $0x1C00;
	[sflag:s12] =	ssyncadd.s32 $0xFFFFC000  }
0x8b: {  	[tilespmem:s9], [sflag:$0x1] =	stream.indirect.gather [hbm4b:s7+s8], $0x80, s21, s8, $0xb8;
	[tilespmem:$0x1E800] =	vst v63  }
0x8c: {  	_ =	swait.ge [sflag:s14], $0x4000  }
0x8d: {  	[sflag:s14] =	ssyncset.done $0x0  }
0x8e: {  	s20 =	simm.s32 $0x1D00;
	[sflag:s14] =	ssyncadd.s32 $0xFFFFC000  }
0x8f: {  	[tilespmem:s11], [sflag:$0x2] =	stream.indirect.gather [hbm4b:s7+s8], $0x80, s20, s8, $0xb8;
	[tilespmem:$0x1E800] =	vst v63  }
0x90: {  	_ =	swait.ge [sflag:s12], $0x4000  }
0x91: {  	[sflag:s12] =	ssyncset.done $0x0  }
0x92: {  	s19 =	simm.s32 $0x1E00;
	[sflag:s12] =	ssyncadd.s32 $0xFFFFC000  }
0x93: {  	[tilespmem:s9], [sflag:$0x1] =	stream.indirect.gather [hbm4b:s7+s8], $0x80, s19, s8, $0xb8;
	[tilespmem:$0x1E800] =	vst v63  }
0x94: {  	_ =	swait.ge [sflag:s14], $0x4000  }
0x95: {  	[sflag:s14] =	ssyncset.done $0x0  }
0x96: {  	s18 =	simm.s32 $0x1F00;
	[sflag:s14] =	ssyncadd.s32 $0xFFFFC000  }
0x97: {  	[tilespmem:s11], [sflag:$0x2] =	stream.indirect.gather [hbm4b:s7+s8], $0x80, s18, s8, $0xb8;
	[tilespmem:$0x1E800] =	vst v63  }
0x98: {  	_ =	swait.ge [sflag:s12], $0x4000  }
0x99: {  	[sflag:s12] =	ssyncset.done $0x0  }
0x9a: {  	s17 =	simm.s32 $0x2000;
	[sflag:s12] =	ssyncadd.s32 $0xFFFFC000  }
0x9b: {  	[tilespmem:s9], [sflag:$0x1] =	stream.indirect.gather [hbm4b:s7+s8], $0x80, s17, s8, $0xb8;
	[tilespmem:$0x1E800] =	vst v63  }
0x9c: {  	_ =	swait.ge [sflag:s14], $0x4000  }
0x9d: {  	[sflag:s14] =	ssyncset.done $0x0  }
0x9e: {  	s16 =	simm.s32 $0x2100;
	[sflag:s14] =	ssyncadd.s32 $0xFFFFC000  }
0x9f: {  	[tilespmem:s11], [sflag:$0x2] =	stream.indirect.gather [hbm4b:s7+s8], $0x80, s16, s8, $0xb8;
	[tilespmem:$0x1E800] =	vst v63  }
0xa0: {  	_ =	swait.ge [sflag:s12], $0x4000  }
0xa1: {  	[sflag:s12] =	ssyncset.done $0x0  }
0xa2: {  	s15 =	simm.s32 $0x2200;
	[sflag:s12] =	ssyncadd.s32 $0xFFFFC000  }
0xa3: {  	[tilespmem:s9], [sflag:$0x1] =	stream.indirect.gather [hbm4b:s7+s8], $0x80, s15, s8, $0xb8;
	[tilespmem:$0x1E800] =	vst v63  }
0xa4: {  	_ =	swait.ge [sflag:s14], $0x4000  }
0xa5: {  	[sflag:s14] =	ssyncset.done $0x0  }
0xa6: {  	s13 =	simm.s32 $0x2300;
	[sflag:s14] =	ssyncadd.s32 $0xFFFFC000  }
0xa7: {  	[tilespmem:s11], [sflag:$0x2] =	stream.indirect.gather [hbm4b:s7+s8], $0x80, s13, s8, $0xb8;
	[tilespmem:$0x1E800] =	vst v63  }
0xa8: {  	_ =	swait.ge [sflag:s12], $0x4000  }
0xa9: {  	[sflag:s12] =	ssyncset.done $0x0  }
0xaa: {  	s10 =	simm.s32 $0x2400;
	[sflag:s12] =	ssyncadd.s32 $0xFFFFC000  }
0xab: {  	[tilespmem:s9], [sflag:$0x1] =	stream.indirect.gather [hbm4b:s7+s8], $0x80, s10, s8, $0xb8;
	[tilespmem:$0x1E800] =	vst v63  }
0xac: {  	_ =	swait.ge [sflag:s14], $0x4000  }
0xad: {  	[sflag:s14] =	ssyncset.done $0x0  }
0xae: {  	s3 =	simm.s32 $0x2500;
	[sflag:s14] =	ssyncadd.s32 $0xFFFFC000  }
0xaf: {  	[tilespmem:s11], [sflag:$0x2] =	stream.indirect.gather [hbm4b:s7+s8], $0x80, s3, s8, $0xb8;
	[tilespmem:$0x1E800] =	vst v63  }
0xb0: {  	_ =	swait.ge [sflag:s12], $0x4000  }
0xb1: {  	[sflag:s12] =	ssyncset.done $0x0  }
0xb2: {  	s2 =	simm.s32 $0x2600;
	[sflag:s12] =	ssyncadd.s32 $0xFFFFC000  }
0xb3: {  	[tilespmem:s9], [sflag:$0x1] =	stream.indirect.gather [hbm4b:s7+s8], $0x80, s2, s8, $0xb8;
	[tilespmem:$0x1E800] =	vst v63  }
0xb4: {  	_ =	swait.ge [sflag:s14], $0x4000  }
0xb5: {  	[sflag:s14] =	ssyncset.done $0x0  }
0xb6: {  	s1 =	simm.s32 $0x2700;
	[sflag:s14] =	ssyncadd.s32 $0xFFFFC000  }
0xb7: {  	[tilespmem:s11], [sflag:$0x2] =	stream.indirect.gather [hbm4b:s7+s8], $0x80, s1, s8, $0xb8;
	[tilespmem:$0x1E800] =	vst v63  }
0xb8: {  	_ =	swait.ge [sflag:s12], $0x4000  }
0xb9: {  	[sflag:s12] =	ssyncset.done $0x0  }
0xba: {  	[sflag:s12] =	ssyncadd.s32 $0xFFFFC000  }
0xbb: {  	_ =	swait.ge [sflag:s14], $0x4000  }
0xbc: {  	[sflag:s14] =	ssyncset.done $0x0  }
0xbd: {  	s0 =	rddreg [dreg:$0x6];
	[sflag:s14] =	ssyncadd.s32 $0xFFFFC000  }
0xbe: {  	[tilespmem:s30], [sflag:$0x3] =	stream.linear.gather [hbm4b:s0+s30], $0x2800, $0x38;
	[tilespmem:$0x1E800] =	vst v63  }
0xbf: {  	_ =	swait.ge [sflag:s5], $0x2800  }
0xc0: {  	[sflag:s5] =	ssyncset.done $0x0  }
0xc1: {  	[sflag:s5] =	ssyncadd.s32 $0xFFFFD800  }
0xc2: {  	[tilespmem:s9], [sflag:$0x1] =	stream.indirect.gather [hbm4b:s7+s8], $0x80, s30, s8, $0xb8;
	[tilespmem:$0x1E800] =	vst v63  }
0xc3: {  	s30 =	simm.s32 $0x100  }
0xc4: {  	[tilespmem:s11], [sflag:$0x2] =	stream.indirect.gather [hbm4b:s7+s8], $0x80, s30, s8, $0xb8;
	[tilespmem:$0x1E800] =	vst v63  }
0xc5: {  	_ =	swait.ge [sflag:s12], $0x4000  }
0xc6: {  	[sflag:s12] =	ssyncset.done $0x0  }
0xc7: {  	[sflag:s12] =	ssyncadd.s32 $0xFFFFC000  }
0xc8: {  	s30 =	rddreg [dreg:$0x2]  }
0xc9: {  	[spmem:s30] =	stream.indirect.scatter.add.f32 [tilespmem:s9], [sflag:$0x3], $0x80, s8, s8, $0xb8;
	[tilespmem:$0x1E800] =	vst v63  }
0xca: {  	_ =	swait.ge [sflag:s5], $0x4000  }
0xcb: {  	[sflag:s5] =	ssyncset.done $0x0  }
0xcc: {  	s30 =	simm.s32 $0x200;
	[sflag:s5] =	ssyncadd.s32 $0xFFFFC000  }
0xcd: {  	[tilespmem:s9], [sflag:$0x1] =	stream.indirect.gather [hbm4b:s7+s8], $0x80, s30, s8, $0xb8;
	[tilespmem:$0x1E800] =	vst v63  }
0xce: {  	_ =	swait.ge [sflag:s14], $0x4000  }
0xcf: {  	[sflag:s14] =	ssyncset.done $0x0  }
0xd0: {  	s30 =	simm.s32 $0x300;
	[sflag:s14] =	ssyncadd.s32 $0xFFFFC000  }
0xd1: {  	[tilespmem:s11], [sflag:$0x2] =	stream.indirect.gather [hbm4b:s7+s8], $0x80, s30, s8, $0xb8;
	[tilespmem:$0x1E800] =	vst v63  }
0xd2: {  	_ =	swait.ge [sflag:s12], $0x4000  }
0xd3: {  	[sflag:s12] =	ssyncset.done $0x0  }
0xd4: {  	s30 =	simm.s32 $0x400;
	[sflag:s12] =	ssyncadd.s32 $0xFFFFC000  }
0xd5: {  	[tilespmem:s9], [sflag:$0x1] =	stream.indirect.gather [hbm4b:s7+s8], $0x80, s30, s8, $0xb8;
	[tilespmem:$0x1E800] =	vst v63  }
0xd6: {  	_ =	swait.ge [sflag:s14], $0x4000  }
0xd7: {  	[sflag:s14] =	ssyncset.done $0x0  }
0xd8: {  	s30 =	simm.s32 $0x500;
	[sflag:s14] =	ssyncadd.s32 $0xFFFFC000  }
0xd9: {  	[tilespmem:s11], [sflag:$0x2] =	stream.indirect.gather [hbm4b:s7+s8], $0x80, s30, s8, $0xb8;
	[tilespmem:$0x1E800] =	vst v63  }
0xda: {  	_ =	swait.ge [sflag:s12], $0x4000  }
0xdb: {  	[sflag:s12] =	ssyncset.done $0x0  }
0xdc: {  	s30 =	simm.s32 $0x600;
	[sflag:s12] =	ssyncadd.s32 $0xFFFFC000  }
0xdd: {  	[tilespmem:s9], [sflag:$0x1] =	stream.indirect.gather [hbm4b:s7+s8], $0x80, s30, s8, $0xb8;
	[tilespmem:$0x1E800] =	vst v63  }
0xde: {  	_ =	swait.ge [sflag:s14], $0x4000  }
0xdf: {  	[sflag:s14] =	ssyncset.done $0x0  }
0xe0: {  	s30 =	simm.s32 $0x700;
	[sflag:s14] =	ssyncadd.s32 $0xFFFFC000  }
0xe1: {  	[tilespmem:s11], [sflag:$0x2] =	stream.indirect.gather [hbm4b:s7+s8], $0x80, s30, s8, $0xb8;
	[tilespmem:$0x1E800] =	vst v63  }
0xe2: {  	_ =	swait.ge [sflag:s12], $0x4000  }
0xe3: {  	[sflag:s12] =	ssyncset.done $0x0  }
0xe4: {  	s30 =	simm.s32 $0x800;
	[sflag:s12] =	ssyncadd.s32 $0xFFFFC000  }
0xe5: {  	[tilespmem:s9], [sflag:$0x1] =	stream.indirect.gather [hbm4b:s7+s8], $0x80, s30, s8, $0xb8;
	[tilespmem:$0x1E800] =	vst v63  }
0xe6: {  	_ =	swait.ge [sflag:s14], $0x4000  }
0xe7: {  	[sflag:s14] =	ssyncset.done $0x0  }
0xe8: {  	s30 =	simm.s32 $0x900;
	[sflag:s14] =	ssyncadd.s32 $0xFFFFC000  }
0xe9: {  	[tilespmem:s11], [sflag:$0x2] =	stream.indirect.gather [hbm4b:s7+s8], $0x80, s30, s8, $0xb8;
	[tilespmem:$0x1E800] =	vst v63  }
0xea: {  	_ =	swait.ge [sflag:s12], $0x4000  }
0xeb: {  	[sflag:s12] =	ssyncset.done $0x0  }
0xec: {  	s30 =	simm.s32 $0xA00;
	[sflag:s12] =	ssyncadd.s32 $0xFFFFC000  }
0xed: {  	[tilespmem:s9], [sflag:$0x1] =	stream.indirect.gather [hbm4b:s7+s8], $0x80, s30, s8, $0xb8;
	[tilespmem:$0x1E800] =	vst v63  }
0xee: {  	_ =	swait.ge [sflag:s14], $0x4000  }
0xef: {  	[sflag:s14] =	ssyncset.done $0x0  }
0xf0: {  	s30 =	simm.s32 $0xB00;
	[sflag:s14] =	ssyncadd.s32 $0xFFFFC000  }
0xf1: {  	[tilespmem:s11], [sflag:$0x2] =	stream.indirect.gather [hbm4b:s7+s8], $0x80, s30, s8, $0xb8;
	[tilespmem:$0x1E800] =	vst v63  }
0xf2: {  	_ =	swait.ge [sflag:s12], $0x4000  }
0xf3: {  	[sflag:s12] =	ssyncset.done $0x0  }
0xf4: {  	s30 =	simm.s32 $0xC00;
	[sflag:s12] =	ssyncadd.s32 $0xFFFFC000  }
0xf5: {  	[tilespmem:s9], [sflag:$0x1] =	stream.indirect.gather [hbm4b:s7+s8], $0x80, s30, s8, $0xb8;
	[tilespmem:$0x1E800] =	vst v63  }
0xf6: {  	_ =	swait.ge [sflag:s14], $0x4000  }
0xf7: {  	[sflag:s14] =	ssyncset.done $0x0  }
0xf8: {  	s30 =	simm.s32 $0xD00;
	[sflag:s14] =	ssyncadd.s32 $0xFFFFC000  }
0xf9: {  	[tilespmem:s11], [sflag:$0x2] =	stream.indirect.gather [hbm4b:s7+s8], $0x80, s30, s8, $0xb8;
	[tilespmem:$0x1E800] =	vst v63  }
0xfa: {  	_ =	swait.ge [sflag:s12], $0x4000  }
0xfb: {  	[sflag:s12] =	ssyncset.done $0x0  }
0xfc: {  	s30 =	simm.s32 $0xE00;
	[sflag:s12] =	ssyncadd.s32 $0xFFFFC000  }
0xfd: {  	[tilespmem:s9], [sflag:$0x1] =	stream.indirect.gather [hbm4b:s7+s8], $0x80, s30, s8, $0xb8;
	[tilespmem:$0x1E800] =	vst v63  }
0xfe: {  	_ =	swait.ge [sflag:s14], $0x4000  }
0xff: {  	[sflag:s14] =	ssyncset.done $0x0  }
0x100: {  	s30 =	simm.s32 $0xF00;
	[sflag:s14] =	ssyncadd.s32 $0xFFFFC000  }
0x101: {  	[tilespmem:s11], [sflag:$0x2] =	stream.indirect.gather [hbm4b:s7+s8], $0x80, s30, s8, $0xb8;
	[tilespmem:$0x1E800] =	vst v63  }
0x102: {  	_ =	swait.ge [sflag:s12], $0x4000  }
0x103: {  	[sflag:s12] =	ssyncset.done $0x0  }
0x104: {  	s30 =	simm.s32 $0x1000;
	[sflag:s12] =	ssyncadd.s32 $0xFFFFC000  }
0x105: {  	[tilespmem:s9], [sflag:$0x1] =	stream.indirect.gather [hbm4b:s7+s8], $0x80, s30, s8, $0xb8;
	[tilespmem:$0x1E800] =	vst v63  }
0x106: {  	_ =	swait.ge [sflag:s14], $0x4000  }
0x107: {  	[sflag:s14] =	ssyncset.done $0x0  }
0x108: {  	s30 =	simm.s32 $0x1100;
	[sflag:s14] =	ssyncadd.s32 $0xFFFFC000  }
0x109: {  	[tilespmem:s11], [sflag:$0x2] =	stream.indirect.gather [hbm4b:s7+s8], $0x80, s30, s8, $0xb8;
	[tilespmem:$0x1E800] =	vst v63  }
0x10a: {  	_ =	swait.ge [sflag:s12], $0x4000  }
0x10b: {  	[sflag:s12] =	ssyncset.done $0x0  }
0x10c: {  	s30 =	simm.s32 $0x1200;
	[sflag:s12] =	ssyncadd.s32 $0xFFFFC000  }
0x10d: {  	[tilespmem:s9], [sflag:$0x1] =	stream.indirect.gather [hbm4b:s7+s8], $0x80, s30, s8, $0xb8;
	[tilespmem:$0x1E800] =	vst v63  }
0x10e: {  	_ =	swait.ge [sflag:s14], $0x4000  }
0x10f: {  	[sflag:s14] =	ssyncset.done $0x0  }
0x110: {  	s30 =	simm.s32 $0x1300;
	[sflag:s14] =	ssyncadd.s32 $0xFFFFC000  }
0x111: {  	[tilespmem:s11], [sflag:$0x2] =	stream.indirect.gather [hbm4b:s7+s8], $0x80, s30, s8, $0xb8;
	[tilespmem:$0x1E800] =	vst v63  }
0x112: {  	_ =	swait.ge [sflag:s12], $0x4000  }
0x113: {  	[sflag:s12] =	ssyncset.done $0x0  }
0x114: {  	[sflag:s12] =	ssyncadd.s32 $0xFFFFC000  }
0x115: {  	[tilespmem:s9], [sflag:$0x1] =	stream.indirect.gather [hbm4b:s7+s8], $0x80, s31, s8, $0xb8;
	[tilespmem:$0x1E800] =	vst v63  }
0x116: {  	_ =	swait.ge [sflag:s14], $0x4000  }
0x117: {  	[sflag:s14] =	ssyncset.done $0x0  }
0x118: {  	[sflag:s14] =	ssyncadd.s32 $0xFFFFC000  }
0x119: {  	[tilespmem:s11], [sflag:$0x2] =	stream.indirect.gather [hbm4b:s7+s8], $0x80, s29, s8, $0xb8;
	[tilespmem:$0x1E800] =	vst v63  }
0x11a: {  	_ =	swait.ge [sflag:s12], $0x4000  }
0x11b: {  	[sflag:s12] =	ssyncset.done $0x0  }
0x11c: {  	[sflag:s12] =	ssyncadd.s32 $0xFFFFC000  }
0x11d: {  	[tilespmem:s9], [sflag:$0x1] =	stream.indirect.gather [hbm4b:s7+s8], $0x80, s28, s8, $0xb8;
	[tilespmem:$0x1E800] =	vst v63  }
0x11e: {  	_ =	swait.ge [sflag:s14], $0x4000  }
0x11f: {  	[sflag:s14] =	ssyncset.done $0x0  }
0x120: {  	[sflag:s14] =	ssyncadd.s32 $0xFFFFC000  }
0x121: {  	[tilespmem:s11], [sflag:$0x2] =	stream.indirect.gather [hbm4b:s7+s8], $0x80, s26, s8, $0xb8;
	[tilespmem:$0x1E800] =	vst v63  }
0x122: {  	_ =	swait.ge [sflag:s12], $0x4000  }
0x123: {  	[sflag:s12] =	ssyncset.done $0x0  }
0x124: {  	[sflag:s12] =	ssyncadd.s32 $0xFFFFC000  }
0x125: {  	[tilespmem:s9], [sflag:$0x1] =	stream.indirect.gather [hbm4b:s7+s8], $0x80, s25, s8, $0xb8;
	[tilespmem:$0x1E800] =	vst v63  }
0x126: {  	_ =	swait.ge [sflag:s14], $0x4000  }
0x127: {  	[sflag:s14] =	ssyncset.done $0x0  }
0x128: {  	[sflag:s14] =	ssyncadd.s32 $0xFFFFC000  }
0x129: {  	[tilespmem:s11], [sflag:$0x2] =	stream.indirect.gather [hbm4b:s7+s8], $0x80, s24, s8, $0xb8;
	[tilespmem:$0x1E800] =	vst v63  }
0x12a: {  	_ =	swait.ge [sflag:s12], $0x4000  }
0x12b: {  	[sflag:s12] =	ssyncset.done $0x0  }
0x12c: {  	[sflag:s12] =	ssyncadd.s32 $0xFFFFC000  }
0x12d: {  	[tilespmem:s9], [sflag:$0x1] =	stream.indirect.gather [hbm4b:s7+s8], $0x80, s23, s8, $0xb8;
	[tilespmem:$0x1E800] =	vst v63  }
0x12e: {  	_ =	swait.ge [sflag:s14], $0x4000  }
0x12f: {  	[sflag:s14] =	ssyncset.done $0x0  }
0x130: {  	[sflag:s14] =	ssyncadd.s32 $0xFFFFC000  }
0x131: {  	[tilespmem:s11], [sflag:$0x2] =	stream.indirect.gather [hbm4b:s7+s8], $0x80, s22, s8, $0xb8;
	[tilespmem:$0x1E800] =	vst v63  }
0x132: {  	_ =	swait.ge [sflag:s12], $0x4000  }
0x133: {  	[sflag:s12] =	ssyncset.done $0x0  }
0x134: {  	[sflag:s12] =	ssyncadd.s32 $0xFFFFC000  }
0x135: {  	[tilespmem:s9], [sflag:$0x1] =	stream.indirect.gather [hbm4b:s7+s8], $0x80, s21, s8, $0xb8;
	[tilespmem:$0x1E800] =	vst v63  }
0x136: {  	_ =	swait.ge [sflag:s14], $0x4000  }
0x137: {  	[sflag:s14] =	ssyncset.done $0x0  }
0x138: {  	[sflag:s14] =	ssyncadd.s32 $0xFFFFC000  }
0x139: {  	[tilespmem:s11], [sflag:$0x2] =	stream.indirect.gather [hbm4b:s7+s8], $0x80, s20, s8, $0xb8;
	[tilespmem:$0x1E800] =	vst v63  }
0x13a: {  	_ =	swait.ge [sflag:s12], $0x4000  }
0x13b: {  	[sflag:s12] =	ssyncset.done $0x0  }
0x13c: {  	[sflag:s12] =	ssyncadd.s32 $0xFFFFC000  }
0x13d: {  	[tilespmem:s9], [sflag:$0x1] =	stream.indirect.gather [hbm4b:s7+s8], $0x80, s19, s8, $0xb8;
	[tilespmem:$0x1E800] =	vst v63  }
0x13e: {  	_ =	swait.ge [sflag:s14], $0x4000  }
0x13f: {  	[sflag:s14] =	ssyncset.done $0x0  }
0x140: {  	[sflag:s14] =	ssyncadd.s32 $0xFFFFC000  }
0x141: {  	[tilespmem:s11], [sflag:$0x2] =	stream.indirect.gather [hbm4b:s7+s8], $0x80, s18, s8, $0xb8;
	[tilespmem:$0x1E800] =	vst v63  }
0x142: {  	_ =	swait.ge [sflag:s12], $0x4000  }
0x143: {  	[sflag:s12] =	ssyncset.done $0x0  }
0x144: {  	[sflag:s12] =	ssyncadd.s32 $0xFFFFC000  }
0x145: {  	[tilespmem:s9], [sflag:$0x1] =	stream.indirect.gather [hbm4b:s7+s8], $0x80, s17, s8, $0xb8;
	[tilespmem:$0x1E800] =	vst v63  }
0x146: {  	_ =	swait.ge [sflag:s14], $0x4000  }
0x147: {  	[sflag:s14] =	ssyncset.done $0x0  }
0x148: {  	[sflag:s14] =	ssyncadd.s32 $0xFFFFC000  }
0x149: {  	[tilespmem:s11], [sflag:$0x2] =	stream.indirect.gather [hbm4b:s7+s8], $0x80, s16, s8, $0xb8;
	[tilespmem:$0x1E800] =	vst v63  }
0x14a: {  	_ =	swait.ge [sflag:s12], $0x4000  }
0x14b: {  	[sflag:s12] =	ssyncset.done $0x0  }
0x14c: {  	[sflag:s12] =	ssyncadd.s32 $0xFFFFC000  }
0x14d: {  	[tilespmem:s9], [sflag:$0x1] =	stream.indirect.gather [hbm4b:s7+s8], $0x80, s15, s8, $0xb8;
	[tilespmem:$0x1E800] =	vst v63  }
0x14e: {  	_ =	swait.ge [sflag:s14], $0x4000  }
0x14f: {  	[sflag:s14] =	ssyncset.done $0x0  }
0x150: {  	[sflag:s14] =	ssyncadd.s32 $0xFFFFC000  }
0x151: {  	[tilespmem:s11], [sflag:$0x2] =	stream.indirect.gather [hbm4b:s7+s8], $0x80, s13, s8, $0xb8;
	[tilespmem:$0x1E800] =	vst v63  }
0x152: {  	_ =	swait.ge [sflag:s12], $0x4000  }
0x153: {  	[sflag:s12] =	ssyncset.done $0x0  }
0x154: {  	[sflag:s12] =	ssyncadd.s32 $0xFFFFC000  }
0x155: {  	[tilespmem:s9], [sflag:$0x1] =	stream.indirect.gather [hbm4b:s7+s8], $0x80, s10, s8, $0xb8;
	[tilespmem:$0x1E800] =	vst v63  }
0x156: {  	_ =	swait.ge [sflag:s14], $0x4000  }
0x157: {  	[sflag:s14] =	ssyncset.done $0x0  }
0x158: {  	[sflag:s14] =	ssyncadd.s32 $0xFFFFC000  }
0x159: {  	[tilespmem:s11], [sflag:$0x2] =	stream.indirect.gather [hbm4b:s7+s8], $0x80, s3, s8, $0xb8;
	[tilespmem:$0x1E800] =	vst v63  }
0x15a: {  	_ =	swait.ge [sflag:s12], $0x4000  }
0x15b: {  	[sflag:s12] =	ssyncset.done $0x0  }
0x15c: {  	[sflag:s12] =	ssyncadd.s32 $0xFFFFC000  }
0x15d: {  	[tilespmem:s9], [sflag:$0x1] =	stream.indirect.gather [hbm4b:s7+s8], $0x80, s2, s8, $0xb8;
	[tilespmem:$0x1E800] =	vst v63  }
0x15e: {  	_ =	swait.ge [sflag:s14], $0x4000  }
0x15f: {  	[sflag:s14] =	ssyncset.done $0x0  }
0x160: {  	[sflag:s14] =	ssyncadd.s32 $0xFFFFC000  }
0x161: {  	[tilespmem:s11], [sflag:$0x2] =	stream.indirect.gather [hbm4b:s7+s8], $0x80, s1, s8, $0xb8;
	[tilespmem:$0x1E800] =	vst v63  }
0x162: {  	_ =	swait.ge [sflag:s12], $0x4000  }
0x163: {  	[sflag:s12] =	ssyncset.done $0x0  }
0x164: {  	[sflag:s12] =	ssyncadd.s32 $0xFFFFC000  }
0x165: {  	_ =	swait.ge [sflag:s14], $0x4000  }
0x166: {  	[sflag:s14] =	ssyncset.done $0x0  }
0x167: {  	[sflag:s14] =	ssyncadd.s32 $0xFFFFC000  }
0x168: {  	[bflag:$0x0] =	sbarrier.arrive $0xFFFF  }
0x169: {  	s29 =	rddreg [dreg:$0xa]  }
0x16a: {  	s30 =	ssub.s32 $0x2, s29  }
0x16b: {  	s0 =	sshrl.u32 s30, $0x1  }
0x16c: {  	s0 =	ssub.s32 s30, s0  }
0x16d: {  	s0 =	smax.u32 s0, $0x1  }
0x16e: {  	p0 =	sne.s32 s0, $0x1  }
.Ltmp0:
0x16f: {  	s31 =	rddreg [dreg:$0x7];
	(pc) =	sbr.rel @!p0 .LBB2_3-.Ltmp0, $4  }
0x170: {  	[dreg:$0x8] =	wrdreg s4  }
0x171: {  	[dreg:$0x9] =	wrdreg s6  }
0x172: {  	[hbm:s31], [sflag:s4] =	dma.local [spmem:s6], $0x2800  }
0x173: {  	_ =	swait.ge [sflag:s5], $0x2800;
	s0 =	sadd.s32 $0xFFFFFFFF, s0  }
0x174: {  	s4 =	simm.s32 $0x0  }
0x175: {  	s10 =	simm.s32 $0x100;
	s13 =	simm.s32 $0x200;
	s15 =	simm.s32 $0x300  }
0x176: {  	s16 =	simm.s32 $0x400;
	s17 =	simm.s32 $0x500;
	s18 =	simm.s32 $0x600  }
0x177: {  	s19 =	simm.s32 $0x700;
	s20 =	simm.s32 $0x800;
	s21 =	simm.s32 $0x900  }
0x178: {  	s22 =	simm.s32 $0xA00;
	s23 =	simm.s32 $0xB00;
	s24 =	simm.s32 $0xC00  }
0x179: {  	s25 =	simm.s32 $0xD00;
	s26 =	simm.s32 $0xE00;
	s28 =	simm.s32 $0xF00  }
0x17a: {  	s29 =	simm.s32 $0x1000;
	s30 =	simm.s32 $0x1100;
	s31 =	simm.s32 $0x1200  }
.LBB2_2:
0x17b: {  	s1 =	rddreg [dreg:$0x4]  }
0x17c: {  	[sflag:s5] =	ssyncset.done $0x0;
	s6 =	rddreg [dreg:$0x8]  }
0x17d: {  	s3 =	rddreg [dreg:$0x9];
	[sflag:s5] =	ssyncadd.s32 $0xFFFFD800  }
0x17e: {  	[spmem:s3], [sflag:s6] =	dma.local [hbm:s1], $0x2800  }
0x17f: {  	_ =	swait.ge [sflag:s5], $0x2800  }
0x180: {  	[sflag:s5] =	ssyncset.done $0x0  }
0x181: {  	[sflag:s5] =	ssyncadd.s32 $0xFFFFD800  }
0x182: {  	[bflag:$0x0] =	sbarrier.arrive $0xFFFF  }
0x183: {  	s2 =	rddreg [dreg:$0x5]  }
0x184: {  	[tilespmem:s4], [sflag:$0x3] =	stream.linear.gather [hbm4b:s2+s4], $0x2800, $0x38;
	[tilespmem:$0x1E800] =	vst v63  }
0x185: {  	_ =	swait.ge [sflag:s5], $0x2800  }
0x186: {  	[sflag:s5] =	ssyncset.done $0x0  }
0x187: {  	[sflag:s5] =	ssyncadd.s32 $0xFFFFD800  }
0x188: {  	[tilespmem:s9], [sflag:$0x1] =	stream.indirect.gather [hbm4b:s7+s8], $0x80, s4, s8, $0xb8;
	[tilespmem:$0x1E800] =	vst v63  }
0x189: {  	_ = 	snop  }
0x18a: {  	[tilespmem:s11], [sflag:$0x2] =	stream.indirect.gather [hbm4b:s7+s8], $0x80, s10, s8, $0xb8;
	[tilespmem:$0x1E800] =	vst v63  }
0x18b: {  	_ =	swait.ge [sflag:s12], $0x4000  }
0x18c: {  	[sflag:s12] =	ssyncset.done $0x0  }
0x18d: {  	[sflag:s12] =	ssyncadd.s32 $0xFFFFC000  }
0x18e: {  	s2 =	rddreg [dreg:$0x2]  }
0x18f: {  	[spmem:s2] =	stream.indirect.scatter.add.f32 [tilespmem:s9], [sflag:$0x3], $0x80, s8, s8, $0xb8;
	[tilespmem:$0x1E800] =	vst v63  }
0x190: {  	_ =	swait.ge [sflag:s5], $0x4000  }
0x191: {  	[sflag:s5] =	ssyncset.done $0x0  }
0x192: {  	[sflag:s5] =	ssyncadd.s32 $0xFFFFC000  }
0x193: {  	[tilespmem:s9], [sflag:$0x1] =	stream.indirect.gather [hbm4b:s7+s8], $0x80, s13, s8, $0xb8;
	[tilespmem:$0x1E800] =	vst v63  }
0x194: {  	_ =	swait.ge [sflag:s14], $0x4000  }
0x195: {  	[sflag:s14] =	ssyncset.done $0x0  }
0x196: {  	[sflag:s14] =	ssyncadd.s32 $0xFFFFC000  }
0x197: {  	[tilespmem:s11], [sflag:$0x2] =	stream.indirect.gather [hbm4b:s7+s8], $0x80, s15, s8, $0xb8;
	[tilespmem:$0x1E800] =	vst v63  }
0x198: {  	_ =	swait.ge [sflag:s12], $0x4000  }
0x199: {  	[sflag:s12] =	ssyncset.done $0x0  }
0x19a: {  	[sflag:s12] =	ssyncadd.s32 $0xFFFFC000  }
0x19b: {  	[tilespmem:s9], [sflag:$0x1] =	stream.indirect.gather [hbm4b:s7+s8], $0x80, s16, s8, $0xb8;
	[tilespmem:$0x1E800] =	vst v63  }
0x19c: {  	_ =	swait.ge [sflag:s14], $0x4000  }
0x19d: {  	[sflag:s14] =	ssyncset.done $0x0  }
0x19e: {  	[sflag:s14] =	ssyncadd.s32 $0xFFFFC000  }
0x19f: {  	[tilespmem:s11], [sflag:$0x2] =	stream.indirect.gather [hbm4b:s7+s8], $0x80, s17, s8, $0xb8;
	[tilespmem:$0x1E800] =	vst v63  }
0x1a0: {  	_ =	swait.ge [sflag:s12], $0x4000  }
0x1a1: {  	[sflag:s12] =	ssyncset.done $0x0  }
0x1a2: {  	[sflag:s12] =	ssyncadd.s32 $0xFFFFC000  }
0x1a3: {  	[tilespmem:s9], [sflag:$0x1] =	stream.indirect.gather [hbm4b:s7+s8], $0x80, s18, s8, $0xb8;
	[tilespmem:$0x1E800] =	vst v63  }
0x1a4: {  	_ =	swait.ge [sflag:s14], $0x4000  }
0x1a5: {  	[sflag:s14] =	ssyncset.done $0x0  }
0x1a6: {  	[sflag:s14] =	ssyncadd.s32 $0xFFFFC000  }
0x1a7: {  	[tilespmem:s11], [sflag:$0x2] =	stream.indirect.gather [hbm4b:s7+s8], $0x80, s19, s8, $0xb8;
	[tilespmem:$0x1E800] =	vst v63  }
0x1a8: {  	_ =	swait.ge [sflag:s12], $0x4000  }
0x1a9: {  	[sflag:s12] =	ssyncset.done $0x0  }
0x1aa: {  	[sflag:s12] =	ssyncadd.s32 $0xFFFFC000  }
0x1ab: {  	[tilespmem:s9], [sflag:$0x1] =	stream.indirect.gather [hbm4b:s7+s8], $0x80, s20, s8, $0xb8;
	[tilespmem:$0x1E800] =	vst v63  }
0x1ac: {  	_ =	swait.ge [sflag:s14], $0x4000  }
0x1ad: {  	[sflag:s14] =	ssyncset.done $0x0  }
0x1ae: {  	[sflag:s14] =	ssyncadd.s32 $0xFFFFC000  }
0x1af: {  	[tilespmem:s11], [sflag:$0x2] =	stream.indirect.gather [hbm4b:s7+s8], $0x80, s21, s8, $0xb8;
	[tilespmem:$0x1E800] =	vst v63  }
0x1b0: {  	_ =	swait.ge [sflag:s12], $0x4000  }
0x1b1: {  	[sflag:s12] =	ssyncset.done $0x0  }
0x1b2: {  	[sflag:s12] =	ssyncadd.s32 $0xFFFFC000  }
0x1b3: {  	[tilespmem:s9], [sflag:$0x1] =	stream.indirect.gather [hbm4b:s7+s8], $0x80, s22, s8, $0xb8;
	[tilespmem:$0x1E800] =	vst v63  }
0x1b4: {  	_ =	swait.ge [sflag:s14], $0x4000  }
0x1b5: {  	[sflag:s14] =	ssyncset.done $0x0  }
0x1b6: {  	[sflag:s14] =	ssyncadd.s32 $0xFFFFC000  }
0x1b7: {  	[tilespmem:s11], [sflag:$0x2] =	stream.indirect.gather [hbm4b:s7+s8], $0x80, s23, s8, $0xb8;
	[tilespmem:$0x1E800] =	vst v63  }
0x1b8: {  	_ =	swait.ge [sflag:s12], $0x4000  }
0x1b9: {  	[sflag:s12] =	ssyncset.done $0x0  }
0x1ba: {  	[sflag:s12] =	ssyncadd.s32 $0xFFFFC000  }
0x1bb: {  	[tilespmem:s9], [sflag:$0x1] =	stream.indirect.gather [hbm4b:s7+s8], $0x80, s24, s8, $0xb8;
	[tilespmem:$0x1E800] =	vst v63  }
0x1bc: {  	_ =	swait.ge [sflag:s14], $0x4000  }
0x1bd: {  	[sflag:s14] =	ssyncset.done $0x0  }
0x1be: {  	[sflag:s14] =	ssyncadd.s32 $0xFFFFC000  }
0x1bf: {  	[tilespmem:s11], [sflag:$0x2] =	stream.indirect.gather [hbm4b:s7+s8], $0x80, s25, s8, $0xb8;
	[tilespmem:$0x1E800] =	vst v63  }
0x1c0: {  	_ =	swait.ge [sflag:s12], $0x4000  }
0x1c1: {  	[sflag:s12] =	ssyncset.done $0x0  }
0x1c2: {  	[sflag:s12] =	ssyncadd.s32 $0xFFFFC000  }
0x1c3: {  	[tilespmem:s9], [sflag:$0x1] =	stream.indirect.gather [hbm4b:s7+s8], $0x80, s26, s8, $0xb8;
	[tilespmem:$0x1E800] =	vst v63  }
0x1c4: {  	_ =	swait.ge [sflag:s14], $0x4000  }
0x1c5: {  	[sflag:s14] =	ssyncset.done $0x0  }
0x1c6: {  	[sflag:s14] =	ssyncadd.s32 $0xFFFFC000  }
0x1c7: {  	[tilespmem:s11], [sflag:$0x2] =	stream.indirect.gather [hbm4b:s7+s8], $0x80, s28, s8, $0xb8;
	[tilespmem:$0x1E800] =	vst v63  }
0x1c8: {  	_ =	swait.ge [sflag:s12], $0x4000  }
0x1c9: {  	[sflag:s12] =	ssyncset.done $0x0  }
0x1ca: {  	[sflag:s12] =	ssyncadd.s32 $0xFFFFC000  }
0x1cb: {  	[tilespmem:s9], [sflag:$0x1] =	stream.indirect.gather [hbm4b:s7+s8], $0x80, s29, s8, $0xb8;
	[tilespmem:$0x1E800] =	vst v63  }
0x1cc: {  	_ =	swait.ge [sflag:s14], $0x4000  }
0x1cd: {  	[sflag:s14] =	ssyncset.done $0x0  }
0x1ce: {  	[sflag:s14] =	ssyncadd.s32 $0xFFFFC000  }
0x1cf: {  	[tilespmem:s11], [sflag:$0x2] =	stream.indirect.gather [hbm4b:s7+s8], $0x80, s30, s8, $0xb8;
	[tilespmem:$0x1E800] =	vst v63  }
0x1d0: {  	_ =	swait.ge [sflag:s12], $0x4000  }
0x1d1: {  	[sflag:s12] =	ssyncset.done $0x0  }
0x1d2: {  	[sflag:s12] =	ssyncadd.s32 $0xFFFFC000  }
0x1d3: {  	[tilespmem:s9], [sflag:$0x1] =	stream.indirect.gather [hbm4b:s7+s8], $0x80, s31, s8, $0xb8;
	[tilespmem:$0x1E800] =	vst v63  }
0x1d4: {  	_ =	swait.ge [sflag:s14], $0x4000  }
0x1d5: {  	[sflag:s14] =	ssyncset.done $0x0  }
0x1d6: {  	s1 =	simm.s32 $0x1300;
	[sflag:s14] =	ssyncadd.s32 $0xFFFFC000  }
0x1d7: {  	[tilespmem:s11], [sflag:$0x2] =	stream.indirect.gather [hbm4b:s7+s8], $0x80, s1, s8, $0xb8;
	[tilespmem:$0x1E800] =	vst v63  }
0x1d8: {  	_ =	swait.ge [sflag:s12], $0x4000  }
0x1d9: {  	[sflag:s12] =	ssyncset.done $0x0  }
0x1da: {  	s1 =	simm.s32 $0x1400;
	[sflag:s12] =	ssyncadd.s32 $0xFFFFC000  }
0x1db: {  	[tilespmem:s9], [sflag:$0x1] =	stream.indirect.gather [hbm4b:s7+s8], $0x80, s1, s8, $0xb8;
	[tilespmem:$0x1E800] =	vst v63  }
0x1dc: {  	_ =	swait.ge [sflag:s14], $0x4000  }
0x1dd: {  	[sflag:s14] =	ssyncset.done $0x0  }
0x1de: {  	s1 =	simm.s32 $0x1500;
	[sflag:s14] =	ssyncadd.s32 $0xFFFFC000  }
0x1df: {  	[tilespmem:s11], [sflag:$0x2] =	stream.indirect.gather [hbm4b:s7+s8], $0x80, s1, s8, $0xb8;
	[tilespmem:$0x1E800] =	vst v63  }
0x1e0: {  	_ =	swait.ge [sflag:s12], $0x4000  }
0x1e1: {  	[sflag:s12] =	ssyncset.done $0x0  }
0x1e2: {  	s1 =	simm.s32 $0x1600;
	[sflag:s12] =	ssyncadd.s32 $0xFFFFC000  }
0x1e3: {  	[tilespmem:s9], [sflag:$0x1] =	stream.indirect.gather [hbm4b:s7+s8], $0x80, s1, s8, $0xb8;
	[tilespmem:$0x1E800] =	vst v63  }
0x1e4: {  	_ =	swait.ge [sflag:s14], $0x4000  }
0x1e5: {  	[sflag:s14] =	ssyncset.done $0x0  }
0x1e6: {  	s1 =	simm.s32 $0x1700;
	[sflag:s14] =	ssyncadd.s32 $0xFFFFC000  }
0x1e7: {  	[tilespmem:s11], [sflag:$0x2] =	stream.indirect.gather [hbm4b:s7+s8], $0x80, s1, s8, $0xb8;
	[tilespmem:$0x1E800] =	vst v63  }
0x1e8: {  	_ =	swait.ge [sflag:s12], $0x4000  }
0x1e9: {  	[sflag:s12] =	ssyncset.done $0x0  }
0x1ea: {  	s1 =	simm.s32 $0x1800;
	[sflag:s12] =	ssyncadd.s32 $0xFFFFC000  }
0x1eb: {  	[tilespmem:s9], [sflag:$0x1] =	stream.indirect.gather [hbm4b:s7+s8], $0x80, s1, s8, $0xb8;
	[tilespmem:$0x1E800] =	vst v63  }
0x1ec: {  	_ =	swait.ge [sflag:s14], $0x4000  }
0x1ed: {  	[sflag:s14] =	ssyncset.done $0x0  }
0x1ee: {  	s1 =	simm.s32 $0x1900;
	[sflag:s14] =	ssyncadd.s32 $0xFFFFC000  }
0x1ef: {  	[tilespmem:s11], [sflag:$0x2] =	stream.indirect.gather [hbm4b:s7+s8], $0x80, s1, s8, $0xb8;
	[tilespmem:$0x1E800] =	vst v63  }
0x1f0: {  	_ =	swait.ge [sflag:s12], $0x4000  }
0x1f1: {  	[sflag:s12] =	ssyncset.done $0x0  }
0x1f2: {  	s1 =	simm.s32 $0x1A00;
	[sflag:s12] =	ssyncadd.s32 $0xFFFFC000  }
0x1f3: {  	[tilespmem:s9], [sflag:$0x1] =	stream.indirect.gather [hbm4b:s7+s8], $0x80, s1, s8, $0xb8;
	[tilespmem:$0x1E800] =	vst v63  }
0x1f4: {  	_ =	swait.ge [sflag:s14], $0x4000  }
0x1f5: {  	[sflag:s14] =	ssyncset.done $0x0  }
0x1f6: {  	s1 =	simm.s32 $0x1B00;
	[sflag:s14] =	ssyncadd.s32 $0xFFFFC000  }
0x1f7: {  	[tilespmem:s11], [sflag:$0x2] =	stream.indirect.gather [hbm4b:s7+s8], $0x80, s1, s8, $0xb8;
	[tilespmem:$0x1E800] =	vst v63  }
0x1f8: {  	_ =	swait.ge [sflag:s12], $0x4000  }
0x1f9: {  	[sflag:s12] =	ssyncset.done $0x0  }
0x1fa: {  	s1 =	simm.s32 $0x1C00;
	[sflag:s12] =	ssyncadd.s32 $0xFFFFC000  }
0x1fb: {  	[tilespmem:s9], [sflag:$0x1] =	stream.indirect.gather [hbm4b:s7+s8], $0x80, s1, s8, $0xb8;
	[tilespmem:$0x1E800] =	vst v63  }
0x1fc: {  	_ =	swait.ge [sflag:s14], $0x4000  }
0x1fd: {  	[sflag:s14] =	ssyncset.done $0x0  }
0x1fe: {  	s1 =	simm.s32 $0x1D00;
	[sflag:s14] =	ssyncadd.s32 $0xFFFFC000  }
0x1ff: {  	[tilespmem:s11], [sflag:$0x2] =	stream.indirect.gather [hbm4b:s7+s8], $0x80, s1, s8, $0xb8;
	[tilespmem:$0x1E800] =	vst v63  }
0x200: {  	_ =	swait.ge [sflag:s12], $0x4000  }
0x201: {  	[sflag:s12] =	ssyncset.done $0x0  }
0x202: {  	s1 =	simm.s32 $0x1E00;
	[sflag:s12] =	ssyncadd.s32 $0xFFFFC000  }
0x203: {  	[tilespmem:s9], [sflag:$0x1] =	stream.indirect.gather [hbm4b:s7+s8], $0x80, s1, s8, $0xb8;
	[tilespmem:$0x1E800] =	vst v63  }
0x204: {  	_ =	swait.ge [sflag:s14], $0x4000  }
0x205: {  	[sflag:s14] =	ssyncset.done $0x0  }
0x206: {  	s1 =	simm.s32 $0x1F00;
	[sflag:s14] =	ssyncadd.s32 $0xFFFFC000  }
0x207: {  	[tilespmem:s11], [sflag:$0x2] =	stream.indirect.gather [hbm4b:s7+s8], $0x80, s1, s8, $0xb8;
	[tilespmem:$0x1E800] =	vst v63  }
0x208: {  	_ =	swait.ge [sflag:s12], $0x4000  }
0x209: {  	[sflag:s12] =	ssyncset.done $0x0  }
0x20a: {  	s1 =	simm.s32 $0x2000;
	[sflag:s12] =	ssyncadd.s32 $0xFFFFC000  }
0x20b: {  	[tilespmem:s9], [sflag:$0x1] =	stream.indirect.gather [hbm4b:s7+s8], $0x80, s1, s8, $0xb8;
	[tilespmem:$0x1E800] =	vst v63  }
0x20c: {  	_ =	swait.ge [sflag:s14], $0x4000  }
0x20d: {  	[sflag:s14] =	ssyncset.done $0x0  }
0x20e: {  	s1 =	simm.s32 $0x2100;
	[sflag:s14] =	ssyncadd.s32 $0xFFFFC000  }
0x20f: {  	[tilespmem:s11], [sflag:$0x2] =	stream.indirect.gather [hbm4b:s7+s8], $0x80, s1, s8, $0xb8;
	[tilespmem:$0x1E800] =	vst v63  }
0x210: {  	_ =	swait.ge [sflag:s12], $0x4000  }
0x211: {  	[sflag:s12] =	ssyncset.done $0x0  }
0x212: {  	s1 =	simm.s32 $0x2200;
	[sflag:s12] =	ssyncadd.s32 $0xFFFFC000  }
0x213: {  	[tilespmem:s9], [sflag:$0x1] =	stream.indirect.gather [hbm4b:s7+s8], $0x80, s1, s8, $0xb8;
	[tilespmem:$0x1E800] =	vst v63  }
0x214: {  	_ =	swait.ge [sflag:s14], $0x4000  }
0x215: {  	[sflag:s14] =	ssyncset.done $0x0  }
0x216: {  	s1 =	simm.s32 $0x2300;
	[sflag:s14] =	ssyncadd.s32 $0xFFFFC000  }
0x217: {  	[tilespmem:s11], [sflag:$0x2] =	stream.indirect.gather [hbm4b:s7+s8], $0x80, s1, s8, $0xb8;
	[tilespmem:$0x1E800] =	vst v63  }
0x218: {  	_ =	swait.ge [sflag:s12], $0x4000  }
0x219: {  	[sflag:s12] =	ssyncset.done $0x0  }
0x21a: {  	s1 =	simm.s32 $0x2400;
	[sflag:s12] =	ssyncadd.s32 $0xFFFFC000  }
0x21b: {  	[tilespmem:s9], [sflag:$0x1] =	stream.indirect.gather [hbm4b:s7+s8], $0x80, s1, s8, $0xb8;
	[tilespmem:$0x1E800] =	vst v63  }
0x21c: {  	_ =	swait.ge [sflag:s14], $0x4000  }
0x21d: {  	[sflag:s14] =	ssyncset.done $0x0  }
0x21e: {  	s1 =	simm.s32 $0x2500;
	[sflag:s14] =	ssyncadd.s32 $0xFFFFC000  }
0x21f: {  	[tilespmem:s11], [sflag:$0x2] =	stream.indirect.gather [hbm4b:s7+s8], $0x80, s1, s8, $0xb8;
	[tilespmem:$0x1E800] =	vst v63  }
0x220: {  	_ =	swait.ge [sflag:s12], $0x4000  }
0x221: {  	[sflag:s12] =	ssyncset.done $0x0  }
0x222: {  	s1 =	simm.s32 $0x2600;
	[sflag:s12] =	ssyncadd.s32 $0xFFFFC000  }
0x223: {  	[tilespmem:s9], [sflag:$0x1] =	stream.indirect.gather [hbm4b:s7+s8], $0x80, s1, s8, $0xb8;
	[tilespmem:$0x1E800] =	vst v63  }
0x224: {  	_ =	swait.ge [sflag:s14], $0x4000  }
0x225: {  	[sflag:s14] =	ssyncset.done $0x0  }
0x226: {  	s1 =	simm.s32 $0x2700;
	[sflag:s14] =	ssyncadd.s32 $0xFFFFC000  }
0x227: {  	[tilespmem:s11], [sflag:$0x2] =	stream.indirect.gather [hbm4b:s7+s8], $0x80, s1, s8, $0xb8;
	[tilespmem:$0x1E800] =	vst v63  }
0x228: {  	_ =	swait.ge [sflag:s12], $0x4000  }
0x229: {  	[sflag:s12] =	ssyncset.done $0x0  }
0x22a: {  	[sflag:s12] =	ssyncadd.s32 $0xFFFFC000  }
0x22b: {  	_ =	swait.ge [sflag:s14], $0x4000  }
0x22c: {  	[sflag:s14] =	ssyncset.done $0x0  }
0x22d: {  	s1 =	rddreg [dreg:$0x6];
	[sflag:s14] =	ssyncadd.s32 $0xFFFFC000  }
0x22e: {  	[tilespmem:s4], [sflag:$0x3] =	stream.linear.gather [hbm4b:s1+s4], $0x2800, $0x38;
	[tilespmem:$0x1E800] =	vst v63  }
0x22f: {  	_ =	swait.ge [sflag:s5], $0x2800  }
0x230: {  	[sflag:s5] =	ssyncset.done $0x0  }
0x231: {  	[sflag:s5] =	ssyncadd.s32 $0xFFFFD800  }
0x232: {  	[tilespmem:s9], [sflag:$0x1] =	stream.indirect.gather [hbm4b:s7+s8], $0x80, s4, s8, $0xb8;
	[tilespmem:$0x1E800] =	vst v63  }
0x233: {  	_ = 	snop  }
0x234: {  	[tilespmem:s11], [sflag:$0x2] =	stream.indirect.gather [hbm4b:s7+s8], $0x80, s10, s8, $0xb8;
	[tilespmem:$0x1E800] =	vst v63  }
0x235: {  	_ =	swait.ge [sflag:s12], $0x4000  }
0x236: {  	[sflag:s12] =	ssyncset.done $0x0  }
0x237: {  	[sflag:s12] =	ssyncadd.s32 $0xFFFFC000  }
0x238: {  	[spmem:s2] =	stream.indirect.scatter.add.f32 [tilespmem:s9], [sflag:$0x3], $0x80, s8, s8, $0xb8;
	[tilespmem:$0x1E800] =	vst v63  }
0x239: {  	_ =	swait.ge [sflag:s5], $0x4000  }
0x23a: {  	[sflag:s5] =	ssyncset.done $0x0  }
0x23b: {  	[sflag:s5] =	ssyncadd.s32 $0xFFFFC000  }
0x23c: {  	[tilespmem:s9], [sflag:$0x1] =	stream.indirect.gather [hbm4b:s7+s8], $0x80, s13, s8, $0xb8;
	[tilespmem:$0x1E800] =	vst v63  }
0x23d: {  	_ =	swait.ge [sflag:s14], $0x4000  }
0x23e: {  	[sflag:s14] =	ssyncset.done $0x0  }
0x23f: {  	[sflag:s14] =	ssyncadd.s32 $0xFFFFC000  }
0x240: {  	[tilespmem:s11], [sflag:$0x2] =	stream.indirect.gather [hbm4b:s7+s8], $0x80, s15, s8, $0xb8;
	[tilespmem:$0x1E800] =	vst v63  }
0x241: {  	_ =	swait.ge [sflag:s12], $0x4000  }
0x242: {  	[sflag:s12] =	ssyncset.done $0x0  }
0x243: {  	[sflag:s12] =	ssyncadd.s32 $0xFFFFC000  }
0x244: {  	[tilespmem:s9], [sflag:$0x1] =	stream.indirect.gather [hbm4b:s7+s8], $0x80, s16, s8, $0xb8;
	[tilespmem:$0x1E800] =	vst v63  }
0x245: {  	_ =	swait.ge [sflag:s14], $0x4000  }
0x246: {  	[sflag:s14] =	ssyncset.done $0x0  }
0x247: {  	[sflag:s14] =	ssyncadd.s32 $0xFFFFC000  }
0x248: {  	[tilespmem:s11], [sflag:$0x2] =	stream.indirect.gather [hbm4b:s7+s8], $0x80, s17, s8, $0xb8;
	[tilespmem:$0x1E800] =	vst v63  }
0x249: {  	_ =	swait.ge [sflag:s12], $0x4000  }
0x24a: {  	[sflag:s12] =	ssyncset.done $0x0  }
0x24b: {  	[sflag:s12] =	ssyncadd.s32 $0xFFFFC000  }
0x24c: {  	[tilespmem:s9], [sflag:$0x1] =	stream.indirect.gather [hbm4b:s7+s8], $0x80, s18, s8, $0xb8;
	[tilespmem:$0x1E800] =	vst v63  }
0x24d: {  	_ =	swait.ge [sflag:s14], $0x4000  }
0x24e: {  	[sflag:s14] =	ssyncset.done $0x0  }
0x24f: {  	[sflag:s14] =	ssyncadd.s32 $0xFFFFC000  }
0x250: {  	[tilespmem:s11], [sflag:$0x2] =	stream.indirect.gather [hbm4b:s7+s8], $0x80, s19, s8, $0xb8;
	[tilespmem:$0x1E800] =	vst v63  }
0x251: {  	_ =	swait.ge [sflag:s12], $0x4000  }
0x252: {  	[sflag:s12] =	ssyncset.done $0x0  }
0x253: {  	[sflag:s12] =	ssyncadd.s32 $0xFFFFC000  }
0x254: {  	[tilespmem:s9], [sflag:$0x1] =	stream.indirect.gather [hbm4b:s7+s8], $0x80, s20, s8, $0xb8;
	[tilespmem:$0x1E800] =	vst v63  }
0x255: {  	_ =	swait.ge [sflag:s14], $0x4000  }
0x256: {  	[sflag:s14] =	ssyncset.done $0x0  }
0x257: {  	[sflag:s14] =	ssyncadd.s32 $0xFFFFC000  }
0x258: {  	[tilespmem:s11], [sflag:$0x2] =	stream.indirect.gather [hbm4b:s7+s8], $0x80, s21, s8, $0xb8;
	[tilespmem:$0x1E800] =	vst v63  }
0x259: {  	_ =	swait.ge [sflag:s12], $0x4000  }
0x25a: {  	[sflag:s12] =	ssyncset.done $0x0  }
0x25b: {  	[sflag:s12] =	ssyncadd.s32 $0xFFFFC000  }
0x25c: {  	[tilespmem:s9], [sflag:$0x1] =	stream.indirect.gather [hbm4b:s7+s8], $0x80, s22, s8, $0xb8;
	[tilespmem:$0x1E800] =	vst v63  }
0x25d: {  	_ =	swait.ge [sflag:s14], $0x4000  }
0x25e: {  	[sflag:s14] =	ssyncset.done $0x0  }
0x25f: {  	[sflag:s14] =	ssyncadd.s32 $0xFFFFC000  }
0x260: {  	[tilespmem:s11], [sflag:$0x2] =	stream.indirect.gather [hbm4b:s7+s8], $0x80, s23, s8, $0xb8;
	[tilespmem:$0x1E800] =	vst v63  }
0x261: {  	_ =	swait.ge [sflag:s12], $0x4000  }
0x262: {  	[sflag:s12] =	ssyncset.done $0x0  }
0x263: {  	[sflag:s12] =	ssyncadd.s32 $0xFFFFC000  }
0x264: {  	[tilespmem:s9], [sflag:$0x1] =	stream.indirect.gather [hbm4b:s7+s8], $0x80, s24, s8, $0xb8;
	[tilespmem:$0x1E800] =	vst v63  }
0x265: {  	_ =	swait.ge [sflag:s14], $0x4000  }
0x266: {  	[sflag:s14] =	ssyncset.done $0x0  }
0x267: {  	[sflag:s14] =	ssyncadd.s32 $0xFFFFC000  }
0x268: {  	[tilespmem:s11], [sflag:$0x2] =	stream.indirect.gather [hbm4b:s7+s8], $0x80, s25, s8, $0xb8;
	[tilespmem:$0x1E800] =	vst v63  }
0x269: {  	_ =	swait.ge [sflag:s12], $0x4000  }
0x26a: {  	[sflag:s12] =	ssyncset.done $0x0  }
0x26b: {  	[sflag:s12] =	ssyncadd.s32 $0xFFFFC000  }
0x26c: {  	[tilespmem:s9], [sflag:$0x1] =	stream.indirect.gather [hbm4b:s7+s8], $0x80, s26, s8, $0xb8;
	[tilespmem:$0x1E800] =	vst v63  }
0x26d: {  	_ =	swait.ge [sflag:s14], $0x4000  }
0x26e: {  	[sflag:s14] =	ssyncset.done $0x0  }
0x26f: {  	[sflag:s14] =	ssyncadd.s32 $0xFFFFC000  }
0x270: {  	[tilespmem:s11], [sflag:$0x2] =	stream.indirect.gather [hbm4b:s7+s8], $0x80, s28, s8, $0xb8;
	[tilespmem:$0x1E800] =	vst v63  }
0x271: {  	_ =	swait.ge [sflag:s12], $0x4000  }
0x272: {  	[sflag:s12] =	ssyncset.done $0x0  }
0x273: {  	[sflag:s12] =	ssyncadd.s32 $0xFFFFC000  }
0x274: {  	[tilespmem:s9], [sflag:$0x1] =	stream.indirect.gather [hbm4b:s7+s8], $0x80, s29, s8, $0xb8;
	[tilespmem:$0x1E800] =	vst v63  }
0x275: {  	_ =	swait.ge [sflag:s14], $0x4000  }
0x276: {  	[sflag:s14] =	ssyncset.done $0x0  }
0x277: {  	[sflag:s14] =	ssyncadd.s32 $0xFFFFC000  }
0x278: {  	[tilespmem:s11], [sflag:$0x2] =	stream.indirect.gather [hbm4b:s7+s8], $0x80, s30, s8, $0xb8;
	[tilespmem:$0x1E800] =	vst v63  }
0x279: {  	_ =	swait.ge [sflag:s12], $0x4000  }
0x27a: {  	[sflag:s12] =	ssyncset.done $0x0  }
0x27b: {  	[sflag:s12] =	ssyncadd.s32 $0xFFFFC000  }
0x27c: {  	[tilespmem:s9], [sflag:$0x1] =	stream.indirect.gather [hbm4b:s7+s8], $0x80, s31, s8, $0xb8;
	[tilespmem:$0x1E800] =	vst v63  }
0x27d: {  	_ =	swait.ge [sflag:s14], $0x4000  }
0x27e: {  	[sflag:s14] =	ssyncset.done $0x0  }
0x27f: {  	s2 =	simm.s32 $0x1300;
	[sflag:s14] =	ssyncadd.s32 $0xFFFFC000  }
0x280: {  	[tilespmem:s11], [sflag:$0x2] =	stream.indirect.gather [hbm4b:s7+s8], $0x80, s2, s8, $0xb8;
	[tilespmem:$0x1E800] =	vst v63  }
0x281: {  	_ =	swait.ge [sflag:s12], $0x4000  }
0x282: {  	[sflag:s12] =	ssyncset.done $0x0  }
0x283: {  	s2 =	simm.s32 $0x1400;
	[sflag:s12] =	ssyncadd.s32 $0xFFFFC000  }
0x284: {  	[tilespmem:s9], [sflag:$0x1] =	stream.indirect.gather [hbm4b:s7+s8], $0x80, s2, s8, $0xb8;
	[tilespmem:$0x1E800] =	vst v63  }
0x285: {  	_ =	swait.ge [sflag:s14], $0x4000  }
0x286: {  	[sflag:s14] =	ssyncset.done $0x0  }
0x287: {  	s2 =	simm.s32 $0x1500;
	[sflag:s14] =	ssyncadd.s32 $0xFFFFC000  }
0x288: {  	[tilespmem:s11], [sflag:$0x2] =	stream.indirect.gather [hbm4b:s7+s8], $0x80, s2, s8, $0xb8;
	[tilespmem:$0x1E800] =	vst v63  }
0x289: {  	_ =	swait.ge [sflag:s12], $0x4000  }
0x28a: {  	[sflag:s12] =	ssyncset.done $0x0  }
0x28b: {  	s2 =	simm.s32 $0x1600;
	[sflag:s12] =	ssyncadd.s32 $0xFFFFC000  }
0x28c: {  	[tilespmem:s9], [sflag:$0x1] =	stream.indirect.gather [hbm4b:s7+s8], $0x80, s2, s8, $0xb8;
	[tilespmem:$0x1E800] =	vst v63  }
0x28d: {  	_ =	swait.ge [sflag:s14], $0x4000  }
0x28e: {  	[sflag:s14] =	ssyncset.done $0x0  }
0x28f: {  	s2 =	simm.s32 $0x1700;
	[sflag:s14] =	ssyncadd.s32 $0xFFFFC000  }
0x290: {  	[tilespmem:s11], [sflag:$0x2] =	stream.indirect.gather [hbm4b:s7+s8], $0x80, s2, s8, $0xb8;
	[tilespmem:$0x1E800] =	vst v63  }
0x291: {  	_ =	swait.ge [sflag:s12], $0x4000  }
0x292: {  	[sflag:s12] =	ssyncset.done $0x0  }
0x293: {  	s2 =	simm.s32 $0x1800;
	[sflag:s12] =	ssyncadd.s32 $0xFFFFC000  }
0x294: {  	[tilespmem:s9], [sflag:$0x1] =	stream.indirect.gather [hbm4b:s7+s8], $0x80, s2, s8, $0xb8;
	[tilespmem:$0x1E800] =	vst v63  }
0x295: {  	_ =	swait.ge [sflag:s14], $0x4000  }
0x296: {  	[sflag:s14] =	ssyncset.done $0x0  }
0x297: {  	s2 =	simm.s32 $0x1900;
	[sflag:s14] =	ssyncadd.s32 $0xFFFFC000  }
0x298: {  	[tilespmem:s11], [sflag:$0x2] =	stream.indirect.gather [hbm4b:s7+s8], $0x80, s2, s8, $0xb8;
	[tilespmem:$0x1E800] =	vst v63  }
0x299: {  	_ =	swait.ge [sflag:s12], $0x4000  }
0x29a: {  	[sflag:s12] =	ssyncset.done $0x0  }
0x29b: {  	s2 =	simm.s32 $0x1A00;
	[sflag:s12] =	ssyncadd.s32 $0xFFFFC000  }
0x29c: {  	[tilespmem:s9], [sflag:$0x1] =	stream.indirect.gather [hbm4b:s7+s8], $0x80, s2, s8, $0xb8;
	[tilespmem:$0x1E800] =	vst v63  }
0x29d: {  	_ =	swait.ge [sflag:s14], $0x4000  }
0x29e: {  	[sflag:s14] =	ssyncset.done $0x0  }
0x29f: {  	s2 =	simm.s32 $0x1B00;
	[sflag:s14] =	ssyncadd.s32 $0xFFFFC000  }
0x2a0: {  	[tilespmem:s11], [sflag:$0x2] =	stream.indirect.gather [hbm4b:s7+s8], $0x80, s2, s8, $0xb8;
	[tilespmem:$0x1E800] =	vst v63  }
0x2a1: {  	_ =	swait.ge [sflag:s12], $0x4000  }
0x2a2: {  	[sflag:s12] =	ssyncset.done $0x0  }
0x2a3: {  	s2 =	simm.s32 $0x1C00;
	[sflag:s12] =	ssyncadd.s32 $0xFFFFC000  }
0x2a4: {  	[tilespmem:s9], [sflag:$0x1] =	stream.indirect.gather [hbm4b:s7+s8], $0x80, s2, s8, $0xb8;
	[tilespmem:$0x1E800] =	vst v63  }
0x2a5: {  	_ =	swait.ge [sflag:s14], $0x4000  }
0x2a6: {  	[sflag:s14] =	ssyncset.done $0x0  }
0x2a7: {  	s2 =	simm.s32 $0x1D00;
	[sflag:s14] =	ssyncadd.s32 $0xFFFFC000  }
0x2a8: {  	[tilespmem:s11], [sflag:$0x2] =	stream.indirect.gather [hbm4b:s7+s8], $0x80, s2, s8, $0xb8;
	[tilespmem:$0x1E800] =	vst v63  }
0x2a9: {  	_ =	swait.ge [sflag:s12], $0x4000  }
0x2aa: {  	[sflag:s12] =	ssyncset.done $0x0  }
0x2ab: {  	s2 =	simm.s32 $0x1E00;
	[sflag:s12] =	ssyncadd.s32 $0xFFFFC000  }
0x2ac: {  	[tilespmem:s9], [sflag:$0x1] =	stream.indirect.gather [hbm4b:s7+s8], $0x80, s2, s8, $0xb8;
	[tilespmem:$0x1E800] =	vst v63  }
0x2ad: {  	_ =	swait.ge [sflag:s14], $0x4000  }
0x2ae: {  	[sflag:s14] =	ssyncset.done $0x0  }
0x2af: {  	s2 =	simm.s32 $0x1F00;
	[sflag:s14] =	ssyncadd.s32 $0xFFFFC000  }
0x2b0: {  	[tilespmem:s11], [sflag:$0x2] =	stream.indirect.gather [hbm4b:s7+s8], $0x80, s2, s8, $0xb8;
	[tilespmem:$0x1E800] =	vst v63  }
0x2b1: {  	_ =	swait.ge [sflag:s12], $0x4000  }
0x2b2: {  	[sflag:s12] =	ssyncset.done $0x0  }
0x2b3: {  	s2 =	simm.s32 $0x2000;
	[sflag:s12] =	ssyncadd.s32 $0xFFFFC000  }
0x2b4: {  	[tilespmem:s9], [sflag:$0x1] =	stream.indirect.gather [hbm4b:s7+s8], $0x80, s2, s8, $0xb8;
	[tilespmem:$0x1E800] =	vst v63  }
0x2b5: {  	_ =	swait.ge [sflag:s14], $0x4000  }
0x2b6: {  	[sflag:s14] =	ssyncset.done $0x0  }
0x2b7: {  	s2 =	simm.s32 $0x2100;
	[sflag:s14] =	ssyncadd.s32 $0xFFFFC000  }
0x2b8: {  	[tilespmem:s11], [sflag:$0x2] =	stream.indirect.gather [hbm4b:s7+s8], $0x80, s2, s8, $0xb8;
	[tilespmem:$0x1E800] =	vst v63  }
0x2b9: {  	_ =	swait.ge [sflag:s12], $0x4000  }
0x2ba: {  	[sflag:s12] =	ssyncset.done $0x0  }
0x2bb: {  	s2 =	simm.s32 $0x2200;
	[sflag:s12] =	ssyncadd.s32 $0xFFFFC000  }
0x2bc: {  	[tilespmem:s9], [sflag:$0x1] =	stream.indirect.gather [hbm4b:s7+s8], $0x80, s2, s8, $0xb8;
	[tilespmem:$0x1E800] =	vst v63  }
0x2bd: {  	_ =	swait.ge [sflag:s14], $0x4000  }
0x2be: {  	[sflag:s14] =	ssyncset.done $0x0  }
0x2bf: {  	s2 =	simm.s32 $0x2300;
	[sflag:s14] =	ssyncadd.s32 $0xFFFFC000  }
0x2c0: {  	[tilespmem:s11], [sflag:$0x2] =	stream.indirect.gather [hbm4b:s7+s8], $0x80, s2, s8, $0xb8;
	[tilespmem:$0x1E800] =	vst v63  }
0x2c1: {  	_ =	swait.ge [sflag:s12], $0x4000  }
0x2c2: {  	[sflag:s12] =	ssyncset.done $0x0  }
0x2c3: {  	s2 =	simm.s32 $0x2400;
	[sflag:s12] =	ssyncadd.s32 $0xFFFFC000  }
0x2c4: {  	[tilespmem:s9], [sflag:$0x1] =	stream.indirect.gather [hbm4b:s7+s8], $0x80, s2, s8, $0xb8;
	[tilespmem:$0x1E800] =	vst v63  }
0x2c5: {  	_ =	swait.ge [sflag:s14], $0x4000  }
0x2c6: {  	[sflag:s14] =	ssyncset.done $0x0  }
0x2c7: {  	s2 =	simm.s32 $0x2500;
	[sflag:s14] =	ssyncadd.s32 $0xFFFFC000  }
0x2c8: {  	[tilespmem:s11], [sflag:$0x2] =	stream.indirect.gather [hbm4b:s7+s8], $0x80, s2, s8, $0xb8;
	[tilespmem:$0x1E800] =	vst v63  }
0x2c9: {  	_ =	swait.ge [sflag:s12], $0x4000  }
0x2ca: {  	[sflag:s12] =	ssyncset.done $0x0  }
0x2cb: {  	s2 =	simm.s32 $0x2600;
	[sflag:s12] =	ssyncadd.s32 $0xFFFFC000  }
0x2cc: {  	[tilespmem:s9], [sflag:$0x1] =	stream.indirect.gather [hbm4b:s7+s8], $0x80, s2, s8, $0xb8;
	[tilespmem:$0x1E800] =	vst v63  }
0x2cd: {  	_ =	swait.ge [sflag:s14], $0x4000  }
0x2ce: {  	[sflag:s14] =	ssyncset.done $0x0  }
0x2cf: {  	s2 =	simm.s32 $0x2700;
	[sflag:s14] =	ssyncadd.s32 $0xFFFFC000  }
0x2d0: {  	[tilespmem:s11], [sflag:$0x2] =	stream.indirect.gather [hbm4b:s7+s8], $0x80, s2, s8, $0xb8;
	[tilespmem:$0x1E800] =	vst v63  }
0x2d1: {  	_ =	swait.ge [sflag:s12], $0x4000  }
0x2d2: {  	[sflag:s12] =	ssyncset.done $0x0  }
0x2d3: {  	[sflag:s12] =	ssyncadd.s32 $0xFFFFC000  }
0x2d4: {  	_ =	swait.ge [sflag:s14], $0x4000  }
0x2d5: {  	p0 =	sne.s32 s0, $0x1;
	[sflag:s14] =	ssyncset.done $0x0  }
.Ltmp1:
0x2d6: {  	[sflag:s14] =	ssyncadd.s32 $0xFFFFC000;
	(pc) =	sbr.rel @p0 .LBB2_2-.Ltmp1, $4  }
0x2d7: {  	[bflag:$0x0] =	sbarrier.arrive $0xFFFF  }
0x2d8: {  	s2 =	rddreg [dreg:$0x7]  }
0x2d9: {  	[hbm:s2], [sflag:s6] =	dma.local [spmem:s3], $0x2800  }
0x2da: {  	s0 =	sadd.s32 $0xFFFFFFFF, s0;
	_ =	swait.ge [sflag:s5], $0x2800  }
.LBB2_3:
0x2db: {  	[sflag:s5] =	ssyncset.done $0x0  }
0x2dc: {  	[sflag:s5] =	ssyncadd.s32 $0xFFFFD800  }
0x2dd: {  	_ =	sfence.sel $0x180000  }
0x2de: {  	[bflag:$0x0] =	sbarrier.arrive $0xFFFF  }
0x2df: {  	_ =	strace $0x9000004D  }
0x2e0: {  	s0 =	stileid.u32;
	[bflag:$0x2] =	sbarrier.arrive $0xFFFF  }
0x2e1: {  	p0 =	sne.s32 s0, $0x0;
	s0 =	rddreg [dreg:$0x3]  }
0x2e2: {  	s0 =	sadd.s32 @!p0 $0x100000, s0  }
0x2e3: {  	[sflag:s0] =	ssyncadd.tile.s32 @!p0 $0x1;
	_ =	shalt  }
.Lfunc_end2:
_tile_overlayer_lowered:
.L_overlay_start_2:
0x2e4: {  	(tag) =	ssettag $0x2  }
0x2e5: {  	s0 =	rddreg [dreg:$0x0];
	s2 =	stileid.u32  }
0x2e6: {  	s1 =	rddreg [dreg:$0x1];
	p0 =	sne.s32 s2, $0x0  }
0x2e7: {  	s3 =	rddreg [dreg:$0x2];
	[bflag:$0x3] =	sbarrier.arrive $0xFFFF;
	s2 =	simm.s32 @!p0 $0x1C03  }
0x2e8: {  	[timem:s3], [sflag:s2] =	dma.local @!p0 [hbm:s0], s1  }
0x2e9: {  	s0 =	simm.s32 @!p0 $0x3  }
0x2ea: {  	_ =	swait.ge @!p0 [sflag:s0], s1  }
0x2eb: {  	s1 =	ssub.s32 @!p0 $0x0, s1;
	[sflag:s0] =	ssyncset.done @!p0 $0x0  }
0x2ec: {  	[sflag:s0] =	ssyncadd.s32 @!p0 s1  }
0x2ed: {  	[bflag:$0x3] =	sbarrier.arrive $0xFFFF  }
0x2ee: {  	_ =	shalt  }

// kernel: kernel.8.cloned.1.call-start
scs
__scs_entry_jumppad:
0x0: {  	(pc) =	sbr.rel $0x88, $3  }
0x1: {  	(tag) =	ssettag $0x0;
	lr =	simm.s32 $0x1  }
0x2: {  	[smem:$0x3F9B] =	sst lr;
	_ =	strace $0xD0000000  }
0x3: {  	_ = 	snop  }
0x4: {  	_ = 	snop  }
0x5: {  	_ = 	snop  }
0x6: {  	_ = 	snop  }
0x7: {  	_ = 	snop  }
__scs_overlays_trampoline_lowered:
0x8: {  	[smem:$0x3FAA] =	sst s0  }
0x9: {  	[smem:$0x3FAB] =	sst s1  }
0xa: {  	[smem:$0x3FAC] =	sst s2  }
0xb: {  	[smem:$0x3FAD] =	sst s3  }
0xc: {  	[smem:$0x3FAE] =	sst s4  }
0xd: {  	[smem:$0x3FAF] =	sst s5  }
0xe: {  	[smem:$0x3FB0] =	sst s6  }
0xf: {  	[smem:$0x3FB1] =	sst s7  }
0x10: {  	[smem:$0x3FB2] =	sst s8  }
0x11: {  	[smem:$0x3FB3] =	sst s9;
	s0 =	simm.s32 @!p0 $0x0  }
0x12: {  	s1 =	sld [smem:$0x3F99];
	s0 =	simm.s32 @p0 $0x1  }
0x13: {  	[smem:$0x3FB4] =	sst s0;
	s0 =	simm.s32 @!p1 $0x0  }
0x14: {  	s2 =	sld [smem:$0x3F98];
	s0 =	simm.s32 @p1 $0x1  }
0x15: {  	[smem:$0x3FB5] =	sst s0;
	s0 =	simm.s32 @!p2 $0x0  }
0x16: {  	s3 =	sld [smem:$0x3FDB];
	s0 =	simm.s32 @p2 $0x1  }
0x17: {  	s4 =	simm.s32 $0x1BF5;
	[smem:$0x3FB7] =	sst s0  }
0x18: {  	s0 =	sld [smem:$0x3F9A];
	_ =	swait.ge [sflag:s4], $0x0  }
0x19: {  	s7 =	sld [smem:$0x3F9B]  }
0x1a: {  	s8 =	sadd.s32 $0xFFFFE003, lr  }
0x1b: {  	s9 =	sadd.s32 $0xFFFFFEF7, lr;
	s5 =	simm.s32 $0xFFFFFFFF;
	p2 =	slt.u32 s8, $0xFFFFF086  }
0x1c: {  	p1 =	slt.u32 s9, $0xF7A;
	s5 =	simm.s32 @!p2 $0x0  }
0x1d: {  	s5 =	simm.s32 @p1 $0x1;
	p0 =	seq.s32 s7, s2  }
0x1e: {  	s7 =	smul.u32 @!p0 $0xF7A, s2;
	p2 =	seq.s32 @!p0 s5, $0x0  }
0x1f: {  	s9 =	smul.u32 $0xF7A, s1;
	s8 =	simm.s32 @!p0 $0x1BF5;
	p2 =	por !p2, p0  }
0x20: {  	[sflag:s8] =	ssyncset.s32 @!p0 $0xFFFFF086;
	s6 =	sadd.s32 @!p0 s3, s7;
	s7 =	simm.s32 @!p0 $0x108  }
0x21: {  	s3 =	sadd.s32 s3, s9;
	s6 =	sadd.s32 @!p0 $0x88, s6;
	s7 =	simm.s32 @p2 $0x1082  }
0x22: {  	[simem:s7], [sflag:s8] =	dma.local @!p0 [hbm:s6], $0xF7A  }
0x23: {  	s9 =	sor.u32 $0xD0000000, s2;
	s6 =	simm.s32 $0x108;
	_ =	swait.ge @!p0 [sflag:s8], $0x0  }
0x24: {  	s3 =	sadd.s32 $0x88, s3;
	s6 =	simm.s32 @!p1 $0x1082;
	[sflag:s4] =	ssyncset.s32 $0xFFFFF086  }
0x25: {  	[simem:s6], [sflag:s4] =	dma.local [hbm:s3], $0xF7A  }
0x26: {  	[smem:$0x3F9B] =	sst s1;
	(tag) =	ssettag s2;
	_ =	strace s9  }
0x27: {  	s1 =	sld [smem:$0x3FAB]  }
0x28: {  	s2 =	sld [smem:$0x3FAC]  }
0x29: {  	s4 =	sld [smem:$0x3FAE]  }
0x2a: {  	p0 =	seq.s32 s5, $0x0;
	s5 =	sld [smem:$0x3FAF]  }
0x2b: {  	s6 =	sld [smem:$0x3FB0]  }
0x2c: {  	s7 =	sld [smem:$0x3FB1]  }
0x2d: {  	s3 =	simm.s32 $0x108;
	s8 =	sld [smem:$0x3FB2]  }
0x2e: {  	s3 =	simm.s32 @!p0 $0x1082;
	s9 =	sld [smem:$0x3FB3]  }
0x2f: {  	lr =	sadd.s32 s0, s3;
	s0 =	sld [smem:$0x3FAA]  }
0x30: {  	s3 =	sld [smem:$0x3FAD]  }
0x31: {  	[smem:$0x3FB6] =	sst s10  }
0x32: {  	s10 =	sld [smem:$0x3FB4];
	_ =	sdelay $0x3  }
0x33: {  	p0 =	seq.s32 s10, $0x1;
	s10 =	sld [smem:$0x3FB6];
	_ =	sdelay $0x3  }
0x34: {  	[smem:$0x3FB6] =	sst s10  }
0x35: {  	s10 =	sld [smem:$0x3FB5];
	_ =	sdelay $0x3  }
0x36: {  	p1 =	seq.s32 s10, $0x1;
	s10 =	sld [smem:$0x3FB6];
	_ =	sdelay $0x3  }
0x37: {  	[smem:$0x3FB6] =	sst s10  }
0x38: {  	s10 =	sld [smem:$0x3FB7]  }
0x39: {  	_ = 	snop;
	(pc) =	sbr.ind lr, $3  }
0x3a: {  	_ = 	snop  }
0x3b: {  	_ = 	snop  }
0x3c: {  	p2 =	seq.s32 s10, $0x1;
	s10 =	sld [smem:$0x3FB6]  }
0x3d: {  	_ =	shalt  }
0x3e: {  	_ =	shalt  }
0x3f: {  	_ =	shalt  }
0x40: {  	_ =	shalt  }
0x41: {  	_ =	shalt  }
0x42: {  	_ =	shalt  }
0x43: {  	_ =	shalt  }
0x44: {  	_ =	shalt  }
0x45: {  	_ =	shalt  }
0x46: {  	_ =	shalt  }
0x47: {  	_ =	shalt  }
0x48: {  	_ =	shalt  }
0x49: {  	_ =	shalt  }
0x4a: {  	_ =	shalt  }
0x4b: {  	_ =	shalt  }
0x4c: {  	_ =	shalt  }
0x4d: {  	_ =	shalt  }
0x4e: {  	_ =	shalt  }
0x4f: {  	_ =	shalt  }
0x50: {  	_ =	shalt  }
0x51: {  	_ =	shalt  }
0x52: {  	_ =	shalt  }
0x53: {  	_ =	shalt  }
0x54: {  	_ =	shalt  }
0x55: {  	_ =	shalt  }
0x56: {  	_ =	shalt  }
0x57: {  	_ =	shalt  }
0x58: {  	_ =	shalt  }
0x59: {  	_ =	shalt  }
0x5a: {  	_ =	shalt  }
0x5b: {  	_ =	shalt  }
0x5c: {  	_ =	shalt  }
0x5d: {  	_ =	shalt  }
0x5e: {  	_ =	shalt  }
0x5f: {  	_ =	shalt  }
0x60: {  	_ =	shalt  }
0x61: {  	_ =	shalt  }
0x62: {  	_ =	shalt  }
0x63: {  	_ =	shalt  }
0x64: {  	_ =	shalt  }
0x65: {  	_ =	shalt  }
0x66: {  	_ =	shalt  }
0x67: {  	_ =	shalt  }
0x68: {  	_ =	shalt  }
0x69: {  	_ =	shalt  }
0x6a: {  	_ =	shalt  }
0x6b: {  	_ =	shalt  }
0x6c: {  	_ =	shalt  }
0x6d: {  	_ =	shalt  }
0x6e: {  	_ =	shalt  }
0x6f: {  	_ =	shalt  }
0x70: {  	_ =	shalt  }
0x71: {  	_ =	shalt  }
0x72: {  	_ =	shalt  }
0x73: {  	_ =	shalt  }
0x74: {  	_ =	shalt  }
0x75: {  	_ =	shalt  }
0x76: {  	_ =	shalt  }
0x77: {  	_ =	shalt  }
0x78: {  	_ =	shalt  }
0x79: {  	_ =	shalt  }
0x7a: {  	_ =	shalt  }
0x7b: {  	_ =	shalt  }
0x7c: {  	_ =	shalt  }
0x7d: {  	_ =	shalt  }
0x7e: {  	_ =	shalt  }
0x7f: {  	_ =	shalt  }
0x80: {  	_ =	shalt  }
0x81: {  	_ =	shalt  }
0x82: {  	_ =	shalt  }
0x83: {  	_ =	shalt  }
0x84: {  	_ =	shalt  }
0x85: {  	_ =	shalt  }
0x86: {  	_ =	shalt  }
0x87: {  	_ =	shalt  }
.Lfunc_end0:
.L_simem_size_0:
called_computation_lowered:
.L_overlay_start_0:
0x88: {  	s2 =	sld [smem:$0x3FD9]  }
0x89: {  	s3 =	sld [smem:$0x3FFE];
	_ =	sdelay $0x1  }
0x8a: {  	s1 =	srdreg.scid  }
0x8b: {  	s0 =	sand.u32 $0x1, s1  }
0x8c: {  	s16 =	sshll.u32 s0, $0xA;
	s2 =	sadd.s32 s3, s2  }
0x8d: {  	s2 =	sadd.s32 s2, s16  }
0x8e: {  	[smem:$0x3FC2] =	sst s2  }
0x8f: {  	_ = 	snop  }
0x90: {  	(tm) =	ssettm $0x1  }
0x91: {  	s17 =	sld [smem:$0x3FFB];
	_ =	sdelay $0x3  }
0x92: {  	_ =	strace s17  }
0x93: {  	s2 =	sld [smem:$0x3FFC];
	_ =	sdelay $0x3  }
0x94: {  	_ =	strace s2  }
0x95: {  	s2 =	sld [smem:$0x3FFD];
	_ =	sdelay $0x3  }
0x96: {  	_ =	strace s2  }
0x97: {  	_ =	strace $0x8FFFFFFF  }
0x98: {  	s18 =	sld [smem:$0x3FDB];
	_ =	sdelay $0x1  }
0x99: {  	s19 =	simm.s32 $_scs_section_size  }
0x9a: {  	s4 =	simm.s32 $_size__tile_overlayer_lowered;
	s5 =	simm.s32 $_tile_overlayer_lowered  }
0x9b: {  	s22 =	simm.s32 $0x1BFF;
	s21 =	sshll.u32 s5, $0x1;
	s2 =	sadd.s32 s19, s18  }
0x9c: {  	s6 =	simm.s32 $0x0;
	s20 =	sshll.u32 s4, $0x1;
	s4 =	sadd.s32 s21, s2  }
0x9d: {  	[timem:s6], [sflag:s22] =	dma.local [hbm:s4], s20  }
0x9e: {  	_ =	swait.ge [sflag:s22], s20  }
0x9f: {  	s3 =	ssub.s32 $0x0, s20;
	[sflag:s22] =	ssyncset.done $0x0  }
0xa0: {  	[sflag:s22] =	ssyncadd.s32 s3;
	_ =	sdelay $0x1  }
0xa1: {  	s23 =	simm.s32 $0x1B8B  }
0xa2: {  	_ =	swait.ge [sflag:s23], $0x1  }
0xa3: {  	[sflag:s23] =	ssyncset.done $0x0  }
0xa4: {  	s25 =	simm.s32 $0x1B8E;
	s24 =	sld [smem:$0x3FFE];
	[sflag:s23] =	ssyncadd.s32 $0xFFFFFFFF  }
0xa5: {  	s26 =	simm.s32 $execute0_lowered;
	[smem:$0x3FD2] =	sst s25  }
0xa6: {  	s4 =	sshll.u32 s26, $0x1;
	_ =	strace $0x80000046;
	[dreg:$0x1] =	wrdreg $0xFFFFFFFF  }
0xa7: {  	s28 =	simm.s32 $_size_execute0_lowered;
	s2 =	sadd.s32 s2, s4;
	[dreg:$0x0] =	wrdreg $0x0  }
0xa8: {  	s4 =	sshll.u32 s28, $0x1;
	[dreg:$0x2] =	wrdreg s2  }
0xa9: {  	[dreg:$0x3] =	wrdreg s4  }
0xaa: {  	[dreg:$0x4] =	wrdreg $0xC0  }
0xab: {  	_ =	task [dreg:s6], $0x5FFFF  }
0xac: {  	[dreg:$0x1] =	wrdreg $0xFFFFFFFF  }
0xad: {  	[dreg:$0x0] =	wrdreg $0x60  }
0xae: {  	[dreg:$0x2] =	wrdreg s24  }
0xaf: {  	[dreg:$0x3] =	wrdreg $0x40800  }
0xb0: {  	[dreg:$0x4] =	wrdreg $0x9  }
0xb1: {  	_ =	task.clear_ibuf [dreg:s6], $0x5FFFF;
	_ =	strace $0x90000046  }
0xb2: {  	s29 =	simm.s32 $0x9;
	_ =	strace $0x80000048  }
0xb3: {  	_ =	swait.ge [sflag:s29], $0x1  }
0xb4: {  	[sflag:s29] =	ssyncadd.s32 $0xFFFFFFFF  }
0xb5: {  	_ =	strace $0x90000048  }
0xb6: {  	_ =	sfence  }
0xb7: {  	s30 =	sld [smem:$0x0];
	_ =	sdelay $0x2  }
0xb8: {  	s31 =	sshll.u32 s1, $0xD;
	s1 =	sshrl.u32 s1, $0x2  }
0xb9: {  	s3 =	sand.u32 $0x4000, s31;
	s1 =	sadd.s32 s1, s30  }
0xba: {  	s0 =	sor.u32 s3, s0;
	s1 =	sshll.u32 s1, $0x11  }
0xbb: {  	s0 =	sor.u32 s1, s0  }
0xbc: {  	s0 =	sadd.s32 $0x8F2B, s0  }
0xbd: {  	[sflag:s0] =	ssyncadd.remote.s32 $0x1  }
0xbe: {  	_ =	sfence.sel $0xFFFF  }
0xbf: {  	[dreg:$0x0] =	wrdreg $0xFFFFFFFF;
	(pc) =	sbr.abs _section_cstart, $3  }
0xc0: {  	[dreg:$0x1] =	wrdreg $0xFFFFFFFF  }
0xc1: {  	_ =	task.clear_ibuf [dreg:s6], $0x2FFFF;
	_ =	strace $0x9FFFFFFF  }
0xc2: {  	(tm) =	ssettm $0x7FFFFFFF  }
0xc3: {  	_ =	shalt  }
tec
execute0_lowered:
.L_overlay_start_1:
0x0: {  	(tag) =	ssettag $0x1  }
0x1: {  	s7 =	rddreg [dreg:$0x0]  }
0x2: {  	s1 =	rddreg [dreg:$0x1]  }
0x3: {  	s2 =	srdreg.scid;
	s0 =	rddreg [dreg:$0x2]  }
0x4: {  	s3 =	simm.s32 $0x0;
	s8 =	sand.u32 $0x1, s2;
	s2 =	stileid.u32  }
0x5: {  	s14 =	simm.s32 $0x0;
	[smem:$0x7FF] =	sst s3;
	s9 =	smul.u32 $0x140000, s8  }
0x6: {  	s4 =	sadd.s32 $0x2600, s7;
	s5 =	sadd.s32 $0xC600, s7;
	s10 =	smul.u32 $0x14000, s2  }
0x7: {  	s6 =	sadd.s32 $0xEE00, s7;
	_ =	strace $0x80000047;
	s12 =	smul.u32 $0x50000, s2  }
0x8: {  	s26 =	ssub.s32 $0x2, s8;
	s28 =	smul.u32 $0x5000, s8;
	s30 =	sshll.u32 s2, $0x6  }
0x9: {  	s31 =	smul.u32 $0x500, s2;
	s11 =	sshrl.u32 s26, $0x1;
	s9 =	sadd.s32 s10, s9  }
0xa: {  	s10 =	ssub.s32 s26, s11;
	s29 =	sshrl.u32 s12, $0x2;
	s9 =	sshrl.u32 s9, $0x3  }
0xb: {  	s12 =	simm.s32 $0x1;
	s13 =	sadd.s32 s29, s1;
	s9 =	sadd.s32 s9, s7  }
0xc: {  	s7 =	sor.u32 $0x1C01, s30;
	s11 =	sshrl.u32 s13, $0x3;
	s13 =	simm.s32 $0x80  }
0xd: {  	s8 =	sadd.s32 $0xF600, s9;
	s9 =	smax.u32 s10, $0x1;
	s10 =	sadd.s32 s31, s28  }
.LBB2_1:
0xe: {  	[spmem:s11], [sflag:s7] =	dma.local [hbm:s5], $0x2800  }
0xf: {  	_ =	swait.ge [sflag:s12], $0x2800  }
0x10: {  	[sflag:s12] =	ssyncset.done $0x0  }
0x11: {  	[sflag:s12] =	ssyncadd.s32 $0xFFFFD800  }
0x12: {  	[tilespmem:s13], [sflag:$0x1] =	stream.linear.gather [hbm4b:s6+s3], $0x4000, $0x38;
	[tilespmem:$0x6880] =	vst v63  }
0x13: {  	_ =	swait.ge [sflag:s12], $0x4000  }
0x14: {  	s15 =	sadd.s32 $0x0, s10;
	s16 =	sand.u32 $0x70, s3;
	[sflag:s12] =	ssyncset.done $0x0  }
0x15: {  	s15 =	sand.u32 $0xFFFFF80, s15;
	s16 =	sadd.s32 s4, s16;
	[sflag:s12] =	ssyncadd.s32 $0xFFFFC000  }
0x16: {  	s15 =	sadd.s32 s15, s16;
	[bflag:$0x0] =	sbarrier.arrive $0xFFFF  }
0x17: {  	[tilespmem:s3], [sflag:$0x1] =	stream.linear.gather [hbm4b:s15+s3], $0x80, $0x38;
	[tilespmem:$0x6880] =	vst v63  }
0x18: {  	_ =	swait.ge [sflag:s12], $0x80  }
0x19: {  	[sflag:s12] =	ssyncset.done $0x0  }
0x1a: {  	s31 =	simm.s32 $0x10;
	s17 =	sadd.s32 $0x10, s10;
	[sflag:s12] =	ssyncadd.s32 $0xFFFFFF80  }
0x1b: {  	[spmem:s1] =	stream.indirect.scatter.add.f32 [tilespmem:s13], [sflag:$0x1], $0x10, s3, s13, $0xb8;
	[tilespmem:$0x6880] =	vst v63  }
0x1c: {  	s18 =	sand.u32 $0x70, s31;
	s16 =	sand.u32 $0xFFFFF80, s17;
	_ =	swait.ge [sflag:s12], $0x800  }
0x1d: {  	s17 =	sadd.s32 s4, s18;
	s15 =	simm.s32 $0x20;
	[sflag:s12] =	ssyncset.done $0x0  }
.LBB2_2:
0x1e: {  	s16 =	sadd.s32 s16, s17  }
0x1f: {  	[sflag:s12] =	ssyncadd.s32 $0xFFFFF800;
	s17 =	smov.u32 s15;
	s18 =	sadd.s32 $0x10, s15  }
0x20: {  	[tilespmem:s3], [sflag:$0x1] =	stream.linear.gather [hbm4b:s16+s3], $0x80, $0x38;
	[tilespmem:$0x6880] =	vst v63  }
0x21: {  	p0 =	sne.s32 s15, $0x4F0;
	_ =	swait.ge [sflag:s12], $0x80  }
.Ltmp0:
0x22: {  	[sflag:s12] =	ssyncset.done $0x0;
	(pc) =	sbr.rel @p0 .LBB2_2-.Ltmp0, $4  }
0x23: {  	s15 =	sadd.s32 s17, s10;
	[sflag:s12] =	ssyncadd.s32 $0xFFFFFF80  }
0x24: {  	[spmem:s1] =	stream.indirect.scatter.add.f32 [tilespmem:s13], [sflag:$0x1], $0x10, s3, s13, $0xb8;
	[tilespmem:$0x6880] =	vst v63  }
0x25: {  	s17 =	sand.u32 $0x70, s17;
	s16 =	sand.u32 $0xFFFFF80, s15;
	_ =	swait.ge [sflag:s12], $0x800  }
0x26: {  	s17 =	sadd.s32 s4, s17;
	s15 =	smov.u32 s18;
	[sflag:s12] =	ssyncset.done $0x0  }
0x27: {  	s15 =	sadd.s32 s16, s17;
	[sflag:s12] =	ssyncadd.s32 $0xFFFFF800  }
0x28: {  	[tilespmem:s3], [sflag:$0x1] =	stream.linear.gather [hbm4b:s15+s3], $0x80, $0x38;
	[tilespmem:$0x6880] =	vst v63  }
0x29: {  	_ =	swait.ge [sflag:s12], $0x80  }
0x2a: {  	[sflag:s12] =	ssyncset.done $0x0  }
0x2b: {  	[sflag:s12] =	ssyncadd.s32 $0xFFFFFF80  }
0x2c: {  	[spmem:s1] =	stream.indirect.scatter.add.f32 [tilespmem:s13], [sflag:$0x1], $0x10, s3, s13, $0xb8;
	[tilespmem:$0x6880] =	vst v63  }
0x2d: {  	_ =	swait.ge [sflag:s12], $0x800  }
0x2e: {  	s14 =	sadd.s32 $0x1, s14;
	[sflag:s12] =	ssyncset.done $0x0  }
0x2f: {  	p0 =	sne.s32 s14, s9;
	[sflag:s12] =	ssyncadd.s32 $0xFFFFF800  }
.Ltmp1:
0x30: {  	[bflag:$0x0] =	sbarrier.arrive $0xFFFF;
	(pc) =	sbr.rel @p0 .LBB2_1-.Ltmp1, $4  }
0x31: {  	[hbm:s8], [sflag:s7] =	dma.local [spmem:s11], $0x2800  }
0x32: {  	_ =	swait.ge [sflag:s12], $0x2800  }
0x33: {  	[sflag:s12] =	ssyncset.done $0x0  }
0x34: {  	[sflag:s12] =	ssyncadd.s32 $0xFFFFD800  }
0x35: {  	_ =	sfence.sel $0x180000  }
0x36: {  	[bflag:$0x0] =	sbarrier.arrive $0xFFFF  }
0x37: {  	p0 =	sne.s32 s2, $0x0;
	_ =	strace $0x90000047  }
0x38: {  	s0 =	sadd.s32 @!p0 $0x100000, s0;
	[bflag:$0x2] =	sbarrier.arrive $0xFFFF  }
0x39: {  	[sflag:s0] =	ssyncadd.tile.s32 @!p0 $0x1;
	_ =	shalt  }
.Lfunc_end2:
_tile_overlayer_lowered:
.L_overlay_start_2:
0x3a: {  	(tag) =	ssettag $0x2  }
0x3b: {  	s0 =	rddreg [dreg:$0x0];
	s2 =	stileid.u32  }
0x3c: {  	s1 =	rddreg [dreg:$0x1];
	p0 =	sne.s32 s2, $0x0  }
0x3d: {  	s3 =	rddreg [dreg:$0x2];
	[bflag:$0x3] =	sbarrier.arrive $0xFFFF;
	s2 =	simm.s32 @!p0 $0x1C01  }
0x3e: {  	[timem:s3], [sflag:s2] =	dma.local @!p0 [hbm:s0], s1  }
0x3f: {  	s0 =	simm.s32 @!p0 $0x1  }
0x40: {  	_ =	swait.ge @!p0 [sflag:s0], s1  }
0x41: {  	s1 =	ssub.s32 @!p0 $0x0, s1;
	[sflag:s0] =	ssyncset.done @!p0 $0x0  }
0x42: {  	[sflag:s0] =	ssyncadd.s32 @!p0 s1  }
0x43: {  	[bflag:$0x3] =	sbarrier.arrive $0xFFFF  }
0x44: {  	_ =	shalt  }

</sc_bundles>
